<compile_context>
chip_gen: v7x
topology: tpu7x:2x2x1
jax: 0.10.2.dev20260603
libtpu: 0.0.44.dev20260713+nightly
codegen_flags: <defaults>
</compile_context>

<pallas_src>
import functools

import jax
import jax.numpy as jnp
from jax import lax
from jax.experimental import pallas as pl
from jax.experimental.pallas import tpu as pltpu
from jax.experimental.pallas import tpu_sc as plsc

_NBUF = 4


def _pick_chunk(n):
    for c in (800, 200, 8):
        if n % c == 0:
            return c
    return n


def _argmax_kernel(a_hbm, g_hbm, o_hbm, a_buf, g_buf, ids, macc, iacc,
                   a_sem, g_sem, o_sem, *, n, m, chunk):
    nchunks = n // chunk

    def a_copy(c, s):
        return pltpu.make_async_copy(
            a_hbm.at[pl.ds(c * chunk, chunk), :], a_buf.at[s], a_sem.at[s])

    def g_copy(c, s):
        return pltpu.make_async_copy(
            g_hbm.at[pl.ds(c * chunk, chunk), :], g_buf.at[s], g_sem.at[s])

    ids[...] = jax.lax.broadcasted_iota(jnp.int32, (chunk, m), 0)
    macc[...] = jnp.full((1, m), -jnp.inf, jnp.float32)
    iacc[...] = jnp.zeros((1, m), jnp.int32)

    for s in range(min(_NBUF, nchunks)):
        a_copy(s, s).start()
        g_copy(s, s).start()

    def body(i, carry):
        s = jax.lax.rem(i, _NBUF)
        a_copy(i, s).wait()
        g_copy(i, s).wait()

        x = a_buf[s] + g_buf[s]
        bm = jnp.max(x, axis=0, keepdims=True)
        bi = jnp.min(jnp.where(x >= bm, ids[...], jnp.int32(n)), axis=0,
                     keepdims=True) + i * chunk
        better = bm > macc[...]
        iacc[...] = jnp.where(better, bi, iacc[...])
        macc[...] = jnp.maximum(bm, macc[...])

        @pl.when(i + _NBUF < nchunks)
        def _():
            a_copy(i + _NBUF, s).start()
            g_copy(i + _NBUF, s).start()

        return carry

    jax.lax.fori_loop(0, nchunks, body, 0)
    pltpu.make_async_copy(iacc, o_hbm, o_sem).start()
    pltpu.make_async_copy(iacc, o_hbm, o_sem).wait()


def _tc_argmax(at, gt):
    n, m = at.shape
    chunk = _pick_chunk(n)
    buf = lambda: pltpu.VMEM((_NBUF, chunk, m), jnp.float32)
    return pl.pallas_call(
        functools.partial(_argmax_kernel, n=n, m=m, chunk=chunk),
        in_specs=[
            pl.BlockSpec(memory_space=pl.ANY),
            pl.BlockSpec(memory_space=pl.ANY),
        ],
        out_specs=pl.BlockSpec(memory_space=pl.ANY),
        out_shape=jax.ShapeDtypeStruct((1, m), jnp.int32),
        scratch_shapes=[
            buf(), buf(),
            pltpu.VMEM((chunk, m), jnp.int32),
            pltpu.VMEM((1, m), jnp.float32),
            pltpu.VMEM((1, m), jnp.int32),
            pltpu.SemaphoreType.DMA((_NBUF,)),
            pltpu.SemaphoreType.DMA((_NBUF,)),
            pltpu.SemaphoreType.DMA,
        ],
    )(at, gt)


_ZROWS = 8


def _sc_fill(n, m):
    info = plsc.get_sparse_core_info()
    nworkers = info.num_cores * info.num_subcores
    nchunks = n // _ZROWS
    per_w = -(-nchunks // nworkers)
    mesh = plsc.VectorSubcoreMesh(core_axis_name="c", subcore_axis_name="s")

    @functools.partial(
        pl.kernel, mesh=mesh,
        out_type=jax.ShapeDtypeStruct((n, m), jnp.float32),
        scratch_types=[
            pltpu.VMEM((_ZROWS, m), jnp.float32),
            pltpu.SemaphoreType.DMA,
        ],
    )
    def zfill(out_hbm, zbuf, sem):
        wid = lax.axis_index("s") * info.num_cores + lax.axis_index("c")
        zero16 = jnp.zeros((16,), jnp.float32)
        for r in range(_ZROWS):
            for l in range(m // 16):
                zbuf[r, pl.ds(l * 16, 16)] = zero16

        def fire(t, carry):
            c = wid + t * nworkers

            @pl.when(c < nchunks)
            def _():
                pltpu.make_async_copy(
                    zbuf, out_hbm.at[pl.ds(c * _ZROWS, _ZROWS), :],
                    sem).start()
            return carry

        jax.lax.fori_loop(0, per_w, fire, 0)

        def drain(t, carry):
            c = wid + t * nworkers

            @pl.when(c < nchunks)
            def _():
                pltpu.make_async_copy(
                    zbuf, out_hbm.at[pl.ds(c * _ZROWS, _ZROWS), :],
                    sem).wait()
            return carry

        jax.lax.fori_loop(0, per_w, drain, 0)

    return zfill()


def _patch_kernel(idx_sm, filled_hbm, idxv_ref, o_hbm, tbuf, p_sem, *, m):
    del filled_hbm
    ring = tbuf.shape[0]
    siota = jax.lax.broadcasted_iota(jnp.int32, (8, 128), 0)

    def fire(j, carry):
        s = jax.lax.rem(j, ring)
        r = idx_sm[j]
        q8 = pl.multiple_of((r // 8) * 8, 8)
        t128 = pl.multiple_of((j // 128) * 128, 128)

        @pl.when(j >= ring)
        def _():
            pltpu.make_async_copy(
                tbuf.at[s], o_hbm.at[pl.ds(q8, 8), pl.ds(t128, 128)],
                p_sem).wait()

        tile = idxv_ref[:, pl.ds(t128, 128)] == (q8 + siota)
        tbuf[s] = tile.astype(jnp.float32)
        pltpu.make_async_copy(
            tbuf.at[s], o_hbm.at[pl.ds(q8, 8), pl.ds(t128, 128)],
            p_sem).start()
        return carry

    jax.lax.fori_loop(0, m, fire, 0)

    def drain(t, carry):
        j = m - tbuf.shape[0] + t
        s = jax.lax.rem(j, ring)
        r = idx_sm[j]
        q8 = pl.multiple_of((r // 8) * 8, 8)
        t128 = pl.multiple_of((j // 128) * 128, 128)
        pltpu.make_async_copy(
            tbuf.at[s], o_hbm.at[pl.ds(q8, 8), pl.ds(t128, 128)],
            p_sem).wait()
        return carry

    jax.lax.fori_loop(0, tbuf.shape[0], drain, 0)


def _tc_patch(filled, idx2d):
    n, m = filled.shape
    grid_spec = pltpu.PrefetchScalarGridSpec(
        num_scalar_prefetch=1,
        grid=(1,),
        in_specs=[
            pl.BlockSpec(memory_space=pl.ANY),
            pl.BlockSpec((1, m), lambda i, ref: (0, 0)),
        ],
        out_specs=pl.BlockSpec(memory_space=pl.ANY),
        scratch_shapes=[
            pltpu.VMEM((8, 8, 128), jnp.float32),
            pltpu.SemaphoreType.DMA,
        ],
    )
    return pl.pallas_call(
        functools.partial(_patch_kernel, m=m),
        grid_spec=grid_spec,
        out_shape=jax.ShapeDtypeStruct((n, m), jnp.float32),
        input_output_aliases={1: 0},
    )(idx2d.reshape(m), filled, idx2d)


def kernel(alpha, gumbel, tau):
    del tau
    at, gt = alpha.T, gumbel.T
    n, m = at.shape
    idx = _tc_argmax(at, gt)
    filled = _sc_fill(n, m)
    out_t = _tc_patch(filled, idx)
    return out_t.T

# --- scband reference (transcript-rebuilt; emitter-appended) ---
"""Pipeline reference for scband-occurrence-parameters-26620207300745 (READ-ONLY COPY).

The authoritative reference and input builder live on the scoring server;
editing this copy changes nothing except your own understanding.
"""

import jax, jax.numpy as jnp
import numpy as np

M, K = 1024, 100000

def setup_inputs(seed: int = 0) -> dict:
    key = jax.random.key(seed)
    k1, k2 = jax.random.split(key)
    # learned parameter alpha ~ N(0,1) as in nn.Parameter(torch.randn(M, K))
    alpha = jax.random.normal(k1, (M, K), dtype=jnp.float32)
    # gumbel noise materialized here for determinism (torch draws it inside F.gumbel_softmax)
    u = jax.random.uniform(k2, (M, K), minval=1e-6, maxval=1.0 - 1e-6, dtype=jnp.float32)
    gumbel = -jnp.log(-jnp.log(u))
    tau = 1  # scalar temperature
    return {"alpha": alpha, "gumbel": gumbel, "tau": tau}

def reference(alpha, gumbel, tau):
    # F.gumbel_softmax(alpha, tau=tau, hard=False, dim=-1)
    logits = (alpha + gumbel) / tau
    soft = jax.nn.softmax(logits, axis=-1)
    # hard one-hot via argmax + scatter (torch.zeros_like(...).scatter_(-1, argmax, 1.0))
    idx = jnp.argmax(soft, axis=-1)
    hard = jax.nn.one_hot(idx, soft.shape[-1], dtype=soft.dtype)
    # straight-through estimator
    sel = jax.lax.stop_gradient(hard) + soft - jax.lax.stop_gradient(soft)
    return sel

if __name__ == "__main__":
    import jax
    _d = setup_inputs()
    print(jax.jit(kernel)(*tuple(_d.values())))

</pallas_src>

<mosaic_0001>
#map = affine_map<(d0, d1) -> (0, 0)>
module attributes {stable_mosaic.version = 14 : i64} {
  func.func @zfill(%arg0: i32, %arg1: i32, %arg2: memref<100000x1024xf32, #tpu.memory_space<hbm>>, %arg3: memref<8x1024xf32, #tpu.memory_space<vmem>>, %arg4: memref<!tpu.dma_semaphore, #tpu.memory_space<semaphore_mem>>) attributes {dimension_semantics = [#tpu.dimension_semantics<core_parallel>, #tpu.dimension_semantics<subcore_parallel>], iteration_bounds = array<i64: 2, 16>, scalar_prefetch = 0 : i64, scratch_operands = 2 : i64, tpu.core_type = #tpu.core_type<sc_vector_subcore>, window_params = [{transform_indices = #map}]} {
    %mul3A = arith.constant 2 : i32
    %mul3A_0 = arith.muli %arg1, %mul3A : i32
    %add3A = arith.addi %mul3A_0, %arg0 : i32
    %broadcast_in_dim3A = arith.constant 0.000000e+00 : f32
    %broadcast_in_dim3A_1 = vector.broadcast %broadcast_in_dim3A : f32 to vector<16xf32>
    %swap3A = arith.constant 0 : i32
    %swap3A_2 = arith.index_cast %swap3A : i32 to index
    %swap3A_3 = arith.constant 0 : index
    %swap3A_4 = tpu.vector_load %arg3[%swap3A_2, %swap3A_3] {strides = array<i32>} : memref<8x1024xf32, #tpu.memory_space<vmem>>, vector<1x16xf32>,
    %swap3A_5 = vector.shape_cast %swap3A_4 : vector<1x16xf32> to vector<16xf32>
    %swap3A_6 = vector.shape_cast %broadcast_in_dim3A_1 : vector<16xf32> to vector<1x16xf32>
    tpu.vector_store %arg3[%swap3A_2, %swap3A_3], %swap3A_6 {strides = array<i32>} : memref<8x1024xf32, #tpu.memory_space<vmem>>, vector<1x16xf32>,
    %swap3A_7 = arith.constant 0 : i32
    %swap3A_8 = arith.index_cast %swap3A_7 : i32 to index
    %swap3A_9 = arith.constant 16 : index
    %swap3A_10 = tpu.vector_load %arg3[%swap3A_8, %swap3A_9] {strides = array<i32>} : memref<8x1024xf32, #tpu.memory_space<vmem>>, vector<1x16xf32>,
    %swap3A_11 = vector.shape_cast %swap3A_10 : vector<1x16xf32> to vector<16xf32>
    %swap3A_12 = vector.shape_cast %broadcast_in_dim3A_1 : vector<16xf32> to vector<1x16xf32>
    tpu.vector_store %arg3[%swap3A_8, %swap3A_9], %swap3A_12 {strides = array<i32>} : memref<8x1024xf32, #tpu.memory_space<vmem>>, vector<1x16xf32>,
    %swap3A_13 = arith.constant 0 : i32
    %swap3A_14 = arith.index_cast %swap3A_13 : i32 to index
    %swap3A_15 = arith.constant 32 : index
    %swap3A_16 = tpu.vector_load %arg3[%swap3A_14, %swap3A_15] {strides = array<i32>} : memref<8x1024xf32, #tpu.memory_space<vmem>>, vector<1x16xf32>,
    %swap3A_17 = vector.shape_cast %swap3A_16 : vector<1x16xf32> to vector<16xf32>
    %swap3A_18 = vector.shape_cast %broadcast_in_dim3A_1 : vector<16xf32> to vector<1x16xf32>
    tpu.vector_store %arg3[%swap3A_14, %swap3A_15], %swap3A_18 {strides = array<i32>} : memref<8x1024xf32, #tpu.memory_space<vmem>>, vector<1x16xf32>,
    %swap3A_19 = arith.constant 0 : i32
    %swap3A_20 = arith.index_cast %swap3A_19 : i32 to index
    %swap3A_21 = arith.constant 48 : index
    %swap3A_22 = tpu.vector_load %arg3[%swap3A_20, %swap3A_21] {strides = array<i32>} : memref<8x1024xf32, #tpu.memory_space<vmem>>, vector<1x16xf32>,
    %swap3A_23 = vector.shape_cast %swap3A_22 : vector<1x16xf32> to vector<16xf32>
    %swap3A_24 = vector.shape_cast %broadcast_in_dim3A_1 : vector<16xf32> to vector<1x16xf32>
    tpu.vector_store %arg3[%swap3A_20, %swap3A_21], %swap3A_24 {strides = array<i32>} : memref<8x1024xf32, #tpu.memory_space<vmem>>, vector<1x16xf32>,
    %swap3A_25 = arith.constant 0 : i32
    %swap3A_26 = arith.index_cast %swap3A_25 : i32 to index
    %swap3A_27 = arith.constant 64 : index
    %swap3A_28 = tpu.vector_load %arg3[%swap3A_26, %swap3A_27] {strides = array<i32>} : memref<8x1024xf32, #tpu.memory_space<vmem>>, vector<1x16xf32>,
    %swap3A_29 = vector.shape_cast %swap3A_28 : vector<1x16xf32> to vector<16xf32>
    %swap3A_30 = vector.shape_cast %broadcast_in_dim3A_1 : vector<16xf32> to vector<1x16xf32>
    tpu.vector_store %arg3[%swap3A_26, %swap3A_27], %swap3A_30 {strides = array<i32>} : memref<8x1024xf32, #tpu.memory_space<vmem>>, vector<1x16xf32>,
    %swap3A_31 = arith.constant 0 : i32
    %swap3A_32 = arith.index_cast %swap3A_31 : i32 to index
    %swap3A_33 = arith.constant 80 : index
    %swap3A_34 = tpu.vector_load %arg3[%swap3A_32, %swap3A_33] {strides = array<i32>} : memref<8x1024xf32, #tpu.memory_space<vmem>>, vector<1x16xf32>,
    %swap3A_35 = vector.shape_cast %swap3A_34 : vector<1x16xf32> to vector<16xf32>
    %swap3A_36 = vector.shape_cast %broadcast_in_dim3A_1 : vector<16xf32> to vector<1x16xf32>
    tpu.vector_store %arg3[%swap3A_32, %swap3A_33], %swap3A_36 {strides = array<i32>} : memref<8x1024xf32, #tpu.memory_space<vmem>>, vector<1x16xf32>,
    %swap3A_37 = arith.constant 0 : i32
    %swap3A_38 = arith.index_cast %swap3A_37 : i32 to index
    %swap3A_39 = arith.constant 96 : index
    %swap3A_40 = tpu.vector_load %arg3[%swap3A_38, %swap3A_39] {strides = array<i32>} : memref<8x1024xf32, #tpu.memory_space<vmem>>, vector<1x16xf32>,
    %swap3A_41 = vector.shape_cast %swap3A_40 : vector<1x16xf32> to vector<16xf32>
    %swap3A_42 = vector.shape_cast %broadcast_in_dim3A_1 : vector<16xf32> to vector<1x16xf32>
    tpu.vector_store %arg3[%swap3A_38, %swap3A_39], %swap3A_42 {strides = array<i32>} : memref<8x1024xf32, #tpu.memory_space<vmem>>, vector<1x16xf32>,
    %swap3A_43 = arith.constant 0 : i32
    %swap3A_44 = arith.index_cast %swap3A_43 : i32 to index
    %swap3A_45 = arith.constant 112 : index
    %swap3A_46 = tpu.vector_load %arg3[%swap3A_44, %swap3A_45] {strides = array<i32>} : memref<8x1024xf32, #tpu.memory_space<vmem>>, vector<1x16xf32>,
    %swap3A_47 = vector.shape_cast %swap3A_46 : vector<1x16xf32> to vector<16xf32>
    %swap3A_48 = vector.shape_cast %broadcast_in_dim3A_1 : vector<16xf32> to vector<1x16xf32>
    tpu.vector_store %arg3[%swap3A_44, %swap3A_45], %swap3A_48 {strides = array<i32>} : memref<8x1024xf32, #tpu.memory_space<vmem>>, vector<1x16xf32>,
    %swap3A_49 = arith.constant 0 : i32
    %swap3A_50 = arith.index_cast %swap3A_49 : i32 to index
    %swap3A_51 = arith.constant 128 : index
    %swap3A_52 = tpu.vector_load %arg3[%swap3A_50, %swap3A_51] {strides = array<i32>} : memref<8x1024xf32, #tpu.memory_space<vmem>>, vector<1x16xf32>,
    %swap3A_53 = vector.shape_cast %swap3A_52 : vector<1x16xf32> to vector<16xf32>
    %swap3A_54 = vector.shape_cast %broadcast_in_dim3A_1 : vector<16xf32> to vector<1x16xf32>
    tpu.vector_store %arg3[%swap3A_50, %swap3A_51], %swap3A_54 {strides = array<i32>} : memref<8x1024xf32, #tpu.memory_space<vmem>>, vector<1x16xf32>,
    %swap3A_55 = arith.constant 0 : i32
    %swap3A_56 = arith.index_cast %swap3A_55 : i32 to index
    %swap3A_57 = arith.constant 144 : index
    %swap3A_58 = tpu.vector_load %arg3[%swap3A_56, %swap3A_57] {strides = array<i32>} : memref<8x1024xf32, #tpu.memory_space<vmem>>, vector<1x16xf32>,
    %swap3A_59 = vector.shape_cast %swap3A_58 : vector<1x16xf32> to vector<16xf32>
    %swap3A_60 = vector.shape_cast %broadcast_in_dim3A_1 : vector<16xf32> to vector<1x16xf32>
    tpu.vector_store %arg3[%swap3A_56, %swap3A_57], %swap3A_60 {strides = array<i32>} : memref<8x1024xf32, #tpu.memory_space<vmem>>, vector<1x16xf32>,
    %swap3A_61 = arith.constant 0 : i32
    %swap3A_62 = arith.index_cast %swap3A_61 : i32 to index
    %swap3A_63 = arith.constant 160 : index
    %swap3A_64 = tpu.vector_load %arg3[%swap3A_62, %swap3A_63] {strides = array<i32>} : memref<8x1024xf32, #tpu.memory_space<vmem>>, vector<1x16xf32>,
    %swap3A_65 = vector.shape_cast %swap3A_64 : vector<1x16xf32> to vector<16xf32>
    %swap3A_66 = vector.shape_cast %broadcast_in_dim3A_1 : vector<16xf32> to vector<1x16xf32>
    tpu.vector_store %arg3[%swap3A_62, %swap3A_63], %swap3A_66 {strides = array<i32>} : memref<8x1024xf32, #tpu.memory_space<vmem>>, vector<1x16xf32>,
    %swap3A_67 = arith.constant 0 : i32
    %swap3A_68 = arith.index_cast %swap3A_67 : i32 to index
    %swap3A_69 = arith.constant 176 : index
    %swap3A_70 = tpu.vector_load %arg3[%swap3A_68, %swap3A_69] {strides = array<i32>} : memref<8x1024xf32, #tpu.memory_space<vmem>>, vector<1x16xf32>,
    %swap3A_71 = vector.shape_cast %swap3A_70 : vector<1x16xf32> to vector<16xf32>
    %swap3A_72 = vector.shape_cast %broadcast_in_dim3A_1 : vector<16xf32> to vector<1x16xf32>
    tpu.vector_store %arg3[%swap3A_68, %swap3A_69], %swap3A_72 {strides = array<i32>} : memref<8x1024xf32, #tpu.memory_space<vmem>>, vector<1x16xf32>,
    %swap3A_73 = arith.constant 0 : i32
    %swap3A_74 = arith.index_cast %swap3A_73 : i32 to index
    %swap3A_75 = arith.constant 192 : index
    %swap3A_76 = tpu.vector_load %arg3[%swap3A_74, %swap3A_75] {strides = array<i32>} : memref<8x1024xf32, #tpu.memory_space<vmem>>, vector<1x16xf32>,
    %swap3A_77 = vector.shape_cast %swap3A_76 : vector<1x16xf32> to vector<16xf32>
    %swap3A_78 = vector.shape_cast %broadcast_in_dim3A_1 : vector<16xf32> to vector<1x16xf32>
    tpu.vector_store %arg3[%swap3A_74, %swap3A_75], %swap3A_78 {strides = array<i32>} : memref<8x1024xf32, #tpu.memory_space<vmem>>, vector<1x16xf32>,
    %swap3A_79 = arith.constant 0 : i32
    %swap3A_80 = arith.index_cast %swap3A_79 : i32 to index
    %swap3A_81 = arith.constant 208 : index
    %swap3A_82 = tpu.vector_load %arg3[%swap3A_80, %swap3A_81] {strides = array<i32>} : memref<8x1024xf32, #tpu.memory_space<vmem>>, vector<1x16xf32>,
    %swap3A_83 = vector.shape_cast %swap3A_82 : vector<1x16xf32> to vector<16xf32>
    %swap3A_84 = vector.shape_cast %broadcast_in_dim3A_1 : vector<16xf32> to vector<1x16xf32>
    tpu.vector_store %arg3[%swap3A_80, %swap3A_81], %swap3A_84 {strides = array<i32>} : memref<8x1024xf32, #tpu.memory_space<vmem>>, vector<1x16xf32>,
    %swap3A_85 = arith.constant 0 : i32
    %swap3A_86 = arith.index_cast %swap3A_85 : i32 to index
    %swap3A_87 = arith.constant 224 : index
    %swap3A_88 = tpu.vector_load %arg3[%swap3A_86, %swap3A_87] {strides = array<i32>} : memref<8x1024xf32, #tpu.memory_space<vmem>>, vector<1x16xf32>,
    %swap3A_89 = vector.shape_cast %swap3A_88 : vector<1x16xf32> to vector<16xf32>
    %swap3A_90 = vector.shape_cast %broadcast_in_dim3A_1 : vector<16xf32> to vector<1x16xf32>
    tpu.vector_store %arg3[%swap3A_86, %swap3A_87], %swap3A_90 {strides = array<i32>} : memref<8x1024xf32, #tpu.memory_space<vmem>>, vector<1x16xf32>,
    %swap3A_91 = arith.constant 0 : i32
    %swap3A_92 = arith.index_cast %swap3A_91 : i32 to index
    %swap3A_93 = arith.constant 240 : index
    %swap3A_94 = tpu.vector_load %arg3[%swap3A_92, %swap3A_93] {strides = array<i32>} : memref<8x1024xf32, #tpu.memory_space<vmem>>, vector<1x16xf32>,
    %swap3A_95 = vector.shape_cast %swap3A_94 : vector<1x16xf32> to vector<16xf32>
    %swap3A_96 = vector.shape_cast %broadcast_in_dim3A_1 : vector<16xf32> to vector<1x16xf32>
    tpu.vector_store %arg3[%swap3A_92, %swap3A_93], %swap3A_96 {strides = array<i32>} : memref<8x1024xf32, #tpu.memory_space<vmem>>, vector<1x16xf32>,
    %swap3A_97 = arith.constant 0 : i32
    %swap3A_98 = arith.index_cast %swap3A_97 : i32 to index
    %swap3A_99 = arith.constant 256 : index
    %swap3A_100 = tpu.vector_load %arg3[%swap3A_98, %swap3A_99] {strides = array<i32>} : memref<8x1024xf32, #tpu.memory_space<vmem>>, vector<1x16xf32>,
    %swap3A_101 = vector.shape_cast %swap3A_100 : vector<1x16xf32> to vector<16xf32>
    %swap3A_102 = vector.shape_cast %broadcast_in_dim3A_1 : vector<16xf32> to vector<1x16xf32>
    tpu.vector_store %arg3[%swap3A_98, %swap3A_99], %swap3A_102 {strides = array<i32>} : memref<8x1024xf32, #tpu.memory_space<vmem>>, vector<1x16xf32>,
    %swap3A_103 = arith.constant 0 : i32
    %swap3A_104 = arith.index_cast %swap3A_103 : i32 to index
    %swap3A_105 = arith.constant 272 : index
    %swap3A_106 = tpu.vector_load %arg3[%swap3A_104, %swap3A_105] {strides = array<i32>} : memref<8x1024xf32, #tpu.memory_space<vmem>>, vector<1x16xf32>,
    %swap3A_107 = vector.shape_cast %swap3A_106 : vector<1x16xf32> to vector<16xf32>
    %swap3A_108 = vector.shape_cast %broadcast_in_dim3A_1 : vector<16xf32> to vector<1x16xf32>
    tpu.vector_store %arg3[%swap3A_104, %swap3A_105], %swap3A_108 {strides = array<i32>} : memref<8x1024xf32, #tpu.memory_space<vmem>>, vector<1x16xf32>,
    %swap3A_109 = arith.constant 0 : i32
    %swap3A_110 = arith.index_cast %swap3A_109 : i32 to index
    %swap3A_111 = arith.constant 288 : index
    %swap3A_112 = tpu.vector_load %arg3[%swap3A_110, %swap3A_111] {strides = array<i32>} : memref<8x1024xf32, #tpu.memory_space<vmem>>, vector<1x16xf32>,
    %swap3A_113 = vector.shape_cast %swap3A_112 : vector<1x16xf32> to vector<16xf32>
    %swap3A_114 = vector.shape_cast %broadcast_in_dim3A_1 : vector<16xf32> to vector<1x16xf32>
    tpu.vector_store %arg3[%swap3A_110, %swap3A_111], %swap3A_114 {strides = array<i32>} : memref<8x1024xf32, #tpu.memory_space<vmem>>, vector<1x16xf32>,
    %swap3A_115 = arith.constant 0 : i32
    %swap3A_116 = arith.index_cast %swap3A_115 : i32 to index
    %swap3A_117 = arith.constant 304 : index
    %swap3A_118 = tpu.vector_load %arg3[%swap3A_116, %swap3A_117] {strides = array<i32>} : memref<8x1024xf32, #tpu.memory_space<vmem>>, vector<1x16xf32>,
    %swap3A_119 = vector.shape_cast %swap3A_118 : vector<1x16xf32> to vector<16xf32>
    %swap3A_120 = vector.shape_cast %broadcast_in_dim3A_1 : vector<16xf32> to vector<1x16xf32>
    tpu.vector_store %arg3[%swap3A_116, %swap3A_117], %swap3A_120 {strides = array<i32>} : memref<8x1024xf32, #tpu.memory_space<vmem>>, vector<1x16xf32>,
    %swap3A_121 = arith.constant 0 : i32
    %swap3A_122 = arith.index_cast %swap3A_121 : i32 to index
    %swap3A_123 = arith.constant 320 : index
    %swap3A_124 = tpu.vector_load %arg3[%swap3A_122, %swap3A_123] {strides = array<i32>} : memref<8x1024xf32, #tpu.memory_space<vmem>>, vector<1x16xf32>,
    %swap3A_125 = vector.shape_cast %swap3A_124 : vector<1x16xf32> to vector<16xf32>
    %swap3A_126 = vector.shape_cast %broadcast_in_dim3A_1 : vector<16xf32> to vector<1x16xf32>
    tpu.vector_store %arg3[%swap3A_122, %swap3A_123], %swap3A_126 {strides = array<i32>} : memref<8x1024xf32, #tpu.memory_space<vmem>>, vector<1x16xf32>,
    %swap3A_127 = arith.constant 0 : i32
    %swap3A_128 = arith.index_cast %swap3A_127 : i32 to index
    %swap3A_129 = arith.constant 336 : index
    %swap3A_130 = tpu.vector_load %arg3[%swap3A_128, %swap3A_129] {strides = array<i32>} : memref<8x1024xf32, #tpu.memory_space<vmem>>, vector<1x16xf32>,
    %swap3A_131 = vector.shape_cast %swap3A_130 : vector<1x16xf32> to vector<16xf32>
    %swap3A_132 = vector.shape_cast %broadcast_in_dim3A_1 : vector<16xf32> to vector<1x16xf32>
    tpu.vector_store %arg3[%swap3A_128, %swap3A_129], %swap3A_132 {strides = array<i32>} : memref<8x1024xf32, #tpu.memory_space<vmem>>, vector<1x16xf32>,
    %swap3A_133 = arith.constant 0 : i32
    %swap3A_134 = arith.index_cast %swap3A_133 : i32 to index
    %swap3A_135 = arith.constant 352 : index
    %swap3A_136 = tpu.vector_load %arg3[%swap3A_134, %swap3A_135] {strides = array<i32>} : memref<8x1024xf32, #tpu.memory_space<vmem>>, vector<1x16xf32>,
    %swap3A_137 = vector.shape_cast %swap3A_136 : vector<1x16xf32> to vector<16xf32>
    %swap3A_138 = vector.shape_cast %broadcast_in_dim3A_1 : vector<16xf32> to vector<1x16xf32>
    tpu.vector_store %arg3[%swap3A_134, %swap3A_135], %swap3A_138 {strides = array<i32>} : memref<8x1024xf32, #tpu.memory_space<vmem>>, vector<1x16xf32>,
    %swap3A_139 = arith.constant 0 : i32
    %swap3A_140 = arith.index_cast %swap3A_139 : i32 to index
    %swap3A_141 = arith.constant 368 : index
    %swap3A_142 = tpu.vector_load %arg3[%swap3A_140, %swap3A_141] {strides = array<i32>} : memref<8x1024xf32, #tpu.memory_space<vmem>>, vector<1x16xf32>,
    %swap3A_143 = vector.shape_cast %swap3A_142 : vector<1x16xf32> to vector<16xf32>
    %swap3A_144 = vector.shape_cast %broadcast_in_dim3A_1 : vector<16xf32> to vector<1x16xf32>
    tpu.vector_store %arg3[%swap3A_140, %swap3A_141], %swap3A_144 {strides = array<i32>} : memref<8x1024xf32, #tpu.memory_space<vmem>>, vector<1x16xf32>,
    %swap3A_145 = arith.constant 0 : i32
    %swap3A_146 = arith.index_cast %swap3A_145 : i32 to index
    %swap3A_147 = arith.constant 384 : index
    %swap3A_148 = tpu.vector_load %arg3[%swap3A_146, %swap3A_147] {strides = array<i32>} : memref<8x1024xf32, #tpu.memory_space<vmem>>, vector<1x16xf32>,
    %swap3A_149 = vector.shape_cast %swap3A_148 : vector<1x16xf32> to vector<16xf32>
    %swap3A_150 = vector.shape_cast %broadcast_in_dim3A_1 : vector<16xf32> to vector<1x16xf32>
    tpu.vector_store %arg3[%swap3A_146, %swap3A_147], %swap3A_150 {strides = array<i32>} : memref<8x1024xf32, #tpu.memory_space<vmem>>, vector<1x16xf32>,
    %swap3A_151 = arith.constant 0 : i32
    %swap3A_152 = arith.index_cast %swap3A_151 : i32 to index
    %swap3A_153 = arith.constant 400 : index
    %swap3A_154 = tpu.vector_load %arg3[%swap3A_152, %swap3A_153] {strides = array<i32>} : memref<8x1024xf32, #tpu.memory_space<vmem>>, vector<1x16xf32>,
    %swap3A_155 = vector.shape_cast %swap3A_154 : vector<1x16xf32> to vector<16xf32>
    %swap3A_156 = vector.shape_cast %broadcast_in_dim3A_1 : vector<16xf32> to vector<1x16xf32>
    tpu.vector_store %arg3[%swap3A_152, %swap3A_153], %swap3A_156 {strides = array<i32>} : memref<8x1024xf32, #tpu.memory_space<vmem>>, vector<1x16xf32>,
    %swap3A_157 = arith.constant 0 : i32
    %swap3A_158 = arith.index_cast %swap3A_157 : i32 to index
    %swap3A_159 = arith.constant 416 : index
    %swap3A_160 = tpu.vector_load %arg3[%swap3A_158, %swap3A_159] {strides = array<i32>} : memref<8x1024xf32, #tpu.memory_space<vmem>>, vector<1x16xf32>,
    %swap3A_161 = vector.shape_cast %swap3A_160 : vector<1x16xf32> to vector<16xf32>
    %swap3A_162 = vector.shape_cast %broadcast_in_dim3A_1 : vector<16xf32> to vector<1x16xf32>
    tpu.vector_store %arg3[%swap3A_158, %swap3A_159], %swap3A_162 {strides = array<i32>} : memref<8x1024xf32, #tpu.memory_space<vmem>>, vector<1x16xf32>,
    %swap3A_163 = arith.constant 0 : i32
    %swap3A_164 = arith.index_cast %swap3A_163 : i32 to index
    %swap3A_165 = arith.constant 432 : index
    %swap3A_166 = tpu.vector_load %arg3[%swap3A_164, %swap3A_165] {strides = array<i32>} : memref<8x1024xf32, #tpu.memory_space<vmem>>, vector<1x16xf32>,
    %swap3A_167 = vector.shape_cast %swap3A_166 : vector<1x16xf32> to vector<16xf32>
    %swap3A_168 = vector.shape_cast %broadcast_in_dim3A_1 : vector<16xf32> to vector<1x16xf32>
    tpu.vector_store %arg3[%swap3A_164, %swap3A_165], %swap3A_168 {strides = array<i32>} : memref<8x1024xf32, #tpu.memory_space<vmem>>, vector<1x16xf32>,
    %swap3A_169 = arith.constant 0 : i32
    %swap3A_170 = arith.index_cast %swap3A_169 : i32 to index
    %swap3A_171 = arith.constant 448 : index
    %swap3A_172 = tpu.vector_load %arg3[%swap3A_170, %swap3A_171] {strides = array<i32>} : memref<8x1024xf32, #tpu.memory_space<vmem>>, vector<1x16xf32>,
    %swap3A_173 = vector.shape_cast %swap3A_172 : vector<1x16xf32> to vector<16xf32>
    %swap3A_174 = vector.shape_cast %broadcast_in_dim3A_1 : vector<16xf32> to vector<1x16xf32>
    tpu.vector_store %arg3[%swap3A_170, %swap3A_171], %swap3A_174 {strides = array<i32>} : memref<8x1024xf32, #tpu.memory_space<vmem>>, vector<1x16xf32>,
    %swap3A_175 = arith.constant 0 : i32
    %swap3A_176 = arith.index_cast %swap3A_175 : i32 to index
    %swap3A_177 = arith.constant 464 : index
    %swap3A_178 = tpu.vector_load %arg3[%swap3A_176, %swap3A_177] {strides = array<i32>} : memref<8x1024xf32, #tpu.memory_space<vmem>>, vector<1x16xf32>,
    %swap3A_179 = vector.shape_cast %swap3A_178 : vector<1x16xf32> to vector<16xf32>
    %swap3A_180 = vector.shape_cast %broadcast_in_dim3A_1 : vector<16xf32> to vector<1x16xf32>
    tpu.vector_store %arg3[%swap3A_176, %swap3A_177], %swap3A_180 {strides = array<i32>} : memref<8x1024xf32, #tpu.memory_space<vmem>>, vector<1x16xf32>,
    %swap3A_181 = arith.constant 0 : i32
    %swap3A_182 = arith.index_cast %swap3A_181 : i32 to index
    %swap3A_183 = arith.constant 480 : index
    %swap3A_184 = tpu.vector_load %arg3[%swap3A_182, %swap3A_183] {strides = array<i32>} : memref<8x1024xf32, #tpu.memory_space<vmem>>, vector<1x16xf32>,
    %swap3A_185 = vector.shape_cast %swap3A_184 : vector<1x16xf32> to vector<16xf32>
    %swap3A_186 = vector.shape_cast %broadcast_in_dim3A_1 : vector<16xf32> to vector<1x16xf32>
    tpu.vector_store %arg3[%swap3A_182, %swap3A_183], %swap3A_186 {strides = array<i32>} : memref<8x1024xf32, #tpu.memory_space<vmem>>, vector<1x16xf32>,
    %swap3A_187 = arith.constant 0 : i32
    %swap3A_188 = arith.index_cast %swap3A_187 : i32 to index
    %swap3A_189 = arith.constant 496 : index
    %swap3A_190 = tpu.vector_load %arg3[%swap3A_188, %swap3A_189] {strides = array<i32>} : memref<8x1024xf32, #tpu.memory_space<vmem>>, vector<1x16xf32>,
    %swap3A_191 = vector.shape_cast %swap3A_190 : vector<1x16xf32> to vector<16xf32>
    %swap3A_192 = vector.shape_cast %broadcast_in_dim3A_1 : vector<16xf32> to vector<1x16xf32>
    tpu.vector_store %arg3[%swap3A_188, %swap3A_189], %swap3A_192 {strides = array<i32>} : memref<8x1024xf32, #tpu.memory_space<vmem>>, vector<1x16xf32>,
    %swap3A_193 = arith.constant 0 : i32
    %swap3A_194 = arith.index_cast %swap3A_193 : i32 to index
    %swap3A_195 = arith.constant 512 : index
    %swap3A_196 = tpu.vector_load %arg3[%swap3A_194, %swap3A_195] {strides = array<i32>} : memref<8x1024xf32, #tpu.memory_space<vmem>>, vector<1x16xf32>,
    %swap3A_197 = vector.shape_cast %swap3A_196 : vector<1x16xf32> to vector<16xf32>
    %swap3A_198 = vector.shape_cast %broadcast_in_dim3A_1 : vector<16xf32> to vector<1x16xf32>
    tpu.vector_store %arg3[%swap3A_194, %swap3A_195], %swap3A_198 {strides = array<i32>} : memref<8x1024xf32, #tpu.memory_space<vmem>>, vector<1x16xf32>,
    %swap3A_199 = arith.constant 0 : i32
    %swap3A_200 = arith.index_cast %swap3A_199 : i32 to index
    %swap3A_201 = arith.constant 528 : index
    %swap3A_202 = tpu.vector_load %arg3[%swap3A_200, %swap3A_201] {strides = array<i32>} : memref<8x1024xf32, #tpu.memory_space<vmem>>, vector<1x16xf32>,
    %swap3A_203 = vector.shape_cast %swap3A_202 : vector<1x16xf32> to vector<16xf32>
    %swap3A_204 = vector.shape_cast %broadcast_in_dim3A_1 : vector<16xf32> to vector<1x16xf32>
    tpu.vector_store %arg3[%swap3A_200, %swap3A_201], %swap3A_204 {strides = array<i32>} : memref<8x1024xf32, #tpu.memory_space<vmem>>, vector<1x16xf32>,
    %swap3A_205 = arith.constant 0 : i32
    %swap3A_206 = arith.index_cast %swap3A_205 : i32 to index
    %swap3A_207 = arith.constant 544 : index
    %swap3A_208 = tpu.vector_load %arg3[%swap3A_206, %swap3A_207] {strides = array<i32>} : memref<8x1024xf32, #tpu.memory_space<vmem>>, vector<1x16xf32>,
    %swap3A_209 = vector.shape_cast %swap3A_208 : vector<1x16xf32> to vector<16xf32>
    %swap3A_210 = vector.shape_cast %broadcast_in_dim3A_1 : vector<16xf32> to vector<1x16xf32>
    tpu.vector_store %arg3[%swap3A_206, %swap3A_207], %swap3A_210 {strides = array<i32>} : memref<8x1024xf32, #tpu.memory_space<vmem>>, vector<1x16xf32>,
    %swap3A_211 = arith.constant 0 : i32
    %swap3A_212 = arith.index_cast %swap3A_211 : i32 to index
    %swap3A_213 = arith.constant 560 : index
    %swap3A_214 = tpu.vector_load %arg3[%swap3A_212, %swap3A_213] {strides = array<i32>} : memref<8x1024xf32, #tpu.memory_space<vmem>>, vector<1x16xf32>,
    %swap3A_215 = vector.shape_cast %swap3A_214 : vector<1x16xf32> to vector<16xf32>
    %swap3A_216 = vector.shape_cast %broadcast_in_dim3A_1 : vector<16xf32> to vector<1x16xf32>
    tpu.vector_store %arg3[%swap3A_212, %swap3A_213], %swap3A_216 {strides = array<i32>} : memref<8x1024xf32, #tpu.memory_space<vmem>>, vector<1x16xf32>,
    %swap3A_217 = arith.constant 0 : i32
    %swap3A_218 = arith.index_cast %swap3A_217 : i32 to index
    %swap3A_219 = arith.constant 576 : index
    %swap3A_220 = tpu.vector_load %arg3[%swap3A_218, %swap3A_219] {strides = array<i32>} : memref<8x1024xf32, #tpu.memory_space<vmem>>, vector<1x16xf32>,
    %swap3A_221 = vector.shape_cast %swap3A_220 : vector<1x16xf32> to vector<16xf32>
    %swap3A_222 = vector.shape_cast %broadcast_in_dim3A_1 : vector<16xf32> to vector<1x16xf32>
    tpu.vector_store %arg3[%swap3A_218, %swap3A_219], %swap3A_222 {strides = array<i32>} : memref<8x1024xf32, #tpu.memory_space<vmem>>, vector<1x16xf32>,
    %swap3A_223 = arith.constant 0 : i32
    %swap3A_224 = arith.index_cast %swap3A_223 : i32 to index
    %swap3A_225 = arith.constant 592 : index
    %swap3A_226 = tpu.vector_load %arg3[%swap3A_224, %swap3A_225] {strides = array<i32>} : memref<8x1024xf32, #tpu.memory_space<vmem>>, vector<1x16xf32>,
    %swap3A_227 = vector.shape_cast %swap3A_226 : vector<1x16xf32> to vector<16xf32>
    %swap3A_228 = vector.shape_cast %broadcast_in_dim3A_1 : vector<16xf32> to vector<1x16xf32>
    tpu.vector_store %arg3[%swap3A_224, %swap3A_225], %swap3A_228 {strides = array<i32>} : memref<8x1024xf32, #tpu.memory_space<vmem>>, vector<1x16xf32>,
    %swap3A_229 = arith.constant 0 : i32
    %swap3A_230 = arith.index_cast %swap3A_229 : i32 to index
    %swap3A_231 = arith.constant 608 : index
    %swap3A_232 = tpu.vector_load %arg3[%swap3A_230, %swap3A_231] {strides = array<i32>} : memref<8x1024xf32, #tpu.memory_space<vmem>>, vector<1x16xf32>,
    %swap3A_233 = vector.shape_cast %swap3A_232 : vector<1x16xf32> to vector<16xf32>
    %swap3A_234 = vector.shape_cast %broadcast_in_dim3A_1 : vector<16xf32> to vector<1x16xf32>
    tpu.vector_store %arg3[%swap3A_230, %swap3A_231], %swap3A_234 {strides = array<i32>} : memref<8x1024xf32, #tpu.memory_space<vmem>>, vector<1x16xf32>,
    %swap3A_235 = arith.constant 0 : i32
    %swap3A_236 = arith.index_cast %swap3A_235 : i32 to index
    %swap3A_237 = arith.constant 624 : index
    %swap3A_238 = tpu.vector_load %arg3[%swap3A_236, %swap3A_237] {strides = array<i32>} : memref<8x1024xf32, #tpu.memory_space<vmem>>, vector<1x16xf32>,
    %swap3A_239 = vector.shape_cast %swap3A_238 : vector<1x16xf32> to vector<16xf32>
    %swap3A_240 = vector.shape_cast %broadcast_in_dim3A_1 : vector<16xf32> to vector<1x16xf32>
    tpu.vector_store %arg3[%swap3A_236, %swap3A_237], %swap3A_240 {strides = array<i32>} : memref<8x1024xf32, #tpu.memory_space<vmem>>, vector<1x16xf32>,
    %swap3A_241 = arith.constant 0 : i32
    %swap3A_242 = arith.index_cast %swap3A_241 : i32 to index
    %swap3A_243 = arith.constant 640 : index
    %swap3A_244 = tpu.vector_load %arg3[%swap3A_242, %swap3A_243] {strides = array<i32>} : memref<8x1024xf32, #tpu.memory_space<vmem>>, vector<1x16xf32>,
    %swap3A_245 = vector.shape_cast %swap3A_244 : vector<1x16xf32> to vector<16xf32>
    %swap3A_246 = vector.shape_cast %broadcast_in_dim3A_1 : vector<16xf32> to vector<1x16xf32>
    tpu.vector_store %arg3[%swap3A_242, %swap3A_243], %swap3A_246 {strides = array<i32>} : memref<8x1024xf32, #tpu.memory_space<vmem>>, vector<1x16xf32>,
    %swap3A_247 = arith.constant 0 : i32
    %swap3A_248 = arith.index_cast %swap3A_247 : i32 to index
    %swap3A_249 = arith.constant 656 : index
    %swap3A_250 = tpu.vector_load %arg3[%swap3A_248, %swap3A_249] {strides = array<i32>} : memref<8x1024xf32, #tpu.memory_space<vmem>>, vector<1x16xf32>,
    %swap3A_251 = vector.shape_cast %swap3A_250 : vector<1x16xf32> to vector<16xf32>
    %swap3A_252 = vector.shape_cast %broadcast_in_dim3A_1 : vector<16xf32> to vector<1x16xf32>
    tpu.vector_store %arg3[%swap3A_248, %swap3A_249], %swap3A_252 {strides = array<i32>} : memref<8x1024xf32, #tpu.memory_space<vmem>>, vector<1x16xf32>,
    %swap3A_253 = arith.constant 0 : i32
    %swap3A_254 = arith.index_cast %swap3A_253 : i32 to index
    %swap3A_255 = arith.constant 672 : index
    %swap3A_256 = tpu.vector_load %arg3[%swap3A_254, %swap3A_255] {strides = array<i32>} : memref<8x1024xf32, #tpu.memory_space<vmem>>, vector<1x16xf32>,
    %swap3A_257 = vector.shape_cast %swap3A_256 : vector<1x16xf32> to vector<16xf32>
    %swap3A_258 = vector.shape_cast %broadcast_in_dim3A_1 : vector<16xf32> to vector<1x16xf32>
    tpu.vector_store %arg3[%swap3A_254, %swap3A_255], %swap3A_258 {strides = array<i32>} : memref<8x1024xf32, #tpu.memory_space<vmem>>, vector<1x16xf32>,
    %swap3A_259 = arith.constant 0 : i32
    %swap3A_260 = arith.index_cast %swap3A_259 : i32 to index
    %swap3A_261 = arith.constant 688 : index
    %swap3A_262 = tpu.vector_load %arg3[%swap3A_260, %swap3A_261] {strides = array<i32>} : memref<8x1024xf32, #tpu.memory_space<vmem>>, vector<1x16xf32>,
    %swap3A_263 = vector.shape_cast %swap3A_262 : vector<1x16xf32> to vector<16xf32>
    %swap3A_264 = vector.shape_cast %broadcast_in_dim3A_1 : vector<16xf32> to vector<1x16xf32>
    tpu.vector_store %arg3[%swap3A_260, %swap3A_261], %swap3A_264 {strides = array<i32>} : memref<8x1024xf32, #tpu.memory_space<vmem>>, vector<1x16xf32>,
    %swap3A_265 = arith.constant 0 : i32
    %swap3A_266 = arith.index_cast %swap3A_265 : i32 to index
    %swap3A_267 = arith.constant 704 : index
    %swap3A_268 = tpu.vector_load %arg3[%swap3A_266, %swap3A_267] {strides = array<i32>} : memref<8x1024xf32, #tpu.memory_space<vmem>>, vector<1x16xf32>,
    %swap3A_269 = vector.shape_cast %swap3A_268 : vector<1x16xf32> to vector<16xf32>
    %swap3A_270 = vector.shape_cast %broadcast_in_dim3A_1 : vector<16xf32> to vector<1x16xf32>
    tpu.vector_store %arg3[%swap3A_266, %swap3A_267], %swap3A_270 {strides = array<i32>} : memref<8x1024xf32, #tpu.memory_space<vmem>>, vector<1x16xf32>,
    %swap3A_271 = arith.constant 0 : i32
    %swap3A_272 = arith.index_cast %swap3A_271 : i32 to index
    %swap3A_273 = arith.constant 720 : index
    %swap3A_274 = tpu.vector_load %arg3[%swap3A_272, %swap3A_273] {strides = array<i32>} : memref<8x1024xf32, #tpu.memory_space<vmem>>, vector<1x16xf32>,
    %swap3A_275 = vector.shape_cast %swap3A_274 : vector<1x16xf32> to vector<16xf32>
    %swap3A_276 = vector.shape_cast %broadcast_in_dim3A_1 : vector<16xf32> to vector<1x16xf32>
    tpu.vector_store %arg3[%swap3A_272, %swap3A_273], %swap3A_276 {strides = array<i32>} : memref<8x1024xf32, #tpu.memory_space<vmem>>, vector<1x16xf32>,
    %swap3A_277 = arith.constant 0 : i32
    %swap3A_278 = arith.index_cast %swap3A_277 : i32 to index
    %swap3A_279 = arith.constant 736 : index
    %swap3A_280 = tpu.vector_load %arg3[%swap3A_278, %swap3A_279] {strides = array<i32>} : memref<8x1024xf32, #tpu.memory_space<vmem>>, vector<1x16xf32>,
    %swap3A_281 = vector.shape_cast %swap3A_280 : vector<1x16xf32> to vector<16xf32>
    %swap3A_282 = vector.shape_cast %broadcast_in_dim3A_1 : vector<16xf32> to vector<1x16xf32>
    tpu.vector_store %arg3[%swap3A_278, %swap3A_279], %swap3A_282 {strides = array<i32>} : memref<8x1024xf32, #tpu.memory_space<vmem>>, vector<1x16xf32>,
    %swap3A_283 = arith.constant 0 : i32
    %swap3A_284 = arith.index_cast %swap3A_283 : i32 to index
    %swap3A_285 = arith.constant 752 : index
    %swap3A_286 = tpu.vector_load %arg3[%swap3A_284, %swap3A_285] {strides = array<i32>} : memref<8x1024xf32, #tpu.memory_space<vmem>>, vector<1x16xf32>,
    %swap3A_287 = vector.shape_cast %swap3A_286 : vector<1x16xf32> to vector<16xf32>
    %swap3A_288 = vector.shape_cast %broadcast_in_dim3A_1 : vector<16xf32> to vector<1x16xf32>
    tpu.vector_store %arg3[%swap3A_284, %swap3A_285], %swap3A_288 {strides = array<i32>} : memref<8x1024xf32, #tpu.memory_space<vmem>>, vector<1x16xf32>,
    %swap3A_289 = arith.constant 0 : i32
    %swap3A_290 = arith.index_cast %swap3A_289 : i32 to index
    %swap3A_291 = arith.constant 768 : index
    %swap3A_292 = tpu.vector_load %arg3[%swap3A_290, %swap3A_291] {strides = array<i32>} : memref<8x1024xf32, #tpu.memory_space<vmem>>, vector<1x16xf32>,
    %swap3A_293 = vector.shape_cast %swap3A_292 : vector<1x16xf32> to vector<16xf32>
    %swap3A_294 = vector.shape_cast %broadcast_in_dim3A_1 : vector<16xf32> to vector<1x16xf32>
    tpu.vector_store %arg3[%swap3A_290, %swap3A_291], %swap3A_294 {strides = array<i32>} : memref<8x1024xf32, #tpu.memory_space<vmem>>, vector<1x16xf32>,
    %swap3A_295 = arith.constant 0 : i32
    %swap3A_296 = arith.index_cast %swap3A_295 : i32 to index
    %swap3A_297 = arith.constant 784 : index
    %swap3A_298 = tpu.vector_load %arg3[%swap3A_296, %swap3A_297] {strides = array<i32>} : memref<8x1024xf32, #tpu.memory_space<vmem>>, vector<1x16xf32>,
    %swap3A_299 = vector.shape_cast %swap3A_298 : vector<1x16xf32> to vector<16xf32>
    %swap3A_300 = vector.shape_cast %broadcast_in_dim3A_1 : vector<16xf32> to vector<1x16xf32>
    tpu.vector_store %arg3[%swap3A_296, %swap3A_297], %swap3A_300 {strides = array<i32>} : memref<8x1024xf32, #tpu.memory_space<vmem>>, vector<1x16xf32>,
    %swap3A_301 = arith.constant 0 : i32
    %swap3A_302 = arith.index_cast %swap3A_301 : i32 to index
    %swap3A_303 = arith.constant 800 : index
    %swap3A_304 = tpu.vector_load %arg3[%swap3A_302, %swap3A_303] {strides = array<i32>} : memref<8x1024xf32, #tpu.memory_space<vmem>>, vector<1x16xf32>,
    %swap3A_305 = vector.shape_cast %swap3A_304 : vector<1x16xf32> to vector<16xf32>
    %swap3A_306 = vector.shape_cast %broadcast_in_dim3A_1 : vector<16xf32> to vector<1x16xf32>
    tpu.vector_store %arg3[%swap3A_302, %swap3A_303], %swap3A_306 {strides = array<i32>} : memref<8x1024xf32, #tpu.memory_space<vmem>>, vector<1x16xf32>,
    %swap3A_307 = arith.constant 0 : i32
    %swap3A_308 = arith.index_cast %swap3A_307 : i32 to index
    %swap3A_309 = arith.constant 816 : index
    %swap3A_310 = tpu.vector_load %arg3[%swap3A_308, %swap3A_309] {strides = array<i32>} : memref<8x1024xf32, #tpu.memory_space<vmem>>, vector<1x16xf32>,
    %swap3A_311 = vector.shape_cast %swap3A_310 : vector<1x16xf32> to vector<16xf32>
    %swap3A_312 = vector.shape_cast %broadcast_in_dim3A_1 : vector<16xf32> to vector<1x16xf32>
    tpu.vector_store %arg3[%swap3A_308, %swap3A_309], %swap3A_312 {strides = array<i32>} : memref<8x1024xf32, #tpu.memory_space<vmem>>, vector<1x16xf32>,
    %swap3A_313 = arith.constant 0 : i32
    %swap3A_314 = arith.index_cast %swap3A_313 : i32 to index
    %swap3A_315 = arith.constant 832 : index
    %swap3A_316 = tpu.vector_load %arg3[%swap3A_314, %swap3A_315] {strides = array<i32>} : memref<8x1024xf32, #tpu.memory_space<vmem>>, vector<1x16xf32>,
    %swap3A_317 = vector.shape_cast %swap3A_316 : vector<1x16xf32> to vector<16xf32>
    %swap3A_318 = vector.shape_cast %broadcast_in_dim3A_1 : vector<16xf32> to vector<1x16xf32>
    tpu.vector_store %arg3[%swap3A_314, %swap3A_315], %swap3A_318 {strides = array<i32>} : memref<8x1024xf32, #tpu.memory_space<vmem>>, vector<1x16xf32>,
    %swap3A_319 = arith.constant 0 : i32
    %swap3A_320 = arith.index_cast %swap3A_319 : i32 to index
    %swap3A_321 = arith.constant 848 : index
    %swap3A_322 = tpu.vector_load %arg3[%swap3A_320, %swap3A_321] {strides = array<i32>} : memref<8x1024xf32, #tpu.memory_space<vmem>>, vector<1x16xf32>,
    %swap3A_323 = vector.shape_cast %swap3A_322 : vector<1x16xf32> to vector<16xf32>
    %swap3A_324 = vector.shape_cast %broadcast_in_dim3A_1 : vector<16xf32> to vector<1x16xf32>
    tpu.vector_store %arg3[%swap3A_320, %swap3A_321], %swap3A_324 {strides = array<i32>} : memref<8x1024xf32, #tpu.memory_space<vmem>>, vector<1x16xf32>,
    %swap3A_325 = arith.constant 0 : i32
    %swap3A_326 = arith.index_cast %swap3A_325 : i32 to index
    %swap3A_327 = arith.constant 864 : index
    %swap3A_328 = tpu.vector_load %arg3[%swap3A_326, %swap3A_327] {strides = array<i32>} : memref<8x1024xf32, #tpu.memory_space<vmem>>, vector<1x16xf32>,
    %swap3A_329 = vector.shape_cast %swap3A_328 : vector<1x16xf32> to vector<16xf32>
    %swap3A_330 = vector.shape_cast %broadcast_in_dim3A_1 : vector<16xf32> to vector<1x16xf32>
    tpu.vector_store %arg3[%swap3A_326, %swap3A_327], %swap3A_330 {strides = array<i32>} : memref<8x1024xf32, #tpu.memory_space<vmem>>, vector<1x16xf32>,
    %swap3A_331 = arith.constant 0 : i32
    %swap3A_332 = arith.index_cast %swap3A_331 : i32 to index
    %swap3A_333 = arith.constant 880 : index
    %swap3A_334 = tpu.vector_load %arg3[%swap3A_332, %swap3A_333] {strides = array<i32>} : memref<8x1024xf32, #tpu.memory_space<vmem>>, vector<1x16xf32>,
    %swap3A_335 = vector.shape_cast %swap3A_334 : vector<1x16xf32> to vector<16xf32>
    %swap3A_336 = vector.shape_cast %broadcast_in_dim3A_1 : vector<16xf32> to vector<1x16xf32>
    tpu.vector_store %arg3[%swap3A_332, %swap3A_333], %swap3A_336 {strides = array<i32>} : memref<8x1024xf32, #tpu.memory_space<vmem>>, vector<1x16xf32>,
    %swap3A_337 = arith.constant 0 : i32
    %swap3A_338 = arith.index_cast %swap3A_337 : i32 to index
    %swap3A_339 = arith.constant 896 : index
    %swap3A_340 = tpu.vector_load %arg3[%swap3A_338, %swap3A_339] {strides = array<i32>} : memref<8x1024xf32, #tpu.memory_space<vmem>>, vector<1x16xf32>,
    %swap3A_341 = vector.shape_cast %swap3A_340 : vector<1x16xf32> to vector<16xf32>
    %swap3A_342 = vector.shape_cast %broadcast_in_dim3A_1 : vector<16xf32> to vector<1x16xf32>
    tpu.vector_store %arg3[%swap3A_338, %swap3A_339], %swap3A_342 {strides = array<i32>} : memref<8x1024xf32, #tpu.memory_space<vmem>>, vector<1x16xf32>,
    %swap3A_343 = arith.constant 0 : i32
    %swap3A_344 = arith.index_cast %swap3A_343 : i32 to index
    %swap3A_345 = arith.constant 912 : index
    %swap3A_346 = tpu.vector_load %arg3[%swap3A_344, %swap3A_345] {strides = array<i32>} : memref<8x1024xf32, #tpu.memory_space<vmem>>, vector<1x16xf32>,
    %swap3A_347 = vector.shape_cast %swap3A_346 : vector<1x16xf32> to vector<16xf32>
    %swap3A_348 = vector.shape_cast %broadcast_in_dim3A_1 : vector<16xf32> to vector<1x16xf32>
    tpu.vector_store %arg3[%swap3A_344, %swap3A_345], %swap3A_348 {strides = array<i32>} : memref<8x1024xf32, #tpu.memory_space<vmem>>, vector<1x16xf32>,
    %swap3A_349 = arith.constant 0 : i32
    %swap3A_350 = arith.index_cast %swap3A_349 : i32 to index
    %swap3A_351 = arith.constant 928 : index
    %swap3A_352 = tpu.vector_load %arg3[%swap3A_350, %swap3A_351] {strides = array<i32>} : memref<8x1024xf32, #tpu.memory_space<vmem>>, vector<1x16xf32>,
    %swap3A_353 = vector.shape_cast %swap3A_352 : vector<1x16xf32> to vector<16xf32>
    %swap3A_354 = vector.shape_cast %broadcast_in_dim3A_1 : vector<16xf32> to vector<1x16xf32>
    tpu.vector_store %arg3[%swap3A_350, %swap3A_351], %swap3A_354 {strides = array<i32>} : memref<8x1024xf32, #tpu.memory_space<vmem>>, vector<1x16xf32>,
    %swap3A_355 = arith.constant 0 : i32
    %swap3A_356 = arith.index_cast %swap3A_355 : i32 to index
    %swap3A_357 = arith.constant 944 : index
    %swap3A_358 = tpu.vector_load %arg3[%swap3A_356, %swap3A_357] {strides = array<i32>} : memref<8x1024xf32, #tpu.memory_space<vmem>>, vector<1x16xf32>,
    %swap3A_359 = vector.shape_cast %swap3A_358 : vector<1x16xf32> to vector<16xf32>
    %swap3A_360 = vector.shape_cast %broadcast_in_dim3A_1 : vector<16xf32> to vector<1x16xf32>
    tpu.vector_store %arg3[%swap3A_356, %swap3A_357], %swap3A_360 {strides = array<i32>} : memref<8x1024xf32, #tpu.memory_space<vmem>>, vector<1x16xf32>,
    %swap3A_361 = arith.constant 0 : i32
    %swap3A_362 = arith.index_cast %swap3A_361 : i32 to index
    %swap3A_363 = arith.constant 960 : index
    %swap3A_364 = tpu.vector_load %arg3[%swap3A_362, %swap3A_363] {strides = array<i32>} : memref<8x1024xf32, #tpu.memory_space<vmem>>, vector<1x16xf32>,
    %swap3A_365 = vector.shape_cast %swap3A_364 : vector<1x16xf32> to vector<16xf32>
    %swap3A_366 = vector.shape_cast %broadcast_in_dim3A_1 : vector<16xf32> to vector<1x16xf32>
    tpu.vector_store %arg3[%swap3A_362, %swap3A_363], %swap3A_366 {strides = array<i32>} : memref<8x1024xf32, #tpu.memory_space<vmem>>, vector<1x16xf32>,
    %swap3A_367 = arith.constant 0 : i32
    %swap3A_368 = arith.index_cast %swap3A_367 : i32 to index
    %swap3A_369 = arith.constant 976 : index
    %swap3A_370 = tpu.vector_load %arg3[%swap3A_368, %swap3A_369] {strides = array<i32>} : memref<8x1024xf32, #tpu.memory_space<vmem>>, vector<1x16xf32>,
    %swap3A_371 = vector.shape_cast %swap3A_370 : vector<1x16xf32> to vector<16xf32>
    %swap3A_372 = vector.shape_cast %broadcast_in_dim3A_1 : vector<16xf32> to vector<1x16xf32>
    tpu.vector_store %arg3[%swap3A_368, %swap3A_369], %swap3A_372 {strides = array<i32>} : memref<8x1024xf32, #tpu.memory_space<vmem>>, vector<1x16xf32>,
    %swap3A_373 = arith.constant 0 : i32
    %swap3A_374 = arith.index_cast %swap3A_373 : i32 to index
    %swap3A_375 = arith.constant 992 : index
    %swap3A_376 = tpu.vector_load %arg3[%swap3A_374, %swap3A_375] {strides = array<i32>} : memref<8x1024xf32, #tpu.memory_space<vmem>>, vector<1x16xf32>,
    %swap3A_377 = vector.shape_cast %swap3A_376 : vector<1x16xf32> to vector<16xf32>
    %swap3A_378 = vector.shape_cast %broadcast_in_dim3A_1 : vector<16xf32> to vector<1x16xf32>
    tpu.vector_store %arg3[%swap3A_374, %swap3A_375], %swap3A_378 {strides = array<i32>} : memref<8x1024xf32, #tpu.memory_space<vmem>>, vector<1x16xf32>,
    %swap3A_379 = arith.constant 0 : i32
    %swap3A_380 = arith.index_cast %swap3A_379 : i32 to index
    %swap3A_381 = arith.constant 1008 : index
    %swap3A_382 = tpu.vector_load %arg3[%swap3A_380, %swap3A_381] {strides = array<i32>} : memref<8x1024xf32, #tpu.memory_space<vmem>>, vector<1x16xf32>,
    %swap3A_383 = vector.shape_cast %swap3A_382 : vector<1x16xf32> to vector<16xf32>
    %swap3A_384 = vector.shape_cast %broadcast_in_dim3A_1 : vector<16xf32> to vector<1x16xf32>
    tpu.vector_store %arg3[%swap3A_380, %swap3A_381], %swap3A_384 {strides = array<i32>} : memref<8x1024xf32, #tpu.memory_space<vmem>>, vector<1x16xf32>,
    %swap3A_385 = arith.constant 1 : i32
    %swap3A_386 = arith.index_cast %swap3A_385 : i32 to index
    %swap3A_387 = arith.constant 0 : index
    %swap3A_388 = tpu.vector_load %arg3[%swap3A_386, %swap3A_387] {strides = array<i32>} : memref<8x1024xf32, #tpu.memory_space<vmem>>, vector<1x16xf32>,
    %swap3A_389 = vector.shape_cast %swap3A_388 : vector<1x16xf32> to vector<16xf32>
    %swap3A_390 = vector.shape_cast %broadcast_in_dim3A_1 : vector<16xf32> to vector<1x16xf32>
    tpu.vector_store %arg3[%swap3A_386, %swap3A_387], %swap3A_390 {strides = array<i32>} : memref<8x1024xf32, #tpu.memory_space<vmem>>, vector<1x16xf32>,
    %swap3A_391 = arith.constant 1 : i32
    %swap3A_392 = arith.index_cast %swap3A_391 : i32 to index
    %swap3A_393 = arith.constant 16 : index
    %swap3A_394 = tpu.vector_load %arg3[%swap3A_392, %swap3A_393] {strides = array<i32>} : memref<8x1024xf32, #tpu.memory_space<vmem>>, vector<1x16xf32>,
    %swap3A_395 = vector.shape_cast %swap3A_394 : vector<1x16xf32> to vector<16xf32>
    %swap3A_396 = vector.shape_cast %broadcast_in_dim3A_1 : vector<16xf32> to vector<1x16xf32>
    tpu.vector_store %arg3[%swap3A_392, %swap3A_393], %swap3A_396 {strides = array<i32>} : memref<8x1024xf32, #tpu.memory_space<vmem>>, vector<1x16xf32>,
    %swap3A_397 = arith.constant 1 : i32
    %swap3A_398 = arith.index_cast %swap3A_397 : i32 to index
    %swap3A_399 = arith.constant 32 : index
    %swap3A_400 = tpu.vector_load %arg3[%swap3A_398, %swap3A_399] {strides = array<i32>} : memref<8x1024xf32, #tpu.memory_space<vmem>>, vector<1x16xf32>,
    %swap3A_401 = vector.shape_cast %swap3A_400 : vector<1x16xf32> to vector<16xf32>
    %swap3A_402 = vector.shape_cast %broadcast_in_dim3A_1 : vector<16xf32> to vector<1x16xf32>
    tpu.vector_store %arg3[%swap3A_398, %swap3A_399], %swap3A_402 {strides = array<i32>} : memref<8x1024xf32, #tpu.memory_space<vmem>>, vector<1x16xf32>,
    %swap3A_403 = arith.constant 1 : i32
    %swap3A_404 = arith.index_cast %swap3A_403 : i32 to index
    %swap3A_405 = arith.constant 48 : index
    %swap3A_406 = tpu.vector_load %arg3[%swap3A_404, %swap3A_405] {strides = array<i32>} : memref<8x1024xf32, #tpu.memory_space<vmem>>, vector<1x16xf32>,
    %swap3A_407 = vector.shape_cast %swap3A_406 : vector<1x16xf32> to vector<16xf32>
    %swap3A_408 = vector.shape_cast %broadcast_in_dim3A_1 : vector<16xf32> to vector<1x16xf32>
    tpu.vector_store %arg3[%swap3A_404, %swap3A_405], %swap3A_408 {strides = array<i32>} : memref<8x1024xf32, #tpu.memory_space<vmem>>, vector<1x16xf32>,
    %swap3A_409 = arith.constant 1 : i32
    %swap3A_410 = arith.index_cast %swap3A_409 : i32 to index
    %swap3A_411 = arith.constant 64 : index
    %swap3A_412 = tpu.vector_load %arg3[%swap3A_410, %swap3A_411] {strides = array<i32>} : memref<8x1024xf32, #tpu.memory_space<vmem>>, vector<1x16xf32>,
    %swap3A_413 = vector.shape_cast %swap3A_412 : vector<1x16xf32> to vector<16xf32>
    %swap3A_414 = vector.shape_cast %broadcast_in_dim3A_1 : vector<16xf32> to vector<1x16xf32>
    tpu.vector_store %arg3[%swap3A_410, %swap3A_411], %swap3A_414 {strides = array<i32>} : memref<8x1024xf32, #tpu.memory_space<vmem>>, vector<1x16xf32>,
    %swap3A_415 = arith.constant 1 : i32
    %swap3A_416 = arith.index_cast %swap3A_415 : i32 to index
    %swap3A_417 = arith.constant 80 : index
    %swap3A_418 = tpu.vector_load %arg3[%swap3A_416, %swap3A_417] {strides = array<i32>} : memref<8x1024xf32, #tpu.memory_space<vmem>>, vector<1x16xf32>,
    %swap3A_419 = vector.shape_cast %swap3A_418 : vector<1x16xf32> to vector<16xf32>
    %swap3A_420 = vector.shape_cast %broadcast_in_dim3A_1 : vector<16xf32> to vector<1x16xf32>
    tpu.vector_store %arg3[%swap3A_416, %swap3A_417], %swap3A_420 {strides = array<i32>} : memref<8x1024xf32, #tpu.memory_space<vmem>>, vector<1x16xf32>,
    %swap3A_421 = arith.constant 1 : i32
    %swap3A_422 = arith.index_cast %swap3A_421 : i32 to index
    %swap3A_423 = arith.constant 96 : index
    %swap3A_424 = tpu.vector_load %arg3[%swap3A_422, %swap3A_423] {strides = array<i32>} : memref<8x1024xf32, #tpu.memory_space<vmem>>, vector<1x16xf32>,
    %swap3A_425 = vector.shape_cast %swap3A_424 : vector<1x16xf32> to vector<16xf32>
    %swap3A_426 = vector.shape_cast %broadcast_in_dim3A_1 : vector<16xf32> to vector<1x16xf32>
    tpu.vector_store %arg3[%swap3A_422, %swap3A_423], %swap3A_426 {strides = array<i32>} : memref<8x1024xf32, #tpu.memory_space<vmem>>, vector<1x16xf32>,
    %swap3A_427 = arith.constant 1 : i32
    %swap3A_428 = arith.index_cast %swap3A_427 : i32 to index
    %swap3A_429 = arith.constant 112 : index
    %swap3A_430 = tpu.vector_load %arg3[%swap3A_428, %swap3A_429] {strides = array<i32>} : memref<8x1024xf32, #tpu.memory_space<vmem>>, vector<1x16xf32>,
    %swap3A_431 = vector.shape_cast %swap3A_430 : vector<1x16xf32> to vector<16xf32>
    %swap3A_432 = vector.shape_cast %broadcast_in_dim3A_1 : vector<16xf32> to vector<1x16xf32>
    tpu.vector_store %arg3[%swap3A_428, %swap3A_429], %swap3A_432 {strides = array<i32>} : memref<8x1024xf32, #tpu.memory_space<vmem>>, vector<1x16xf32>,
    %swap3A_433 = arith.constant 1 : i32
    %swap3A_434 = arith.index_cast %swap3A_433 : i32 to index
    %swap3A_435 = arith.constant 128 : index
    %swap3A_436 = tpu.vector_load %arg3[%swap3A_434, %swap3A_435] {strides = array<i32>} : memref<8x1024xf32, #tpu.memory_space<vmem>>, vector<1x16xf32>,
    %swap3A_437 = vector.shape_cast %swap3A_436 : vector<1x16xf32> to vector<16xf32>
    %swap3A_438 = vector.shape_cast %broadcast_in_dim3A_1 : vector<16xf32> to vector<1x16xf32>
    tpu.vector_store %arg3[%swap3A_434, %swap3A_435], %swap3A_438 {strides = array<i32>} : memref<8x1024xf32, #tpu.memory_space<vmem>>, vector<1x16xf32>,
    %swap3A_439 = arith.constant 1 : i32
    %swap3A_440 = arith.index_cast %swap3A_439 : i32 to index
    %swap3A_441 = arith.constant 144 : index
    %swap3A_442 = tpu.vector_load %arg3[%swap3A_440, %swap3A_441] {strides = array<i32>} : memref<8x1024xf32, #tpu.memory_space<vmem>>, vector<1x16xf32>,
    %swap3A_443 = vector.shape_cast %swap3A_442 : vector<1x16xf32> to vector<16xf32>
    %swap3A_444 = vector.shape_cast %broadcast_in_dim3A_1 : vector<16xf32> to vector<1x16xf32>
    tpu.vector_store %arg3[%swap3A_440, %swap3A_441], %swap3A_444 {strides = array<i32>} : memref<8x1024xf32, #tpu.memory_space<vmem>>, vector<1x16xf32>,
    %swap3A_445 = arith.constant 1 : i32
    %swap3A_446 = arith.index_cast %swap3A_445 : i32 to index
    %swap3A_447 = arith.constant 160 : index
    %swap3A_448 = tpu.vector_load %arg3[%swap3A_446, %swap3A_447] {strides = array<i32>} : memref<8x1024xf32, #tpu.memory_space<vmem>>, vector<1x16xf32>,
    %swap3A_449 = vector.shape_cast %swap3A_448 : vector<1x16xf32> to vector<16xf32>
    %swap3A_450 = vector.shape_cast %broadcast_in_dim3A_1 : vector<16xf32> to vector<1x16xf32>
    tpu.vector_store %arg3[%swap3A_446, %swap3A_447], %swap3A_450 {strides = array<i32>} : memref<8x1024xf32, #tpu.memory_space<vmem>>, vector<1x16xf32>,
    %swap3A_451 = arith.constant 1 : i32
    %swap3A_452 = arith.index_cast %swap3A_451 : i32 to index
    %swap3A_453 = arith.constant 176 : index
    %swap3A_454 = tpu.vector_load %arg3[%swap3A_452, %swap3A_453] {strides = array<i32>} : memref<8x1024xf32, #tpu.memory_space<vmem>>, vector<1x16xf32>,
    %swap3A_455 = vector.shape_cast %swap3A_454 : vector<1x16xf32> to vector<16xf32>
    %swap3A_456 = vector.shape_cast %broadcast_in_dim3A_1 : vector<16xf32> to vector<1x16xf32>
    tpu.vector_store %arg3[%swap3A_452, %swap3A_453], %swap3A_456 {strides = array<i32>} : memref<8x1024xf32, #tpu.memory_space<vmem>>, vector<1x16xf32>,
    %swap3A_457 = arith.constant 1 : i32
    %swap3A_458 = arith.index_cast %swap3A_457 : i32 to index
    %swap3A_459 = arith.constant 192 : index
    %swap3A_460 = tpu.vector_load %arg3[%swap3A_458, %swap3A_459] {strides = array<i32>} : memref<8x1024xf32, #tpu.memory_space<vmem>>, vector<1x16xf32>,
    %swap3A_461 = vector.shape_cast %swap3A_460 : vector<1x16xf32> to vector<16xf32>
    %swap3A_462 = vector.shape_cast %broadcast_in_dim3A_1 : vector<16xf32> to vector<1x16xf32>
    tpu.vector_store %arg3[%swap3A_458, %swap3A_459], %swap3A_462 {strides = array<i32>} : memref<8x1024xf32, #tpu.memory_space<vmem>>, vector<1x16xf32>,
    %swap3A_463 = arith.constant 1 : i32
    %swap3A_464 = arith.index_cast %swap3A_463 : i32 to index
    %swap3A_465 = arith.constant 208 : index
    %swap3A_466 = tpu.vector_load %arg3[%swap3A_464, %swap3A_465] {strides = array<i32>} : memref<8x1024xf32, #tpu.memory_space<vmem>>, vector<1x16xf32>,
    %swap3A_467 = vector.shape_cast %swap3A_466 : vector<1x16xf32> to vector<16xf32>
    %swap3A_468 = vector.shape_cast %broadcast_in_dim3A_1 : vector<16xf32> to vector<1x16xf32>
    tpu.vector_store %arg3[%swap3A_464, %swap3A_465], %swap3A_468 {strides = array<i32>} : memref<8x1024xf32, #tpu.memory_space<vmem>>, vector<1x16xf32>,
    %swap3A_469 = arith.constant 1 : i32
    %swap3A_470 = arith.index_cast %swap3A_469 : i32 to index
    %swap3A_471 = arith.constant 224 : index
    %swap3A_472 = tpu.vector_load %arg3[%swap3A_470, %swap3A_471] {strides = array<i32>} : memref<8x1024xf32, #tpu.memory_space<vmem>>, vector<1x16xf32>,
    %swap3A_473 = vector.shape_cast %swap3A_472 : vector<1x16xf32> to vector<16xf32>
    %swap3A_474 = vector.shape_cast %broadcast_in_dim3A_1 : vector<16xf32> to vector<1x16xf32>
    tpu.vector_store %arg3[%swap3A_470, %swap3A_471], %swap3A_474 {strides = array<i32>} : memref<8x1024xf32, #tpu.memory_space<vmem>>, vector<1x16xf32>,
    %swap3A_475 = arith.constant 1 : i32
    %swap3A_476 = arith.index_cast %swap3A_475 : i32 to index
    %swap3A_477 = arith.constant 240 : index
    %swap3A_478 = tpu.vector_load %arg3[%swap3A_476, %swap3A_477] {strides = array<i32>} : memref<8x1024xf32, #tpu.memory_space<vmem>>, vector<1x16xf32>,
    %swap3A_479 = vector.shape_cast %swap3A_478 : vector<1x16xf32> to vector<16xf32>
    %swap3A_480 = vector.shape_cast %broadcast_in_dim3A_1 : vector<16xf32> to vector<1x16xf32>
    tpu.vector_store %arg3[%swap3A_476, %swap3A_477], %swap3A_480 {strides = array<i32>} : memref<8x1024xf32, #tpu.memory_space<vmem>>, vector<1x16xf32>,
    %swap3A_481 = arith.constant 1 : i32
    %swap3A_482 = arith.index_cast %swap3A_481 : i32 to index
    %swap3A_483 = arith.constant 256 : index
    %swap3A_484 = tpu.vector_load %arg3[%swap3A_482, %swap3A_483] {strides = array<i32>} : memref<8x1024xf32, #tpu.memory_space<vmem>>, vector<1x16xf32>,
    %swap3A_485 = vector.shape_cast %swap3A_484 : vector<1x16xf32> to vector<16xf32>
    %swap3A_486 = vector.shape_cast %broadcast_in_dim3A_1 : vector<16xf32> to vector<1x16xf32>
    tpu.vector_store %arg3[%swap3A_482, %swap3A_483], %swap3A_486 {strides = array<i32>} : memref<8x1024xf32, #tpu.memory_space<vmem>>, vector<1x16xf32>,
    %swap3A_487 = arith.constant 1 : i32
    %swap3A_488 = arith.index_cast %swap3A_487 : i32 to index
    %swap3A_489 = arith.constant 272 : index
    %swap3A_490 = tpu.vector_load %arg3[%swap3A_488, %swap3A_489] {strides = array<i32>} : memref<8x1024xf32, #tpu.memory_space<vmem>>, vector<1x16xf32>,
    %swap3A_491 = vector.shape_cast %swap3A_490 : vector<1x16xf32> to vector<16xf32>
    %swap3A_492 = vector.shape_cast %broadcast_in_dim3A_1 : vector<16xf32> to vector<1x16xf32>
    tpu.vector_store %arg3[%swap3A_488, %swap3A_489], %swap3A_492 {strides = array<i32>} : memref<8x1024xf32, #tpu.memory_space<vmem>>, vector<1x16xf32>,
    %swap3A_493 = arith.constant 1 : i32
    %swap3A_494 = arith.index_cast %swap3A_493 : i32 to index
    %swap3A_495 = arith.constant 288 : index
    %swap3A_496 = tpu.vector_load %arg3[%swap3A_494, %swap3A_495] {strides = array<i32>} : memref<8x1024xf32, #tpu.memory_space<vmem>>, vector<1x16xf32>,
    %swap3A_497 = vector.shape_cast %swap3A_496 : vector<1x16xf32> to vector<16xf32>
    %swap3A_498 = vector.shape_cast %broadcast_in_dim3A_1 : vector<16xf32> to vector<1x16xf32>
    tpu.vector_store %arg3[%swap3A_494, %swap3A_495], %swap3A_498 {strides = array<i32>} : memref<8x1024xf32, #tpu.memory_space<vmem>>, vector<1x16xf32>,
    %swap3A_499 = arith.constant 1 : i32
    %swap3A_500 = arith.index_cast %swap3A_499 : i32 to index
    %swap3A_501 = arith.constant 304 : index
    %swap3A_502 = tpu.vector_load %arg3[%swap3A_500, %swap3A_501] {strides = array<i32>} : memref<8x1024xf32, #tpu.memory_space<vmem>>, vector<1x16xf32>,
    %swap3A_503 = vector.shape_cast %swap3A_502 : vector<1x16xf32> to vector<16xf32>
    %swap3A_504 = vector.shape_cast %broadcast_in_dim3A_1 : vector<16xf32> to vector<1x16xf32>
    tpu.vector_store %arg3[%swap3A_500, %swap3A_501], %swap3A_504 {strides = array<i32>} : memref<8x1024xf32, #tpu.memory_space<vmem>>, vector<1x16xf32>,
    %swap3A_505 = arith.constant 1 : i32
    %swap3A_506 = arith.index_cast %swap3A_505 : i32 to index
    %swap3A_507 = arith.constant 320 : index
    %swap3A_508 = tpu.vector_load %arg3[%swap3A_506, %swap3A_507] {strides = array<i32>} : memref<8x1024xf32, #tpu.memory_space<vmem>>, vector<1x16xf32>,
    %swap3A_509 = vector.shape_cast %swap3A_508 : vector<1x16xf32> to vector<16xf32>
    %swap3A_510 = vector.shape_cast %broadcast_in_dim3A_1 : vector<16xf32> to vector<1x16xf32>
    tpu.vector_store %arg3[%swap3A_506, %swap3A_507], %swap3A_510 {strides = array<i32>} : memref<8x1024xf32, #tpu.memory_space<vmem>>, vector<1x16xf32>,
    %swap3A_511 = arith.constant 1 : i32
    %swap3A_512 = arith.index_cast %swap3A_511 : i32 to index
    %swap3A_513 = arith.constant 336 : index
    %swap3A_514 = tpu.vector_load %arg3[%swap3A_512, %swap3A_513] {strides = array<i32>} : memref<8x1024xf32, #tpu.memory_space<vmem>>, vector<1x16xf32>,
    %swap3A_515 = vector.shape_cast %swap3A_514 : vector<1x16xf32> to vector<16xf32>
    %swap3A_516 = vector.shape_cast %broadcast_in_dim3A_1 : vector<16xf32> to vector<1x16xf32>
    tpu.vector_store %arg3[%swap3A_512, %swap3A_513], %swap3A_516 {strides = array<i32>} : memref<8x1024xf32, #tpu.memory_space<vmem>>, vector<1x16xf32>,
    %swap3A_517 = arith.constant 1 : i32
    %swap3A_518 = arith.index_cast %swap3A_517 : i32 to index
    %swap3A_519 = arith.constant 352 : index
    %swap3A_520 = tpu.vector_load %arg3[%swap3A_518, %swap3A_519] {strides = array<i32>} : memref<8x1024xf32, #tpu.memory_space<vmem>>, vector<1x16xf32>,
    %swap3A_521 = vector.shape_cast %swap3A_520 : vector<1x16xf32> to vector<16xf32>
    %swap3A_522 = vector.shape_cast %broadcast_in_dim3A_1 : vector<16xf32> to vector<1x16xf32>
    tpu.vector_store %arg3[%swap3A_518, %swap3A_519], %swap3A_522 {strides = array<i32>} : memref<8x1024xf32, #tpu.memory_space<vmem>>, vector<1x16xf32>,
    %swap3A_523 = arith.constant 1 : i32
    %swap3A_524 = arith.index_cast %swap3A_523 : i32 to index
    %swap3A_525 = arith.constant 368 : index
    %swap3A_526 = tpu.vector_load %arg3[%swap3A_524, %swap3A_525] {strides = array<i32>} : memref<8x1024xf32, #tpu.memory_space<vmem>>, vector<1x16xf32>,
    %swap3A_527 = vector.shape_cast %swap3A_526 : vector<1x16xf32> to vector<16xf32>
    %swap3A_528 = vector.shape_cast %broadcast_in_dim3A_1 : vector<16xf32> to vector<1x16xf32>
    tpu.vector_store %arg3[%swap3A_524, %swap3A_525], %swap3A_528 {strides = array<i32>} : memref<8x1024xf32, #tpu.memory_space<vmem>>, vector<1x16xf32>,
    %swap3A_529 = arith.constant 1 : i32
    %swap3A_530 = arith.index_cast %swap3A_529 : i32 to index
    %swap3A_531 = arith.constant 384 : index
    %swap3A_532 = tpu.vector_load %arg3[%swap3A_530, %swap3A_531] {strides = array<i32>} : memref<8x1024xf32, #tpu.memory_space<vmem>>, vector<1x16xf32>,
    %swap3A_533 = vector.shape_cast %swap3A_532 : vector<1x16xf32> to vector<16xf32>
    %swap3A_534 = vector.shape_cast %broadcast_in_dim3A_1 : vector<16xf32> to vector<1x16xf32>
    tpu.vector_store %arg3[%swap3A_530, %swap3A_531], %swap3A_534 {strides = array<i32>} : memref<8x1024xf32, #tpu.memory_space<vmem>>, vector<1x16xf32>,
    %swap3A_535 = arith.constant 1 : i32
    %swap3A_536 = arith.index_cast %swap3A_535 : i32 to index
    %swap3A_537 = arith.constant 400 : index
    %swap3A_538 = tpu.vector_load %arg3[%swap3A_536, %swap3A_537] {strides = array<i32>} : memref<8x1024xf32, #tpu.memory_space<vmem>>, vector<1x16xf32>,
    %swap3A_539 = vector.shape_cast %swap3A_538 : vector<1x16xf32> to vector<16xf32>
    %swap3A_540 = vector.shape_cast %broadcast_in_dim3A_1 : vector<16xf32> to vector<1x16xf32>
    tpu.vector_store %arg3[%swap3A_536, %swap3A_537], %swap3A_540 {strides = array<i32>} : memref<8x1024xf32, #tpu.memory_space<vmem>>, vector<1x16xf32>,
    %swap3A_541 = arith.constant 1 : i32
    %swap3A_542 = arith.index_cast %swap3A_541 : i32 to index
    %swap3A_543 = arith.constant 416 : index
    %swap3A_544 = tpu.vector_load %arg3[%swap3A_542, %swap3A_543] {strides = array<i32>} : memref<8x1024xf32, #tpu.memory_space<vmem>>, vector<1x16xf32>,
    %swap3A_545 = vector.shape_cast %swap3A_544 : vector<1x16xf32> to vector<16xf32>
    %swap3A_546 = vector.shape_cast %broadcast_in_dim3A_1 : vector<16xf32> to vector<1x16xf32>
    tpu.vector_store %arg3[%swap3A_542, %swap3A_543], %swap3A_546 {strides = array<i32>} : memref<8x1024xf32, #tpu.memory_space<vmem>>, vector<1x16xf32>,
    %swap3A_547 = arith.constant 1 : i32
    %swap3A_548 = arith.index_cast %swap3A_547 : i32 to index
    %swap3A_549 = arith.constant 432 : index
    %swap3A_550 = tpu.vector_load %arg3[%swap3A_548, %swap3A_549] {strides = array<i32>} : memref<8x1024xf32, #tpu.memory_space<vmem>>, vector<1x16xf32>,
    %swap3A_551 = vector.shape_cast %swap3A_550 : vector<1x16xf32> to vector<16xf32>
    %swap3A_552 = vector.shape_cast %broadcast_in_dim3A_1 : vector<16xf32> to vector<1x16xf32>
    tpu.vector_store %arg3[%swap3A_548, %swap3A_549], %swap3A_552 {strides = array<i32>} : memref<8x1024xf32, #tpu.memory_space<vmem>>, vector<1x16xf32>,
    %swap3A_553 = arith.constant 1 : i32
    %swap3A_554 = arith.index_cast %swap3A_553 : i32 to index
    %swap3A_555 = arith.constant 448 : index
    %swap3A_556 = tpu.vector_load %arg3[%swap3A_554, %swap3A_555] {strides = array<i32>} : memref<8x1024xf32, #tpu.memory_space<vmem>>, vector<1x16xf32>,
    %swap3A_557 = vector.shape_cast %swap3A_556 : vector<1x16xf32> to vector<16xf32>
    %swap3A_558 = vector.shape_cast %broadcast_in_dim3A_1 : vector<16xf32> to vector<1x16xf32>
    tpu.vector_store %arg3[%swap3A_554, %swap3A_555], %swap3A_558 {strides = array<i32>} : memref<8x1024xf32, #tpu.memory_space<vmem>>, vector<1x16xf32>,
    %swap3A_559 = arith.constant 1 : i32
    %swap3A_560 = arith.index_cast %swap3A_559 : i32 to index
    %swap3A_561 = arith.constant 464 : index
    %swap3A_562 = tpu.vector_load %arg3[%swap3A_560, %swap3A_561] {strides = array<i32>} : memref<8x1024xf32, #tpu.memory_space<vmem>>, vector<1x16xf32>,
    %swap3A_563 = vector.shape_cast %swap3A_562 : vector<1x16xf32> to vector<16xf32>
    %swap3A_564 = vector.shape_cast %broadcast_in_dim3A_1 : vector<16xf32> to vector<1x16xf32>
    tpu.vector_store %arg3[%swap3A_560, %swap3A_561], %swap3A_564 {strides = array<i32>} : memref<8x1024xf32, #tpu.memory_space<vmem>>, vector<1x16xf32>,
    %swap3A_565 = arith.constant 1 : i32
    %swap3A_566 = arith.index_cast %swap3A_565 : i32 to index
    %swap3A_567 = arith.constant 480 : index
    %swap3A_568 = tpu.vector_load %arg3[%swap3A_566, %swap3A_567] {strides = array<i32>} : memref<8x1024xf32, #tpu.memory_space<vmem>>, vector<1x16xf32>,
    %swap3A_569 = vector.shape_cast %swap3A_568 : vector<1x16xf32> to vector<16xf32>
    %swap3A_570 = vector.shape_cast %broadcast_in_dim3A_1 : vector<16xf32> to vector<1x16xf32>
    tpu.vector_store %arg3[%swap3A_566, %swap3A_567], %swap3A_570 {strides = array<i32>} : memref<8x1024xf32, #tpu.memory_space<vmem>>, vector<1x16xf32>,
    %swap3A_571 = arith.constant 1 : i32
    %swap3A_572 = arith.index_cast %swap3A_571 : i32 to index
    %swap3A_573 = arith.constant 496 : index
    %swap3A_574 = tpu.vector_load %arg3[%swap3A_572, %swap3A_573] {strides = array<i32>} : memref<8x1024xf32, #tpu.memory_space<vmem>>, vector<1x16xf32>,
    %swap3A_575 = vector.shape_cast %swap3A_574 : vector<1x16xf32> to vector<16xf32>
    %swap3A_576 = vector.shape_cast %broadcast_in_dim3A_1 : vector<16xf32> to vector<1x16xf32>
    tpu.vector_store %arg3[%swap3A_572, %swap3A_573], %swap3A_576 {strides = array<i32>} : memref<8x1024xf32, #tpu.memory_space<vmem>>, vector<1x16xf32>,
    %swap3A_577 = arith.constant 1 : i32
    %swap3A_578 = arith.index_cast %swap3A_577 : i32 to index
    %swap3A_579 = arith.constant 512 : index
    %swap3A_580 = tpu.vector_load %arg3[%swap3A_578, %swap3A_579] {strides = array<i32>} : memref<8x1024xf32, #tpu.memory_space<vmem>>, vector<1x16xf32>,
    %swap3A_581 = vector.shape_cast %swap3A_580 : vector<1x16xf32> to vector<16xf32>
    %swap3A_582 = vector.shape_cast %broadcast_in_dim3A_1 : vector<16xf32> to vector<1x16xf32>
    tpu.vector_store %arg3[%swap3A_578, %swap3A_579], %swap3A_582 {strides = array<i32>} : memref<8x1024xf32, #tpu.memory_space<vmem>>, vector<1x16xf32>,
    %swap3A_583 = arith.constant 1 : i32
    %swap3A_584 = arith.index_cast %swap3A_583 : i32 to index
    %swap3A_585 = arith.constant 528 : index
    %swap3A_586 = tpu.vector_load %arg3[%swap3A_584, %swap3A_585] {strides = array<i32>} : memref<8x1024xf32, #tpu.memory_space<vmem>>, vector<1x16xf32>,
    %swap3A_587 = vector.shape_cast %swap3A_586 : vector<1x16xf32> to vector<16xf32>
    %swap3A_588 = vector.shape_cast %broadcast_in_dim3A_1 : vector<16xf32> to vector<1x16xf32>
    tpu.vector_store %arg3[%swap3A_584, %swap3A_585], %swap3A_588 {strides = array<i32>} : memref<8x1024xf32, #tpu.memory_space<vmem>>, vector<1x16xf32>,
    %swap3A_589 = arith.constant 1 : i32
    %swap3A_590 = arith.index_cast %swap3A_589 : i32 to index
    %swap3A_591 = arith.constant 544 : index
    %swap3A_592 = tpu.vector_load %arg3[%swap3A_590, %swap3A_591] {strides = array<i32>} : memref<8x1024xf32, #tpu.memory_space<vmem>>, vector<1x16xf32>,
    %swap3A_593 = vector.shape_cast %swap3A_592 : vector<1x16xf32> to vector<16xf32>
    %swap3A_594 = vector.shape_cast %broadcast_in_dim3A_1 : vector<16xf32> to vector<1x16xf32>
    tpu.vector_store %arg3[%swap3A_590, %swap3A_591], %swap3A_594 {strides = array<i32>} : memref<8x1024xf32, #tpu.memory_space<vmem>>, vector<1x16xf32>,
    %swap3A_595 = arith.constant 1 : i32
    %swap3A_596 = arith.index_cast %swap3A_595 : i32 to index
    %swap3A_597 = arith.constant 560 : index
    %swap3A_598 = tpu.vector_load %arg3[%swap3A_596, %swap3A_597] {strides = array<i32>} : memref<8x1024xf32, #tpu.memory_space<vmem>>, vector<1x16xf32>,
    %swap3A_599 = vector.shape_cast %swap3A_598 : vector<1x16xf32> to vector<16xf32>
    %swap3A_600 = vector.shape_cast %broadcast_in_dim3A_1 : vector<16xf32> to vector<1x16xf32>
    tpu.vector_store %arg3[%swap3A_596, %swap3A_597], %swap3A_600 {strides = array<i32>} : memref<8x1024xf32, #tpu.memory_space<vmem>>, vector<1x16xf32>,
    %swap3A_601 = arith.constant 1 : i32
    %swap3A_602 = arith.index_cast %swap3A_601 : i32 to index
    %swap3A_603 = arith.constant 576 : index
    %swap3A_604 = tpu.vector_load %arg3[%swap3A_602, %swap3A_603] {strides = array<i32>} : memref<8x1024xf32, #tpu.memory_space<vmem>>, vector<1x16xf32>,
    %swap3A_605 = vector.shape_cast %swap3A_604 : vector<1x16xf32> to vector<16xf32>
    %swap3A_606 = vector.shape_cast %broadcast_in_dim3A_1 : vector<16xf32> to vector<1x16xf32>
    tpu.vector_store %arg3[%swap3A_602, %swap3A_603], %swap3A_606 {strides = array<i32>} : memref<8x1024xf32, #tpu.memory_space<vmem>>, vector<1x16xf32>,
    %swap3A_607 = arith.constant 1 : i32
    %swap3A_608 = arith.index_cast %swap3A_607 : i32 to index
    %swap3A_609 = arith.constant 592 : index
    %swap3A_610 = tpu.vector_load %arg3[%swap3A_608, %swap3A_609] {strides = array<i32>} : memref<8x1024xf32, #tpu.memory_space<vmem>>, vector<1x16xf32>,
    %swap3A_611 = vector.shape_cast %swap3A_610 : vector<1x16xf32> to vector<16xf32>
    %swap3A_612 = vector.shape_cast %broadcast_in_dim3A_1 : vector<16xf32> to vector<1x16xf32>
    tpu.vector_store %arg3[%swap3A_608, %swap3A_609], %swap3A_612 {strides = array<i32>} : memref<8x1024xf32, #tpu.memory_space<vmem>>, vector<1x16xf32>,
    %swap3A_613 = arith.constant 1 : i32
    %swap3A_614 = arith.index_cast %swap3A_613 : i32 to index
    %swap3A_615 = arith.constant 608 : index
    %swap3A_616 = tpu.vector_load %arg3[%swap3A_614, %swap3A_615] {strides = array<i32>} : memref<8x1024xf32, #tpu.memory_space<vmem>>, vector<1x16xf32>,
    %swap3A_617 = vector.shape_cast %swap3A_616 : vector<1x16xf32> to vector<16xf32>
    %swap3A_618 = vector.shape_cast %broadcast_in_dim3A_1 : vector<16xf32> to vector<1x16xf32>
    tpu.vector_store %arg3[%swap3A_614, %swap3A_615], %swap3A_618 {strides = array<i32>} : memref<8x1024xf32, #tpu.memory_space<vmem>>, vector<1x16xf32>,
    %swap3A_619 = arith.constant 1 : i32
    %swap3A_620 = arith.index_cast %swap3A_619 : i32 to index
    %swap3A_621 = arith.constant 624 : index
    %swap3A_622 = tpu.vector_load %arg3[%swap3A_620, %swap3A_621] {strides = array<i32>} : memref<8x1024xf32, #tpu.memory_space<vmem>>, vector<1x16xf32>,
    %swap3A_623 = vector.shape_cast %swap3A_622 : vector<1x16xf32> to vector<16xf32>
    %swap3A_624 = vector.shape_cast %broadcast_in_dim3A_1 : vector<16xf32> to vector<1x16xf32>
    tpu.vector_store %arg3[%swap3A_620, %swap3A_621], %swap3A_624 {strides = array<i32>} : memref<8x1024xf32, #tpu.memory_space<vmem>>, vector<1x16xf32>,
    %swap3A_625 = arith.constant 1 : i32
    %swap3A_626 = arith.index_cast %swap3A_625 : i32 to index
    %swap3A_627 = arith.constant 640 : index
    %swap3A_628 = tpu.vector_load %arg3[%swap3A_626, %swap3A_627] {strides = array<i32>} : memref<8x1024xf32, #tpu.memory_space<vmem>>, vector<1x16xf32>,
    %swap3A_629 = vector.shape_cast %swap3A_628 : vector<1x16xf32> to vector<16xf32>
    %swap3A_630 = vector.shape_cast %broadcast_in_dim3A_1 : vector<16xf32> to vector<1x16xf32>
    tpu.vector_store %arg3[%swap3A_626, %swap3A_627], %swap3A_630 {strides = array<i32>} : memref<8x1024xf32, #tpu.memory_space<vmem>>, vector<1x16xf32>,
    %swap3A_631 = arith.constant 1 : i32
    %swap3A_632 = arith.index_cast %swap3A_631 : i32 to index
    %swap3A_633 = arith.constant 656 : index
    %swap3A_634 = tpu.vector_load %arg3[%swap3A_632, %swap3A_633] {strides = array<i32>} : memref<8x1024xf32, #tpu.memory_space<vmem>>, vector<1x16xf32>,
    %swap3A_635 = vector.shape_cast %swap3A_634 : vector<1x16xf32> to vector<16xf32>
    %swap3A_636 = vector.shape_cast %broadcast_in_dim3A_1 : vector<16xf32> to vector<1x16xf32>
    tpu.vector_store %arg3[%swap3A_632, %swap3A_633], %swap3A_636 {strides = array<i32>} : memref<8x1024xf32, #tpu.memory_space<vmem>>, vector<1x16xf32>,
    %swap3A_637 = arith.constant 1 : i32
    %swap3A_638 = arith.index_cast %swap3A_637 : i32 to index
    %swap3A_639 = arith.constant 672 : index
    %swap3A_640 = tpu.vector_load %arg3[%swap3A_638, %swap3A_639] {strides = array<i32>} : memref<8x1024xf32, #tpu.memory_space<vmem>>, vector<1x16xf32>,
    %swap3A_641 = vector.shape_cast %swap3A_640 : vector<1x16xf32> to vector<16xf32>
    %swap3A_642 = vector.shape_cast %broadcast_in_dim3A_1 : vector<16xf32> to vector<1x16xf32>
    tpu.vector_store %arg3[%swap3A_638, %swap3A_639], %swap3A_642 {strides = array<i32>} : memref<8x1024xf32, #tpu.memory_space<vmem>>, vector<1x16xf32>,
    %swap3A_643 = arith.constant 1 : i32
    %swap3A_644 = arith.index_cast %swap3A_643 : i32 to index
    %swap3A_645 = arith.constant 688 : index
    %swap3A_646 = tpu.vector_load %arg3[%swap3A_644, %swap3A_645] {strides = array<i32>} : memref<8x1024xf32, #tpu.memory_space<vmem>>, vector<1x16xf32>,
    %swap3A_647 = vector.shape_cast %swap3A_646 : vector<1x16xf32> to vector<16xf32>
    %swap3A_648 = vector.shape_cast %broadcast_in_dim3A_1 : vector<16xf32> to vector<1x16xf32>
    tpu.vector_store %arg3[%swap3A_644, %swap3A_645], %swap3A_648 {strides = array<i32>} : memref<8x1024xf32, #tpu.memory_space<vmem>>, vector<1x16xf32>,
    %swap3A_649 = arith.constant 1 : i32
    %swap3A_650 = arith.index_cast %swap3A_649 : i32 to index
    %swap3A_651 = arith.constant 704 : index
    %swap3A_652 = tpu.vector_load %arg3[%swap3A_650, %swap3A_651] {strides = array<i32>} : memref<8x1024xf32, #tpu.memory_space<vmem>>, vector<1x16xf32>,
    %swap3A_653 = vector.shape_cast %swap3A_652 : vector<1x16xf32> to vector<16xf32>
    %swap3A_654 = vector.shape_cast %broadcast_in_dim3A_1 : vector<16xf32> to vector<1x16xf32>
    tpu.vector_store %arg3[%swap3A_650, %swap3A_651], %swap3A_654 {strides = array<i32>} : memref<8x1024xf32, #tpu.memory_space<vmem>>, vector<1x16xf32>,
    %swap3A_655 = arith.constant 1 : i32
    %swap3A_656 = arith.index_cast %swap3A_655 : i32 to index
    %swap3A_657 = arith.constant 720 : index
    %swap3A_658 = tpu.vector_load %arg3[%swap3A_656, %swap3A_657] {strides = array<i32>} : memref<8x1024xf32, #tpu.memory_space<vmem>>, vector<1x16xf32>,
    %swap3A_659 = vector.shape_cast %swap3A_658 : vector<1x16xf32> to vector<16xf32>
    %swap3A_660 = vector.shape_cast %broadcast_in_dim3A_1 : vector<16xf32> to vector<1x16xf32>
    tpu.vector_store %arg3[%swap3A_656, %swap3A_657], %swap3A_660 {strides = array<i32>} : memref<8x1024xf32, #tpu.memory_space<vmem>>, vector<1x16xf32>,
    %swap3A_661 = arith.constant 1 : i32
    %swap3A_662 = arith.index_cast %swap3A_661 : i32 to index
    %swap3A_663 = arith.constant 736 : index
    %swap3A_664 = tpu.vector_load %arg3[%swap3A_662, %swap3A_663] {strides = array<i32>} : memref<8x1024xf32, #tpu.memory_space<vmem>>, vector<1x16xf32>,
    %swap3A_665 = vector.shape_cast %swap3A_664 : vector<1x16xf32> to vector<16xf32>
    %swap3A_666 = vector.shape_cast %broadcast_in_dim3A_1 : vector<16xf32> to vector<1x16xf32>
    tpu.vector_store %arg3[%swap3A_662, %swap3A_663], %swap3A_666 {strides = array<i32>} : memref<8x1024xf32, #tpu.memory_space<vmem>>, vector<1x16xf32>,
    %swap3A_667 = arith.constant 1 : i32
    %swap3A_668 = arith.index_cast %swap3A_667 : i32 to index
    %swap3A_669 = arith.constant 752 : index
    %swap3A_670 = tpu.vector_load %arg3[%swap3A_668, %swap3A_669] {strides = array<i32>} : memref<8x1024xf32, #tpu.memory_space<vmem>>, vector<1x16xf32>,
    %swap3A_671 = vector.shape_cast %swap3A_670 : vector<1x16xf32> to vector<16xf32>
    %swap3A_672 = vector.shape_cast %broadcast_in_dim3A_1 : vector<16xf32> to vector<1x16xf32>
    tpu.vector_store %arg3[%swap3A_668, %swap3A_669], %swap3A_672 {strides = array<i32>} : memref<8x1024xf32, #tpu.memory_space<vmem>>, vector<1x16xf32>,
    %swap3A_673 = arith.constant 1 : i32
    %swap3A_674 = arith.index_cast %swap3A_673 : i32 to index
    %swap3A_675 = arith.constant 768 : index
    %swap3A_676 = tpu.vector_load %arg3[%swap3A_674, %swap3A_675] {strides = array<i32>} : memref<8x1024xf32, #tpu.memory_space<vmem>>, vector<1x16xf32>,
    %swap3A_677 = vector.shape_cast %swap3A_676 : vector<1x16xf32> to vector<16xf32>
    %swap3A_678 = vector.shape_cast %broadcast_in_dim3A_1 : vector<16xf32> to vector<1x16xf32>
    tpu.vector_store %arg3[%swap3A_674, %swap3A_675], %swap3A_678 {strides = array<i32>} : memref<8x1024xf32, #tpu.memory_space<vmem>>, vector<1x16xf32>,
    %swap3A_679 = arith.constant 1 : i32
    %swap3A_680 = arith.index_cast %swap3A_679 : i32 to index
    %swap3A_681 = arith.constant 784 : index
    %swap3A_682 = tpu.vector_load %arg3[%swap3A_680, %swap3A_681] {strides = array<i32>} : memref<8x1024xf32, #tpu.memory_space<vmem>>, vector<1x16xf32>,
    %swap3A_683 = vector.shape_cast %swap3A_682 : vector<1x16xf32> to vector<16xf32>
    %swap3A_684 = vector.shape_cast %broadcast_in_dim3A_1 : vector<16xf32> to vector<1x16xf32>
    tpu.vector_store %arg3[%swap3A_680, %swap3A_681], %swap3A_684 {strides = array<i32>} : memref<8x1024xf32, #tpu.memory_space<vmem>>, vector<1x16xf32>,
    %swap3A_685 = arith.constant 1 : i32
    %swap3A_686 = arith.index_cast %swap3A_685 : i32 to index
    %swap3A_687 = arith.constant 800 : index
    %swap3A_688 = tpu.vector_load %arg3[%swap3A_686, %swap3A_687] {strides = array<i32>} : memref<8x1024xf32, #tpu.memory_space<vmem>>, vector<1x16xf32>,
    %swap3A_689 = vector.shape_cast %swap3A_688 : vector<1x16xf32> to vector<16xf32>
    %swap3A_690 = vector.shape_cast %broadcast_in_dim3A_1 : vector<16xf32> to vector<1x16xf32>
    tpu.vector_store %arg3[%swap3A_686, %swap3A_687], %swap3A_690 {strides = array<i32>} : memref<8x1024xf32, #tpu.memory_space<vmem>>, vector<1x16xf32>,
    %swap3A_691 = arith.constant 1 : i32
    %swap3A_692 = arith.index_cast %swap3A_691 : i32 to index
    %swap3A_693 = arith.constant 816 : index
    %swap3A_694 = tpu.vector_load %arg3[%swap3A_692, %swap3A_693] {strides = array<i32>} : memref<8x1024xf32, #tpu.memory_space<vmem>>, vector<1x16xf32>,
    %swap3A_695 = vector.shape_cast %swap3A_694 : vector<1x16xf32> to vector<16xf32>
    %swap3A_696 = vector.shape_cast %broadcast_in_dim3A_1 : vector<16xf32> to vector<1x16xf32>
    tpu.vector_store %arg3[%swap3A_692, %swap3A_693], %swap3A_696 {strides = array<i32>} : memref<8x1024xf32, #tpu.memory_space<vmem>>, vector<1x16xf32>,
    %swap3A_697 = arith.constant 1 : i32
    %swap3A_698 = arith.index_cast %swap3A_697 : i32 to index
    %swap3A_699 = arith.constant 832 : index
    %swap3A_700 = tpu.vector_load %arg3[%swap3A_698, %swap3A_699] {strides = array<i32>} : memref<8x1024xf32, #tpu.memory_space<vmem>>, vector<1x16xf32>,
    %swap3A_701 = vector.shape_cast %swap3A_700 : vector<1x16xf32> to vector<16xf32>
    %swap3A_702 = vector.shape_cast %broadcast_in_dim3A_1 : vector<16xf32> to vector<1x16xf32>
    tpu.vector_store %arg3[%swap3A_698, %swap3A_699], %swap3A_702 {strides = array<i32>} : memref<8x1024xf32, #tpu.memory_space<vmem>>, vector<1x16xf32>,
    %swap3A_703 = arith.constant 1 : i32
    %swap3A_704 = arith.index_cast %swap3A_703 : i32 to index
    %swap3A_705 = arith.constant 848 : index
    %swap3A_706 = tpu.vector_load %arg3[%swap3A_704, %swap3A_705] {strides = array<i32>} : memref<8x1024xf32, #tpu.memory_space<vmem>>, vector<1x16xf32>,
    %swap3A_707 = vector.shape_cast %swap3A_706 : vector<1x16xf32> to vector<16xf32>
    %swap3A_708 = vector.shape_cast %broadcast_in_dim3A_1 : vector<16xf32> to vector<1x16xf32>
    tpu.vector_store %arg3[%swap3A_704, %swap3A_705], %swap3A_708 {strides = array<i32>} : memref<8x1024xf32, #tpu.memory_space<vmem>>, vector<1x16xf32>,
    %swap3A_709 = arith.constant 1 : i32
    %swap3A_710 = arith.index_cast %swap3A_709 : i32 to index
    %swap3A_711 = arith.constant 864 : index
    %swap3A_712 = tpu.vector_load %arg3[%swap3A_710, %swap3A_711] {strides = array<i32>} : memref<8x1024xf32, #tpu.memory_space<vmem>>, vector<1x16xf32>,
    %swap3A_713 = vector.shape_cast %swap3A_712 : vector<1x16xf32> to vector<16xf32>
    %swap3A_714 = vector.shape_cast %broadcast_in_dim3A_1 : vector<16xf32> to vector<1x16xf32>
    tpu.vector_store %arg3[%swap3A_710, %swap3A_711], %swap3A_714 {strides = array<i32>} : memref<8x1024xf32, #tpu.memory_space<vmem>>, vector<1x16xf32>,
    %swap3A_715 = arith.constant 1 : i32
    %swap3A_716 = arith.index_cast %swap3A_715 : i32 to index
    %swap3A_717 = arith.constant 880 : index
    %swap3A_718 = tpu.vector_load %arg3[%swap3A_716, %swap3A_717] {strides = array<i32>} : memref<8x1024xf32, #tpu.memory_space<vmem>>, vector<1x16xf32>,
    %swap3A_719 = vector.shape_cast %swap3A_718 : vector<1x16xf32> to vector<16xf32>
    %swap3A_720 = vector.shape_cast %broadcast_in_dim3A_1 : vector<16xf32> to vector<1x16xf32>
    tpu.vector_store %arg3[%swap3A_716, %swap3A_717], %swap3A_720 {strides = array<i32>} : memref<8x1024xf32, #tpu.memory_space<vmem>>, vector<1x16xf32>,
    %swap3A_721 = arith.constant 1 : i32
    %swap3A_722 = arith.index_cast %swap3A_721 : i32 to index
    %swap3A_723 = arith.constant 896 : index
    %swap3A_724 = tpu.vector_load %arg3[%swap3A_722, %swap3A_723] {strides = array<i32>} : memref<8x1024xf32, #tpu.memory_space<vmem>>, vector<1x16xf32>,
    %swap3A_725 = vector.shape_cast %swap3A_724 : vector<1x16xf32> to vector<16xf32>
    %swap3A_726 = vector.shape_cast %broadcast_in_dim3A_1 : vector<16xf32> to vector<1x16xf32>
    tpu.vector_store %arg3[%swap3A_722, %swap3A_723], %swap3A_726 {strides = array<i32>} : memref<8x1024xf32, #tpu.memory_space<vmem>>, vector<1x16xf32>,
    %swap3A_727 = arith.constant 1 : i32
    %swap3A_728 = arith.index_cast %swap3A_727 : i32 to index
    %swap3A_729 = arith.constant 912 : index
    %swap3A_730 = tpu.vector_load %arg3[%swap3A_728, %swap3A_729] {strides = array<i32>} : memref<8x1024xf32, #tpu.memory_space<vmem>>, vector<1x16xf32>,
    %swap3A_731 = vector.shape_cast %swap3A_730 : vector<1x16xf32> to vector<16xf32>
    %swap3A_732 = vector.shape_cast %broadcast_in_dim3A_1 : vector<16xf32> to vector<1x16xf32>
    tpu.vector_store %arg3[%swap3A_728, %swap3A_729], %swap3A_732 {strides = array<i32>} : memref<8x1024xf32, #tpu.memory_space<vmem>>, vector<1x16xf32>,
    %swap3A_733 = arith.constant 1 : i32
    %swap3A_734 = arith.index_cast %swap3A_733 : i32 to index
    %swap3A_735 = arith.constant 928 : index
    %swap3A_736 = tpu.vector_load %arg3[%swap3A_734, %swap3A_735] {strides = array<i32>} : memref<8x1024xf32, #tpu.memory_space<vmem>>, vector<1x16xf32>,
    %swap3A_737 = vector.shape_cast %swap3A_736 : vector<1x16xf32> to vector<16xf32>
    %swap3A_738 = vector.shape_cast %broadcast_in_dim3A_1 : vector<16xf32> to vector<1x16xf32>
    tpu.vector_store %arg3[%swap3A_734, %swap3A_735], %swap3A_738 {strides = array<i32>} : memref<8x1024xf32, #tpu.memory_space<vmem>>, vector<1x16xf32>,
    %swap3A_739 = arith.constant 1 : i32
    %swap3A_740 = arith.index_cast %swap3A_739 : i32 to index
    %swap3A_741 = arith.constant 944 : index
    %swap3A_742 = tpu.vector_load %arg3[%swap3A_740, %swap3A_741] {strides = array<i32>} : memref<8x1024xf32, #tpu.memory_space<vmem>>, vector<1x16xf32>,
    %swap3A_743 = vector.shape_cast %swap3A_742 : vector<1x16xf32> to vector<16xf32>
    %swap3A_744 = vector.shape_cast %broadcast_in_dim3A_1 : vector<16xf32> to vector<1x16xf32>
    tpu.vector_store %arg3[%swap3A_740, %swap3A_741], %swap3A_744 {strides = array<i32>} : memref<8x1024xf32, #tpu.memory_space<vmem>>, vector<1x16xf32>,
    %swap3A_745 = arith.constant 1 : i32
    %swap3A_746 = arith.index_cast %swap3A_745 : i32 to index
    %swap3A_747 = arith.constant 960 : index
    %swap3A_748 = tpu.vector_load %arg3[%swap3A_746, %swap3A_747] {strides = array<i32>} : memref<8x1024xf32, #tpu.memory_space<vmem>>, vector<1x16xf32>,
    %swap3A_749 = vector.shape_cast %swap3A_748 : vector<1x16xf32> to vector<16xf32>
    %swap3A_750 = vector.shape_cast %broadcast_in_dim3A_1 : vector<16xf32> to vector<1x16xf32>
    tpu.vector_store %arg3[%swap3A_746, %swap3A_747], %swap3A_750 {strides = array<i32>} : memref<8x1024xf32, #tpu.memory_space<vmem>>, vector<1x16xf32>,
    %swap3A_751 = arith.constant 1 : i32
    %swap3A_752 = arith.index_cast %swap3A_751 : i32 to index
    %swap3A_753 = arith.constant 976 : index
    %swap3A_754 = tpu.vector_load %arg3[%swap3A_752, %swap3A_753] {strides = array<i32>} : memref<8x1024xf32, #tpu.memory_space<vmem>>, vector<1x16xf32>,
    %swap3A_755 = vector.shape_cast %swap3A_754 : vector<1x16xf32> to vector<16xf32>
    %swap3A_756 = vector.shape_cast %broadcast_in_dim3A_1 : vector<16xf32> to vector<1x16xf32>
    tpu.vector_store %arg3[%swap3A_752, %swap3A_753], %swap3A_756 {strides = array<i32>} : memref<8x1024xf32, #tpu.memory_space<vmem>>, vector<1x16xf32>,
    %swap3A_757 = arith.constant 1 : i32
    %swap3A_758 = arith.index_cast %swap3A_757 : i32 to index
    %swap3A_759 = arith.constant 992 : index
    %swap3A_760 = tpu.vector_load %arg3[%swap3A_758, %swap3A_759] {strides = array<i32>} : memref<8x1024xf32, #tpu.memory_space<vmem>>, vector<1x16xf32>,
    %swap3A_761 = vector.shape_cast %swap3A_760 : vector<1x16xf32> to vector<16xf32>
    %swap3A_762 = vector.shape_cast %broadcast_in_dim3A_1 : vector<16xf32> to vector<1x16xf32>
    tpu.vector_store %arg3[%swap3A_758, %swap3A_759], %swap3A_762 {strides = array<i32>} : memref<8x1024xf32, #tpu.memory_space<vmem>>, vector<1x16xf32>,
    %swap3A_763 = arith.constant 1 : i32
    %swap3A_764 = arith.index_cast %swap3A_763 : i32 to index
    %swap3A_765 = arith.constant 1008 : index
    %swap3A_766 = tpu.vector_load %arg3[%swap3A_764, %swap3A_765] {strides = array<i32>} : memref<8x1024xf32, #tpu.memory_space<vmem>>, vector<1x16xf32>,
    %swap3A_767 = vector.shape_cast %swap3A_766 : vector<1x16xf32> to vector<16xf32>
    %swap3A_768 = vector.shape_cast %broadcast_in_dim3A_1 : vector<16xf32> to vector<1x16xf32>
    tpu.vector_store %arg3[%swap3A_764, %swap3A_765], %swap3A_768 {strides = array<i32>} : memref<8x1024xf32, #tpu.memory_space<vmem>>, vector<1x16xf32>,
    %swap3A_769 = arith.constant 2 : i32
    %swap3A_770 = arith.index_cast %swap3A_769 : i32 to index
    %swap3A_771 = arith.constant 0 : index
    %swap3A_772 = tpu.vector_load %arg3[%swap3A_770, %swap3A_771] {strides = array<i32>} : memref<8x1024xf32, #tpu.memory_space<vmem>>, vector<1x16xf32>,
    %swap3A_773 = vector.shape_cast %swap3A_772 : vector<1x16xf32> to vector<16xf32>
    %swap3A_774 = vector.shape_cast %broadcast_in_dim3A_1 : vector<16xf32> to vector<1x16xf32>
    tpu.vector_store %arg3[%swap3A_770, %swap3A_771], %swap3A_774 {strides = array<i32>} : memref<8x1024xf32, #tpu.memory_space<vmem>>, vector<1x16xf32>,
    %swap3A_775 = arith.constant 2 : i32
    %swap3A_776 = arith.index_cast %swap3A_775 : i32 to index
    %swap3A_777 = arith.constant 16 : index
    %swap3A_778 = tpu.vector_load %arg3[%swap3A_776, %swap3A_777] {strides = array<i32>} : memref<8x1024xf32, #tpu.memory_space<vmem>>, vector<1x16xf32>,
    %swap3A_779 = vector.shape_cast %swap3A_778 : vector<1x16xf32> to vector<16xf32>
    %swap3A_780 = vector.shape_cast %broadcast_in_dim3A_1 : vector<16xf32> to vector<1x16xf32>
    tpu.vector_store %arg3[%swap3A_776, %swap3A_777], %swap3A_780 {strides = array<i32>} : memref<8x1024xf32, #tpu.memory_space<vmem>>, vector<1x16xf32>,
    %swap3A_781 = arith.constant 2 : i32
    %swap3A_782 = arith.index_cast %swap3A_781 : i32 to index
    %swap3A_783 = arith.constant 32 : index
    %swap3A_784 = tpu.vector_load %arg3[%swap3A_782, %swap3A_783] {strides = array<i32>} : memref<8x1024xf32, #tpu.memory_space<vmem>>, vector<1x16xf32>,
    %swap3A_785 = vector.shape_cast %swap3A_784 : vector<1x16xf32> to vector<16xf32>
    %swap3A_786 = vector.shape_cast %broadcast_in_dim3A_1 : vector<16xf32> to vector<1x16xf32>
    tpu.vector_store %arg3[%swap3A_782, %swap3A_783], %swap3A_786 {strides = array<i32>} : memref<8x1024xf32, #tpu.memory_space<vmem>>, vector<1x16xf32>,
    %swap3A_787 = arith.constant 2 : i32
    %swap3A_788 = arith.index_cast %swap3A_787 : i32 to index
    %swap3A_789 = arith.constant 48 : index
    %swap3A_790 = tpu.vector_load %arg3[%swap3A_788, %swap3A_789] {strides = array<i32>} : memref<8x1024xf32, #tpu.memory_space<vmem>>, vector<1x16xf32>,
    %swap3A_791 = vector.shape_cast %swap3A_790 : vector<1x16xf32> to vector<16xf32>
    %swap3A_792 = vector.shape_cast %broadcast_in_dim3A_1 : vector<16xf32> to vector<1x16xf32>
    tpu.vector_store %arg3[%swap3A_788, %swap3A_789], %swap3A_792 {strides = array<i32>} : memref<8x1024xf32, #tpu.memory_space<vmem>>, vector<1x16xf32>,
    %swap3A_793 = arith.constant 2 : i32
    %swap3A_794 = arith.index_cast %swap3A_793 : i32 to index
    %swap3A_795 = arith.constant 64 : index
    %swap3A_796 = tpu.vector_load %arg3[%swap3A_794, %swap3A_795] {strides = array<i32>} : memref<8x1024xf32, #tpu.memory_space<vmem>>, vector<1x16xf32>,
    %swap3A_797 = vector.shape_cast %swap3A_796 : vector<1x16xf32> to vector<16xf32>
    %swap3A_798 = vector.shape_cast %broadcast_in_dim3A_1 : vector<16xf32> to vector<1x16xf32>
    tpu.vector_store %arg3[%swap3A_794, %swap3A_795], %swap3A_798 {strides = array<i32>} : memref<8x1024xf32, #tpu.memory_space<vmem>>, vector<1x16xf32>,
    %swap3A_799 = arith.constant 2 : i32
    %swap3A_800 = arith.index_cast %swap3A_799 : i32 to index
    %swap3A_801 = arith.constant 80 : index
    %swap3A_802 = tpu.vector_load %arg3[%swap3A_800, %swap3A_801] {strides = array<i32>} : memref<8x1024xf32, #tpu.memory_space<vmem>>, vector<1x16xf32>,
    %swap3A_803 = vector.shape_cast %swap3A_802 : vector<1x16xf32> to vector<16xf32>
    %swap3A_804 = vector.shape_cast %broadcast_in_dim3A_1 : vector<16xf32> to vector<1x16xf32>
    tpu.vector_store %arg3[%swap3A_800, %swap3A_801], %swap3A_804 {strides = array<i32>} : memref<8x1024xf32, #tpu.memory_space<vmem>>, vector<1x16xf32>,
    %swap3A_805 = arith.constant 2 : i32
    %swap3A_806 = arith.index_cast %swap3A_805 : i32 to index
    %swap3A_807 = arith.constant 96 : index
    %swap3A_808 = tpu.vector_load %arg3[%swap3A_806, %swap3A_807] {strides = array<i32>} : memref<8x1024xf32, #tpu.memory_space<vmem>>, vector<1x16xf32>,
    %swap3A_809 = vector.shape_cast %swap3A_808 : vector<1x16xf32> to vector<16xf32>
    %swap3A_810 = vector.shape_cast %broadcast_in_dim3A_1 : vector<16xf32> to vector<1x16xf32>
    tpu.vector_store %arg3[%swap3A_806, %swap3A_807], %swap3A_810 {strides = array<i32>} : memref<8x1024xf32, #tpu.memory_space<vmem>>, vector<1x16xf32>,
    %swap3A_811 = arith.constant 2 : i32
    %swap3A_812 = arith.index_cast %swap3A_811 : i32 to index
    %swap3A_813 = arith.constant 112 : index
    %swap3A_814 = tpu.vector_load %arg3[%swap3A_812, %swap3A_813] {strides = array<i32>} : memref<8x1024xf32, #tpu.memory_space<vmem>>, vector<1x16xf32>,
    %swap3A_815 = vector.shape_cast %swap3A_814 : vector<1x16xf32> to vector<16xf32>
    %swap3A_816 = vector.shape_cast %broadcast_in_dim3A_1 : vector<16xf32> to vector<1x16xf32>
    tpu.vector_store %arg3[%swap3A_812, %swap3A_813], %swap3A_816 {strides = array<i32>} : memref<8x1024xf32, #tpu.memory_space<vmem>>, vector<1x16xf32>,
    %swap3A_817 = arith.constant 2 : i32
    %swap3A_818 = arith.index_cast %swap3A_817 : i32 to index
    %swap3A_819 = arith.constant 128 : index
    %swap3A_820 = tpu.vector_load %arg3[%swap3A_818, %swap3A_819] {strides = array<i32>} : memref<8x1024xf32, #tpu.memory_space<vmem>>, vector<1x16xf32>,
    %swap3A_821 = vector.shape_cast %swap3A_820 : vector<1x16xf32> to vector<16xf32>
    %swap3A_822 = vector.shape_cast %broadcast_in_dim3A_1 : vector<16xf32> to vector<1x16xf32>
    tpu.vector_store %arg3[%swap3A_818, %swap3A_819], %swap3A_822 {strides = array<i32>} : memref<8x1024xf32, #tpu.memory_space<vmem>>, vector<1x16xf32>,
    %swap3A_823 = arith.constant 2 : i32
    %swap3A_824 = arith.index_cast %swap3A_823 : i32 to index
    %swap3A_825 = arith.constant 144 : index
    %swap3A_826 = tpu.vector_load %arg3[%swap3A_824, %swap3A_825] {strides = array<i32>} : memref<8x1024xf32, #tpu.memory_space<vmem>>, vector<1x16xf32>,
    %swap3A_827 = vector.shape_cast %swap3A_826 : vector<1x16xf32> to vector<16xf32>
    %swap3A_828 = vector.shape_cast %broadcast_in_dim3A_1 : vector<16xf32> to vector<1x16xf32>
    tpu.vector_store %arg3[%swap3A_824, %swap3A_825], %swap3A_828 {strides = array<i32>} : memref<8x1024xf32, #tpu.memory_space<vmem>>, vector<1x16xf32>,
    %swap3A_829 = arith.constant 2 : i32
    %swap3A_830 = arith.index_cast %swap3A_829 : i32 to index
    %swap3A_831 = arith.constant 160 : index
    %swap3A_832 = tpu.vector_load %arg3[%swap3A_830, %swap3A_831] {strides = array<i32>} : memref<8x1024xf32, #tpu.memory_space<vmem>>, vector<1x16xf32>,
    %swap3A_833 = vector.shape_cast %swap3A_832 : vector<1x16xf32> to vector<16xf32>
    %swap3A_834 = vector.shape_cast %broadcast_in_dim3A_1 : vector<16xf32> to vector<1x16xf32>
    tpu.vector_store %arg3[%swap3A_830, %swap3A_831], %swap3A_834 {strides = array<i32>} : memref<8x1024xf32, #tpu.memory_space<vmem>>, vector<1x16xf32>,
    %swap3A_835 = arith.constant 2 : i32
    %swap3A_836 = arith.index_cast %swap3A_835 : i32 to index
    %swap3A_837 = arith.constant 176 : index
    %swap3A_838 = tpu.vector_load %arg3[%swap3A_836, %swap3A_837] {strides = array<i32>} : memref<8x1024xf32, #tpu.memory_space<vmem>>, vector<1x16xf32>,
    %swap3A_839 = vector.shape_cast %swap3A_838 : vector<1x16xf32> to vector<16xf32>
    %swap3A_840 = vector.shape_cast %broadcast_in_dim3A_1 : vector<16xf32> to vector<1x16xf32>
    tpu.vector_store %arg3[%swap3A_836, %swap3A_837], %swap3A_840 {strides = array<i32>} : memref<8x1024xf32, #tpu.memory_space<vmem>>, vector<1x16xf32>,
    %swap3A_841 = arith.constant 2 : i32
    %swap3A_842 = arith.index_cast %swap3A_841 : i32 to index
    %swap3A_843 = arith.constant 192 : index
    %swap3A_844 = tpu.vector_load %arg3[%swap3A_842, %swap3A_843] {strides = array<i32>} : memref<8x1024xf32, #tpu.memory_space<vmem>>, vector<1x16xf32>,
    %swap3A_845 = vector.shape_cast %swap3A_844 : vector<1x16xf32> to vector<16xf32>
    %swap3A_846 = vector.shape_cast %broadcast_in_dim3A_1 : vector<16xf32> to vector<1x16xf32>
    tpu.vector_store %arg3[%swap3A_842, %swap3A_843], %swap3A_846 {strides = array<i32>} : memref<8x1024xf32, #tpu.memory_space<vmem>>, vector<1x16xf32>,
    %swap3A_847 = arith.constant 2 : i32
    %swap3A_848 = arith.index_cast %swap3A_847 : i32 to index
    %swap3A_849 = arith.constant 208 : index
    %swap3A_850 = tpu.vector_load %arg3[%swap3A_848, %swap3A_849] {strides = array<i32>} : memref<8x1024xf32, #tpu.memory_space<vmem>>, vector<1x16xf32>,
    %swap3A_851 = vector.shape_cast %swap3A_850 : vector<1x16xf32> to vector<16xf32>
    %swap3A_852 = vector.shape_cast %broadcast_in_dim3A_1 : vector<16xf32> to vector<1x16xf32>
    tpu.vector_store %arg3[%swap3A_848, %swap3A_849], %swap3A_852 {strides = array<i32>} : memref<8x1024xf32, #tpu.memory_space<vmem>>, vector<1x16xf32>,
    %swap3A_853 = arith.constant 2 : i32
    %swap3A_854 = arith.index_cast %swap3A_853 : i32 to index
    %swap3A_855 = arith.constant 224 : index
    %swap3A_856 = tpu.vector_load %arg3[%swap3A_854, %swap3A_855] {strides = array<i32>} : memref<8x1024xf32, #tpu.memory_space<vmem>>, vector<1x16xf32>,
    %swap3A_857 = vector.shape_cast %swap3A_856 : vector<1x16xf32> to vector<16xf32>
    %swap3A_858 = vector.shape_cast %broadcast_in_dim3A_1 : vector<16xf32> to vector<1x16xf32>
    tpu.vector_store %arg3[%swap3A_854, %swap3A_855], %swap3A_858 {strides = array<i32>} : memref<8x1024xf32, #tpu.memory_space<vmem>>, vector<1x16xf32>,
    %swap3A_859 = arith.constant 2 : i32
    %swap3A_860 = arith.index_cast %swap3A_859 : i32 to index
    %swap3A_861 = arith.constant 240 : index
    %swap3A_862 = tpu.vector_load %arg3[%swap3A_860, %swap3A_861] {strides = array<i32>} : memref<8x1024xf32, #tpu.memory_space<vmem>>, vector<1x16xf32>,
    %swap3A_863 = vector.shape_cast %swap3A_862 : vector<1x16xf32> to vector<16xf32>
    %swap3A_864 = vector.shape_cast %broadcast_in_dim3A_1 : vector<16xf32> to vector<1x16xf32>
    tpu.vector_store %arg3[%swap3A_860, %swap3A_861], %swap3A_864 {strides = array<i32>} : memref<8x1024xf32, #tpu.memory_space<vmem>>, vector<1x16xf32>,
    %swap3A_865 = arith.constant 2 : i32
    %swap3A_866 = arith.index_cast %swap3A_865 : i32 to index
    %swap3A_867 = arith.constant 256 : index
    %swap3A_868 = tpu.vector_load %arg3[%swap3A_866, %swap3A_867] {strides = array<i32>} : memref<8x1024xf32, #tpu.memory_space<vmem>>, vector<1x16xf32>,
    %swap3A_869 = vector.shape_cast %swap3A_868 : vector<1x16xf32> to vector<16xf32>
    %swap3A_870 = vector.shape_cast %broadcast_in_dim3A_1 : vector<16xf32> to vector<1x16xf32>
    tpu.vector_store %arg3[%swap3A_866, %swap3A_867], %swap3A_870 {strides = array<i32>} : memref<8x1024xf32, #tpu.memory_space<vmem>>, vector<1x16xf32>,
    %swap3A_871 = arith.constant 2 : i32
    %swap3A_872 = arith.index_cast %swap3A_871 : i32 to index
    %swap3A_873 = arith.constant 272 : index
    %swap3A_874 = tpu.vector_load %arg3[%swap3A_872, %swap3A_873] {strides = array<i32>} : memref<8x1024xf32, #tpu.memory_space<vmem>>, vector<1x16xf32>,
    %swap3A_875 = vector.shape_cast %swap3A_874 : vector<1x16xf32> to vector<16xf32>
    %swap3A_876 = vector.shape_cast %broadcast_in_dim3A_1 : vector<16xf32> to vector<1x16xf32>
    tpu.vector_store %arg3[%swap3A_872, %swap3A_873], %swap3A_876 {strides = array<i32>} : memref<8x1024xf32, #tpu.memory_space<vmem>>, vector<1x16xf32>,
    %swap3A_877 = arith.constant 2 : i32
    %swap3A_878 = arith.index_cast %swap3A_877 : i32 to index
    %swap3A_879 = arith.constant 288 : index
    %swap3A_880 = tpu.vector_load %arg3[%swap3A_878, %swap3A_879] {strides = array<i32>} : memref<8x1024xf32, #tpu.memory_space<vmem>>, vector<1x16xf32>,
    %swap3A_881 = vector.shape_cast %swap3A_880 : vector<1x16xf32> to vector<16xf32>
    %swap3A_882 = vector.shape_cast %broadcast_in_dim3A_1 : vector<16xf32> to vector<1x16xf32>
    tpu.vector_store %arg3[%swap3A_878, %swap3A_879], %swap3A_882 {strides = array<i32>} : memref<8x1024xf32, #tpu.memory_space<vmem>>, vector<1x16xf32>,
    %swap3A_883 = arith.constant 2 : i32
    %swap3A_884 = arith.index_cast %swap3A_883 : i32 to index
    %swap3A_885 = arith.constant 304 : index
    %swap3A_886 = tpu.vector_load %arg3[%swap3A_884, %swap3A_885] {strides = array<i32>} : memref<8x1024xf32, #tpu.memory_space<vmem>>, vector<1x16xf32>,
    %swap3A_887 = vector.shape_cast %swap3A_886 : vector<1x16xf32> to vector<16xf32>
    %swap3A_888 = vector.shape_cast %broadcast_in_dim3A_1 : vector<16xf32> to vector<1x16xf32>
    tpu.vector_store %arg3[%swap3A_884, %swap3A_885], %swap3A_888 {strides = array<i32>} : memref<8x1024xf32, #tpu.memory_space<vmem>>, vector<1x16xf32>,
    %swap3A_889 = arith.constant 2 : i32
    %swap3A_890 = arith.index_cast %swap3A_889 : i32 to index
    %swap3A_891 = arith.constant 320 : index
    %swap3A_892 = tpu.vector_load %arg3[%swap3A_890, %swap3A_891] {strides = array<i32>} : memref<8x1024xf32, #tpu.memory_space<vmem>>, vector<1x16xf32>,
    %swap3A_893 = vector.shape_cast %swap3A_892 : vector<1x16xf32> to vector<16xf32>
    %swap3A_894 = vector.shape_cast %broadcast_in_dim3A_1 : vector<16xf32> to vector<1x16xf32>
    tpu.vector_store %arg3[%swap3A_890, %swap3A_891], %swap3A_894 {strides = array<i32>} : memref<8x1024xf32, #tpu.memory_space<vmem>>, vector<1x16xf32>,
    %swap3A_895 = arith.constant 2 : i32
    %swap3A_896 = arith.index_cast %swap3A_895 : i32 to index
    %swap3A_897 = arith.constant 336 : index
    %swap3A_898 = tpu.vector_load %arg3[%swap3A_896, %swap3A_897] {strides = array<i32>} : memref<8x1024xf32, #tpu.memory_space<vmem>>, vector<1x16xf32>,
    %swap3A_899 = vector.shape_cast %swap3A_898 : vector<1x16xf32> to vector<16xf32>
    %swap3A_900 = vector.shape_cast %broadcast_in_dim3A_1 : vector<16xf32> to vector<1x16xf32>
    tpu.vector_store %arg3[%swap3A_896, %swap3A_897], %swap3A_900 {strides = array<i32>} : memref<8x1024xf32, #tpu.memory_space<vmem>>, vector<1x16xf32>,
    %swap3A_901 = arith.constant 2 : i32
    %swap3A_902 = arith.index_cast %swap3A_901 : i32 to index
    %swap3A_903 = arith.constant 352 : index
    %swap3A_904 = tpu.vector_load %arg3[%swap3A_902, %swap3A_903] {strides = array<i32>} : memref<8x1024xf32, #tpu.memory_space<vmem>>, vector<1x16xf32>,
    %swap3A_905 = vector.shape_cast %swap3A_904 : vector<1x16xf32> to vector<16xf32>
    %swap3A_906 = vector.shape_cast %broadcast_in_dim3A_1 : vector<16xf32> to vector<1x16xf32>
    tpu.vector_store %arg3[%swap3A_902, %swap3A_903], %swap3A_906 {strides = array<i32>} : memref<8x1024xf32, #tpu.memory_space<vmem>>, vector<1x16xf32>,
    %swap3A_907 = arith.constant 2 : i32
    %swap3A_908 = arith.index_cast %swap3A_907 : i32 to index
    %swap3A_909 = arith.constant 368 : index
    %swap3A_910 = tpu.vector_load %arg3[%swap3A_908, %swap3A_909] {strides = array<i32>} : memref<8x1024xf32, #tpu.memory_space<vmem>>, vector<1x16xf32>,
    %swap3A_911 = vector.shape_cast %swap3A_910 : vector<1x16xf32> to vector<16xf32>
    %swap3A_912 = vector.shape_cast %broadcast_in_dim3A_1 : vector<16xf32> to vector<1x16xf32>
    tpu.vector_store %arg3[%swap3A_908, %swap3A_909], %swap3A_912 {strides = array<i32>} : memref<8x1024xf32, #tpu.memory_space<vmem>>, vector<1x16xf32>,
    %swap3A_913 = arith.constant 2 : i32
    %swap3A_914 = arith.index_cast %swap3A_913 : i32 to index
    %swap3A_915 = arith.constant 384 : index
    %swap3A_916 = tpu.vector_load %arg3[%swap3A_914, %swap3A_915] {strides = array<i32>} : memref<8x1024xf32, #tpu.memory_space<vmem>>, vector<1x16xf32>,
    %swap3A_917 = vector.shape_cast %swap3A_916 : vector<1x16xf32> to vector<16xf32>
    %swap3A_918 = vector.shape_cast %broadcast_in_dim3A_1 : vector<16xf32> to vector<1x16xf32>
    tpu.vector_store %arg3[%swap3A_914, %swap3A_915], %swap3A_918 {strides = array<i32>} : memref<8x1024xf32, #tpu.memory_space<vmem>>, vector<1x16xf32>,
    %swap3A_919 = arith.constant 2 : i32
    %swap3A_920 = arith.index_cast %swap3A_919 : i32 to index
    %swap3A_921 = arith.constant 400 : index
    %swap3A_922 = tpu.vector_load %arg3[%swap3A_920, %swap3A_921] {strides = array<i32>} : memref<8x1024xf32, #tpu.memory_space<vmem>>, vector<1x16xf32>,
    %swap3A_923 = vector.shape_cast %swap3A_922 : vector<1x16xf32> to vector<16xf32>
    %swap3A_924 = vector.shape_cast %broadcast_in_dim3A_1 : vector<16xf32> to vector<1x16xf32>
    tpu.vector_store %arg3[%swap3A_920, %swap3A_921], %swap3A_924 {strides = array<i32>} : memref<8x1024xf32, #tpu.memory_space<vmem>>, vector<1x16xf32>,
    %swap3A_925 = arith.constant 2 : i32
    %swap3A_926 = arith.index_cast %swap3A_925 : i32 to index
    %swap3A_927 = arith.constant 416 : index
    %swap3A_928 = tpu.vector_load %arg3[%swap3A_926, %swap3A_927] {strides = array<i32>} : memref<8x1024xf32, #tpu.memory_space<vmem>>, vector<1x16xf32>,
    %swap3A_929 = vector.shape_cast %swap3A_928 : vector<1x16xf32> to vector<16xf32>
    %swap3A_930 = vector.shape_cast %broadcast_in_dim3A_1 : vector<16xf32> to vector<1x16xf32>
    tpu.vector_store %arg3[%swap3A_926, %swap3A_927], %swap3A_930 {strides = array<i32>} : memref<8x1024xf32, #tpu.memory_space<vmem>>, vector<1x16xf32>,
    %swap3A_931 = arith.constant 2 : i32
    %swap3A_932 = arith.index_cast %swap3A_931 : i32 to index
    %swap3A_933 = arith.constant 432 : index
    %swap3A_934 = tpu.vector_load %arg3[%swap3A_932, %swap3A_933] {strides = array<i32>} : memref<8x1024xf32, #tpu.memory_space<vmem>>, vector<1x16xf32>,
    %swap3A_935 = vector.shape_cast %swap3A_934 : vector<1x16xf32> to vector<16xf32>
    %swap3A_936 = vector.shape_cast %broadcast_in_dim3A_1 : vector<16xf32> to vector<1x16xf32>
    tpu.vector_store %arg3[%swap3A_932, %swap3A_933], %swap3A_936 {strides = array<i32>} : memref<8x1024xf32, #tpu.memory_space<vmem>>, vector<1x16xf32>,
    %swap3A_937 = arith.constant 2 : i32
    %swap3A_938 = arith.index_cast %swap3A_937 : i32 to index
    %swap3A_939 = arith.constant 448 : index
    %swap3A_940 = tpu.vector_load %arg3[%swap3A_938, %swap3A_939] {strides = array<i32>} : memref<8x1024xf32, #tpu.memory_space<vmem>>, vector<1x16xf32>,
    %swap3A_941 = vector.shape_cast %swap3A_940 : vector<1x16xf32> to vector<16xf32>
    %swap3A_942 = vector.shape_cast %broadcast_in_dim3A_1 : vector<16xf32> to vector<1x16xf32>
    tpu.vector_store %arg3[%swap3A_938, %swap3A_939], %swap3A_942 {strides = array<i32>} : memref<8x1024xf32, #tpu.memory_space<vmem>>, vector<1x16xf32>,
    %swap3A_943 = arith.constant 2 : i32
    %swap3A_944 = arith.index_cast %swap3A_943 : i32 to index
    %swap3A_945 = arith.constant 464 : index
    %swap3A_946 = tpu.vector_load %arg3[%swap3A_944, %swap3A_945] {strides = array<i32>} : memref<8x1024xf32, #tpu.memory_space<vmem>>, vector<1x16xf32>,
    %swap3A_947 = vector.shape_cast %swap3A_946 : vector<1x16xf32> to vector<16xf32>
    %swap3A_948 = vector.shape_cast %broadcast_in_dim3A_1 : vector<16xf32> to vector<1x16xf32>
    tpu.vector_store %arg3[%swap3A_944, %swap3A_945], %swap3A_948 {strides = array<i32>} : memref<8x1024xf32, #tpu.memory_space<vmem>>, vector<1x16xf32>,
    %swap3A_949 = arith.constant 2 : i32
    %swap3A_950 = arith.index_cast %swap3A_949 : i32 to index
    %swap3A_951 = arith.constant 480 : index
    %swap3A_952 = tpu.vector_load %arg3[%swap3A_950, %swap3A_951] {strides = array<i32>} : memref<8x1024xf32, #tpu.memory_space<vmem>>, vector<1x16xf32>,
    %swap3A_953 = vector.shape_cast %swap3A_952 : vector<1x16xf32> to vector<16xf32>
    %swap3A_954 = vector.shape_cast %broadcast_in_dim3A_1 : vector<16xf32> to vector<1x16xf32>
    tpu.vector_store %arg3[%swap3A_950, %swap3A_951], %swap3A_954 {strides = array<i32>} : memref<8x1024xf32, #tpu.memory_space<vmem>>, vector<1x16xf32>,
    %swap3A_955 = arith.constant 2 : i32
    %swap3A_956 = arith.index_cast %swap3A_955 : i32 to index
    %swap3A_957 = arith.constant 496 : index
    %swap3A_958 = tpu.vector_load %arg3[%swap3A_956, %swap3A_957] {strides = array<i32>} : memref<8x1024xf32, #tpu.memory_space<vmem>>, vector<1x16xf32>,
    %swap3A_959 = vector.shape_cast %swap3A_958 : vector<1x16xf32> to vector<16xf32>
    %swap3A_960 = vector.shape_cast %broadcast_in_dim3A_1 : vector<16xf32> to vector<1x16xf32>
    tpu.vector_store %arg3[%swap3A_956, %swap3A_957], %swap3A_960 {strides = array<i32>} : memref<8x1024xf32, #tpu.memory_space<vmem>>, vector<1x16xf32>,
    %swap3A_961 = arith.constant 2 : i32
    %swap3A_962 = arith.index_cast %swap3A_961 : i32 to index
    %swap3A_963 = arith.constant 512 : index
    %swap3A_964 = tpu.vector_load %arg3[%swap3A_962, %swap3A_963] {strides = array<i32>} : memref<8x1024xf32, #tpu.memory_space<vmem>>, vector<1x16xf32>,
    %swap3A_965 = vector.shape_cast %swap3A_964 : vector<1x16xf32> to vector<16xf32>
    %swap3A_966 = vector.shape_cast %broadcast_in_dim3A_1 : vector<16xf32> to vector<1x16xf32>
    tpu.vector_store %arg3[%swap3A_962, %swap3A_963], %swap3A_966 {strides = array<i32>} : memref<8x1024xf32, #tpu.memory_space<vmem>>, vector<1x16xf32>,
    %swap3A_967 = arith.constant 2 : i32
    %swap3A_968 = arith.index_cast %swap3A_967 : i32 to index
    %swap3A_969 = arith.constant 528 : index
    %swap3A_970 = tpu.vector_load %arg3[%swap3A_968, %swap3A_969] {strides = array<i32>} : memref<8x1024xf32, #tpu.memory_space<vmem>>, vector<1x16xf32>,
    %swap3A_971 = vector.shape_cast %swap3A_970 : vector<1x16xf32> to vector<16xf32>
    %swap3A_972 = vector.shape_cast %broadcast_in_dim3A_1 : vector<16xf32> to vector<1x16xf32>
    tpu.vector_store %arg3[%swap3A_968, %swap3A_969], %swap3A_972 {strides = array<i32>} : memref<8x1024xf32, #tpu.memory_space<vmem>>, vector<1x16xf32>,
    %swap3A_973 = arith.constant 2 : i32
    %swap3A_974 = arith.index_cast %swap3A_973 : i32 to index
    %swap3A_975 = arith.constant 544 : index
    %swap3A_976 = tpu.vector_load %arg3[%swap3A_974, %swap3A_975] {strides = array<i32>} : memref<8x1024xf32, #tpu.memory_space<vmem>>, vector<1x16xf32>,
    %swap3A_977 = vector.shape_cast %swap3A_976 : vector<1x16xf32> to vector<16xf32>
    %swap3A_978 = vector.shape_cast %broadcast_in_dim3A_1 : vector<16xf32> to vector<1x16xf32>
    tpu.vector_store %arg3[%swap3A_974, %swap3A_975], %swap3A_978 {strides = array<i32>} : memref<8x1024xf32, #tpu.memory_space<vmem>>, vector<1x16xf32>,
    %swap3A_979 = arith.constant 2 : i32
    %swap3A_980 = arith.index_cast %swap3A_979 : i32 to index
    %swap3A_981 = arith.constant 560 : index
    %swap3A_982 = tpu.vector_load %arg3[%swap3A_980, %swap3A_981] {strides = array<i32>} : memref<8x1024xf32, #tpu.memory_space<vmem>>, vector<1x16xf32>,
    %swap3A_983 = vector.shape_cast %swap3A_982 : vector<1x16xf32> to vector<16xf32>
    %swap3A_984 = vector.shape_cast %broadcast_in_dim3A_1 : vector<16xf32> to vector<1x16xf32>
    tpu.vector_store %arg3[%swap3A_980, %swap3A_981], %swap3A_984 {strides = array<i32>} : memref<8x1024xf32, #tpu.memory_space<vmem>>, vector<1x16xf32>,
    %swap3A_985 = arith.constant 2 : i32
    %swap3A_986 = arith.index_cast %swap3A_985 : i32 to index
    %swap3A_987 = arith.constant 576 : index
    %swap3A_988 = tpu.vector_load %arg3[%swap3A_986, %swap3A_987] {strides = array<i32>} : memref<8x1024xf32, #tpu.memory_space<vmem>>, vector<1x16xf32>,
    %swap3A_989 = vector.shape_cast %swap3A_988 : vector<1x16xf32> to vector<16xf32>
    %swap3A_990 = vector.shape_cast %broadcast_in_dim3A_1 : vector<16xf32> to vector<1x16xf32>
    tpu.vector_store %arg3[%swap3A_986, %swap3A_987], %swap3A_990 {strides = array<i32>} : memref<8x1024xf32, #tpu.memory_space<vmem>>, vector<1x16xf32>,
    %swap3A_991 = arith.constant 2 : i32
    %swap3A_992 = arith.index_cast %swap3A_991 : i32 to index
    %swap3A_993 = arith.constant 592 : index
    %swap3A_994 = tpu.vector_load %arg3[%swap3A_992, %swap3A_993] {strides = array<i32>} : memref<8x1024xf32, #tpu.memory_space<vmem>>, vector<1x16xf32>,
    %swap3A_995 = vector.shape_cast %swap3A_994 : vector<1x16xf32> to vector<16xf32>
    %swap3A_996 = vector.shape_cast %broadcast_in_dim3A_1 : vector<16xf32> to vector<1x16xf32>
    tpu.vector_store %arg3[%swap3A_992, %swap3A_993], %swap3A_996 {strides = array<i32>} : memref<8x1024xf32, #tpu.memory_space<vmem>>, vector<1x16xf32>,
    %swap3A_997 = arith.constant 2 : i32
    %swap3A_998 = arith.index_cast %swap3A_997 : i32 to index
    %swap3A_999 = arith.constant 608 : index
    %swap3A_1000 = tpu.vector_load %arg3[%swap3A_998, %swap3A_999] {strides = array<i32>} : memref<8x1024xf32, #tpu.memory_space<vmem>>, vector<1x16xf32>,
    %swap3A_1001 = vector.shape_cast %swap3A_1000 : vector<1x16xf32> to vector<16xf32>
    %swap3A_1002 = vector.shape_cast %broadcast_in_dim3A_1 : vector<16xf32> to vector<1x16xf32>
    tpu.vector_store %arg3[%swap3A_998, %swap3A_999], %swap3A_1002 {strides = array<i32>} : memref<8x1024xf32, #tpu.memory_space<vmem>>, vector<1x16xf32>,
    %swap3A_1003 = arith.constant 2 : i32
    %swap3A_1004 = arith.index_cast %swap3A_1003 : i32 to index
    %swap3A_1005 = arith.constant 624 : index
    %swap3A_1006 = tpu.vector_load %arg3[%swap3A_1004, %swap3A_1005] {strides = array<i32>} : memref<8x1024xf32, #tpu.memory_space<vmem>>, vector<1x16xf32>,
    %swap3A_1007 = vector.shape_cast %swap3A_1006 : vector<1x16xf32> to vector<16xf32>
    %swap3A_1008 = vector.shape_cast %broadcast_in_dim3A_1 : vector<16xf32> to vector<1x16xf32>
    tpu.vector_store %arg3[%swap3A_1004, %swap3A_1005], %swap3A_1008 {strides = array<i32>} : memref<8x1024xf32, #tpu.memory_space<vmem>>, vector<1x16xf32>,
    %swap3A_1009 = arith.constant 2 : i32
    %swap3A_1010 = arith.index_cast %swap3A_1009 : i32 to index
    %swap3A_1011 = arith.constant 640 : index
    %swap3A_1012 = tpu.vector_load %arg3[%swap3A_1010, %swap3A_1011] {strides = array<i32>} : memref<8x1024xf32, #tpu.memory_space<vmem>>, vector<1x16xf32>,
    %swap3A_1013 = vector.shape_cast %swap3A_1012 : vector<1x16xf32> to vector<16xf32>
    %swap3A_1014 = vector.shape_cast %broadcast_in_dim3A_1 : vector<16xf32> to vector<1x16xf32>
    tpu.vector_store %arg3[%swap3A_1010, %swap3A_1011], %swap3A_1014 {strides = array<i32>} : memref<8x1024xf32, #tpu.memory_space<vmem>>, vector<1x16xf32>,
    %swap3A_1015 = arith.constant 2 : i32
    %swap3A_1016 = arith.index_cast %swap3A_1015 : i32 to index
    %swap3A_1017 = arith.constant 656 : index
    %swap3A_1018 = tpu.vector_load %arg3[%swap3A_1016, %swap3A_1017] {strides = array<i32>} : memref<8x1024xf32, #tpu.memory_space<vmem>>, vector<1x16xf32>,
    %swap3A_1019 = vector.shape_cast %swap3A_1018 : vector<1x16xf32> to vector<16xf32>
    %swap3A_1020 = vector.shape_cast %broadcast_in_dim3A_1 : vector<16xf32> to vector<1x16xf32>
    tpu.vector_store %arg3[%swap3A_1016, %swap3A_1017], %swap3A_1020 {strides = array<i32>} : memref<8x1024xf32, #tpu.memory_space<vmem>>, vector<1x16xf32>,
    %swap3A_1021 = arith.constant 2 : i32
    %swap3A_1022 = arith.index_cast %swap3A_1021 : i32 to index
    %swap3A_1023 = arith.constant 672 : index
    %swap3A_1024 = tpu.vector_load %arg3[%swap3A_1022, %swap3A_1023] {strides = array<i32>} : memref<8x1024xf32, #tpu.memory_space<vmem>>, vector<1x16xf32>,
    %swap3A_1025 = vector.shape_cast %swap3A_1024 : vector<1x16xf32> to vector<16xf32>
    %swap3A_1026 = vector.shape_cast %broadcast_in_dim3A_1 : vector<16xf32> to vector<1x16xf32>
    tpu.vector_store %arg3[%swap3A_1022, %swap3A_1023], %swap3A_1026 {strides = array<i32>} : memref<8x1024xf32, #tpu.memory_space<vmem>>, vector<1x16xf32>,
    %swap3A_1027 = arith.constant 2 : i32
    %swap3A_1028 = arith.index_cast %swap3A_1027 : i32 to index
    %swap3A_1029 = arith.constant 688 : index
    %swap3A_1030 = tpu.vector_load %arg3[%swap3A_1028, %swap3A_1029] {strides = array<i32>} : memref<8x1024xf32, #tpu.memory_space<vmem>>, vector<1x16xf32>,
    %swap3A_1031 = vector.shape_cast %swap3A_1030 : vector<1x16xf32> to vector<16xf32>
    %swap3A_1032 = vector.shape_cast %broadcast_in_dim3A_1 : vector<16xf32> to vector<1x16xf32>
    tpu.vector_store %arg3[%swap3A_1028, %swap3A_1029], %swap3A_1032 {strides = array<i32>} : memref<8x1024xf32, #tpu.memory_space<vmem>>, vector<1x16xf32>,
    %swap3A_1033 = arith.constant 2 : i32
    %swap3A_1034 = arith.index_cast %swap3A_1033 : i32 to index
    %swap3A_1035 = arith.constant 704 : index
    %swap3A_1036 = tpu.vector_load %arg3[%swap3A_1034, %swap3A_1035] {strides = array<i32>} : memref<8x1024xf32, #tpu.memory_space<vmem>>, vector<1x16xf32>,
    %swap3A_1037 = vector.shape_cast %swap3A_1036 : vector<1x16xf32> to vector<16xf32>
    %swap3A_1038 = vector.shape_cast %broadcast_in_dim3A_1 : vector<16xf32> to vector<1x16xf32>
    tpu.vector_store %arg3[%swap3A_1034, %swap3A_1035], %swap3A_1038 {strides = array<i32>} : memref<8x1024xf32, #tpu.memory_space<vmem>>, vector<1x16xf32>,
    %swap3A_1039 = arith.constant 2 : i32
    %swap3A_1040 = arith.index_cast %swap3A_1039 : i32 to index
    %swap3A_1041 = arith.constant 720 : index
    %swap3A_1042 = tpu.vector_load %arg3[%swap3A_1040, %swap3A_1041] {strides = array<i32>} : memref<8x1024xf32, #tpu.memory_space<vmem>>, vector<1x16xf32>,
    %swap3A_1043 = vector.shape_cast %swap3A_1042 : vector<1x16xf32> to vector<16xf32>
    %swap3A_1044 = vector.shape_cast %broadcast_in_dim3A_1 : vector<16xf32> to vector<1x16xf32>
    tpu.vector_store %arg3[%swap3A_1040, %swap3A_1041], %swap3A_1044 {strides = array<i32>} : memref<8x1024xf32, #tpu.memory_space<vmem>>, vector<1x16xf32>,
    %swap3A_1045 = arith.constant 2 : i32
    %swap3A_1046 = arith.index_cast %swap3A_1045 : i32 to index
    %swap3A_1047 = arith.constant 736 : index
    %swap3A_1048 = tpu.vector_load %arg3[%swap3A_1046, %swap3A_1047] {strides = array<i32>} : memref<8x1024xf32, #tpu.memory_space<vmem>>, vector<1x16xf32>,
    %swap3A_1049 = vector.shape_cast %swap3A_1048 : vector<1x16xf32> to vector<16xf32>
    %swap3A_1050 = vector.shape_cast %broadcast_in_dim3A_1 : vector<16xf32> to vector<1x16xf32>
    tpu.vector_store %arg3[%swap3A_1046, %swap3A_1047], %swap3A_1050 {strides = array<i32>} : memref<8x1024xf32, #tpu.memory_space<vmem>>, vector<1x16xf32>,
    %swap3A_1051 = arith.constant 2 : i32
    %swap3A_1052 = arith.index_cast %swap3A_1051 : i32 to index
    %swap3A_1053 = arith.constant 752 : index
    %swap3A_1054 = tpu.vector_load %arg3[%swap3A_1052, %swap3A_1053] {strides = array<i32>} : memref<8x1024xf32, #tpu.memory_space<vmem>>, vector<1x16xf32>,
    %swap3A_1055 = vector.shape_cast %swap3A_1054 : vector<1x16xf32> to vector<16xf32>
    %swap3A_1056 = vector.shape_cast %broadcast_in_dim3A_1 : vector<16xf32> to vector<1x16xf32>
    tpu.vector_store %arg3[%swap3A_1052, %swap3A_1053], %swap3A_1056 {strides = array<i32>} : memref<8x1024xf32, #tpu.memory_space<vmem>>, vector<1x16xf32>,
    %swap3A_1057 = arith.constant 2 : i32
    %swap3A_1058 = arith.index_cast %swap3A_1057 : i32 to index
    %swap3A_1059 = arith.constant 768 : index
    %swap3A_1060 = tpu.vector_load %arg3[%swap3A_1058, %swap3A_1059] {strides = array<i32>} : memref<8x1024xf32, #tpu.memory_space<vmem>>, vector<1x16xf32>,
    %swap3A_1061 = vector.shape_cast %swap3A_1060 : vector<1x16xf32> to vector<16xf32>
    %swap3A_1062 = vector.shape_cast %broadcast_in_dim3A_1 : vector<16xf32> to vector<1x16xf32>
    tpu.vector_store %arg3[%swap3A_1058, %swap3A_1059], %swap3A_1062 {strides = array<i32>} : memref<8x1024xf32, #tpu.memory_space<vmem>>, vector<1x16xf32>,
    %swap3A_1063 = arith.constant 2 : i32
    %swap3A_1064 = arith.index_cast %swap3A_1063 : i32 to index
    %swap3A_1065 = arith.constant 784 : index
    %swap3A_1066 = tpu.vector_load %arg3[%swap3A_1064, %swap3A_1065] {strides = array<i32>} : memref<8x1024xf32, #tpu.memory_space<vmem>>, vector<1x16xf32>,
    %swap3A_1067 = vector.shape_cast %swap3A_1066 : vector<1x16xf32> to vector<16xf32>
    %swap3A_1068 = vector.shape_cast %broadcast_in_dim3A_1 : vector<16xf32> to vector<1x16xf32>
    tpu.vector_store %arg3[%swap3A_1064, %swap3A_1065], %swap3A_1068 {strides = array<i32>} : memref<8x1024xf32, #tpu.memory_space<vmem>>, vector<1x16xf32>,
    %swap3A_1069 = arith.constant 2 : i32
    %swap3A_1070 = arith.index_cast %swap3A_1069 : i32 to index
    %swap3A_1071 = arith.constant 800 : index
    %swap3A_1072 = tpu.vector_load %arg3[%swap3A_1070, %swap3A_1071] {strides = array<i32>} : memref<8x1024xf32, #tpu.memory_space<vmem>>, vector<1x16xf32>,
    %swap3A_1073 = vector.shape_cast %swap3A_1072 : vector<1x16xf32> to vector<16xf32>
    %swap3A_1074 = vector.shape_cast %broadcast_in_dim3A_1 : vector<16xf32> to vector<1x16xf32>
    tpu.vector_store %arg3[%swap3A_1070, %swap3A_1071], %swap3A_1074 {strides = array<i32>} : memref<8x1024xf32, #tpu.memory_space<vmem>>, vector<1x16xf32>,
    %swap3A_1075 = arith.constant 2 : i32
    %swap3A_1076 = arith.index_cast %swap3A_1075 : i32 to index
    %swap3A_1077 = arith.constant 816 : index
    %swap3A_1078 = tpu.vector_load %arg3[%swap3A_1076, %swap3A_1077] {strides = array<i32>} : memref<8x1024xf32, #tpu.memory_space<vmem>>, vector<1x16xf32>,
    %swap3A_1079 = vector.shape_cast %swap3A_1078 : vector<1x16xf32> to vector<16xf32>
    %swap3A_1080 = vector.shape_cast %broadcast_in_dim3A_1 : vector<16xf32> to vector<1x16xf32>
    tpu.vector_store %arg3[%swap3A_1076, %swap3A_1077], %swap3A_1080 {strides = array<i32>} : memref<8x1024xf32, #tpu.memory_space<vmem>>, vector<1x16xf32>,
    %swap3A_1081 = arith.constant 2 : i32
    %swap3A_1082 = arith.index_cast %swap3A_1081 : i32 to index
    %swap3A_1083 = arith.constant 832 : index
    %swap3A_1084 = tpu.vector_load %arg3[%swap3A_1082, %swap3A_1083] {strides = array<i32>} : memref<8x1024xf32, #tpu.memory_space<vmem>>, vector<1x16xf32>,
    %swap3A_1085 = vector.shape_cast %swap3A_1084 : vector<1x16xf32> to vector<16xf32>
    %swap3A_1086 = vector.shape_cast %broadcast_in_dim3A_1 : vector<16xf32> to vector<1x16xf32>
    tpu.vector_store %arg3[%swap3A_1082, %swap3A_1083], %swap3A_1086 {strides = array<i32>} : memref<8x1024xf32, #tpu.memory_space<vmem>>, vector<1x16xf32>,
    %swap3A_1087 = arith.constant 2 : i32
    %swap3A_1088 = arith.index_cast %swap3A_1087 : i32 to index
    %swap3A_1089 = arith.constant 848 : index
    %swap3A_1090 = tpu.vector_load %arg3[%swap3A_1088, %swap3A_1089] {strides = array<i32>} : memref<8x1024xf32, #tpu.memory_space<vmem>>, vector<1x16xf32>,
    %swap3A_1091 = vector.shape_cast %swap3A_1090 : vector<1x16xf32> to vector<16xf32>
    %swap3A_1092 = vector.shape_cast %broadcast_in_dim3A_1 : vector<16xf32> to vector<1x16xf32>
    tpu.vector_store %arg3[%swap3A_1088, %swap3A_1089], %swap3A_1092 {strides = array<i32>} : memref<8x1024xf32, #tpu.memory_space<vmem>>, vector<1x16xf32>,
    %swap3A_1093 = arith.constant 2 : i32
    %swap3A_1094 = arith.index_cast %swap3A_1093 : i32 to index
    %swap3A_1095 = arith.constant 864 : index
    %swap3A_1096 = tpu.vector_load %arg3[%swap3A_1094, %swap3A_1095] {strides = array<i32>} : memref<8x1024xf32, #tpu.memory_space<vmem>>, vector<1x16xf32>,
    %swap3A_1097 = vector.shape_cast %swap3A_1096 : vector<1x16xf32> to vector<16xf32>
    %swap3A_1098 = vector.shape_cast %broadcast_in_dim3A_1 : vector<16xf32> to vector<1x16xf32>
    tpu.vector_store %arg3[%swap3A_1094, %swap3A_1095], %swap3A_1098 {strides = array<i32>} : memref<8x1024xf32, #tpu.memory_space<vmem>>, vector<1x16xf32>,
    %swap3A_1099 = arith.constant 2 : i32
    %swap3A_1100 = arith.index_cast %swap3A_1099 : i32 to index
    %swap3A_1101 = arith.constant 880 : index
    %swap3A_1102 = tpu.vector_load %arg3[%swap3A_1100, %swap3A_1101] {strides = array<i32>} : memref<8x1024xf32, #tpu.memory_space<vmem>>, vector<1x16xf32>,
    %swap3A_1103 = vector.shape_cast %swap3A_1102 : vector<1x16xf32> to vector<16xf32>
    %swap3A_1104 = vector.shape_cast %broadcast_in_dim3A_1 : vector<16xf32> to vector<1x16xf32>
    tpu.vector_store %arg3[%swap3A_1100, %swap3A_1101], %swap3A_1104 {strides = array<i32>} : memref<8x1024xf32, #tpu.memory_space<vmem>>, vector<1x16xf32>,
    %swap3A_1105 = arith.constant 2 : i32
    %swap3A_1106 = arith.index_cast %swap3A_1105 : i32 to index
    %swap3A_1107 = arith.constant 896 : index
    %swap3A_1108 = tpu.vector_load %arg3[%swap3A_1106, %swap3A_1107] {strides = array<i32>} : memref<8x1024xf32, #tpu.memory_space<vmem>>, vector<1x16xf32>,
    %swap3A_1109 = vector.shape_cast %swap3A_1108 : vector<1x16xf32> to vector<16xf32>
    %swap3A_1110 = vector.shape_cast %broadcast_in_dim3A_1 : vector<16xf32> to vector<1x16xf32>
    tpu.vector_store %arg3[%swap3A_1106, %swap3A_1107], %swap3A_1110 {strides = array<i32>} : memref<8x1024xf32, #tpu.memory_space<vmem>>, vector<1x16xf32>,
    %swap3A_1111 = arith.constant 2 : i32
    %swap3A_1112 = arith.index_cast %swap3A_1111 : i32 to index
    %swap3A_1113 = arith.constant 912 : index
    %swap3A_1114 = tpu.vector_load %arg3[%swap3A_1112, %swap3A_1113] {strides = array<i32>} : memref<8x1024xf32, #tpu.memory_space<vmem>>, vector<1x16xf32>,
    %swap3A_1115 = vector.shape_cast %swap3A_1114 : vector<1x16xf32> to vector<16xf32>
    %swap3A_1116 = vector.shape_cast %broadcast_in_dim3A_1 : vector<16xf32> to vector<1x16xf32>
    tpu.vector_store %arg3[%swap3A_1112, %swap3A_1113], %swap3A_1116 {strides = array<i32>} : memref<8x1024xf32, #tpu.memory_space<vmem>>, vector<1x16xf32>,
    %swap3A_1117 = arith.constant 2 : i32
    %swap3A_1118 = arith.index_cast %swap3A_1117 : i32 to index
    %swap3A_1119 = arith.constant 928 : index
    %swap3A_1120 = tpu.vector_load %arg3[%swap3A_1118, %swap3A_1119] {strides = array<i32>} : memref<8x1024xf32, #tpu.memory_space<vmem>>, vector<1x16xf32>,
    %swap3A_1121 = vector.shape_cast %swap3A_1120 : vector<1x16xf32> to vector<16xf32>
    %swap3A_1122 = vector.shape_cast %broadcast_in_dim3A_1 : vector<16xf32> to vector<1x16xf32>
    tpu.vector_store %arg3[%swap3A_1118, %swap3A_1119], %swap3A_1122 {strides = array<i32>} : memref<8x1024xf32, #tpu.memory_space<vmem>>, vector<1x16xf32>,
    %swap3A_1123 = arith.constant 2 : i32
    %swap3A_1124 = arith.index_cast %swap3A_1123 : i32 to index
    %swap3A_1125 = arith.constant 944 : index
    %swap3A_1126 = tpu.vector_load %arg3[%swap3A_1124, %swap3A_1125] {strides = array<i32>} : memref<8x1024xf32, #tpu.memory_space<vmem>>, vector<1x16xf32>,
    %swap3A_1127 = vector.shape_cast %swap3A_1126 : vector<1x16xf32> to vector<16xf32>
    %swap3A_1128 = vector.shape_cast %broadcast_in_dim3A_1 : vector<16xf32> to vector<1x16xf32>
    tpu.vector_store %arg3[%swap3A_1124, %swap3A_1125], %swap3A_1128 {strides = array<i32>} : memref<8x1024xf32, #tpu.memory_space<vmem>>, vector<1x16xf32>,
    %swap3A_1129 = arith.constant 2 : i32
    %swap3A_1130 = arith.index_cast %swap3A_1129 : i32 to index
    %swap3A_1131 = arith.constant 960 : index
    %swap3A_1132 = tpu.vector_load %arg3[%swap3A_1130, %swap3A_1131] {strides = array<i32>} : memref<8x1024xf32, #tpu.memory_space<vmem>>, vector<1x16xf32>,
    %swap3A_1133 = vector.shape_cast %swap3A_1132 : vector<1x16xf32> to vector<16xf32>
    %swap3A_1134 = vector.shape_cast %broadcast_in_dim3A_1 : vector<16xf32> to vector<1x16xf32>
    tpu.vector_store %arg3[%swap3A_1130, %swap3A_1131], %swap3A_1134 {strides = array<i32>} : memref<8x1024xf32, #tpu.memory_space<vmem>>, vector<1x16xf32>,
    %swap3A_1135 = arith.constant 2 : i32
    %swap3A_1136 = arith.index_cast %swap3A_1135 : i32 to index
    %swap3A_1137 = arith.constant 976 : index
    %swap3A_1138 = tpu.vector_load %arg3[%swap3A_1136, %swap3A_1137] {strides = array<i32>} : memref<8x1024xf32, #tpu.memory_space<vmem>>, vector<1x16xf32>,
    %swap3A_1139 = vector.shape_cast %swap3A_1138 : vector<1x16xf32> to vector<16xf32>
    %swap3A_1140 = vector.shape_cast %broadcast_in_dim3A_1 : vector<16xf32> to vector<1x16xf32>
    tpu.vector_store %arg3[%swap3A_1136, %swap3A_1137], %swap3A_1140 {strides = array<i32>} : memref<8x1024xf32, #tpu.memory_space<vmem>>, vector<1x16xf32>,
    %swap3A_1141 = arith.constant 2 : i32
    %swap3A_1142 = arith.index_cast %swap3A_1141 : i32 to index
    %swap3A_1143 = arith.constant 992 : index
    %swap3A_1144 = tpu.vector_load %arg3[%swap3A_1142, %swap3A_1143] {strides = array<i32>} : memref<8x1024xf32, #tpu.memory_space<vmem>>, vector<1x16xf32>,
    %swap3A_1145 = vector.shape_cast %swap3A_1144 : vector<1x16xf32> to vector<16xf32>
    %swap3A_1146 = vector.shape_cast %broadcast_in_dim3A_1 : vector<16xf32> to vector<1x16xf32>
    tpu.vector_store %arg3[%swap3A_1142, %swap3A_1143], %swap3A_1146 {strides = array<i32>} : memref<8x1024xf32, #tpu.memory_space<vmem>>, vector<1x16xf32>,
    %swap3A_1147 = arith.constant 2 : i32
    %swap3A_1148 = arith.index_cast %swap3A_1147 : i32 to index
    %swap3A_1149 = arith.constant 1008 : index
    %swap3A_1150 = tpu.vector_load %arg3[%swap3A_1148, %swap3A_1149] {strides = array<i32>} : memref<8x1024xf32, #tpu.memory_space<vmem>>, vector<1x16xf32>,
    %swap3A_1151 = vector.shape_cast %swap3A_1150 : vector<1x16xf32> to vector<16xf32>
    %swap3A_1152 = vector.shape_cast %broadcast_in_dim3A_1 : vector<16xf32> to vector<1x16xf32>
    tpu.vector_store %arg3[%swap3A_1148, %swap3A_1149], %swap3A_1152 {strides = array<i32>} : memref<8x1024xf32, #tpu.memory_space<vmem>>, vector<1x16xf32>,
    %swap3A_1153 = arith.constant 3 : i32
    %swap3A_1154 = arith.index_cast %swap3A_1153 : i32 to index
    %swap3A_1155 = arith.constant 0 : index
    %swap3A_1156 = tpu.vector_load %arg3[%swap3A_1154, %swap3A_1155] {strides = array<i32>} : memref<8x1024xf32, #tpu.memory_space<vmem>>, vector<1x16xf32>,
    %swap3A_1157 = vector.shape_cast %swap3A_1156 : vector<1x16xf32> to vector<16xf32>
    %swap3A_1158 = vector.shape_cast %broadcast_in_dim3A_1 : vector<16xf32> to vector<1x16xf32>
    tpu.vector_store %arg3[%swap3A_1154, %swap3A_1155], %swap3A_1158 {strides = array<i32>} : memref<8x1024xf32, #tpu.memory_space<vmem>>, vector<1x16xf32>,
    %swap3A_1159 = arith.constant 3 : i32
    %swap3A_1160 = arith.index_cast %swap3A_1159 : i32 to index
    %swap3A_1161 = arith.constant 16 : index
    %swap3A_1162 = tpu.vector_load %arg3[%swap3A_1160, %swap3A_1161] {strides = array<i32>} : memref<8x1024xf32, #tpu.memory_space<vmem>>, vector<1x16xf32>,
    %swap3A_1163 = vector.shape_cast %swap3A_1162 : vector<1x16xf32> to vector<16xf32>
    %swap3A_1164 = vector.shape_cast %broadcast_in_dim3A_1 : vector<16xf32> to vector<1x16xf32>
    tpu.vector_store %arg3[%swap3A_1160, %swap3A_1161], %swap3A_1164 {strides = array<i32>} : memref<8x1024xf32, #tpu.memory_space<vmem>>, vector<1x16xf32>,
    %swap3A_1165 = arith.constant 3 : i32
    %swap3A_1166 = arith.index_cast %swap3A_1165 : i32 to index
    %swap3A_1167 = arith.constant 32 : index
    %swap3A_1168 = tpu.vector_load %arg3[%swap3A_1166, %swap3A_1167] {strides = array<i32>} : memref<8x1024xf32, #tpu.memory_space<vmem>>, vector<1x16xf32>,
    %swap3A_1169 = vector.shape_cast %swap3A_1168 : vector<1x16xf32> to vector<16xf32>
    %swap3A_1170 = vector.shape_cast %broadcast_in_dim3A_1 : vector<16xf32> to vector<1x16xf32>
    tpu.vector_store %arg3[%swap3A_1166, %swap3A_1167], %swap3A_1170 {strides = array<i32>} : memref<8x1024xf32, #tpu.memory_space<vmem>>, vector<1x16xf32>,
    %swap3A_1171 = arith.constant 3 : i32
    %swap3A_1172 = arith.index_cast %swap3A_1171 : i32 to index
    %swap3A_1173 = arith.constant 48 : index
    %swap3A_1174 = tpu.vector_load %arg3[%swap3A_1172, %swap3A_1173] {strides = array<i32>} : memref<8x1024xf32, #tpu.memory_space<vmem>>, vector<1x16xf32>,
    %swap3A_1175 = vector.shape_cast %swap3A_1174 : vector<1x16xf32> to vector<16xf32>
    %swap3A_1176 = vector.shape_cast %broadcast_in_dim3A_1 : vector<16xf32> to vector<1x16xf32>
    tpu.vector_store %arg3[%swap3A_1172, %swap3A_1173], %swap3A_1176 {strides = array<i32>} : memref<8x1024xf32, #tpu.memory_space<vmem>>, vector<1x16xf32>,
    %swap3A_1177 = arith.constant 3 : i32
    %swap3A_1178 = arith.index_cast %swap3A_1177 : i32 to index
    %swap3A_1179 = arith.constant 64 : index
    %swap3A_1180 = tpu.vector_load %arg3[%swap3A_1178, %swap3A_1179] {strides = array<i32>} : memref<8x1024xf32, #tpu.memory_space<vmem>>, vector<1x16xf32>,
    %swap3A_1181 = vector.shape_cast %swap3A_1180 : vector<1x16xf32> to vector<16xf32>
    %swap3A_1182 = vector.shape_cast %broadcast_in_dim3A_1 : vector<16xf32> to vector<1x16xf32>
    tpu.vector_store %arg3[%swap3A_1178, %swap3A_1179], %swap3A_1182 {strides = array<i32>} : memref<8x1024xf32, #tpu.memory_space<vmem>>, vector<1x16xf32>,
    %swap3A_1183 = arith.constant 3 : i32
    %swap3A_1184 = arith.index_cast %swap3A_1183 : i32 to index
    %swap3A_1185 = arith.constant 80 : index
    %swap3A_1186 = tpu.vector_load %arg3[%swap3A_1184, %swap3A_1185] {strides = array<i32>} : memref<8x1024xf32, #tpu.memory_space<vmem>>, vector<1x16xf32>,
    %swap3A_1187 = vector.shape_cast %swap3A_1186 : vector<1x16xf32> to vector<16xf32>
    %swap3A_1188 = vector.shape_cast %broadcast_in_dim3A_1 : vector<16xf32> to vector<1x16xf32>
    tpu.vector_store %arg3[%swap3A_1184, %swap3A_1185], %swap3A_1188 {strides = array<i32>} : memref<8x1024xf32, #tpu.memory_space<vmem>>, vector<1x16xf32>,
    %swap3A_1189 = arith.constant 3 : i32
    %swap3A_1190 = arith.index_cast %swap3A_1189 : i32 to index
    %swap3A_1191 = arith.constant 96 : index
    %swap3A_1192 = tpu.vector_load %arg3[%swap3A_1190, %swap3A_1191] {strides = array<i32>} : memref<8x1024xf32, #tpu.memory_space<vmem>>, vector<1x16xf32>,
    %swap3A_1193 = vector.shape_cast %swap3A_1192 : vector<1x16xf32> to vector<16xf32>
    %swap3A_1194 = vector.shape_cast %broadcast_in_dim3A_1 : vector<16xf32> to vector<1x16xf32>
    tpu.vector_store %arg3[%swap3A_1190, %swap3A_1191], %swap3A_1194 {strides = array<i32>} : memref<8x1024xf32, #tpu.memory_space<vmem>>, vector<1x16xf32>,
    %swap3A_1195 = arith.constant 3 : i32
    %swap3A_1196 = arith.index_cast %swap3A_1195 : i32 to index
    %swap3A_1197 = arith.constant 112 : index
    %swap3A_1198 = tpu.vector_load %arg3[%swap3A_1196, %swap3A_1197] {strides = array<i32>} : memref<8x1024xf32, #tpu.memory_space<vmem>>, vector<1x16xf32>,
    %swap3A_1199 = vector.shape_cast %swap3A_1198 : vector<1x16xf32> to vector<16xf32>
    %swap3A_1200 = vector.shape_cast %broadcast_in_dim3A_1 : vector<16xf32> to vector<1x16xf32>
    tpu.vector_store %arg3[%swap3A_1196, %swap3A_1197], %swap3A_1200 {strides = array<i32>} : memref<8x1024xf32, #tpu.memory_space<vmem>>, vector<1x16xf32>,
    %swap3A_1201 = arith.constant 3 : i32
    %swap3A_1202 = arith.index_cast %swap3A_1201 : i32 to index
    %swap3A_1203 = arith.constant 128 : index
    %swap3A_1204 = tpu.vector_load %arg3[%swap3A_1202, %swap3A_1203] {strides = array<i32>} : memref<8x1024xf32, #tpu.memory_space<vmem>>, vector<1x16xf32>,
    %swap3A_1205 = vector.shape_cast %swap3A_1204 : vector<1x16xf32> to vector<16xf32>
    %swap3A_1206 = vector.shape_cast %broadcast_in_dim3A_1 : vector<16xf32> to vector<1x16xf32>
    tpu.vector_store %arg3[%swap3A_1202, %swap3A_1203], %swap3A_1206 {strides = array<i32>} : memref<8x1024xf32, #tpu.memory_space<vmem>>, vector<1x16xf32>,
    %swap3A_1207 = arith.constant 3 : i32
    %swap3A_1208 = arith.index_cast %swap3A_1207 : i32 to index
    %swap3A_1209 = arith.constant 144 : index
    %swap3A_1210 = tpu.vector_load %arg3[%swap3A_1208, %swap3A_1209] {strides = array<i32>} : memref<8x1024xf32, #tpu.memory_space<vmem>>, vector<1x16xf32>,
    %swap3A_1211 = vector.shape_cast %swap3A_1210 : vector<1x16xf32> to vector<16xf32>
    %swap3A_1212 = vector.shape_cast %broadcast_in_dim3A_1 : vector<16xf32> to vector<1x16xf32>
    tpu.vector_store %arg3[%swap3A_1208, %swap3A_1209], %swap3A_1212 {strides = array<i32>} : memref<8x1024xf32, #tpu.memory_space<vmem>>, vector<1x16xf32>,
    %swap3A_1213 = arith.constant 3 : i32
    %swap3A_1214 = arith.index_cast %swap3A_1213 : i32 to index
    %swap3A_1215 = arith.constant 160 : index
    %swap3A_1216 = tpu.vector_load %arg3[%swap3A_1214, %swap3A_1215] {strides = array<i32>} : memref<8x1024xf32, #tpu.memory_space<vmem>>, vector<1x16xf32>,
    %swap3A_1217 = vector.shape_cast %swap3A_1216 : vector<1x16xf32> to vector<16xf32>
    %swap3A_1218 = vector.shape_cast %broadcast_in_dim3A_1 : vector<16xf32> to vector<1x16xf32>
    tpu.vector_store %arg3[%swap3A_1214, %swap3A_1215], %swap3A_1218 {strides = array<i32>} : memref<8x1024xf32, #tpu.memory_space<vmem>>, vector<1x16xf32>,
    %swap3A_1219 = arith.constant 3 : i32
    %swap3A_1220 = arith.index_cast %swap3A_1219 : i32 to index
    %swap3A_1221 = arith.constant 176 : index
    %swap3A_1222 = tpu.vector_load %arg3[%swap3A_1220, %swap3A_1221] {strides = array<i32>} : memref<8x1024xf32, #tpu.memory_space<vmem>>, vector<1x16xf32>,
    %swap3A_1223 = vector.shape_cast %swap3A_1222 : vector<1x16xf32> to vector<16xf32>
    %swap3A_1224 = vector.shape_cast %broadcast_in_dim3A_1 : vector<16xf32> to vector<1x16xf32>
    tpu.vector_store %arg3[%swap3A_1220, %swap3A_1221], %swap3A_1224 {strides = array<i32>} : memref<8x1024xf32, #tpu.memory_space<vmem>>, vector<1x16xf32>,
    %swap3A_1225 = arith.constant 3 : i32
    %swap3A_1226 = arith.index_cast %swap3A_1225 : i32 to index
    %swap3A_1227 = arith.constant 192 : index
    %swap3A_1228 = tpu.vector_load %arg3[%swap3A_1226, %swap3A_1227] {strides = array<i32>} : memref<8x1024xf32, #tpu.memory_space<vmem>>, vector<1x16xf32>,
    %swap3A_1229 = vector.shape_cast %swap3A_1228 : vector<1x16xf32> to vector<16xf32>
    %swap3A_1230 = vector.shape_cast %broadcast_in_dim3A_1 : vector<16xf32> to vector<1x16xf32>
    tpu.vector_store %arg3[%swap3A_1226, %swap3A_1227], %swap3A_1230 {strides = array<i32>} : memref<8x1024xf32, #tpu.memory_space<vmem>>, vector<1x16xf32>,
    %swap3A_1231 = arith.constant 3 : i32
    %swap3A_1232 = arith.index_cast %swap3A_1231 : i32 to index
    %swap3A_1233 = arith.constant 208 : index
    %swap3A_1234 = tpu.vector_load %arg3[%swap3A_1232, %swap3A_1233] {strides = array<i32>} : memref<8x1024xf32, #tpu.memory_space<vmem>>, vector<1x16xf32>,
    %swap3A_1235 = vector.shape_cast %swap3A_1234 : vector<1x16xf32> to vector<16xf32>
    %swap3A_1236 = vector.shape_cast %broadcast_in_dim3A_1 : vector<16xf32> to vector<1x16xf32>
    tpu.vector_store %arg3[%swap3A_1232, %swap3A_1233], %swap3A_1236 {strides = array<i32>} : memref<8x1024xf32, #tpu.memory_space<vmem>>, vector<1x16xf32>,
    %swap3A_1237 = arith.constant 3 : i32
    %swap3A_1238 = arith.index_cast %swap3A_1237 : i32 to index
    %swap3A_1239 = arith.constant 224 : index
    %swap3A_1240 = tpu.vector_load %arg3[%swap3A_1238, %swap3A_1239] {strides = array<i32>} : memref<8x1024xf32, #tpu.memory_space<vmem>>, vector<1x16xf32>,
    %swap3A_1241 = vector.shape_cast %swap3A_1240 : vector<1x16xf32> to vector<16xf32>
    %swap3A_1242 = vector.shape_cast %broadcast_in_dim3A_1 : vector<16xf32> to vector<1x16xf32>
    tpu.vector_store %arg3[%swap3A_1238, %swap3A_1239], %swap3A_1242 {strides = array<i32>} : memref<8x1024xf32, #tpu.memory_space<vmem>>, vector<1x16xf32>,
    %swap3A_1243 = arith.constant 3 : i32
    %swap3A_1244 = arith.index_cast %swap3A_1243 : i32 to index
    %swap3A_1245 = arith.constant 240 : index
    %swap3A_1246 = tpu.vector_load %arg3[%swap3A_1244, %swap3A_1245] {strides = array<i32>} : memref<8x1024xf32, #tpu.memory_space<vmem>>, vector<1x16xf32>,
    %swap3A_1247 = vector.shape_cast %swap3A_1246 : vector<1x16xf32> to vector<16xf32>
    %swap3A_1248 = vector.shape_cast %broadcast_in_dim3A_1 : vector<16xf32> to vector<1x16xf32>
    tpu.vector_store %arg3[%swap3A_1244, %swap3A_1245], %swap3A_1248 {strides = array<i32>} : memref<8x1024xf32, #tpu.memory_space<vmem>>, vector<1x16xf32>,
    %swap3A_1249 = arith.constant 3 : i32
    %swap3A_1250 = arith.index_cast %swap3A_1249 : i32 to index
    %swap3A_1251 = arith.constant 256 : index
    %swap3A_1252 = tpu.vector_load %arg3[%swap3A_1250, %swap3A_1251] {strides = array<i32>} : memref<8x1024xf32, #tpu.memory_space<vmem>>, vector<1x16xf32>,
    %swap3A_1253 = vector.shape_cast %swap3A_1252 : vector<1x16xf32> to vector<16xf32>
    %swap3A_1254 = vector.shape_cast %broadcast_in_dim3A_1 : vector<16xf32> to vector<1x16xf32>
    tpu.vector_store %arg3[%swap3A_1250, %swap3A_1251], %swap3A_1254 {strides = array<i32>} : memref<8x1024xf32, #tpu.memory_space<vmem>>, vector<1x16xf32>,
    %swap3A_1255 = arith.constant 3 : i32
    %swap3A_1256 = arith.index_cast %swap3A_1255 : i32 to index
    %swap3A_1257 = arith.constant 272 : index
    %swap3A_1258 = tpu.vector_load %arg3[%swap3A_1256, %swap3A_1257] {strides = array<i32>} : memref<8x1024xf32, #tpu.memory_space<vmem>>, vector<1x16xf32>,
    %swap3A_1259 = vector.shape_cast %swap3A_1258 : vector<1x16xf32> to vector<16xf32>
    %swap3A_1260 = vector.shape_cast %broadcast_in_dim3A_1 : vector<16xf32> to vector<1x16xf32>
    tpu.vector_store %arg3[%swap3A_1256, %swap3A_1257], %swap3A_1260 {strides = array<i32>} : memref<8x1024xf32, #tpu.memory_space<vmem>>, vector<1x16xf32>,
    %swap3A_1261 = arith.constant 3 : i32
    %swap3A_1262 = arith.index_cast %swap3A_1261 : i32 to index
    %swap3A_1263 = arith.constant 288 : index
    %swap3A_1264 = tpu.vector_load %arg3[%swap3A_1262, %swap3A_1263] {strides = array<i32>} : memref<8x1024xf32, #tpu.memory_space<vmem>>, vector<1x16xf32>,
    %swap3A_1265 = vector.shape_cast %swap3A_1264 : vector<1x16xf32> to vector<16xf32>
    %swap3A_1266 = vector.shape_cast %broadcast_in_dim3A_1 : vector<16xf32> to vector<1x16xf32>
    tpu.vector_store %arg3[%swap3A_1262, %swap3A_1263], %swap3A_1266 {strides = array<i32>} : memref<8x1024xf32, #tpu.memory_space<vmem>>, vector<1x16xf32>,
    %swap3A_1267 = arith.constant 3 : i32
    %swap3A_1268 = arith.index_cast %swap3A_1267 : i32 to index
    %swap3A_1269 = arith.constant 304 : index
    %swap3A_1270 = tpu.vector_load %arg3[%swap3A_1268, %swap3A_1269] {strides = array<i32>} : memref<8x1024xf32, #tpu.memory_space<vmem>>, vector<1x16xf32>,
    %swap3A_1271 = vector.shape_cast %swap3A_1270 : vector<1x16xf32> to vector<16xf32>
    %swap3A_1272 = vector.shape_cast %broadcast_in_dim3A_1 : vector<16xf32> to vector<1x16xf32>
    tpu.vector_store %arg3[%swap3A_1268, %swap3A_1269], %swap3A_1272 {strides = array<i32>} : memref<8x1024xf32, #tpu.memory_space<vmem>>, vector<1x16xf32>,
    %swap3A_1273 = arith.constant 3 : i32
    %swap3A_1274 = arith.index_cast %swap3A_1273 : i32 to index
    %swap3A_1275 = arith.constant 320 : index
    %swap3A_1276 = tpu.vector_load %arg3[%swap3A_1274, %swap3A_1275] {strides = array<i32>} : memref<8x1024xf32, #tpu.memory_space<vmem>>, vector<1x16xf32>,
    %swap3A_1277 = vector.shape_cast %swap3A_1276 : vector<1x16xf32> to vector<16xf32>
    %swap3A_1278 = vector.shape_cast %broadcast_in_dim3A_1 : vector<16xf32> to vector<1x16xf32>
    tpu.vector_store %arg3[%swap3A_1274, %swap3A_1275], %swap3A_1278 {strides = array<i32>} : memref<8x1024xf32, #tpu.memory_space<vmem>>, vector<1x16xf32>,
    %swap3A_1279 = arith.constant 3 : i32
    %swap3A_1280 = arith.index_cast %swap3A_1279 : i32 to index
    %swap3A_1281 = arith.constant 336 : index
    %swap3A_1282 = tpu.vector_load %arg3[%swap3A_1280, %swap3A_1281] {strides = array<i32>} : memref<8x1024xf32, #tpu.memory_space<vmem>>, vector<1x16xf32>,
    %swap3A_1283 = vector.shape_cast %swap3A_1282 : vector<1x16xf32> to vector<16xf32>
    %swap3A_1284 = vector.shape_cast %broadcast_in_dim3A_1 : vector<16xf32> to vector<1x16xf32>
    tpu.vector_store %arg3[%swap3A_1280, %swap3A_1281], %swap3A_1284 {strides = array<i32>} : memref<8x1024xf32, #tpu.memory_space<vmem>>, vector<1x16xf32>,
    %swap3A_1285 = arith.constant 3 : i32
    %swap3A_1286 = arith.index_cast %swap3A_1285 : i32 to index
    %swap3A_1287 = arith.constant 352 : index
    %swap3A_1288 = tpu.vector_load %arg3[%swap3A_1286, %swap3A_1287] {strides = array<i32>} : memref<8x1024xf32, #tpu.memory_space<vmem>>, vector<1x16xf32>,
    %swap3A_1289 = vector.shape_cast %swap3A_1288 : vector<1x16xf32> to vector<16xf32>
    %swap3A_1290 = vector.shape_cast %broadcast_in_dim3A_1 : vector<16xf32> to vector<1x16xf32>
    tpu.vector_store %arg3[%swap3A_1286, %swap3A_1287], %swap3A_1290 {strides = array<i32>} : memref<8x1024xf32, #tpu.memory_space<vmem>>, vector<1x16xf32>,
    %swap3A_1291 = arith.constant 3 : i32
    %swap3A_1292 = arith.index_cast %swap3A_1291 : i32 to index
    %swap3A_1293 = arith.constant 368 : index
    %swap3A_1294 = tpu.vector_load %arg3[%swap3A_1292, %swap3A_1293] {strides = array<i32>} : memref<8x1024xf32, #tpu.memory_space<vmem>>, vector<1x16xf32>,
    %swap3A_1295 = vector.shape_cast %swap3A_1294 : vector<1x16xf32> to vector<16xf32>
    %swap3A_1296 = vector.shape_cast %broadcast_in_dim3A_1 : vector<16xf32> to vector<1x16xf32>
    tpu.vector_store %arg3[%swap3A_1292, %swap3A_1293], %swap3A_1296 {strides = array<i32>} : memref<8x1024xf32, #tpu.memory_space<vmem>>, vector<1x16xf32>,
    %swap3A_1297 = arith.constant 3 : i32
    %swap3A_1298 = arith.index_cast %swap3A_1297 : i32 to index
    %swap3A_1299 = arith.constant 384 : index
    %swap3A_1300 = tpu.vector_load %arg3[%swap3A_1298, %swap3A_1299] {strides = array<i32>} : memref<8x1024xf32, #tpu.memory_space<vmem>>, vector<1x16xf32>,
    %swap3A_1301 = vector.shape_cast %swap3A_1300 : vector<1x16xf32> to vector<16xf32>
    %swap3A_1302 = vector.shape_cast %broadcast_in_dim3A_1 : vector<16xf32> to vector<1x16xf32>
    tpu.vector_store %arg3[%swap3A_1298, %swap3A_1299], %swap3A_1302 {strides = array<i32>} : memref<8x1024xf32, #tpu.memory_space<vmem>>, vector<1x16xf32>,
    %swap3A_1303 = arith.constant 3 : i32
    %swap3A_1304 = arith.index_cast %swap3A_1303 : i32 to index
    %swap3A_1305 = arith.constant 400 : index
    %swap3A_1306 = tpu.vector_load %arg3[%swap3A_1304, %swap3A_1305] {strides = array<i32>} : memref<8x1024xf32, #tpu.memory_space<vmem>>, vector<1x16xf32>,
    %swap3A_1307 = vector.shape_cast %swap3A_1306 : vector<1x16xf32> to vector<16xf32>
    %swap3A_1308 = vector.shape_cast %broadcast_in_dim3A_1 : vector<16xf32> to vector<1x16xf32>
    tpu.vector_store %arg3[%swap3A_1304, %swap3A_1305], %swap3A_1308 {strides = array<i32>} : memref<8x1024xf32, #tpu.memory_space<vmem>>, vector<1x16xf32>,
    %swap3A_1309 = arith.constant 3 : i32
    %swap3A_1310 = arith.index_cast %swap3A_1309 : i32 to index
    %swap3A_1311 = arith.constant 416 : index
    %swap3A_1312 = tpu.vector_load %arg3[%swap3A_1310, %swap3A_1311] {strides = array<i32>} : memref<8x1024xf32, #tpu.memory_space<vmem>>, vector<1x16xf32>,
    %swap3A_1313 = vector.shape_cast %swap3A_1312 : vector<1x16xf32> to vector<16xf32>
    %swap3A_1314 = vector.shape_cast %broadcast_in_dim3A_1 : vector<16xf32> to vector<1x16xf32>
    tpu.vector_store %arg3[%swap3A_1310, %swap3A_1311], %swap3A_1314 {strides = array<i32>} : memref<8x1024xf32, #tpu.memory_space<vmem>>, vector<1x16xf32>,
    %swap3A_1315 = arith.constant 3 : i32
    %swap3A_1316 = arith.index_cast %swap3A_1315 : i32 to index
    %swap3A_1317 = arith.constant 432 : index
    %swap3A_1318 = tpu.vector_load %arg3[%swap3A_1316, %swap3A_1317] {strides = array<i32>} : memref<8x1024xf32, #tpu.memory_space<vmem>>, vector<1x16xf32>,
    %swap3A_1319 = vector.shape_cast %swap3A_1318 : vector<1x16xf32> to vector<16xf32>
    %swap3A_1320 = vector.shape_cast %broadcast_in_dim3A_1 : vector<16xf32> to vector<1x16xf32>
    tpu.vector_store %arg3[%swap3A_1316, %swap3A_1317], %swap3A_1320 {strides = array<i32>} : memref<8x1024xf32, #tpu.memory_space<vmem>>, vector<1x16xf32>,
    %swap3A_1321 = arith.constant 3 : i32
    %swap3A_1322 = arith.index_cast %swap3A_1321 : i32 to index
    %swap3A_1323 = arith.constant 448 : index
    %swap3A_1324 = tpu.vector_load %arg3[%swap3A_1322, %swap3A_1323] {strides = array<i32>} : memref<8x1024xf32, #tpu.memory_space<vmem>>, vector<1x16xf32>,
    %swap3A_1325 = vector.shape_cast %swap3A_1324 : vector<1x16xf32> to vector<16xf32>
    %swap3A_1326 = vector.shape_cast %broadcast_in_dim3A_1 : vector<16xf32> to vector<1x16xf32>
    tpu.vector_store %arg3[%swap3A_1322, %swap3A_1323], %swap3A_1326 {strides = array<i32>} : memref<8x1024xf32, #tpu.memory_space<vmem>>, vector<1x16xf32>,
    %swap3A_1327 = arith.constant 3 : i32
    %swap3A_1328 = arith.index_cast %swap3A_1327 : i32 to index
    %swap3A_1329 = arith.constant 464 : index
    %swap3A_1330 = tpu.vector_load %arg3[%swap3A_1328, %swap3A_1329] {strides = array<i32>} : memref<8x1024xf32, #tpu.memory_space<vmem>>, vector<1x16xf32>,
    %swap3A_1331 = vector.shape_cast %swap3A_1330 : vector<1x16xf32> to vector<16xf32>
    %swap3A_1332 = vector.shape_cast %broadcast_in_dim3A_1 : vector<16xf32> to vector<1x16xf32>
    tpu.vector_store %arg3[%swap3A_1328, %swap3A_1329], %swap3A_1332 {strides = array<i32>} : memref<8x1024xf32, #tpu.memory_space<vmem>>, vector<1x16xf32>,
    %swap3A_1333 = arith.constant 3 : i32
    %swap3A_1334 = arith.index_cast %swap3A_1333 : i32 to index
    %swap3A_1335 = arith.constant 480 : index
    %swap3A_1336 = tpu.vector_load %arg3[%swap3A_1334, %swap3A_1335] {strides = array<i32>} : memref<8x1024xf32, #tpu.memory_space<vmem>>, vector<1x16xf32>,
    %swap3A_1337 = vector.shape_cast %swap3A_1336 : vector<1x16xf32> to vector<16xf32>
    %swap3A_1338 = vector.shape_cast %broadcast_in_dim3A_1 : vector<16xf32> to vector<1x16xf32>
    tpu.vector_store %arg3[%swap3A_1334, %swap3A_1335], %swap3A_1338 {strides = array<i32>} : memref<8x1024xf32, #tpu.memory_space<vmem>>, vector<1x16xf32>,
    %swap3A_1339 = arith.constant 3 : i32
    %swap3A_1340 = arith.index_cast %swap3A_1339 : i32 to index
    %swap3A_1341 = arith.constant 496 : index
    %swap3A_1342 = tpu.vector_load %arg3[%swap3A_1340, %swap3A_1341] {strides = array<i32>} : memref<8x1024xf32, #tpu.memory_space<vmem>>, vector<1x16xf32>,
    %swap3A_1343 = vector.shape_cast %swap3A_1342 : vector<1x16xf32> to vector<16xf32>
    %swap3A_1344 = vector.shape_cast %broadcast_in_dim3A_1 : vector<16xf32> to vector<1x16xf32>
    tpu.vector_store %arg3[%swap3A_1340, %swap3A_1341], %swap3A_1344 {strides = array<i32>} : memref<8x1024xf32, #tpu.memory_space<vmem>>, vector<1x16xf32>,
    %swap3A_1345 = arith.constant 3 : i32
    %swap3A_1346 = arith.index_cast %swap3A_1345 : i32 to index
    %swap3A_1347 = arith.constant 512 : index
    %swap3A_1348 = tpu.vector_load %arg3[%swap3A_1346, %swap3A_1347] {strides = array<i32>} : memref<8x1024xf32, #tpu.memory_space<vmem>>, vector<1x16xf32>,
    %swap3A_1349 = vector.shape_cast %swap3A_1348 : vector<1x16xf32> to vector<16xf32>
    %swap3A_1350 = vector.shape_cast %broadcast_in_dim3A_1 : vector<16xf32> to vector<1x16xf32>
    tpu.vector_store %arg3[%swap3A_1346, %swap3A_1347], %swap3A_1350 {strides = array<i32>} : memref<8x1024xf32, #tpu.memory_space<vmem>>, vector<1x16xf32>,
    %swap3A_1351 = arith.constant 3 : i32
    %swap3A_1352 = arith.index_cast %swap3A_1351 : i32 to index
    %swap3A_1353 = arith.constant 528 : index
    %swap3A_1354 = tpu.vector_load %arg3[%swap3A_1352, %swap3A_1353] {strides = array<i32>} : memref<8x1024xf32, #tpu.memory_space<vmem>>, vector<1x16xf32>,
    %swap3A_1355 = vector.shape_cast %swap3A_1354 : vector<1x16xf32> to vector<16xf32>
    %swap3A_1356 = vector.shape_cast %broadcast_in_dim3A_1 : vector<16xf32> to vector<1x16xf32>
    tpu.vector_store %arg3[%swap3A_1352, %swap3A_1353], %swap3A_1356 {strides = array<i32>} : memref<8x1024xf32, #tpu.memory_space<vmem>>, vector<1x16xf32>,
    %swap3A_1357 = arith.constant 3 : i32
    %swap3A_1358 = arith.index_cast %swap3A_1357 : i32 to index
    %swap3A_1359 = arith.constant 544 : index
    %swap3A_1360 = tpu.vector_load %arg3[%swap3A_1358, %swap3A_1359] {strides = array<i32>} : memref<8x1024xf32, #tpu.memory_space<vmem>>, vector<1x16xf32>,
    %swap3A_1361 = vector.shape_cast %swap3A_1360 : vector<1x16xf32> to vector<16xf32>
    %swap3A_1362 = vector.shape_cast %broadcast_in_dim3A_1 : vector<16xf32> to vector<1x16xf32>
    tpu.vector_store %arg3[%swap3A_1358, %swap3A_1359], %swap3A_1362 {strides = array<i32>} : memref<8x1024xf32, #tpu.memory_space<vmem>>, vector<1x16xf32>,
    %swap3A_1363 = arith.constant 3 : i32
    %swap3A_1364 = arith.index_cast %swap3A_1363 : i32 to index
    %swap3A_1365 = arith.constant 560 : index
    %swap3A_1366 = tpu.vector_load %arg3[%swap3A_1364, %swap3A_1365] {strides = array<i32>} : memref<8x1024xf32, #tpu.memory_space<vmem>>, vector<1x16xf32>,
    %swap3A_1367 = vector.shape_cast %swap3A_1366 : vector<1x16xf32> to vector<16xf32>
    %swap3A_1368 = vector.shape_cast %broadcast_in_dim3A_1 : vector<16xf32> to vector<1x16xf32>
    tpu.vector_store %arg3[%swap3A_1364, %swap3A_1365], %swap3A_1368 {strides = array<i32>} : memref<8x1024xf32, #tpu.memory_space<vmem>>, vector<1x16xf32>,
    %swap3A_1369 = arith.constant 3 : i32
    %swap3A_1370 = arith.index_cast %swap3A_1369 : i32 to index
    %swap3A_1371 = arith.constant 576 : index
    %swap3A_1372 = tpu.vector_load %arg3[%swap3A_1370, %swap3A_1371] {strides = array<i32>} : memref<8x1024xf32, #tpu.memory_space<vmem>>, vector<1x16xf32>,
    %swap3A_1373 = vector.shape_cast %swap3A_1372 : vector<1x16xf32> to vector<16xf32>
    %swap3A_1374 = vector.shape_cast %broadcast_in_dim3A_1 : vector<16xf32> to vector<1x16xf32>
    tpu.vector_store %arg3[%swap3A_1370, %swap3A_1371], %swap3A_1374 {strides = array<i32>} : memref<8x1024xf32, #tpu.memory_space<vmem>>, vector<1x16xf32>,
    %swap3A_1375 = arith.constant 3 : i32
    %swap3A_1376 = arith.index_cast %swap3A_1375 : i32 to index
    %swap3A_1377 = arith.constant 592 : index
    %swap3A_1378 = tpu.vector_load %arg3[%swap3A_1376, %swap3A_1377] {strides = array<i32>} : memref<8x1024xf32, #tpu.memory_space<vmem>>, vector<1x16xf32>,
    %swap3A_1379 = vector.shape_cast %swap3A_1378 : vector<1x16xf32> to vector<16xf32>
    %swap3A_1380 = vector.shape_cast %broadcast_in_dim3A_1 : vector<16xf32> to vector<1x16xf32>
    tpu.vector_store %arg3[%swap3A_1376, %swap3A_1377], %swap3A_1380 {strides = array<i32>} : memref<8x1024xf32, #tpu.memory_space<vmem>>, vector<1x16xf32>,
    %swap3A_1381 = arith.constant 3 : i32
    %swap3A_1382 = arith.index_cast %swap3A_1381 : i32 to index
    %swap3A_1383 = arith.constant 608 : index
    %swap3A_1384 = tpu.vector_load %arg3[%swap3A_1382, %swap3A_1383] {strides = array<i32>} : memref<8x1024xf32, #tpu.memory_space<vmem>>, vector<1x16xf32>,
    %swap3A_1385 = vector.shape_cast %swap3A_1384 : vector<1x16xf32> to vector<16xf32>
    %swap3A_1386 = vector.shape_cast %broadcast_in_dim3A_1 : vector<16xf32> to vector<1x16xf32>
    tpu.vector_store %arg3[%swap3A_1382, %swap3A_1383], %swap3A_1386 {strides = array<i32>} : memref<8x1024xf32, #tpu.memory_space<vmem>>, vector<1x16xf32>,
    %swap3A_1387 = arith.constant 3 : i32
    %swap3A_1388 = arith.index_cast %swap3A_1387 : i32 to index
    %swap3A_1389 = arith.constant 624 : index
    %swap3A_1390 = tpu.vector_load %arg3[%swap3A_1388, %swap3A_1389] {strides = array<i32>} : memref<8x1024xf32, #tpu.memory_space<vmem>>, vector<1x16xf32>,
    %swap3A_1391 = vector.shape_cast %swap3A_1390 : vector<1x16xf32> to vector<16xf32>
    %swap3A_1392 = vector.shape_cast %broadcast_in_dim3A_1 : vector<16xf32> to vector<1x16xf32>
    tpu.vector_store %arg3[%swap3A_1388, %swap3A_1389], %swap3A_1392 {strides = array<i32>} : memref<8x1024xf32, #tpu.memory_space<vmem>>, vector<1x16xf32>,
    %swap3A_1393 = arith.constant 3 : i32
    %swap3A_1394 = arith.index_cast %swap3A_1393 : i32 to index
    %swap3A_1395 = arith.constant 640 : index
    %swap3A_1396 = tpu.vector_load %arg3[%swap3A_1394, %swap3A_1395] {strides = array<i32>} : memref<8x1024xf32, #tpu.memory_space<vmem>>, vector<1x16xf32>,
    %swap3A_1397 = vector.shape_cast %swap3A_1396 : vector<1x16xf32> to vector<16xf32>
    %swap3A_1398 = vector.shape_cast %broadcast_in_dim3A_1 : vector<16xf32> to vector<1x16xf32>
    tpu.vector_store %arg3[%swap3A_1394, %swap3A_1395], %swap3A_1398 {strides = array<i32>} : memref<8x1024xf32, #tpu.memory_space<vmem>>, vector<1x16xf32>,
    %swap3A_1399 = arith.constant 3 : i32
    %swap3A_1400 = arith.index_cast %swap3A_1399 : i32 to index
    %swap3A_1401 = arith.constant 656 : index
    %swap3A_1402 = tpu.vector_load %arg3[%swap3A_1400, %swap3A_1401] {strides = array<i32>} : memref<8x1024xf32, #tpu.memory_space<vmem>>, vector<1x16xf32>,
    %swap3A_1403 = vector.shape_cast %swap3A_1402 : vector<1x16xf32> to vector<16xf32>
    %swap3A_1404 = vector.shape_cast %broadcast_in_dim3A_1 : vector<16xf32> to vector<1x16xf32>
    tpu.vector_store %arg3[%swap3A_1400, %swap3A_1401], %swap3A_1404 {strides = array<i32>} : memref<8x1024xf32, #tpu.memory_space<vmem>>, vector<1x16xf32>,
    %swap3A_1405 = arith.constant 3 : i32
    %swap3A_1406 = arith.index_cast %swap3A_1405 : i32 to index
    %swap3A_1407 = arith.constant 672 : index
    %swap3A_1408 = tpu.vector_load %arg3[%swap3A_1406, %swap3A_1407] {strides = array<i32>} : memref<8x1024xf32, #tpu.memory_space<vmem>>, vector<1x16xf32>,
    %swap3A_1409 = vector.shape_cast %swap3A_1408 : vector<1x16xf32> to vector<16xf32>
    %swap3A_1410 = vector.shape_cast %broadcast_in_dim3A_1 : vector<16xf32> to vector<1x16xf32>
    tpu.vector_store %arg3[%swap3A_1406, %swap3A_1407], %swap3A_1410 {strides = array<i32>} : memref<8x1024xf32, #tpu.memory_space<vmem>>, vector<1x16xf32>,
    %swap3A_1411 = arith.constant 3 : i32
    %swap3A_1412 = arith.index_cast %swap3A_1411 : i32 to index
    %swap3A_1413 = arith.constant 688 : index
    %swap3A_1414 = tpu.vector_load %arg3[%swap3A_1412, %swap3A_1413] {strides = array<i32>} : memref<8x1024xf32, #tpu.memory_space<vmem>>, vector<1x16xf32>,
    %swap3A_1415 = vector.shape_cast %swap3A_1414 : vector<1x16xf32> to vector<16xf32>
    %swap3A_1416 = vector.shape_cast %broadcast_in_dim3A_1 : vector<16xf32> to vector<1x16xf32>
    tpu.vector_store %arg3[%swap3A_1412, %swap3A_1413], %swap3A_1416 {strides = array<i32>} : memref<8x1024xf32, #tpu.memory_space<vmem>>, vector<1x16xf32>,
    %swap3A_1417 = arith.constant 3 : i32
    %swap3A_1418 = arith.index_cast %swap3A_1417 : i32 to index
    %swap3A_1419 = arith.constant 704 : index
    %swap3A_1420 = tpu.vector_load %arg3[%swap3A_1418, %swap3A_1419] {strides = array<i32>} : memref<8x1024xf32, #tpu.memory_space<vmem>>, vector<1x16xf32>,
    %swap3A_1421 = vector.shape_cast %swap3A_1420 : vector<1x16xf32> to vector<16xf32>
    %swap3A_1422 = vector.shape_cast %broadcast_in_dim3A_1 : vector<16xf32> to vector<1x16xf32>
    tpu.vector_store %arg3[%swap3A_1418, %swap3A_1419], %swap3A_1422 {strides = array<i32>} : memref<8x1024xf32, #tpu.memory_space<vmem>>, vector<1x16xf32>,
    %swap3A_1423 = arith.constant 3 : i32
    %swap3A_1424 = arith.index_cast %swap3A_1423 : i32 to index
    %swap3A_1425 = arith.constant 720 : index
    %swap3A_1426 = tpu.vector_load %arg3[%swap3A_1424, %swap3A_1425] {strides = array<i32>} : memref<8x1024xf32, #tpu.memory_space<vmem>>, vector<1x16xf32>,
    %swap3A_1427 = vector.shape_cast %swap3A_1426 : vector<1x16xf32> to vector<16xf32>
    %swap3A_1428 = vector.shape_cast %broadcast_in_dim3A_1 : vector<16xf32> to vector<1x16xf32>
    tpu.vector_store %arg3[%swap3A_1424, %swap3A_1425], %swap3A_1428 {strides = array<i32>} : memref<8x1024xf32, #tpu.memory_space<vmem>>, vector<1x16xf32>,
    %swap3A_1429 = arith.constant 3 : i32
    %swap3A_1430 = arith.index_cast %swap3A_1429 : i32 to index
    %swap3A_1431 = arith.constant 736 : index
    %swap3A_1432 = tpu.vector_load %arg3[%swap3A_1430, %swap3A_1431] {strides = array<i32>} : memref<8x1024xf32, #tpu.memory_space<vmem>>, vector<1x16xf32>,
    %swap3A_1433 = vector.shape_cast %swap3A_1432 : vector<1x16xf32> to vector<16xf32>
    %swap3A_1434 = vector.shape_cast %broadcast_in_dim3A_1 : vector<16xf32> to vector<1x16xf32>
    tpu.vector_store %arg3[%swap3A_1430, %swap3A_1431], %swap3A_1434 {strides = array<i32>} : memref<8x1024xf32, #tpu.memory_space<vmem>>, vector<1x16xf32>,
    %swap3A_1435 = arith.constant 3 : i32
    %swap3A_1436 = arith.index_cast %swap3A_1435 : i32 to index
    %swap3A_1437 = arith.constant 752 : index
    %swap3A_1438 = tpu.vector_load %arg3[%swap3A_1436, %swap3A_1437] {strides = array<i32>} : memref<8x1024xf32, #tpu.memory_space<vmem>>, vector<1x16xf32>,
    %swap3A_1439 = vector.shape_cast %swap3A_1438 : vector<1x16xf32> to vector<16xf32>
    %swap3A_1440 = vector.shape_cast %broadcast_in_dim3A_1 : vector<16xf32> to vector<1x16xf32>
    tpu.vector_store %arg3[%swap3A_1436, %swap3A_1437], %swap3A_1440 {strides = array<i32>} : memref<8x1024xf32, #tpu.memory_space<vmem>>, vector<1x16xf32>,
    %swap3A_1441 = arith.constant 3 : i32
    %swap3A_1442 = arith.index_cast %swap3A_1441 : i32 to index
    %swap3A_1443 = arith.constant 768 : index
    %swap3A_1444 = tpu.vector_load %arg3[%swap3A_1442, %swap3A_1443] {strides = array<i32>} : memref<8x1024xf32, #tpu.memory_space<vmem>>, vector<1x16xf32>,
    %swap3A_1445 = vector.shape_cast %swap3A_1444 : vector<1x16xf32> to vector<16xf32>
    %swap3A_1446 = vector.shape_cast %broadcast_in_dim3A_1 : vector<16xf32> to vector<1x16xf32>
    tpu.vector_store %arg3[%swap3A_1442, %swap3A_1443], %swap3A_1446 {strides = array<i32>} : memref<8x1024xf32, #tpu.memory_space<vmem>>, vector<1x16xf32>,
    %swap3A_1447 = arith.constant 3 : i32
    %swap3A_1448 = arith.index_cast %swap3A_1447 : i32 to index
    %swap3A_1449 = arith.constant 784 : index
    %swap3A_1450 = tpu.vector_load %arg3[%swap3A_1448, %swap3A_1449] {strides = array<i32>} : memref<8x1024xf32, #tpu.memory_space<vmem>>, vector<1x16xf32>,
    %swap3A_1451 = vector.shape_cast %swap3A_1450 : vector<1x16xf32> to vector<16xf32>
    %swap3A_1452 = vector.shape_cast %broadcast_in_dim3A_1 : vector<16xf32> to vector<1x16xf32>
    tpu.vector_store %arg3[%swap3A_1448, %swap3A_1449], %swap3A_1452 {strides = array<i32>} : memref<8x1024xf32, #tpu.memory_space<vmem>>, vector<1x16xf32>,
    %swap3A_1453 = arith.constant 3 : i32
    %swap3A_1454 = arith.index_cast %swap3A_1453 : i32 to index
    %swap3A_1455 = arith.constant 800 : index
    %swap3A_1456 = tpu.vector_load %arg3[%swap3A_1454, %swap3A_1455] {strides = array<i32>} : memref<8x1024xf32, #tpu.memory_space<vmem>>, vector<1x16xf32>,
    %swap3A_1457 = vector.shape_cast %swap3A_1456 : vector<1x16xf32> to vector<16xf32>
    %swap3A_1458 = vector.shape_cast %broadcast_in_dim3A_1 : vector<16xf32> to vector<1x16xf32>
    tpu.vector_store %arg3[%swap3A_1454, %swap3A_1455], %swap3A_1458 {strides = array<i32>} : memref<8x1024xf32, #tpu.memory_space<vmem>>, vector<1x16xf32>,
    %swap3A_1459 = arith.constant 3 : i32
    %swap3A_1460 = arith.index_cast %swap3A_1459 : i32 to index
    %swap3A_1461 = arith.constant 816 : index
    %swap3A_1462 = tpu.vector_load %arg3[%swap3A_1460, %swap3A_1461] {strides = array<i32>} : memref<8x1024xf32, #tpu.memory_space<vmem>>, vector<1x16xf32>,
    %swap3A_1463 = vector.shape_cast %swap3A_1462 : vector<1x16xf32> to vector<16xf32>
    %swap3A_1464 = vector.shape_cast %broadcast_in_dim3A_1 : vector<16xf32> to vector<1x16xf32>
    tpu.vector_store %arg3[%swap3A_1460, %swap3A_1461], %swap3A_1464 {strides = array<i32>} : memref<8x1024xf32, #tpu.memory_space<vmem>>, vector<1x16xf32>,
    %swap3A_1465 = arith.constant 3 : i32
    %swap3A_1466 = arith.index_cast %swap3A_1465 : i32 to index
    %swap3A_1467 = arith.constant 832 : index
    %swap3A_1468 = tpu.vector_load %arg3[%swap3A_1466, %swap3A_1467] {strides = array<i32>} : memref<8x1024xf32, #tpu.memory_space<vmem>>, vector<1x16xf32>,
    %swap3A_1469 = vector.shape_cast %swap3A_1468 : vector<1x16xf32> to vector<16xf32>
    %swap3A_1470 = vector.shape_cast %broadcast_in_dim3A_1 : vector<16xf32> to vector<1x16xf32>
    tpu.vector_store %arg3[%swap3A_1466, %swap3A_1467], %swap3A_1470 {strides = array<i32>} : memref<8x1024xf32, #tpu.memory_space<vmem>>, vector<1x16xf32>,
    %swap3A_1471 = arith.constant 3 : i32
    %swap3A_1472 = arith.index_cast %swap3A_1471 : i32 to index
    %swap3A_1473 = arith.constant 848 : index
    %swap3A_1474 = tpu.vector_load %arg3[%swap3A_1472, %swap3A_1473] {strides = array<i32>} : memref<8x1024xf32, #tpu.memory_space<vmem>>, vector<1x16xf32>,
    %swap3A_1475 = vector.shape_cast %swap3A_1474 : vector<1x16xf32> to vector<16xf32>
    %swap3A_1476 = vector.shape_cast %broadcast_in_dim3A_1 : vector<16xf32> to vector<1x16xf32>
    tpu.vector_store %arg3[%swap3A_1472, %swap3A_1473], %swap3A_1476 {strides = array<i32>} : memref<8x1024xf32, #tpu.memory_space<vmem>>, vector<1x16xf32>,
    %swap3A_1477 = arith.constant 3 : i32
    %swap3A_1478 = arith.index_cast %swap3A_1477 : i32 to index
    %swap3A_1479 = arith.constant 864 : index
    %swap3A_1480 = tpu.vector_load %arg3[%swap3A_1478, %swap3A_1479] {strides = array<i32>} : memref<8x1024xf32, #tpu.memory_space<vmem>>, vector<1x16xf32>,
    %swap3A_1481 = vector.shape_cast %swap3A_1480 : vector<1x16xf32> to vector<16xf32>
    %swap3A_1482 = vector.shape_cast %broadcast_in_dim3A_1 : vector<16xf32> to vector<1x16xf32>
    tpu.vector_store %arg3[%swap3A_1478, %swap3A_1479], %swap3A_1482 {strides = array<i32>} : memref<8x1024xf32, #tpu.memory_space<vmem>>, vector<1x16xf32>,
    %swap3A_1483 = arith.constant 3 : i32
    %swap3A_1484 = arith.index_cast %swap3A_1483 : i32 to index
    %swap3A_1485 = arith.constant 880 : index
    %swap3A_1486 = tpu.vector_load %arg3[%swap3A_1484, %swap3A_1485] {strides = array<i32>} : memref<8x1024xf32, #tpu.memory_space<vmem>>, vector<1x16xf32>,
    %swap3A_1487 = vector.shape_cast %swap3A_1486 : vector<1x16xf32> to vector<16xf32>
    %swap3A_1488 = vector.shape_cast %broadcast_in_dim3A_1 : vector<16xf32> to vector<1x16xf32>
    tpu.vector_store %arg3[%swap3A_1484, %swap3A_1485], %swap3A_1488 {strides = array<i32>} : memref<8x1024xf32, #tpu.memory_space<vmem>>, vector<1x16xf32>,
    %swap3A_1489 = arith.constant 3 : i32
    %swap3A_1490 = arith.index_cast %swap3A_1489 : i32 to index
    %swap3A_1491 = arith.constant 896 : index
    %swap3A_1492 = tpu.vector_load %arg3[%swap3A_1490, %swap3A_1491] {strides = array<i32>} : memref<8x1024xf32, #tpu.memory_space<vmem>>, vector<1x16xf32>,
    %swap3A_1493 = vector.shape_cast %swap3A_1492 : vector<1x16xf32> to vector<16xf32>
    %swap3A_1494 = vector.shape_cast %broadcast_in_dim3A_1 : vector<16xf32> to vector<1x16xf32>
    tpu.vector_store %arg3[%swap3A_1490, %swap3A_1491], %swap3A_1494 {strides = array<i32>} : memref<8x1024xf32, #tpu.memory_space<vmem>>, vector<1x16xf32>,
    %swap3A_1495 = arith.constant 3 : i32
    %swap3A_1496 = arith.index_cast %swap3A_1495 : i32 to index
    %swap3A_1497 = arith.constant 912 : index
    %swap3A_1498 = tpu.vector_load %arg3[%swap3A_1496, %swap3A_1497] {strides = array<i32>} : memref<8x1024xf32, #tpu.memory_space<vmem>>, vector<1x16xf32>,
    %swap3A_1499 = vector.shape_cast %swap3A_1498 : vector<1x16xf32> to vector<16xf32>
    %swap3A_1500 = vector.shape_cast %broadcast_in_dim3A_1 : vector<16xf32> to vector<1x16xf32>
    tpu.vector_store %arg3[%swap3A_1496, %swap3A_1497], %swap3A_1500 {strides = array<i32>} : memref<8x1024xf32, #tpu.memory_space<vmem>>, vector<1x16xf32>,
    %swap3A_1501 = arith.constant 3 : i32
    %swap3A_1502 = arith.index_cast %swap3A_1501 : i32 to index
    %swap3A_1503 = arith.constant 928 : index
    %swap3A_1504 = tpu.vector_load %arg3[%swap3A_1502, %swap3A_1503] {strides = array<i32>} : memref<8x1024xf32, #tpu.memory_space<vmem>>, vector<1x16xf32>,
    %swap3A_1505 = vector.shape_cast %swap3A_1504 : vector<1x16xf32> to vector<16xf32>
    %swap3A_1506 = vector.shape_cast %broadcast_in_dim3A_1 : vector<16xf32> to vector<1x16xf32>
    tpu.vector_store %arg3[%swap3A_1502, %swap3A_1503], %swap3A_1506 {strides = array<i32>} : memref<8x1024xf32, #tpu.memory_space<vmem>>, vector<1x16xf32>,
    %swap3A_1507 = arith.constant 3 : i32
    %swap3A_1508 = arith.index_cast %swap3A_1507 : i32 to index
    %swap3A_1509 = arith.constant 944 : index
    %swap3A_1510 = tpu.vector_load %arg3[%swap3A_1508, %swap3A_1509] {strides = array<i32>} : memref<8x1024xf32, #tpu.memory_space<vmem>>, vector<1x16xf32>,
    %swap3A_1511 = vector.shape_cast %swap3A_1510 : vector<1x16xf32> to vector<16xf32>
    %swap3A_1512 = vector.shape_cast %broadcast_in_dim3A_1 : vector<16xf32> to vector<1x16xf32>
    tpu.vector_store %arg3[%swap3A_1508, %swap3A_1509], %swap3A_1512 {strides = array<i32>} : memref<8x1024xf32, #tpu.memory_space<vmem>>, vector<1x16xf32>,
    %swap3A_1513 = arith.constant 3 : i32
    %swap3A_1514 = arith.index_cast %swap3A_1513 : i32 to index
    %swap3A_1515 = arith.constant 960 : index
    %swap3A_1516 = tpu.vector_load %arg3[%swap3A_1514, %swap3A_1515] {strides = array<i32>} : memref<8x1024xf32, #tpu.memory_space<vmem>>, vector<1x16xf32>,
    %swap3A_1517 = vector.shape_cast %swap3A_1516 : vector<1x16xf32> to vector<16xf32>
    %swap3A_1518 = vector.shape_cast %broadcast_in_dim3A_1 : vector<16xf32> to vector<1x16xf32>
    tpu.vector_store %arg3[%swap3A_1514, %swap3A_1515], %swap3A_1518 {strides = array<i32>} : memref<8x1024xf32, #tpu.memory_space<vmem>>, vector<1x16xf32>,
    %swap3A_1519 = arith.constant 3 : i32
    %swap3A_1520 = arith.index_cast %swap3A_1519 : i32 to index
    %swap3A_1521 = arith.constant 976 : index
    %swap3A_1522 = tpu.vector_load %arg3[%swap3A_1520, %swap3A_1521] {strides = array<i32>} : memref<8x1024xf32, #tpu.memory_space<vmem>>, vector<1x16xf32>,
    %swap3A_1523 = vector.shape_cast %swap3A_1522 : vector<1x16xf32> to vector<16xf32>
    %swap3A_1524 = vector.shape_cast %broadcast_in_dim3A_1 : vector<16xf32> to vector<1x16xf32>
    tpu.vector_store %arg3[%swap3A_1520, %swap3A_1521], %swap3A_1524 {strides = array<i32>} : memref<8x1024xf32, #tpu.memory_space<vmem>>, vector<1x16xf32>,
    %swap3A_1525 = arith.constant 3 : i32
    %swap3A_1526 = arith.index_cast %swap3A_1525 : i32 to index
    %swap3A_1527 = arith.constant 992 : index
    %swap3A_1528 = tpu.vector_load %arg3[%swap3A_1526, %swap3A_1527] {strides = array<i32>} : memref<8x1024xf32, #tpu.memory_space<vmem>>, vector<1x16xf32>,
    %swap3A_1529 = vector.shape_cast %swap3A_1528 : vector<1x16xf32> to vector<16xf32>
    %swap3A_1530 = vector.shape_cast %broadcast_in_dim3A_1 : vector<16xf32> to vector<1x16xf32>
    tpu.vector_store %arg3[%swap3A_1526, %swap3A_1527], %swap3A_1530 {strides = array<i32>} : memref<8x1024xf32, #tpu.memory_space<vmem>>, vector<1x16xf32>,
    %swap3A_1531 = arith.constant 3 : i32
    %swap3A_1532 = arith.index_cast %swap3A_1531 : i32 to index
    %swap3A_1533 = arith.constant 1008 : index
    %swap3A_1534 = tpu.vector_load %arg3[%swap3A_1532, %swap3A_1533] {strides = array<i32>} : memref<8x1024xf32, #tpu.memory_space<vmem>>, vector<1x16xf32>,
    %swap3A_1535 = vector.shape_cast %swap3A_1534 : vector<1x16xf32> to vector<16xf32>
    %swap3A_1536 = vector.shape_cast %broadcast_in_dim3A_1 : vector<16xf32> to vector<1x16xf32>
    tpu.vector_store %arg3[%swap3A_1532, %swap3A_1533], %swap3A_1536 {strides = array<i32>} : memref<8x1024xf32, #tpu.memory_space<vmem>>, vector<1x16xf32>,
    %swap3A_1537 = arith.constant 4 : i32
    %swap3A_1538 = arith.index_cast %swap3A_1537 : i32 to index
    %swap3A_1539 = arith.constant 0 : index
    %swap3A_1540 = tpu.vector_load %arg3[%swap3A_1538, %swap3A_1539] {strides = array<i32>} : memref<8x1024xf32, #tpu.memory_space<vmem>>, vector<1x16xf32>,
    %swap3A_1541 = vector.shape_cast %swap3A_1540 : vector<1x16xf32> to vector<16xf32>
    %swap3A_1542 = vector.shape_cast %broadcast_in_dim3A_1 : vector<16xf32> to vector<1x16xf32>
    tpu.vector_store %arg3[%swap3A_1538, %swap3A_1539], %swap3A_1542 {strides = array<i32>} : memref<8x1024xf32, #tpu.memory_space<vmem>>, vector<1x16xf32>,
    %swap3A_1543 = arith.constant 4 : i32
    %swap3A_1544 = arith.index_cast %swap3A_1543 : i32 to index
    %swap3A_1545 = arith.constant 16 : index
    %swap3A_1546 = tpu.vector_load %arg3[%swap3A_1544, %swap3A_1545] {strides = array<i32>} : memref<8x1024xf32, #tpu.memory_space<vmem>>, vector<1x16xf32>,
    %swap3A_1547 = vector.shape_cast %swap3A_1546 : vector<1x16xf32> to vector<16xf32>
    %swap3A_1548 = vector.shape_cast %broadcast_in_dim3A_1 : vector<16xf32> to vector<1x16xf32>
    tpu.vector_store %arg3[%swap3A_1544, %swap3A_1545], %swap3A_1548 {strides = array<i32>} : memref<8x1024xf32, #tpu.memory_space<vmem>>, vector<1x16xf32>,
    %swap3A_1549 = arith.constant 4 : i32
    %swap3A_1550 = arith.index_cast %swap3A_1549 : i32 to index
    %swap3A_1551 = arith.constant 32 : index
    %swap3A_1552 = tpu.vector_load %arg3[%swap3A_1550, %swap3A_1551] {strides = array<i32>} : memref<8x1024xf32, #tpu.memory_space<vmem>>, vector<1x16xf32>,
    %swap3A_1553 = vector.shape_cast %swap3A_1552 : vector<1x16xf32> to vector<16xf32>
    %swap3A_1554 = vector.shape_cast %broadcast_in_dim3A_1 : vector<16xf32> to vector<1x16xf32>
    tpu.vector_store %arg3[%swap3A_1550, %swap3A_1551], %swap3A_1554 {strides = array<i32>} : memref<8x1024xf32, #tpu.memory_space<vmem>>, vector<1x16xf32>,
    %swap3A_1555 = arith.constant 4 : i32
    %swap3A_1556 = arith.index_cast %swap3A_1555 : i32 to index
    %swap3A_1557 = arith.constant 48 : index
    %swap3A_1558 = tpu.vector_load %arg3[%swap3A_1556, %swap3A_1557] {strides = array<i32>} : memref<8x1024xf32, #tpu.memory_space<vmem>>, vector<1x16xf32>,
    %swap3A_1559 = vector.shape_cast %swap3A_1558 : vector<1x16xf32> to vector<16xf32>
    %swap3A_1560 = vector.shape_cast %broadcast_in_dim3A_1 : vector<16xf32> to vector<1x16xf32>
    tpu.vector_store %arg3[%swap3A_1556, %swap3A_1557], %swap3A_1560 {strides = array<i32>} : memref<8x1024xf32, #tpu.memory_space<vmem>>, vector<1x16xf32>,
    %swap3A_1561 = arith.constant 4 : i32
    %swap3A_1562 = arith.index_cast %swap3A_1561 : i32 to index
    %swap3A_1563 = arith.constant 64 : index
    %swap3A_1564 = tpu.vector_load %arg3[%swap3A_1562, %swap3A_1563] {strides = array<i32>} : memref<8x1024xf32, #tpu.memory_space<vmem>>, vector<1x16xf32>,
    %swap3A_1565 = vector.shape_cast %swap3A_1564 : vector<1x16xf32> to vector<16xf32>
    %swap3A_1566 = vector.shape_cast %broadcast_in_dim3A_1 : vector<16xf32> to vector<1x16xf32>
    tpu.vector_store %arg3[%swap3A_1562, %swap3A_1563], %swap3A_1566 {strides = array<i32>} : memref<8x1024xf32, #tpu.memory_space<vmem>>, vector<1x16xf32>,
    %swap3A_1567 = arith.constant 4 : i32
    %swap3A_1568 = arith.index_cast %swap3A_1567 : i32 to index
    %swap3A_1569 = arith.constant 80 : index
    %swap3A_1570 = tpu.vector_load %arg3[%swap3A_1568, %swap3A_1569] {strides = array<i32>} : memref<8x1024xf32, #tpu.memory_space<vmem>>, vector<1x16xf32>,
    %swap3A_1571 = vector.shape_cast %swap3A_1570 : vector<1x16xf32> to vector<16xf32>
    %swap3A_1572 = vector.shape_cast %broadcast_in_dim3A_1 : vector<16xf32> to vector<1x16xf32>
    tpu.vector_store %arg3[%swap3A_1568, %swap3A_1569], %swap3A_1572 {strides = array<i32>} : memref<8x1024xf32, #tpu.memory_space<vmem>>, vector<1x16xf32>,
    %swap3A_1573 = arith.constant 4 : i32
    %swap3A_1574 = arith.index_cast %swap3A_1573 : i32 to index
    %swap3A_1575 = arith.constant 96 : index
    %swap3A_1576 = tpu.vector_load %arg3[%swap3A_1574, %swap3A_1575] {strides = array<i32>} : memref<8x1024xf32, #tpu.memory_space<vmem>>, vector<1x16xf32>,
    %swap3A_1577 = vector.shape_cast %swap3A_1576 : vector<1x16xf32> to vector<16xf32>
    %swap3A_1578 = vector.shape_cast %broadcast_in_dim3A_1 : vector<16xf32> to vector<1x16xf32>
    tpu.vector_store %arg3[%swap3A_1574, %swap3A_1575], %swap3A_1578 {strides = array<i32>} : memref<8x1024xf32, #tpu.memory_space<vmem>>, vector<1x16xf32>,
    %swap3A_1579 = arith.constant 4 : i32
    %swap3A_1580 = arith.index_cast %swap3A_1579 : i32 to index
    %swap3A_1581 = arith.constant 112 : index
    %swap3A_1582 = tpu.vector_load %arg3[%swap3A_1580, %swap3A_1581] {strides = array<i32>} : memref<8x1024xf32, #tpu.memory_space<vmem>>, vector<1x16xf32>,
    %swap3A_1583 = vector.shape_cast %swap3A_1582 : vector<1x16xf32> to vector<16xf32>
    %swap3A_1584 = vector.shape_cast %broadcast_in_dim3A_1 : vector<16xf32> to vector<1x16xf32>
    tpu.vector_store %arg3[%swap3A_1580, %swap3A_1581], %swap3A_1584 {strides = array<i32>} : memref<8x1024xf32, #tpu.memory_space<vmem>>, vector<1x16xf32>,
    %swap3A_1585 = arith.constant 4 : i32
    %swap3A_1586 = arith.index_cast %swap3A_1585 : i32 to index
    %swap3A_1587 = arith.constant 128 : index
    %swap3A_1588 = tpu.vector_load %arg3[%swap3A_1586, %swap3A_1587] {strides = array<i32>} : memref<8x1024xf32, #tpu.memory_space<vmem>>, vector<1x16xf32>,
    %swap3A_1589 = vector.shape_cast %swap3A_1588 : vector<1x16xf32> to vector<16xf32>
    %swap3A_1590 = vector.shape_cast %broadcast_in_dim3A_1 : vector<16xf32> to vector<1x16xf32>
    tpu.vector_store %arg3[%swap3A_1586, %swap3A_1587], %swap3A_1590 {strides = array<i32>} : memref<8x1024xf32, #tpu.memory_space<vmem>>, vector<1x16xf32>,
    %swap3A_1591 = arith.constant 4 : i32
    %swap3A_1592 = arith.index_cast %swap3A_1591 : i32 to index
    %swap3A_1593 = arith.constant 144 : index
    %swap3A_1594 = tpu.vector_load %arg3[%swap3A_1592, %swap3A_1593] {strides = array<i32>} : memref<8x1024xf32, #tpu.memory_space<vmem>>, vector<1x16xf32>,
    %swap3A_1595 = vector.shape_cast %swap3A_1594 : vector<1x16xf32> to vector<16xf32>
    %swap3A_1596 = vector.shape_cast %broadcast_in_dim3A_1 : vector<16xf32> to vector<1x16xf32>
    tpu.vector_store %arg3[%swap3A_1592, %swap3A_1593], %swap3A_1596 {strides = array<i32>} : memref<8x1024xf32, #tpu.memory_space<vmem>>, vector<1x16xf32>,
    %swap3A_1597 = arith.constant 4 : i32
    %swap3A_1598 = arith.index_cast %swap3A_1597 : i32 to index
    %swap3A_1599 = arith.constant 160 : index
    %swap3A_1600 = tpu.vector_load %arg3[%swap3A_1598, %swap3A_1599] {strides = array<i32>} : memref<8x1024xf32, #tpu.memory_space<vmem>>, vector<1x16xf32>,
    %swap3A_1601 = vector.shape_cast %swap3A_1600 : vector<1x16xf32> to vector<16xf32>
    %swap3A_1602 = vector.shape_cast %broadcast_in_dim3A_1 : vector<16xf32> to vector<1x16xf32>
    tpu.vector_store %arg3[%swap3A_1598, %swap3A_1599], %swap3A_1602 {strides = array<i32>} : memref<8x1024xf32, #tpu.memory_space<vmem>>, vector<1x16xf32>,
    %swap3A_1603 = arith.constant 4 : i32
    %swap3A_1604 = arith.index_cast %swap3A_1603 : i32 to index
    %swap3A_1605 = arith.constant 176 : index
    %swap3A_1606 = tpu.vector_load %arg3[%swap3A_1604, %swap3A_1605] {strides = array<i32>} : memref<8x1024xf32, #tpu.memory_space<vmem>>, vector<1x16xf32>,
    %swap3A_1607 = vector.shape_cast %swap3A_1606 : vector<1x16xf32> to vector<16xf32>
    %swap3A_1608 = vector.shape_cast %broadcast_in_dim3A_1 : vector<16xf32> to vector<1x16xf32>
    tpu.vector_store %arg3[%swap3A_1604, %swap3A_1605], %swap3A_1608 {strides = array<i32>} : memref<8x1024xf32, #tpu.memory_space<vmem>>, vector<1x16xf32>,
    %swap3A_1609 = arith.constant 4 : i32
    %swap3A_1610 = arith.index_cast %swap3A_1609 : i32 to index
    %swap3A_1611 = arith.constant 192 : index
    %swap3A_1612 = tpu.vector_load %arg3[%swap3A_1610, %swap3A_1611] {strides = array<i32>} : memref<8x1024xf32, #tpu.memory_space<vmem>>, vector<1x16xf32>,
    %swap3A_1613 = vector.shape_cast %swap3A_1612 : vector<1x16xf32> to vector<16xf32>
    %swap3A_1614 = vector.shape_cast %broadcast_in_dim3A_1 : vector<16xf32> to vector<1x16xf32>
    tpu.vector_store %arg3[%swap3A_1610, %swap3A_1611], %swap3A_1614 {strides = array<i32>} : memref<8x1024xf32, #tpu.memory_space<vmem>>, vector<1x16xf32>,
    %swap3A_1615 = arith.constant 4 : i32
    %swap3A_1616 = arith.index_cast %swap3A_1615 : i32 to index
    %swap3A_1617 = arith.constant 208 : index
    %swap3A_1618 = tpu.vector_load %arg3[%swap3A_1616, %swap3A_1617] {strides = array<i32>} : memref<8x1024xf32, #tpu.memory_space<vmem>>, vector<1x16xf32>,
    %swap3A_1619 = vector.shape_cast %swap3A_1618 : vector<1x16xf32> to vector<16xf32>
    %swap3A_1620 = vector.shape_cast %broadcast_in_dim3A_1 : vector<16xf32> to vector<1x16xf32>
    tpu.vector_store %arg3[%swap3A_1616, %swap3A_1617], %swap3A_1620 {strides = array<i32>} : memref<8x1024xf32, #tpu.memory_space<vmem>>, vector<1x16xf32>,
    %swap3A_1621 = arith.constant 4 : i32
    %swap3A_1622 = arith.index_cast %swap3A_1621 : i32 to index
    %swap3A_1623 = arith.constant 224 : index
    %swap3A_1624 = tpu.vector_load %arg3[%swap3A_1622, %swap3A_1623] {strides = array<i32>} : memref<8x1024xf32, #tpu.memory_space<vmem>>, vector<1x16xf32>,
    %swap3A_1625 = vector.shape_cast %swap3A_1624 : vector<1x16xf32> to vector<16xf32>
    %swap3A_1626 = vector.shape_cast %broadcast_in_dim3A_1 : vector<16xf32> to vector<1x16xf32>
    tpu.vector_store %arg3[%swap3A_1622, %swap3A_1623], %swap3A_1626 {strides = array<i32>} : memref<8x1024xf32, #tpu.memory_space<vmem>>, vector<1x16xf32>,
    %swap3A_1627 = arith.constant 4 : i32
    %swap3A_1628 = arith.index_cast %swap3A_1627 : i32 to index
    %swap3A_1629 = arith.constant 240 : index
    %swap3A_1630 = tpu.vector_load %arg3[%swap3A_1628, %swap3A_1629] {strides = array<i32>} : memref<8x1024xf32, #tpu.memory_space<vmem>>, vector<1x16xf32>,
    %swap3A_1631 = vector.shape_cast %swap3A_1630 : vector<1x16xf32> to vector<16xf32>
    %swap3A_1632 = vector.shape_cast %broadcast_in_dim3A_1 : vector<16xf32> to vector<1x16xf32>
    tpu.vector_store %arg3[%swap3A_1628, %swap3A_1629], %swap3A_1632 {strides = array<i32>} : memref<8x1024xf32, #tpu.memory_space<vmem>>, vector<1x16xf32>,
    %swap3A_1633 = arith.constant 4 : i32
    %swap3A_1634 = arith.index_cast %swap3A_1633 : i32 to index
    %swap3A_1635 = arith.constant 256 : index
    %swap3A_1636 = tpu.vector_load %arg3[%swap3A_1634, %swap3A_1635] {strides = array<i32>} : memref<8x1024xf32, #tpu.memory_space<vmem>>, vector<1x16xf32>,
    %swap3A_1637 = vector.shape_cast %swap3A_1636 : vector<1x16xf32> to vector<16xf32>
    %swap3A_1638 = vector.shape_cast %broadcast_in_dim3A_1 : vector<16xf32> to vector<1x16xf32>
    tpu.vector_store %arg3[%swap3A_1634, %swap3A_1635], %swap3A_1638 {strides = array<i32>} : memref<8x1024xf32, #tpu.memory_space<vmem>>, vector<1x16xf32>,
    %swap3A_1639 = arith.constant 4 : i32
    %swap3A_1640 = arith.index_cast %swap3A_1639 : i32 to index
    %swap3A_1641 = arith.constant 272 : index
    %swap3A_1642 = tpu.vector_load %arg3[%swap3A_1640, %swap3A_1641] {strides = array<i32>} : memref<8x1024xf32, #tpu.memory_space<vmem>>, vector<1x16xf32>,
    %swap3A_1643 = vector.shape_cast %swap3A_1642 : vector<1x16xf32> to vector<16xf32>
    %swap3A_1644 = vector.shape_cast %broadcast_in_dim3A_1 : vector<16xf32> to vector<1x16xf32>
    tpu.vector_store %arg3[%swap3A_1640, %swap3A_1641], %swap3A_1644 {strides = array<i32>} : memref<8x1024xf32, #tpu.memory_space<vmem>>, vector<1x16xf32>,
    %swap3A_1645 = arith.constant 4 : i32
    %swap3A_1646 = arith.index_cast %swap3A_1645 : i32 to index
    %swap3A_1647 = arith.constant 288 : index
    %swap3A_1648 = tpu.vector_load %arg3[%swap3A_1646, %swap3A_1647] {strides = array<i32>} : memref<8x1024xf32, #tpu.memory_space<vmem>>, vector<1x16xf32>,
    %swap3A_1649 = vector.shape_cast %swap3A_1648 : vector<1x16xf32> to vector<16xf32>
    %swap3A_1650 = vector.shape_cast %broadcast_in_dim3A_1 : vector<16xf32> to vector<1x16xf32>
    tpu.vector_store %arg3[%swap3A_1646, %swap3A_1647], %swap3A_1650 {strides = array<i32>} : memref<8x1024xf32, #tpu.memory_space<vmem>>, vector<1x16xf32>,
    %swap3A_1651 = arith.constant 4 : i32
    %swap3A_1652 = arith.index_cast %swap3A_1651 : i32 to index
    %swap3A_1653 = arith.constant 304 : index
    %swap3A_1654 = tpu.vector_load %arg3[%swap3A_1652, %swap3A_1653] {strides = array<i32>} : memref<8x1024xf32, #tpu.memory_space<vmem>>, vector<1x16xf32>,
    %swap3A_1655 = vector.shape_cast %swap3A_1654 : vector<1x16xf32> to vector<16xf32>
    %swap3A_1656 = vector.shape_cast %broadcast_in_dim3A_1 : vector<16xf32> to vector<1x16xf32>
    tpu.vector_store %arg3[%swap3A_1652, %swap3A_1653], %swap3A_1656 {strides = array<i32>} : memref<8x1024xf32, #tpu.memory_space<vmem>>, vector<1x16xf32>,
    %swap3A_1657 = arith.constant 4 : i32
    %swap3A_1658 = arith.index_cast %swap3A_1657 : i32 to index
    %swap3A_1659 = arith.constant 320 : index
    %swap3A_1660 = tpu.vector_load %arg3[%swap3A_1658, %swap3A_1659] {strides = array<i32>} : memref<8x1024xf32, #tpu.memory_space<vmem>>, vector<1x16xf32>,
    %swap3A_1661 = vector.shape_cast %swap3A_1660 : vector<1x16xf32> to vector<16xf32>
    %swap3A_1662 = vector.shape_cast %broadcast_in_dim3A_1 : vector<16xf32> to vector<1x16xf32>
    tpu.vector_store %arg3[%swap3A_1658, %swap3A_1659], %swap3A_1662 {strides = array<i32>} : memref<8x1024xf32, #tpu.memory_space<vmem>>, vector<1x16xf32>,
    %swap3A_1663 = arith.constant 4 : i32
    %swap3A_1664 = arith.index_cast %swap3A_1663 : i32 to index
    %swap3A_1665 = arith.constant 336 : index
    %swap3A_1666 = tpu.vector_load %arg3[%swap3A_1664, %swap3A_1665] {strides = array<i32>} : memref<8x1024xf32, #tpu.memory_space<vmem>>, vector<1x16xf32>,
    %swap3A_1667 = vector.shape_cast %swap3A_1666 : vector<1x16xf32> to vector<16xf32>
    %swap3A_1668 = vector.shape_cast %broadcast_in_dim3A_1 : vector<16xf32> to vector<1x16xf32>
    tpu.vector_store %arg3[%swap3A_1664, %swap3A_1665], %swap3A_1668 {strides = array<i32>} : memref<8x1024xf32, #tpu.memory_space<vmem>>, vector<1x16xf32>,
    %swap3A_1669 = arith.constant 4 : i32
    %swap3A_1670 = arith.index_cast %swap3A_1669 : i32 to index
    %swap3A_1671 = arith.constant 352 : index
    %swap3A_1672 = tpu.vector_load %arg3[%swap3A_1670, %swap3A_1671] {strides = array<i32>} : memref<8x1024xf32, #tpu.memory_space<vmem>>, vector<1x16xf32>,
    %swap3A_1673 = vector.shape_cast %swap3A_1672 : vector<1x16xf32> to vector<16xf32>
    %swap3A_1674 = vector.shape_cast %broadcast_in_dim3A_1 : vector<16xf32> to vector<1x16xf32>
    tpu.vector_store %arg3[%swap3A_1670, %swap3A_1671], %swap3A_1674 {strides = array<i32>} : memref<8x1024xf32, #tpu.memory_space<vmem>>, vector<1x16xf32>,
    %swap3A_1675 = arith.constant 4 : i32
    %swap3A_1676 = arith.index_cast %swap3A_1675 : i32 to index
    %swap3A_1677 = arith.constant 368 : index
    %swap3A_1678 = tpu.vector_load %arg3[%swap3A_1676, %swap3A_1677] {strides = array<i32>} : memref<8x1024xf32, #tpu.memory_space<vmem>>, vector<1x16xf32>,
    %swap3A_1679 = vector.shape_cast %swap3A_1678 : vector<1x16xf32> to vector<16xf32>
    %swap3A_1680 = vector.shape_cast %broadcast_in_dim3A_1 : vector<16xf32> to vector<1x16xf32>
    tpu.vector_store %arg3[%swap3A_1676, %swap3A_1677], %swap3A_1680 {strides = array<i32>} : memref<8x1024xf32, #tpu.memory_space<vmem>>, vector<1x16xf32>,
    %swap3A_1681 = arith.constant 4 : i32
    %swap3A_1682 = arith.index_cast %swap3A_1681 : i32 to index
    %swap3A_1683 = arith.constant 384 : index
    %swap3A_1684 = tpu.vector_load %arg3[%swap3A_1682, %swap3A_1683] {strides = array<i32>} : memref<8x1024xf32, #tpu.memory_space<vmem>>, vector<1x16xf32>,
    %swap3A_1685 = vector.shape_cast %swap3A_1684 : vector<1x16xf32> to vector<16xf32>
    %swap3A_1686 = vector.shape_cast %broadcast_in_dim3A_1 : vector<16xf32> to vector<1x16xf32>
    tpu.vector_store %arg3[%swap3A_1682, %swap3A_1683], %swap3A_1686 {strides = array<i32>} : memref<8x1024xf32, #tpu.memory_space<vmem>>, vector<1x16xf32>,
    %swap3A_1687 = arith.constant 4 : i32
    %swap3A_1688 = arith.index_cast %swap3A_1687 : i32 to index
    %swap3A_1689 = arith.constant 400 : index
    %swap3A_1690 = tpu.vector_load %arg3[%swap3A_1688, %swap3A_1689] {strides = array<i32>} : memref<8x1024xf32, #tpu.memory_space<vmem>>, vector<1x16xf32>,
    %swap3A_1691 = vector.shape_cast %swap3A_1690 : vector<1x16xf32> to vector<16xf32>
    %swap3A_1692 = vector.shape_cast %broadcast_in_dim3A_1 : vector<16xf32> to vector<1x16xf32>
    tpu.vector_store %arg3[%swap3A_1688, %swap3A_1689], %swap3A_1692 {strides = array<i32>} : memref<8x1024xf32, #tpu.memory_space<vmem>>, vector<1x16xf32>,
    %swap3A_1693 = arith.constant 4 : i32
    %swap3A_1694 = arith.index_cast %swap3A_1693 : i32 to index
    %swap3A_1695 = arith.constant 416 : index
    %swap3A_1696 = tpu.vector_load %arg3[%swap3A_1694, %swap3A_1695] {strides = array<i32>} : memref<8x1024xf32, #tpu.memory_space<vmem>>, vector<1x16xf32>,
    %swap3A_1697 = vector.shape_cast %swap3A_1696 : vector<1x16xf32> to vector<16xf32>
    %swap3A_1698 = vector.shape_cast %broadcast_in_dim3A_1 : vector<16xf32> to vector<1x16xf32>
    tpu.vector_store %arg3[%swap3A_1694, %swap3A_1695], %swap3A_1698 {strides = array<i32>} : memref<8x1024xf32, #tpu.memory_space<vmem>>, vector<1x16xf32>,
    %swap3A_1699 = arith.constant 4 : i32
    %swap3A_1700 = arith.index_cast %swap3A_1699 : i32 to index
    %swap3A_1701 = arith.constant 432 : index
    %swap3A_1702 = tpu.vector_load %arg3[%swap3A_1700, %swap3A_1701] {strides = array<i32>} : memref<8x1024xf32, #tpu.memory_space<vmem>>, vector<1x16xf32>,
    %swap3A_1703 = vector.shape_cast %swap3A_1702 : vector<1x16xf32> to vector<16xf32>
    %swap3A_1704 = vector.shape_cast %broadcast_in_dim3A_1 : vector<16xf32> to vector<1x16xf32>
    tpu.vector_store %arg3[%swap3A_1700, %swap3A_1701], %swap3A_1704 {strides = array<i32>} : memref<8x1024xf32, #tpu.memory_space<vmem>>, vector<1x16xf32>,
    %swap3A_1705 = arith.constant 4 : i32
    %swap3A_1706 = arith.index_cast %swap3A_1705 : i32 to index
    %swap3A_1707 = arith.constant 448 : index
    %swap3A_1708 = tpu.vector_load %arg3[%swap3A_1706, %swap3A_1707] {strides = array<i32>} : memref<8x1024xf32, #tpu.memory_space<vmem>>, vector<1x16xf32>,
    %swap3A_1709 = vector.shape_cast %swap3A_1708 : vector<1x16xf32> to vector<16xf32>
    %swap3A_1710 = vector.shape_cast %broadcast_in_dim3A_1 : vector<16xf32> to vector<1x16xf32>
    tpu.vector_store %arg3[%swap3A_1706, %swap3A_1707], %swap3A_1710 {strides = array<i32>} : memref<8x1024xf32, #tpu.memory_space<vmem>>, vector<1x16xf32>,
    %swap3A_1711 = arith.constant 4 : i32
    %swap3A_1712 = arith.index_cast %swap3A_1711 : i32 to index
    %swap3A_1713 = arith.constant 464 : index
    %swap3A_1714 = tpu.vector_load %arg3[%swap3A_1712, %swap3A_1713] {strides = array<i32>} : memref<8x1024xf32, #tpu.memory_space<vmem>>, vector<1x16xf32>,
    %swap3A_1715 = vector.shape_cast %swap3A_1714 : vector<1x16xf32> to vector<16xf32>
    %swap3A_1716 = vector.shape_cast %broadcast_in_dim3A_1 : vector<16xf32> to vector<1x16xf32>
    tpu.vector_store %arg3[%swap3A_1712, %swap3A_1713], %swap3A_1716 {strides = array<i32>} : memref<8x1024xf32, #tpu.memory_space<vmem>>, vector<1x16xf32>,
    %swap3A_1717 = arith.constant 4 : i32
    %swap3A_1718 = arith.index_cast %swap3A_1717 : i32 to index
    %swap3A_1719 = arith.constant 480 : index
    %swap3A_1720 = tpu.vector_load %arg3[%swap3A_1718, %swap3A_1719] {strides = array<i32>} : memref<8x1024xf32, #tpu.memory_space<vmem>>, vector<1x16xf32>,
    %swap3A_1721 = vector.shape_cast %swap3A_1720 : vector<1x16xf32> to vector<16xf32>
    %swap3A_1722 = vector.shape_cast %broadcast_in_dim3A_1 : vector<16xf32> to vector<1x16xf32>
    tpu.vector_store %arg3[%swap3A_1718, %swap3A_1719], %swap3A_1722 {strides = array<i32>} : memref<8x1024xf32, #tpu.memory_space<vmem>>, vector<1x16xf32>,
    %swap3A_1723 = arith.constant 4 : i32
    %swap3A_1724 = arith.index_cast %swap3A_1723 : i32 to index
    %swap3A_1725 = arith.constant 496 : index
    %swap3A_1726 = tpu.vector_load %arg3[%swap3A_1724, %swap3A_1725] {strides = array<i32>} : memref<8x1024xf32, #tpu.memory_space<vmem>>, vector<1x16xf32>,
    %swap3A_1727 = vector.shape_cast %swap3A_1726 : vector<1x16xf32> to vector<16xf32>
    %swap3A_1728 = vector.shape_cast %broadcast_in_dim3A_1 : vector<16xf32> to vector<1x16xf32>
    tpu.vector_store %arg3[%swap3A_1724, %swap3A_1725], %swap3A_1728 {strides = array<i32>} : memref<8x1024xf32, #tpu.memory_space<vmem>>, vector<1x16xf32>,
    %swap3A_1729 = arith.constant 4 : i32
    %swap3A_1730 = arith.index_cast %swap3A_1729 : i32 to index
    %swap3A_1731 = arith.constant 512 : index
    %swap3A_1732 = tpu.vector_load %arg3[%swap3A_1730, %swap3A_1731] {strides = array<i32>} : memref<8x1024xf32, #tpu.memory_space<vmem>>, vector<1x16xf32>,
    %swap3A_1733 = vector.shape_cast %swap3A_1732 : vector<1x16xf32> to vector<16xf32>
    %swap3A_1734 = vector.shape_cast %broadcast_in_dim3A_1 : vector<16xf32> to vector<1x16xf32>
    tpu.vector_store %arg3[%swap3A_1730, %swap3A_1731], %swap3A_1734 {strides = array<i32>} : memref<8x1024xf32, #tpu.memory_space<vmem>>, vector<1x16xf32>,
    %swap3A_1735 = arith.constant 4 : i32
    %swap3A_1736 = arith.index_cast %swap3A_1735 : i32 to index
    %swap3A_1737 = arith.constant 528 : index
    %swap3A_1738 = tpu.vector_load %arg3[%swap3A_1736, %swap3A_1737] {strides = array<i32>} : memref<8x1024xf32, #tpu.memory_space<vmem>>, vector<1x16xf32>,
    %swap3A_1739 = vector.shape_cast %swap3A_1738 : vector<1x16xf32> to vector<16xf32>
    %swap3A_1740 = vector.shape_cast %broadcast_in_dim3A_1 : vector<16xf32> to vector<1x16xf32>
    tpu.vector_store %arg3[%swap3A_1736, %swap3A_1737], %swap3A_1740 {strides = array<i32>} : memref<8x1024xf32, #tpu.memory_space<vmem>>, vector<1x16xf32>,
    %swap3A_1741 = arith.constant 4 : i32
    %swap3A_1742 = arith.index_cast %swap3A_1741 : i32 to index
    %swap3A_1743 = arith.constant 544 : index
    %swap3A_1744 = tpu.vector_load %arg3[%swap3A_1742, %swap3A_1743] {strides = array<i32>} : memref<8x1024xf32, #tpu.memory_space<vmem>>, vector<1x16xf32>,
    %swap3A_1745 = vector.shape_cast %swap3A_1744 : vector<1x16xf32> to vector<16xf32>
    %swap3A_1746 = vector.shape_cast %broadcast_in_dim3A_1 : vector<16xf32> to vector<1x16xf32>
    tpu.vector_store %arg3[%swap3A_1742, %swap3A_1743], %swap3A_1746 {strides = array<i32>} : memref<8x1024xf32, #tpu.memory_space<vmem>>, vector<1x16xf32>,
    %swap3A_1747 = arith.constant 4 : i32
    %swap3A_1748 = arith.index_cast %swap3A_1747 : i32 to index
    %swap3A_1749 = arith.constant 560 : index
    %swap3A_1750 = tpu.vector_load %arg3[%swap3A_1748, %swap3A_1749] {strides = array<i32>} : memref<8x1024xf32, #tpu.memory_space<vmem>>, vector<1x16xf32>,
    %swap3A_1751 = vector.shape_cast %swap3A_1750 : vector<1x16xf32> to vector<16xf32>
    %swap3A_1752 = vector.shape_cast %broadcast_in_dim3A_1 : vector<16xf32> to vector<1x16xf32>
    tpu.vector_store %arg3[%swap3A_1748, %swap3A_1749], %swap3A_1752 {strides = array<i32>} : memref<8x1024xf32, #tpu.memory_space<vmem>>, vector<1x16xf32>,
    %swap3A_1753 = arith.constant 4 : i32
    %swap3A_1754 = arith.index_cast %swap3A_1753 : i32 to index
    %swap3A_1755 = arith.constant 576 : index
    %swap3A_1756 = tpu.vector_load %arg3[%swap3A_1754, %swap3A_1755] {strides = array<i32>} : memref<8x1024xf32, #tpu.memory_space<vmem>>, vector<1x16xf32>,
    %swap3A_1757 = vector.shape_cast %swap3A_1756 : vector<1x16xf32> to vector<16xf32>
    %swap3A_1758 = vector.shape_cast %broadcast_in_dim3A_1 : vector<16xf32> to vector<1x16xf32>
    tpu.vector_store %arg3[%swap3A_1754, %swap3A_1755], %swap3A_1758 {strides = array<i32>} : memref<8x1024xf32, #tpu.memory_space<vmem>>, vector<1x16xf32>,
    %swap3A_1759 = arith.constant 4 : i32
    %swap3A_1760 = arith.index_cast %swap3A_1759 : i32 to index
    %swap3A_1761 = arith.constant 592 : index
    %swap3A_1762 = tpu.vector_load %arg3[%swap3A_1760, %swap3A_1761] {strides = array<i32>} : memref<8x1024xf32, #tpu.memory_space<vmem>>, vector<1x16xf32>,
    %swap3A_1763 = vector.shape_cast %swap3A_1762 : vector<1x16xf32> to vector<16xf32>
    %swap3A_1764 = vector.shape_cast %broadcast_in_dim3A_1 : vector<16xf32> to vector<1x16xf32>
    tpu.vector_store %arg3[%swap3A_1760, %swap3A_1761], %swap3A_1764 {strides = array<i32>} : memref<8x1024xf32, #tpu.memory_space<vmem>>, vector<1x16xf32>,
    %swap3A_1765 = arith.constant 4 : i32
    %swap3A_1766 = arith.index_cast %swap3A_1765 : i32 to index
    %swap3A_1767 = arith.constant 608 : index
    %swap3A_1768 = tpu.vector_load %arg3[%swap3A_1766, %swap3A_1767] {strides = array<i32>} : memref<8x1024xf32, #tpu.memory_space<vmem>>, vector<1x16xf32>,
    %swap3A_1769 = vector.shape_cast %swap3A_1768 : vector<1x16xf32> to vector<16xf32>
    %swap3A_1770 = vector.shape_cast %broadcast_in_dim3A_1 : vector<16xf32> to vector<1x16xf32>
    tpu.vector_store %arg3[%swap3A_1766, %swap3A_1767], %swap3A_1770 {strides = array<i32>} : memref<8x1024xf32, #tpu.memory_space<vmem>>, vector<1x16xf32>,
    %swap3A_1771 = arith.constant 4 : i32
    %swap3A_1772 = arith.index_cast %swap3A_1771 : i32 to index
    %swap3A_1773 = arith.constant 624 : index
    %swap3A_1774 = tpu.vector_load %arg3[%swap3A_1772, %swap3A_1773] {strides = array<i32>} : memref<8x1024xf32, #tpu.memory_space<vmem>>, vector<1x16xf32>,
    %swap3A_1775 = vector.shape_cast %swap3A_1774 : vector<1x16xf32> to vector<16xf32>
    %swap3A_1776 = vector.shape_cast %broadcast_in_dim3A_1 : vector<16xf32> to vector<1x16xf32>
    tpu.vector_store %arg3[%swap3A_1772, %swap3A_1773], %swap3A_1776 {strides = array<i32>} : memref<8x1024xf32, #tpu.memory_space<vmem>>, vector<1x16xf32>,
    %swap3A_1777 = arith.constant 4 : i32
    %swap3A_1778 = arith.index_cast %swap3A_1777 : i32 to index
    %swap3A_1779 = arith.constant 640 : index
    %swap3A_1780 = tpu.vector_load %arg3[%swap3A_1778, %swap3A_1779] {strides = array<i32>} : memref<8x1024xf32, #tpu.memory_space<vmem>>, vector<1x16xf32>,
    %swap3A_1781 = vector.shape_cast %swap3A_1780 : vector<1x16xf32> to vector<16xf32>
    %swap3A_1782 = vector.shape_cast %broadcast_in_dim3A_1 : vector<16xf32> to vector<1x16xf32>
    tpu.vector_store %arg3[%swap3A_1778, %swap3A_1779], %swap3A_1782 {strides = array<i32>} : memref<8x1024xf32, #tpu.memory_space<vmem>>, vector<1x16xf32>,
    %swap3A_1783 = arith.constant 4 : i32
    %swap3A_1784 = arith.index_cast %swap3A_1783 : i32 to index
    %swap3A_1785 = arith.constant 656 : index
    %swap3A_1786 = tpu.vector_load %arg3[%swap3A_1784, %swap3A_1785] {strides = array<i32>} : memref<8x1024xf32, #tpu.memory_space<vmem>>, vector<1x16xf32>,
    %swap3A_1787 = vector.shape_cast %swap3A_1786 : vector<1x16xf32> to vector<16xf32>
    %swap3A_1788 = vector.shape_cast %broadcast_in_dim3A_1 : vector<16xf32> to vector<1x16xf32>
    tpu.vector_store %arg3[%swap3A_1784, %swap3A_1785], %swap3A_1788 {strides = array<i32>} : memref<8x1024xf32, #tpu.memory_space<vmem>>, vector<1x16xf32>,
    %swap3A_1789 = arith.constant 4 : i32
    %swap3A_1790 = arith.index_cast %swap3A_1789 : i32 to index
    %swap3A_1791 = arith.constant 672 : index
    %swap3A_1792 = tpu.vector_load %arg3[%swap3A_1790, %swap3A_1791] {strides = array<i32>} : memref<8x1024xf32, #tpu.memory_space<vmem>>, vector<1x16xf32>,
    %swap3A_1793 = vector.shape_cast %swap3A_1792 : vector<1x16xf32> to vector<16xf32>
    %swap3A_1794 = vector.shape_cast %broadcast_in_dim3A_1 : vector<16xf32> to vector<1x16xf32>
    tpu.vector_store %arg3[%swap3A_1790, %swap3A_1791], %swap3A_1794 {strides = array<i32>} : memref<8x1024xf32, #tpu.memory_space<vmem>>, vector<1x16xf32>,
    %swap3A_1795 = arith.constant 4 : i32
    %swap3A_1796 = arith.index_cast %swap3A_1795 : i32 to index
    %swap3A_1797 = arith.constant 688 : index
    %swap3A_1798 = tpu.vector_load %arg3[%swap3A_1796, %swap3A_1797] {strides = array<i32>} : memref<8x1024xf32, #tpu.memory_space<vmem>>, vector<1x16xf32>,
    %swap3A_1799 = vector.shape_cast %swap3A_1798 : vector<1x16xf32> to vector<16xf32>
    %swap3A_1800 = vector.shape_cast %broadcast_in_dim3A_1 : vector<16xf32> to vector<1x16xf32>
    tpu.vector_store %arg3[%swap3A_1796, %swap3A_1797], %swap3A_1800 {strides = array<i32>} : memref<8x1024xf32, #tpu.memory_space<vmem>>, vector<1x16xf32>,
    %swap3A_1801 = arith.constant 4 : i32
    %swap3A_1802 = arith.index_cast %swap3A_1801 : i32 to index
    %swap3A_1803 = arith.constant 704 : index
    %swap3A_1804 = tpu.vector_load %arg3[%swap3A_1802, %swap3A_1803] {strides = array<i32>} : memref<8x1024xf32, #tpu.memory_space<vmem>>, vector<1x16xf32>,
    %swap3A_1805 = vector.shape_cast %swap3A_1804 : vector<1x16xf32> to vector<16xf32>
    %swap3A_1806 = vector.shape_cast %broadcast_in_dim3A_1 : vector<16xf32> to vector<1x16xf32>
    tpu.vector_store %arg3[%swap3A_1802, %swap3A_1803], %swap3A_1806 {strides = array<i32>} : memref<8x1024xf32, #tpu.memory_space<vmem>>, vector<1x16xf32>,
    %swap3A_1807 = arith.constant 4 : i32
    %swap3A_1808 = arith.index_cast %swap3A_1807 : i32 to index
    %swap3A_1809 = arith.constant 720 : index
    %swap3A_1810 = tpu.vector_load %arg3[%swap3A_1808, %swap3A_1809] {strides = array<i32>} : memref<8x1024xf32, #tpu.memory_space<vmem>>, vector<1x16xf32>,
    %swap3A_1811 = vector.shape_cast %swap3A_1810 : vector<1x16xf32> to vector<16xf32>
    %swap3A_1812 = vector.shape_cast %broadcast_in_dim3A_1 : vector<16xf32> to vector<1x16xf32>
    tpu.vector_store %arg3[%swap3A_1808, %swap3A_1809], %swap3A_1812 {strides = array<i32>} : memref<8x1024xf32, #tpu.memory_space<vmem>>, vector<1x16xf32>,
    %swap3A_1813 = arith.constant 4 : i32
    %swap3A_1814 = arith.index_cast %swap3A_1813 : i32 to index
    %swap3A_1815 = arith.constant 736 : index
    %swap3A_1816 = tpu.vector_load %arg3[%swap3A_1814, %swap3A_1815] {strides = array<i32>} : memref<8x1024xf32, #tpu.memory_space<vmem>>, vector<1x16xf32>,
    %swap3A_1817 = vector.shape_cast %swap3A_1816 : vector<1x16xf32> to vector<16xf32>
    %swap3A_1818 = vector.shape_cast %broadcast_in_dim3A_1 : vector<16xf32> to vector<1x16xf32>
    tpu.vector_store %arg3[%swap3A_1814, %swap3A_1815], %swap3A_1818 {strides = array<i32>} : memref<8x1024xf32, #tpu.memory_space<vmem>>, vector<1x16xf32>,
    %swap3A_1819 = arith.constant 4 : i32
    %swap3A_1820 = arith.index_cast %swap3A_1819 : i32 to index
    %swap3A_1821 = arith.constant 752 : index
    %swap3A_1822 = tpu.vector_load %arg3[%swap3A_1820, %swap3A_1821] {strides = array<i32>} : memref<8x1024xf32, #tpu.memory_space<vmem>>, vector<1x16xf32>,
    %swap3A_1823 = vector.shape_cast %swap3A_1822 : vector<1x16xf32> to vector<16xf32>
    %swap3A_1824 = vector.shape_cast %broadcast_in_dim3A_1 : vector<16xf32> to vector<1x16xf32>
    tpu.vector_store %arg3[%swap3A_1820, %swap3A_1821], %swap3A_1824 {strides = array<i32>} : memref<8x1024xf32, #tpu.memory_space<vmem>>, vector<1x16xf32>,
    %swap3A_1825 = arith.constant 4 : i32
    %swap3A_1826 = arith.index_cast %swap3A_1825 : i32 to index
    %swap3A_1827 = arith.constant 768 : index
    %swap3A_1828 = tpu.vector_load %arg3[%swap3A_1826, %swap3A_1827] {strides = array<i32>} : memref<8x1024xf32, #tpu.memory_space<vmem>>, vector<1x16xf32>,
    %swap3A_1829 = vector.shape_cast %swap3A_1828 : vector<1x16xf32> to vector<16xf32>
    %swap3A_1830 = vector.shape_cast %broadcast_in_dim3A_1 : vector<16xf32> to vector<1x16xf32>
    tpu.vector_store %arg3[%swap3A_1826, %swap3A_1827], %swap3A_1830 {strides = array<i32>} : memref<8x1024xf32, #tpu.memory_space<vmem>>, vector<1x16xf32>,
    %swap3A_1831 = arith.constant 4 : i32
    %swap3A_1832 = arith.index_cast %swap3A_1831 : i32 to index
    %swap3A_1833 = arith.constant 784 : index
    %swap3A_1834 = tpu.vector_load %arg3[%swap3A_1832, %swap3A_1833] {strides = array<i32>} : memref<8x1024xf32, #tpu.memory_space<vmem>>, vector<1x16xf32>,
    %swap3A_1835 = vector.shape_cast %swap3A_1834 : vector<1x16xf32> to vector<16xf32>
    %swap3A_1836 = vector.shape_cast %broadcast_in_dim3A_1 : vector<16xf32> to vector<1x16xf32>
    tpu.vector_store %arg3[%swap3A_1832, %swap3A_1833], %swap3A_1836 {strides = array<i32>} : memref<8x1024xf32, #tpu.memory_space<vmem>>, vector<1x16xf32>,
    %swap3A_1837 = arith.constant 4 : i32
    %swap3A_1838 = arith.index_cast %swap3A_1837 : i32 to index
    %swap3A_1839 = arith.constant 800 : index
    %swap3A_1840 = tpu.vector_load %arg3[%swap3A_1838, %swap3A_1839] {strides = array<i32>} : memref<8x1024xf32, #tpu.memory_space<vmem>>, vector<1x16xf32>,
    %swap3A_1841 = vector.shape_cast %swap3A_1840 : vector<1x16xf32> to vector<16xf32>
    %swap3A_1842 = vector.shape_cast %broadcast_in_dim3A_1 : vector<16xf32> to vector<1x16xf32>
    tpu.vector_store %arg3[%swap3A_1838, %swap3A_1839], %swap3A_1842 {strides = array<i32>} : memref<8x1024xf32, #tpu.memory_space<vmem>>, vector<1x16xf32>,
    %swap3A_1843 = arith.constant 4 : i32
    %swap3A_1844 = arith.index_cast %swap3A_1843 : i32 to index
    %swap3A_1845 = arith.constant 816 : index
    %swap3A_1846 = tpu.vector_load %arg3[%swap3A_1844, %swap3A_1845] {strides = array<i32>} : memref<8x1024xf32, #tpu.memory_space<vmem>>, vector<1x16xf32>,
    %swap3A_1847 = vector.shape_cast %swap3A_1846 : vector<1x16xf32> to vector<16xf32>
    %swap3A_1848 = vector.shape_cast %broadcast_in_dim3A_1 : vector<16xf32> to vector<1x16xf32>
    tpu.vector_store %arg3[%swap3A_1844, %swap3A_1845], %swap3A_1848 {strides = array<i32>} : memref<8x1024xf32, #tpu.memory_space<vmem>>, vector<1x16xf32>,
    %swap3A_1849 = arith.constant 4 : i32
    %swap3A_1850 = arith.index_cast %swap3A_1849 : i32 to index
    %swap3A_1851 = arith.constant 832 : index
    %swap3A_1852 = tpu.vector_load %arg3[%swap3A_1850, %swap3A_1851] {strides = array<i32>} : memref<8x1024xf32, #tpu.memory_space<vmem>>, vector<1x16xf32>,
    %swap3A_1853 = vector.shape_cast %swap3A_1852 : vector<1x16xf32> to vector<16xf32>
    %swap3A_1854 = vector.shape_cast %broadcast_in_dim3A_1 : vector<16xf32> to vector<1x16xf32>
    tpu.vector_store %arg3[%swap3A_1850, %swap3A_1851], %swap3A_1854 {strides = array<i32>} : memref<8x1024xf32, #tpu.memory_space<vmem>>, vector<1x16xf32>,
    %swap3A_1855 = arith.constant 4 : i32
    %swap3A_1856 = arith.index_cast %swap3A_1855 : i32 to index
    %swap3A_1857 = arith.constant 848 : index
    %swap3A_1858 = tpu.vector_load %arg3[%swap3A_1856, %swap3A_1857] {strides = array<i32>} : memref<8x1024xf32, #tpu.memory_space<vmem>>, vector<1x16xf32>,
    %swap3A_1859 = vector.shape_cast %swap3A_1858 : vector<1x16xf32> to vector<16xf32>
    %swap3A_1860 = vector.shape_cast %broadcast_in_dim3A_1 : vector<16xf32> to vector<1x16xf32>
    tpu.vector_store %arg3[%swap3A_1856, %swap3A_1857], %swap3A_1860 {strides = array<i32>} : memref<8x1024xf32, #tpu.memory_space<vmem>>, vector<1x16xf32>,
    %swap3A_1861 = arith.constant 4 : i32
    %swap3A_1862 = arith.index_cast %swap3A_1861 : i32 to index
    %swap3A_1863 = arith.constant 864 : index
    %swap3A_1864 = tpu.vector_load %arg3[%swap3A_1862, %swap3A_1863] {strides = array<i32>} : memref<8x1024xf32, #tpu.memory_space<vmem>>, vector<1x16xf32>,
    %swap3A_1865 = vector.shape_cast %swap3A_1864 : vector<1x16xf32> to vector<16xf32>
    %swap3A_1866 = vector.shape_cast %broadcast_in_dim3A_1 : vector<16xf32> to vector<1x16xf32>
    tpu.vector_store %arg3[%swap3A_1862, %swap3A_1863], %swap3A_1866 {strides = array<i32>} : memref<8x1024xf32, #tpu.memory_space<vmem>>, vector<1x16xf32>,
    %swap3A_1867 = arith.constant 4 : i32
    %swap3A_1868 = arith.index_cast %swap3A_1867 : i32 to index
    %swap3A_1869 = arith.constant 880 : index
    %swap3A_1870 = tpu.vector_load %arg3[%swap3A_1868, %swap3A_1869] {strides = array<i32>} : memref<8x1024xf32, #tpu.memory_space<vmem>>, vector<1x16xf32>,
    %swap3A_1871 = vector.shape_cast %swap3A_1870 : vector<1x16xf32> to vector<16xf32>
    %swap3A_1872 = vector.shape_cast %broadcast_in_dim3A_1 : vector<16xf32> to vector<1x16xf32>
    tpu.vector_store %arg3[%swap3A_1868, %swap3A_1869], %swap3A_1872 {strides = array<i32>} : memref<8x1024xf32, #tpu.memory_space<vmem>>, vector<1x16xf32>,
    %swap3A_1873 = arith.constant 4 : i32
    %swap3A_1874 = arith.index_cast %swap3A_1873 : i32 to index
    %swap3A_1875 = arith.constant 896 : index
    %swap3A_1876 = tpu.vector_load %arg3[%swap3A_1874, %swap3A_1875] {strides = array<i32>} : memref<8x1024xf32, #tpu.memory_space<vmem>>, vector<1x16xf32>,
    %swap3A_1877 = vector.shape_cast %swap3A_1876 : vector<1x16xf32> to vector<16xf32>
    %swap3A_1878 = vector.shape_cast %broadcast_in_dim3A_1 : vector<16xf32> to vector<1x16xf32>
    tpu.vector_store %arg3[%swap3A_1874, %swap3A_1875], %swap3A_1878 {strides = array<i32>} : memref<8x1024xf32, #tpu.memory_space<vmem>>, vector<1x16xf32>,
    %swap3A_1879 = arith.constant 4 : i32
    %swap3A_1880 = arith.index_cast %swap3A_1879 : i32 to index
    %swap3A_1881 = arith.constant 912 : index
    %swap3A_1882 = tpu.vector_load %arg3[%swap3A_1880, %swap3A_1881] {strides = array<i32>} : memref<8x1024xf32, #tpu.memory_space<vmem>>, vector<1x16xf32>,
    %swap3A_1883 = vector.shape_cast %swap3A_1882 : vector<1x16xf32> to vector<16xf32>
    %swap3A_1884 = vector.shape_cast %broadcast_in_dim3A_1 : vector<16xf32> to vector<1x16xf32>
    tpu.vector_store %arg3[%swap3A_1880, %swap3A_1881], %swap3A_1884 {strides = array<i32>} : memref<8x1024xf32, #tpu.memory_space<vmem>>, vector<1x16xf32>,
    %swap3A_1885 = arith.constant 4 : i32
    %swap3A_1886 = arith.index_cast %swap3A_1885 : i32 to index
    %swap3A_1887 = arith.constant 928 : index
    %swap3A_1888 = tpu.vector_load %arg3[%swap3A_1886, %swap3A_1887] {strides = array<i32>} : memref<8x1024xf32, #tpu.memory_space<vmem>>, vector<1x16xf32>,
    %swap3A_1889 = vector.shape_cast %swap3A_1888 : vector<1x16xf32> to vector<16xf32>
    %swap3A_1890 = vector.shape_cast %broadcast_in_dim3A_1 : vector<16xf32> to vector<1x16xf32>
    tpu.vector_store %arg3[%swap3A_1886, %swap3A_1887], %swap3A_1890 {strides = array<i32>} : memref<8x1024xf32, #tpu.memory_space<vmem>>, vector<1x16xf32>,
    %swap3A_1891 = arith.constant 4 : i32
    %swap3A_1892 = arith.index_cast %swap3A_1891 : i32 to index
    %swap3A_1893 = arith.constant 944 : index
    %swap3A_1894 = tpu.vector_load %arg3[%swap3A_1892, %swap3A_1893] {strides = array<i32>} : memref<8x1024xf32, #tpu.memory_space<vmem>>, vector<1x16xf32>,
    %swap3A_1895 = vector.shape_cast %swap3A_1894 : vector<1x16xf32> to vector<16xf32>
    %swap3A_1896 = vector.shape_cast %broadcast_in_dim3A_1 : vector<16xf32> to vector<1x16xf32>
    tpu.vector_store %arg3[%swap3A_1892, %swap3A_1893], %swap3A_1896 {strides = array<i32>} : memref<8x1024xf32, #tpu.memory_space<vmem>>, vector<1x16xf32>,
    %swap3A_1897 = arith.constant 4 : i32
    %swap3A_1898 = arith.index_cast %swap3A_1897 : i32 to index
    %swap3A_1899 = arith.constant 960 : index
    %swap3A_1900 = tpu.vector_load %arg3[%swap3A_1898, %swap3A_1899] {strides = array<i32>} : memref<8x1024xf32, #tpu.memory_space<vmem>>, vector<1x16xf32>,
    %swap3A_1901 = vector.shape_cast %swap3A_1900 : vector<1x16xf32> to vector<16xf32>
    %swap3A_1902 = vector.shape_cast %broadcast_in_dim3A_1 : vector<16xf32> to vector<1x16xf32>
    tpu.vector_store %arg3[%swap3A_1898, %swap3A_1899], %swap3A_1902 {strides = array<i32>} : memref<8x1024xf32, #tpu.memory_space<vmem>>, vector<1x16xf32>,
    %swap3A_1903 = arith.constant 4 : i32
    %swap3A_1904 = arith.index_cast %swap3A_1903 : i32 to index
    %swap3A_1905 = arith.constant 976 : index
    %swap3A_1906 = tpu.vector_load %arg3[%swap3A_1904, %swap3A_1905] {strides = array<i32>} : memref<8x1024xf32, #tpu.memory_space<vmem>>, vector<1x16xf32>,
    %swap3A_1907 = vector.shape_cast %swap3A_1906 : vector<1x16xf32> to vector<16xf32>
    %swap3A_1908 = vector.shape_cast %broadcast_in_dim3A_1 : vector<16xf32> to vector<1x16xf32>
    tpu.vector_store %arg3[%swap3A_1904, %swap3A_1905], %swap3A_1908 {strides = array<i32>} : memref<8x1024xf32, #tpu.memory_space<vmem>>, vector<1x16xf32>,
    %swap3A_1909 = arith.constant 4 : i32
    %swap3A_1910 = arith.index_cast %swap3A_1909 : i32 to index
    %swap3A_1911 = arith.constant 992 : index
    %swap3A_1912 = tpu.vector_load %arg3[%swap3A_1910, %swap3A_1911] {strides = array<i32>} : memref<8x1024xf32, #tpu.memory_space<vmem>>, vector<1x16xf32>,
    %swap3A_1913 = vector.shape_cast %swap3A_1912 : vector<1x16xf32> to vector<16xf32>
    %swap3A_1914 = vector.shape_cast %broadcast_in_dim3A_1 : vector<16xf32> to vector<1x16xf32>
    tpu.vector_store %arg3[%swap3A_1910, %swap3A_1911], %swap3A_1914 {strides = array<i32>} : memref<8x1024xf32, #tpu.memory_space<vmem>>, vector<1x16xf32>,
    %swap3A_1915 = arith.constant 4 : i32
    %swap3A_1916 = arith.index_cast %swap3A_1915 : i32 to index
    %swap3A_1917 = arith.constant 1008 : index
    %swap3A_1918 = tpu.vector_load %arg3[%swap3A_1916, %swap3A_1917] {strides = array<i32>} : memref<8x1024xf32, #tpu.memory_space<vmem>>, vector<1x16xf32>,
    %swap3A_1919 = vector.shape_cast %swap3A_1918 : vector<1x16xf32> to vector<16xf32>
    %swap3A_1920 = vector.shape_cast %broadcast_in_dim3A_1 : vector<16xf32> to vector<1x16xf32>
    tpu.vector_store %arg3[%swap3A_1916, %swap3A_1917], %swap3A_1920 {strides = array<i32>} : memref<8x1024xf32, #tpu.memory_space<vmem>>, vector<1x16xf32>,
    %swap3A_1921 = arith.constant 5 : i32
    %swap3A_1922 = arith.index_cast %swap3A_1921 : i32 to index
    %swap3A_1923 = arith.constant 0 : index
    %swap3A_1924 = tpu.vector_load %arg3[%swap3A_1922, %swap3A_1923] {strides = array<i32>} : memref<8x1024xf32, #tpu.memory_space<vmem>>, vector<1x16xf32>,
    %swap3A_1925 = vector.shape_cast %swap3A_1924 : vector<1x16xf32> to vector<16xf32>
    %swap3A_1926 = vector.shape_cast %broadcast_in_dim3A_1 : vector<16xf32> to vector<1x16xf32>
    tpu.vector_store %arg3[%swap3A_1922, %swap3A_1923], %swap3A_1926 {strides = array<i32>} : memref<8x1024xf32, #tpu.memory_space<vmem>>, vector<1x16xf32>,
    %swap3A_1927 = arith.constant 5 : i32
    %swap3A_1928 = arith.index_cast %swap3A_1927 : i32 to index
    %swap3A_1929 = arith.constant 16 : index
    %swap3A_1930 = tpu.vector_load %arg3[%swap3A_1928, %swap3A_1929] {strides = array<i32>} : memref<8x1024xf32, #tpu.memory_space<vmem>>, vector<1x16xf32>,
    %swap3A_1931 = vector.shape_cast %swap3A_1930 : vector<1x16xf32> to vector<16xf32>
    %swap3A_1932 = vector.shape_cast %broadcast_in_dim3A_1 : vector<16xf32> to vector<1x16xf32>
    tpu.vector_store %arg3[%swap3A_1928, %swap3A_1929], %swap3A_1932 {strides = array<i32>} : memref<8x1024xf32, #tpu.memory_space<vmem>>, vector<1x16xf32>,
    %swap3A_1933 = arith.constant 5 : i32
    %swap3A_1934 = arith.index_cast %swap3A_1933 : i32 to index
    %swap3A_1935 = arith.constant 32 : index
    %swap3A_1936 = tpu.vector_load %arg3[%swap3A_1934, %swap3A_1935] {strides = array<i32>} : memref<8x1024xf32, #tpu.memory_space<vmem>>, vector<1x16xf32>,
    %swap3A_1937 = vector.shape_cast %swap3A_1936 : vector<1x16xf32> to vector<16xf32>
    %swap3A_1938 = vector.shape_cast %broadcast_in_dim3A_1 : vector<16xf32> to vector<1x16xf32>
    tpu.vector_store %arg3[%swap3A_1934, %swap3A_1935], %swap3A_1938 {strides = array<i32>} : memref<8x1024xf32, #tpu.memory_space<vmem>>, vector<1x16xf32>,
    %swap3A_1939 = arith.constant 5 : i32
    %swap3A_1940 = arith.index_cast %swap3A_1939 : i32 to index
    %swap3A_1941 = arith.constant 48 : index
    %swap3A_1942 = tpu.vector_load %arg3[%swap3A_1940, %swap3A_1941] {strides = array<i32>} : memref<8x1024xf32, #tpu.memory_space<vmem>>, vector<1x16xf32>,
    %swap3A_1943 = vector.shape_cast %swap3A_1942 : vector<1x16xf32> to vector<16xf32>
    %swap3A_1944 = vector.shape_cast %broadcast_in_dim3A_1 : vector<16xf32> to vector<1x16xf32>
    tpu.vector_store %arg3[%swap3A_1940, %swap3A_1941], %swap3A_1944 {strides = array<i32>} : memref<8x1024xf32, #tpu.memory_space<vmem>>, vector<1x16xf32>,
    %swap3A_1945 = arith.constant 5 : i32
    %swap3A_1946 = arith.index_cast %swap3A_1945 : i32 to index
    %swap3A_1947 = arith.constant 64 : index
    %swap3A_1948 = tpu.vector_load %arg3[%swap3A_1946, %swap3A_1947] {strides = array<i32>} : memref<8x1024xf32, #tpu.memory_space<vmem>>, vector<1x16xf32>,
    %swap3A_1949 = vector.shape_cast %swap3A_1948 : vector<1x16xf32> to vector<16xf32>
    %swap3A_1950 = vector.shape_cast %broadcast_in_dim3A_1 : vector<16xf32> to vector<1x16xf32>
    tpu.vector_store %arg3[%swap3A_1946, %swap3A_1947], %swap3A_1950 {strides = array<i32>} : memref<8x1024xf32, #tpu.memory_space<vmem>>, vector<1x16xf32>,
    %swap3A_1951 = arith.constant 5 : i32
    %swap3A_1952 = arith.index_cast %swap3A_1951 : i32 to index
    %swap3A_1953 = arith.constant 80 : index
    %swap3A_1954 = tpu.vector_load %arg3[%swap3A_1952, %swap3A_1953] {strides = array<i32>} : memref<8x1024xf32, #tpu.memory_space<vmem>>, vector<1x16xf32>,
    %swap3A_1955 = vector.shape_cast %swap3A_1954 : vector<1x16xf32> to vector<16xf32>
    %swap3A_1956 = vector.shape_cast %broadcast_in_dim3A_1 : vector<16xf32> to vector<1x16xf32>
    tpu.vector_store %arg3[%swap3A_1952, %swap3A_1953], %swap3A_1956 {strides = array<i32>} : memref<8x1024xf32, #tpu.memory_space<vmem>>, vector<1x16xf32>,
    %swap3A_1957 = arith.constant 5 : i32
    %swap3A_1958 = arith.index_cast %swap3A_1957 : i32 to index
    %swap3A_1959 = arith.constant 96 : index
    %swap3A_1960 = tpu.vector_load %arg3[%swap3A_1958, %swap3A_1959] {strides = array<i32>} : memref<8x1024xf32, #tpu.memory_space<vmem>>, vector<1x16xf32>,
    %swap3A_1961 = vector.shape_cast %swap3A_1960 : vector<1x16xf32> to vector<16xf32>
    %swap3A_1962 = vector.shape_cast %broadcast_in_dim3A_1 : vector<16xf32> to vector<1x16xf32>
    tpu.vector_store %arg3[%swap3A_1958, %swap3A_1959], %swap3A_1962 {strides = array<i32>} : memref<8x1024xf32, #tpu.memory_space<vmem>>, vector<1x16xf32>,
    %swap3A_1963 = arith.constant 5 : i32
    %swap3A_1964 = arith.index_cast %swap3A_1963 : i32 to index
    %swap3A_1965 = arith.constant 112 : index
    %swap3A_1966 = tpu.vector_load %arg3[%swap3A_1964, %swap3A_1965] {strides = array<i32>} : memref<8x1024xf32, #tpu.memory_space<vmem>>, vector<1x16xf32>,
    %swap3A_1967 = vector.shape_cast %swap3A_1966 : vector<1x16xf32> to vector<16xf32>
    %swap3A_1968 = vector.shape_cast %broadcast_in_dim3A_1 : vector<16xf32> to vector<1x16xf32>
    tpu.vector_store %arg3[%swap3A_1964, %swap3A_1965], %swap3A_1968 {strides = array<i32>} : memref<8x1024xf32, #tpu.memory_space<vmem>>, vector<1x16xf32>,
    %swap3A_1969 = arith.constant 5 : i32
    %swap3A_1970 = arith.index_cast %swap3A_1969 : i32 to index
    %swap3A_1971 = arith.constant 128 : index
    %swap3A_1972 = tpu.vector_load %arg3[%swap3A_1970, %swap3A_1971] {strides = array<i32>} : memref<8x1024xf32, #tpu.memory_space<vmem>>, vector<1x16xf32>,
    %swap3A_1973 = vector.shape_cast %swap3A_1972 : vector<1x16xf32> to vector<16xf32>
    %swap3A_1974 = vector.shape_cast %broadcast_in_dim3A_1 : vector<16xf32> to vector<1x16xf32>
    tpu.vector_store %arg3[%swap3A_1970, %swap3A_1971], %swap3A_1974 {strides = array<i32>} : memref<8x1024xf32, #tpu.memory_space<vmem>>, vector<1x16xf32>,
    %swap3A_1975 = arith.constant 5 : i32
    %swap3A_1976 = arith.index_cast %swap3A_1975 : i32 to index
    %swap3A_1977 = arith.constant 144 : index
    %swap3A_1978 = tpu.vector_load %arg3[%swap3A_1976, %swap3A_1977] {strides = array<i32>} : memref<8x1024xf32, #tpu.memory_space<vmem>>, vector<1x16xf32>,
    %swap3A_1979 = vector.shape_cast %swap3A_1978 : vector<1x16xf32> to vector<16xf32>
    %swap3A_1980 = vector.shape_cast %broadcast_in_dim3A_1 : vector<16xf32> to vector<1x16xf32>
    tpu.vector_store %arg3[%swap3A_1976, %swap3A_1977], %swap3A_1980 {strides = array<i32>} : memref<8x1024xf32, #tpu.memory_space<vmem>>, vector<1x16xf32>,
    %swap3A_1981 = arith.constant 5 : i32
    %swap3A_1982 = arith.index_cast %swap3A_1981 : i32 to index
    %swap3A_1983 = arith.constant 160 : index
    %swap3A_1984 = tpu.vector_load %arg3[%swap3A_1982, %swap3A_1983] {strides = array<i32>} : memref<8x1024xf32, #tpu.memory_space<vmem>>, vector<1x16xf32>,
    %swap3A_1985 = vector.shape_cast %swap3A_1984 : vector<1x16xf32> to vector<16xf32>
    %swap3A_1986 = vector.shape_cast %broadcast_in_dim3A_1 : vector<16xf32> to vector<1x16xf32>
    tpu.vector_store %arg3[%swap3A_1982, %swap3A_1983], %swap3A_1986 {strides = array<i32>} : memref<8x1024xf32, #tpu.memory_space<vmem>>, vector<1x16xf32>,
    %swap3A_1987 = arith.constant 5 : i32
    %swap3A_1988 = arith.index_cast %swap3A_1987 : i32 to index
    %swap3A_1989 = arith.constant 176 : index
    %swap3A_1990 = tpu.vector_load %arg3[%swap3A_1988, %swap3A_1989] {strides = array<i32>} : memref<8x1024xf32, #tpu.memory_space<vmem>>, vector<1x16xf32>,
    %swap3A_1991 = vector.shape_cast %swap3A_1990 : vector<1x16xf32> to vector<16xf32>
    %swap3A_1992 = vector.shape_cast %broadcast_in_dim3A_1 : vector<16xf32> to vector<1x16xf32>
    tpu.vector_store %arg3[%swap3A_1988, %swap3A_1989], %swap3A_1992 {strides = array<i32>} : memref<8x1024xf32, #tpu.memory_space<vmem>>, vector<1x16xf32>,
    %swap3A_1993 = arith.constant 5 : i32
    %swap3A_1994 = arith.index_cast %swap3A_1993 : i32 to index
    %swap3A_1995 = arith.constant 192 : index
    %swap3A_1996 = tpu.vector_load %arg3[%swap3A_1994, %swap3A_1995] {strides = array<i32>} : memref<8x1024xf32, #tpu.memory_space<vmem>>, vector<1x16xf32>,
    %swap3A_1997 = vector.shape_cast %swap3A_1996 : vector<1x16xf32> to vector<16xf32>
    %swap3A_1998 = vector.shape_cast %broadcast_in_dim3A_1 : vector<16xf32> to vector<1x16xf32>
    tpu.vector_store %arg3[%swap3A_1994, %swap3A_1995], %swap3A_1998 {strides = array<i32>} : memref<8x1024xf32, #tpu.memory_space<vmem>>, vector<1x16xf32>,
    %swap3A_1999 = arith.constant 5 : i32
    %swap3A_2000 = arith.index_cast %swap3A_1999 : i32 to index
    %swap3A_2001 = arith.constant 208 : index
    %swap3A_2002 = tpu.vector_load %arg3[%swap3A_2000, %swap3A_2001] {strides = array<i32>} : memref<8x1024xf32, #tpu.memory_space<vmem>>, vector<1x16xf32>,
    %swap3A_2003 = vector.shape_cast %swap3A_2002 : vector<1x16xf32> to vector<16xf32>
    %swap3A_2004 = vector.shape_cast %broadcast_in_dim3A_1 : vector<16xf32> to vector<1x16xf32>
    tpu.vector_store %arg3[%swap3A_2000, %swap3A_2001], %swap3A_2004 {strides = array<i32>} : memref<8x1024xf32, #tpu.memory_space<vmem>>, vector<1x16xf32>,
    %swap3A_2005 = arith.constant 5 : i32
    %swap3A_2006 = arith.index_cast %swap3A_2005 : i32 to index
    %swap3A_2007 = arith.constant 224 : index
    %swap3A_2008 = tpu.vector_load %arg3[%swap3A_2006, %swap3A_2007] {strides = array<i32>} : memref<8x1024xf32, #tpu.memory_space<vmem>>, vector<1x16xf32>,
    %swap3A_2009 = vector.shape_cast %swap3A_2008 : vector<1x16xf32> to vector<16xf32>
    %swap3A_2010 = vector.shape_cast %broadcast_in_dim3A_1 : vector<16xf32> to vector<1x16xf32>
    tpu.vector_store %arg3[%swap3A_2006, %swap3A_2007], %swap3A_2010 {strides = array<i32>} : memref<8x1024xf32, #tpu.memory_space<vmem>>, vector<1x16xf32>,
    %swap3A_2011 = arith.constant 5 : i32
    %swap3A_2012 = arith.index_cast %swap3A_2011 : i32 to index
    %swap3A_2013 = arith.constant 240 : index
    %swap3A_2014 = tpu.vector_load %arg3[%swap3A_2012, %swap3A_2013] {strides = array<i32>} : memref<8x1024xf32, #tpu.memory_space<vmem>>, vector<1x16xf32>,
    %swap3A_2015 = vector.shape_cast %swap3A_2014 : vector<1x16xf32> to vector<16xf32>
    %swap3A_2016 = vector.shape_cast %broadcast_in_dim3A_1 : vector<16xf32> to vector<1x16xf32>
    tpu.vector_store %arg3[%swap3A_2012, %swap3A_2013], %swap3A_2016 {strides = array<i32>} : memref<8x1024xf32, #tpu.memory_space<vmem>>, vector<1x16xf32>,
    %swap3A_2017 = arith.constant 5 : i32
    %swap3A_2018 = arith.index_cast %swap3A_2017 : i32 to index
    %swap3A_2019 = arith.constant 256 : index
    %swap3A_2020 = tpu.vector_load %arg3[%swap3A_2018, %swap3A_2019] {strides = array<i32>} : memref<8x1024xf32, #tpu.memory_space<vmem>>, vector<1x16xf32>,
    %swap3A_2021 = vector.shape_cast %swap3A_2020 : vector<1x16xf32> to vector<16xf32>
    %swap3A_2022 = vector.shape_cast %broadcast_in_dim3A_1 : vector<16xf32> to vector<1x16xf32>
    tpu.vector_store %arg3[%swap3A_2018, %swap3A_2019], %swap3A_2022 {strides = array<i32>} : memref<8x1024xf32, #tpu.memory_space<vmem>>, vector<1x16xf32>,
    %swap3A_2023 = arith.constant 5 : i32
    %swap3A_2024 = arith.index_cast %swap3A_2023 : i32 to index
    %swap3A_2025 = arith.constant 272 : index
    %swap3A_2026 = tpu.vector_load %arg3[%swap3A_2024, %swap3A_2025] {strides = array<i32>} : memref<8x1024xf32, #tpu.memory_space<vmem>>, vector<1x16xf32>,
    %swap3A_2027 = vector.shape_cast %swap3A_2026 : vector<1x16xf32> to vector<16xf32>
    %swap3A_2028 = vector.shape_cast %broadcast_in_dim3A_1 : vector<16xf32> to vector<1x16xf32>
    tpu.vector_store %arg3[%swap3A_2024, %swap3A_2025], %swap3A_2028 {strides = array<i32>} : memref<8x1024xf32, #tpu.memory_space<vmem>>, vector<1x16xf32>,
    %swap3A_2029 = arith.constant 5 : i32
    %swap3A_2030 = arith.index_cast %swap3A_2029 : i32 to index
    %swap3A_2031 = arith.constant 288 : index
    %swap3A_2032 = tpu.vector_load %arg3[%swap3A_2030, %swap3A_2031] {strides = array<i32>} : memref<8x1024xf32, #tpu.memory_space<vmem>>, vector<1x16xf32>,
    %swap3A_2033 = vector.shape_cast %swap3A_2032 : vector<1x16xf32> to vector<16xf32>
    %swap3A_2034 = vector.shape_cast %broadcast_in_dim3A_1 : vector<16xf32> to vector<1x16xf32>
    tpu.vector_store %arg3[%swap3A_2030, %swap3A_2031], %swap3A_2034 {strides = array<i32>} : memref<8x1024xf32, #tpu.memory_space<vmem>>, vector<1x16xf32>,
    %swap3A_2035 = arith.constant 5 : i32
    %swap3A_2036 = arith.index_cast %swap3A_2035 : i32 to index
    %swap3A_2037 = arith.constant 304 : index
    %swap3A_2038 = tpu.vector_load %arg3[%swap3A_2036, %swap3A_2037] {strides = array<i32>} : memref<8x1024xf32, #tpu.memory_space<vmem>>, vector<1x16xf32>,
    %swap3A_2039 = vector.shape_cast %swap3A_2038 : vector<1x16xf32> to vector<16xf32>
    %swap3A_2040 = vector.shape_cast %broadcast_in_dim3A_1 : vector<16xf32> to vector<1x16xf32>
    tpu.vector_store %arg3[%swap3A_2036, %swap3A_2037], %swap3A_2040 {strides = array<i32>} : memref<8x1024xf32, #tpu.memory_space<vmem>>, vector<1x16xf32>,
    %swap3A_2041 = arith.constant 5 : i32
    %swap3A_2042 = arith.index_cast %swap3A_2041 : i32 to index
    %swap3A_2043 = arith.constant 320 : index
    %swap3A_2044 = tpu.vector_load %arg3[%swap3A_2042, %swap3A_2043] {strides = array<i32>} : memref<8x1024xf32, #tpu.memory_space<vmem>>, vector<1x16xf32>,
    %swap3A_2045 = vector.shape_cast %swap3A_2044 : vector<1x16xf32> to vector<16xf32>
    %swap3A_2046 = vector.shape_cast %broadcast_in_dim3A_1 : vector<16xf32> to vector<1x16xf32>
    tpu.vector_store %arg3[%swap3A_2042, %swap3A_2043], %swap3A_2046 {strides = array<i32>} : memref<8x1024xf32, #tpu.memory_space<vmem>>, vector<1x16xf32>,
    %swap3A_2047 = arith.constant 5 : i32
    %swap3A_2048 = arith.index_cast %swap3A_2047 : i32 to index
    %swap3A_2049 = arith.constant 336 : index
    %swap3A_2050 = tpu.vector_load %arg3[%swap3A_2048, %swap3A_2049] {strides = array<i32>} : memref<8x1024xf32, #tpu.memory_space<vmem>>, vector<1x16xf32>,
    %swap3A_2051 = vector.shape_cast %swap3A_2050 : vector<1x16xf32> to vector<16xf32>
    %swap3A_2052 = vector.shape_cast %broadcast_in_dim3A_1 : vector<16xf32> to vector<1x16xf32>
    tpu.vector_store %arg3[%swap3A_2048, %swap3A_2049], %swap3A_2052 {strides = array<i32>} : memref<8x1024xf32, #tpu.memory_space<vmem>>, vector<1x16xf32>,
    %swap3A_2053 = arith.constant 5 : i32
    %swap3A_2054 = arith.index_cast %swap3A_2053 : i32 to index
    %swap3A_2055 = arith.constant 352 : index
    %swap3A_2056 = tpu.vector_load %arg3[%swap3A_2054, %swap3A_2055] {strides = array<i32>} : memref<8x1024xf32, #tpu.memory_space<vmem>>, vector<1x16xf32>,
    %swap3A_2057 = vector.shape_cast %swap3A_2056 : vector<1x16xf32> to vector<16xf32>
    %swap3A_2058 = vector.shape_cast %broadcast_in_dim3A_1 : vector<16xf32> to vector<1x16xf32>
    tpu.vector_store %arg3[%swap3A_2054, %swap3A_2055], %swap3A_2058 {strides = array<i32>} : memref<8x1024xf32, #tpu.memory_space<vmem>>, vector<1x16xf32>,
    %swap3A_2059 = arith.constant 5 : i32
    %swap3A_2060 = arith.index_cast %swap3A_2059 : i32 to index
    %swap3A_2061 = arith.constant 368 : index
    %swap3A_2062 = tpu.vector_load %arg3[%swap3A_2060, %swap3A_2061] {strides = array<i32>} : memref<8x1024xf32, #tpu.memory_space<vmem>>, vector<1x16xf32>,
    %swap3A_2063 = vector.shape_cast %swap3A_2062 : vector<1x16xf32> to vector<16xf32>
    %swap3A_2064 = vector.shape_cast %broadcast_in_dim3A_1 : vector<16xf32> to vector<1x16xf32>
    tpu.vector_store %arg3[%swap3A_2060, %swap3A_2061], %swap3A_2064 {strides = array<i32>} : memref<8x1024xf32, #tpu.memory_space<vmem>>, vector<1x16xf32>,
    %swap3A_2065 = arith.constant 5 : i32
    %swap3A_2066 = arith.index_cast %swap3A_2065 : i32 to index
    %swap3A_2067 = arith.constant 384 : index
    %swap3A_2068 = tpu.vector_load %arg3[%swap3A_2066, %swap3A_2067] {strides = array<i32>} : memref<8x1024xf32, #tpu.memory_space<vmem>>, vector<1x16xf32>,
    %swap3A_2069 = vector.shape_cast %swap3A_2068 : vector<1x16xf32> to vector<16xf32>
    %swap3A_2070 = vector.shape_cast %broadcast_in_dim3A_1 : vector<16xf32> to vector<1x16xf32>
    tpu.vector_store %arg3[%swap3A_2066, %swap3A_2067], %swap3A_2070 {strides = array<i32>} : memref<8x1024xf32, #tpu.memory_space<vmem>>, vector<1x16xf32>,
    %swap3A_2071 = arith.constant 5 : i32
    %swap3A_2072 = arith.index_cast %swap3A_2071 : i32 to index
    %swap3A_2073 = arith.constant 400 : index
    %swap3A_2074 = tpu.vector_load %arg3[%swap3A_2072, %swap3A_2073] {strides = array<i32>} : memref<8x1024xf32, #tpu.memory_space<vmem>>, vector<1x16xf32>,
    %swap3A_2075 = vector.shape_cast %swap3A_2074 : vector<1x16xf32> to vector<16xf32>
    %swap3A_2076 = vector.shape_cast %broadcast_in_dim3A_1 : vector<16xf32> to vector<1x16xf32>
    tpu.vector_store %arg3[%swap3A_2072, %swap3A_2073], %swap3A_2076 {strides = array<i32>} : memref<8x1024xf32, #tpu.memory_space<vmem>>, vector<1x16xf32>,
    %swap3A_2077 = arith.constant 5 : i32
    %swap3A_2078 = arith.index_cast %swap3A_2077 : i32 to index
    %swap3A_2079 = arith.constant 416 : index
    %swap3A_2080 = tpu.vector_load %arg3[%swap3A_2078, %swap3A_2079] {strides = array<i32>} : memref<8x1024xf32, #tpu.memory_space<vmem>>, vector<1x16xf32>,
    %swap3A_2081 = vector.shape_cast %swap3A_2080 : vector<1x16xf32> to vector<16xf32>
    %swap3A_2082 = vector.shape_cast %broadcast_in_dim3A_1 : vector<16xf32> to vector<1x16xf32>
    tpu.vector_store %arg3[%swap3A_2078, %swap3A_2079], %swap3A_2082 {strides = array<i32>} : memref<8x1024xf32, #tpu.memory_space<vmem>>, vector<1x16xf32>,
    %swap3A_2083 = arith.constant 5 : i32
    %swap3A_2084 = arith.index_cast %swap3A_2083 : i32 to index
    %swap3A_2085 = arith.constant 432 : index
    %swap3A_2086 = tpu.vector_load %arg3[%swap3A_2084, %swap3A_2085] {strides = array<i32>} : memref<8x1024xf32, #tpu.memory_space<vmem>>, vector<1x16xf32>,
    %swap3A_2087 = vector.shape_cast %swap3A_2086 : vector<1x16xf32> to vector<16xf32>
    %swap3A_2088 = vector.shape_cast %broadcast_in_dim3A_1 : vector<16xf32> to vector<1x16xf32>
    tpu.vector_store %arg3[%swap3A_2084, %swap3A_2085], %swap3A_2088 {strides = array<i32>} : memref<8x1024xf32, #tpu.memory_space<vmem>>, vector<1x16xf32>,
    %swap3A_2089 = arith.constant 5 : i32
    %swap3A_2090 = arith.index_cast %swap3A_2089 : i32 to index
    %swap3A_2091 = arith.constant 448 : index
    %swap3A_2092 = tpu.vector_load %arg3[%swap3A_2090, %swap3A_2091] {strides = array<i32>} : memref<8x1024xf32, #tpu.memory_space<vmem>>, vector<1x16xf32>,
    %swap3A_2093 = vector.shape_cast %swap3A_2092 : vector<1x16xf32> to vector<16xf32>
    %swap3A_2094 = vector.shape_cast %broadcast_in_dim3A_1 : vector<16xf32> to vector<1x16xf32>
    tpu.vector_store %arg3[%swap3A_2090, %swap3A_2091], %swap3A_2094 {strides = array<i32>} : memref<8x1024xf32, #tpu.memory_space<vmem>>, vector<1x16xf32>,
    %swap3A_2095 = arith.constant 5 : i32
    %swap3A_2096 = arith.index_cast %swap3A_2095 : i32 to index
    %swap3A_2097 = arith.constant 464 : index
    %swap3A_2098 = tpu.vector_load %arg3[%swap3A_2096, %swap3A_2097] {strides = array<i32>} : memref<8x1024xf32, #tpu.memory_space<vmem>>, vector<1x16xf32>,
    %swap3A_2099 = vector.shape_cast %swap3A_2098 : vector<1x16xf32> to vector<16xf32>
    %swap3A_2100 = vector.shape_cast %broadcast_in_dim3A_1 : vector<16xf32> to vector<1x16xf32>
    tpu.vector_store %arg3[%swap3A_2096, %swap3A_2097], %swap3A_2100 {strides = array<i32>} : memref<8x1024xf32, #tpu.memory_space<vmem>>, vector<1x16xf32>,
    %swap3A_2101 = arith.constant 5 : i32
    %swap3A_2102 = arith.index_cast %swap3A_2101 : i32 to index
    %swap3A_2103 = arith.constant 480 : index
    %swap3A_2104 = tpu.vector_load %arg3[%swap3A_2102, %swap3A_2103] {strides = array<i32>} : memref<8x1024xf32, #tpu.memory_space<vmem>>, vector<1x16xf32>,
    %swap3A_2105 = vector.shape_cast %swap3A_2104 : vector<1x16xf32> to vector<16xf32>
    %swap3A_2106 = vector.shape_cast %broadcast_in_dim3A_1 : vector<16xf32> to vector<1x16xf32>
    tpu.vector_store %arg3[%swap3A_2102, %swap3A_2103], %swap3A_2106 {strides = array<i32>} : memref<8x1024xf32, #tpu.memory_space<vmem>>, vector<1x16xf32>,
    %swap3A_2107 = arith.constant 5 : i32
    %swap3A_2108 = arith.index_cast %swap3A_2107 : i32 to index
    %swap3A_2109 = arith.constant 496 : index
    %swap3A_2110 = tpu.vector_load %arg3[%swap3A_2108, %swap3A_2109] {strides = array<i32>} : memref<8x1024xf32, #tpu.memory_space<vmem>>, vector<1x16xf32>,
    %swap3A_2111 = vector.shape_cast %swap3A_2110 : vector<1x16xf32> to vector<16xf32>
    %swap3A_2112 = vector.shape_cast %broadcast_in_dim3A_1 : vector<16xf32> to vector<1x16xf32>
    tpu.vector_store %arg3[%swap3A_2108, %swap3A_2109], %swap3A_2112 {strides = array<i32>} : memref<8x1024xf32, #tpu.memory_space<vmem>>, vector<1x16xf32>,
    %swap3A_2113 = arith.constant 5 : i32
    %swap3A_2114 = arith.index_cast %swap3A_2113 : i32 to index
    %swap3A_2115 = arith.constant 512 : index
    %swap3A_2116 = tpu.vector_load %arg3[%swap3A_2114, %swap3A_2115] {strides = array<i32>} : memref<8x1024xf32, #tpu.memory_space<vmem>>, vector<1x16xf32>,
    %swap3A_2117 = vector.shape_cast %swap3A_2116 : vector<1x16xf32> to vector<16xf32>
    %swap3A_2118 = vector.shape_cast %broadcast_in_dim3A_1 : vector<16xf32> to vector<1x16xf32>
    tpu.vector_store %arg3[%swap3A_2114, %swap3A_2115], %swap3A_2118 {strides = array<i32>} : memref<8x1024xf32, #tpu.memory_space<vmem>>, vector<1x16xf32>,
    %swap3A_2119 = arith.constant 5 : i32
    %swap3A_2120 = arith.index_cast %swap3A_2119 : i32 to index
    %swap3A_2121 = arith.constant 528 : index
    %swap3A_2122 = tpu.vector_load %arg3[%swap3A_2120, %swap3A_2121] {strides = array<i32>} : memref<8x1024xf32, #tpu.memory_space<vmem>>, vector<1x16xf32>,
    %swap3A_2123 = vector.shape_cast %swap3A_2122 : vector<1x16xf32> to vector<16xf32>
    %swap3A_2124 = vector.shape_cast %broadcast_in_dim3A_1 : vector<16xf32> to vector<1x16xf32>
    tpu.vector_store %arg3[%swap3A_2120, %swap3A_2121], %swap3A_2124 {strides = array<i32>} : memref<8x1024xf32, #tpu.memory_space<vmem>>, vector<1x16xf32>,
    %swap3A_2125 = arith.constant 5 : i32
    %swap3A_2126 = arith.index_cast %swap3A_2125 : i32 to index
    %swap3A_2127 = arith.constant 544 : index
    %swap3A_2128 = tpu.vector_load %arg3[%swap3A_2126, %swap3A_2127] {strides = array<i32>} : memref<8x1024xf32, #tpu.memory_space<vmem>>, vector<1x16xf32>,
    %swap3A_2129 = vector.shape_cast %swap3A_2128 : vector<1x16xf32> to vector<16xf32>
    %swap3A_2130 = vector.shape_cast %broadcast_in_dim3A_1 : vector<16xf32> to vector<1x16xf32>
    tpu.vector_store %arg3[%swap3A_2126, %swap3A_2127], %swap3A_2130 {strides = array<i32>} : memref<8x1024xf32, #tpu.memory_space<vmem>>, vector<1x16xf32>,
    %swap3A_2131 = arith.constant 5 : i32
    %swap3A_2132 = arith.index_cast %swap3A_2131 : i32 to index
    %swap3A_2133 = arith.constant 560 : index
    %swap3A_2134 = tpu.vector_load %arg3[%swap3A_2132, %swap3A_2133] {strides = array<i32>} : memref<8x1024xf32, #tpu.memory_space<vmem>>, vector<1x16xf32>,
    %swap3A_2135 = vector.shape_cast %swap3A_2134 : vector<1x16xf32> to vector<16xf32>
    %swap3A_2136 = vector.shape_cast %broadcast_in_dim3A_1 : vector<16xf32> to vector<1x16xf32>
    tpu.vector_store %arg3[%swap3A_2132, %swap3A_2133], %swap3A_2136 {strides = array<i32>} : memref<8x1024xf32, #tpu.memory_space<vmem>>, vector<1x16xf32>,
    %swap3A_2137 = arith.constant 5 : i32
    %swap3A_2138 = arith.index_cast %swap3A_2137 : i32 to index
    %swap3A_2139 = arith.constant 576 : index
    %swap3A_2140 = tpu.vector_load %arg3[%swap3A_2138, %swap3A_2139] {strides = array<i32>} : memref<8x1024xf32, #tpu.memory_space<vmem>>, vector<1x16xf32>,
    %swap3A_2141 = vector.shape_cast %swap3A_2140 : vector<1x16xf32> to vector<16xf32>
    %swap3A_2142 = vector.shape_cast %broadcast_in_dim3A_1 : vector<16xf32> to vector<1x16xf32>
    tpu.vector_store %arg3[%swap3A_2138, %swap3A_2139], %swap3A_2142 {strides = array<i32>} : memref<8x1024xf32, #tpu.memory_space<vmem>>, vector<1x16xf32>,
    %swap3A_2143 = arith.constant 5 : i32
    %swap3A_2144 = arith.index_cast %swap3A_2143 : i32 to index
    %swap3A_2145 = arith.constant 592 : index
    %swap3A_2146 = tpu.vector_load %arg3[%swap3A_2144, %swap3A_2145] {strides = array<i32>} : memref<8x1024xf32, #tpu.memory_space<vmem>>, vector<1x16xf32>,
    %swap3A_2147 = vector.shape_cast %swap3A_2146 : vector<1x16xf32> to vector<16xf32>
    %swap3A_2148 = vector.shape_cast %broadcast_in_dim3A_1 : vector<16xf32> to vector<1x16xf32>
    tpu.vector_store %arg3[%swap3A_2144, %swap3A_2145], %swap3A_2148 {strides = array<i32>} : memref<8x1024xf32, #tpu.memory_space<vmem>>, vector<1x16xf32>,
    %swap3A_2149 = arith.constant 5 : i32
    %swap3A_2150 = arith.index_cast %swap3A_2149 : i32 to index
    %swap3A_2151 = arith.constant 608 : index
    %swap3A_2152 = tpu.vector_load %arg3[%swap3A_2150, %swap3A_2151] {strides = array<i32>} : memref<8x1024xf32, #tpu.memory_space<vmem>>, vector<1x16xf32>,
    %swap3A_2153 = vector.shape_cast %swap3A_2152 : vector<1x16xf32> to vector<16xf32>
    %swap3A_2154 = vector.shape_cast %broadcast_in_dim3A_1 : vector<16xf32> to vector<1x16xf32>
    tpu.vector_store %arg3[%swap3A_2150, %swap3A_2151], %swap3A_2154 {strides = array<i32>} : memref<8x1024xf32, #tpu.memory_space<vmem>>, vector<1x16xf32>,
    %swap3A_2155 = arith.constant 5 : i32
    %swap3A_2156 = arith.index_cast %swap3A_2155 : i32 to index
    %swap3A_2157 = arith.constant 624 : index
    %swap3A_2158 = tpu.vector_load %arg3[%swap3A_2156, %swap3A_2157] {strides = array<i32>} : memref<8x1024xf32, #tpu.memory_space<vmem>>, vector<1x16xf32>,
    %swap3A_2159 = vector.shape_cast %swap3A_2158 : vector<1x16xf32> to vector<16xf32>
    %swap3A_2160 = vector.shape_cast %broadcast_in_dim3A_1 : vector<16xf32> to vector<1x16xf32>
    tpu.vector_store %arg3[%swap3A_2156, %swap3A_2157], %swap3A_2160 {strides = array<i32>} : memref<8x1024xf32, #tpu.memory_space<vmem>>, vector<1x16xf32>,
    %swap3A_2161 = arith.constant 5 : i32
    %swap3A_2162 = arith.index_cast %swap3A_2161 : i32 to index
    %swap3A_2163 = arith.constant 640 : index
    %swap3A_2164 = tpu.vector_load %arg3[%swap3A_2162, %swap3A_2163] {strides = array<i32>} : memref<8x1024xf32, #tpu.memory_space<vmem>>, vector<1x16xf32>,
    %swap3A_2165 = vector.shape_cast %swap3A_2164 : vector<1x16xf32> to vector<16xf32>
    %swap3A_2166 = vector.shape_cast %broadcast_in_dim3A_1 : vector<16xf32> to vector<1x16xf32>
    tpu.vector_store %arg3[%swap3A_2162, %swap3A_2163], %swap3A_2166 {strides = array<i32>} : memref<8x1024xf32, #tpu.memory_space<vmem>>, vector<1x16xf32>,
    %swap3A_2167 = arith.constant 5 : i32
    %swap3A_2168 = arith.index_cast %swap3A_2167 : i32 to index
    %swap3A_2169 = arith.constant 656 : index
    %swap3A_2170 = tpu.vector_load %arg3[%swap3A_2168, %swap3A_2169] {strides = array<i32>} : memref<8x1024xf32, #tpu.memory_space<vmem>>, vector<1x16xf32>,
    %swap3A_2171 = vector.shape_cast %swap3A_2170 : vector<1x16xf32> to vector<16xf32>
    %swap3A_2172 = vector.shape_cast %broadcast_in_dim3A_1 : vector<16xf32> to vector<1x16xf32>
    tpu.vector_store %arg3[%swap3A_2168, %swap3A_2169], %swap3A_2172 {strides = array<i32>} : memref<8x1024xf32, #tpu.memory_space<vmem>>, vector<1x16xf32>,
    %swap3A_2173 = arith.constant 5 : i32
    %swap3A_2174 = arith.index_cast %swap3A_2173 : i32 to index
    %swap3A_2175 = arith.constant 672 : index
    %swap3A_2176 = tpu.vector_load %arg3[%swap3A_2174, %swap3A_2175] {strides = array<i32>} : memref<8x1024xf32, #tpu.memory_space<vmem>>, vector<1x16xf32>,
    %swap3A_2177 = vector.shape_cast %swap3A_2176 : vector<1x16xf32> to vector<16xf32>
    %swap3A_2178 = vector.shape_cast %broadcast_in_dim3A_1 : vector<16xf32> to vector<1x16xf32>
    tpu.vector_store %arg3[%swap3A_2174, %swap3A_2175], %swap3A_2178 {strides = array<i32>} : memref<8x1024xf32, #tpu.memory_space<vmem>>, vector<1x16xf32>,
    %swap3A_2179 = arith.constant 5 : i32
    %swap3A_2180 = arith.index_cast %swap3A_2179 : i32 to index
    %swap3A_2181 = arith.constant 688 : index
    %swap3A_2182 = tpu.vector_load %arg3[%swap3A_2180, %swap3A_2181] {strides = array<i32>} : memref<8x1024xf32, #tpu.memory_space<vmem>>, vector<1x16xf32>,
    %swap3A_2183 = vector.shape_cast %swap3A_2182 : vector<1x16xf32> to vector<16xf32>
    %swap3A_2184 = vector.shape_cast %broadcast_in_dim3A_1 : vector<16xf32> to vector<1x16xf32>
    tpu.vector_store %arg3[%swap3A_2180, %swap3A_2181], %swap3A_2184 {strides = array<i32>} : memref<8x1024xf32, #tpu.memory_space<vmem>>, vector<1x16xf32>,
    %swap3A_2185 = arith.constant 5 : i32
    %swap3A_2186 = arith.index_cast %swap3A_2185 : i32 to index
    %swap3A_2187 = arith.constant 704 : index
    %swap3A_2188 = tpu.vector_load %arg3[%swap3A_2186, %swap3A_2187] {strides = array<i32>} : memref<8x1024xf32, #tpu.memory_space<vmem>>, vector<1x16xf32>,
    %swap3A_2189 = vector.shape_cast %swap3A_2188 : vector<1x16xf32> to vector<16xf32>
    %swap3A_2190 = vector.shape_cast %broadcast_in_dim3A_1 : vector<16xf32> to vector<1x16xf32>
    tpu.vector_store %arg3[%swap3A_2186, %swap3A_2187], %swap3A_2190 {strides = array<i32>} : memref<8x1024xf32, #tpu.memory_space<vmem>>, vector<1x16xf32>,
    %swap3A_2191 = arith.constant 5 : i32
    %swap3A_2192 = arith.index_cast %swap3A_2191 : i32 to index
    %swap3A_2193 = arith.constant 720 : index
    %swap3A_2194 = tpu.vector_load %arg3[%swap3A_2192, %swap3A_2193] {strides = array<i32>} : memref<8x1024xf32, #tpu.memory_space<vmem>>, vector<1x16xf32>,
    %swap3A_2195 = vector.shape_cast %swap3A_2194 : vector<1x16xf32> to vector<16xf32>
    %swap3A_2196 = vector.shape_cast %broadcast_in_dim3A_1 : vector<16xf32> to vector<1x16xf32>
    tpu.vector_store %arg3[%swap3A_2192, %swap3A_2193], %swap3A_2196 {strides = array<i32>} : memref<8x1024xf32, #tpu.memory_space<vmem>>, vector<1x16xf32>,
    %swap3A_2197 = arith.constant 5 : i32
    %swap3A_2198 = arith.index_cast %swap3A_2197 : i32 to index
    %swap3A_2199 = arith.constant 736 : index
    %swap3A_2200 = tpu.vector_load %arg3[%swap3A_2198, %swap3A_2199] {strides = array<i32>} : memref<8x1024xf32, #tpu.memory_space<vmem>>, vector<1x16xf32>,
    %swap3A_2201 = vector.shape_cast %swap3A_2200 : vector<1x16xf32> to vector<16xf32>
    %swap3A_2202 = vector.shape_cast %broadcast_in_dim3A_1 : vector<16xf32> to vector<1x16xf32>
    tpu.vector_store %arg3[%swap3A_2198, %swap3A_2199], %swap3A_2202 {strides = array<i32>} : memref<8x1024xf32, #tpu.memory_space<vmem>>, vector<1x16xf32>,
    %swap3A_2203 = arith.constant 5 : i32
    %swap3A_2204 = arith.index_cast %swap3A_2203 : i32 to index
    %swap3A_2205 = arith.constant 752 : index
    %swap3A_2206 = tpu.vector_load %arg3[%swap3A_2204, %swap3A_2205] {strides = array<i32>} : memref<8x1024xf32, #tpu.memory_space<vmem>>, vector<1x16xf32>,
    %swap3A_2207 = vector.shape_cast %swap3A_2206 : vector<1x16xf32> to vector<16xf32>
    %swap3A_2208 = vector.shape_cast %broadcast_in_dim3A_1 : vector<16xf32> to vector<1x16xf32>
    tpu.vector_store %arg3[%swap3A_2204, %swap3A_2205], %swap3A_2208 {strides = array<i32>} : memref<8x1024xf32, #tpu.memory_space<vmem>>, vector<1x16xf32>,
    %swap3A_2209 = arith.constant 5 : i32
    %swap3A_2210 = arith.index_cast %swap3A_2209 : i32 to index
    %swap3A_2211 = arith.constant 768 : index
    %swap3A_2212 = tpu.vector_load %arg3[%swap3A_2210, %swap3A_2211] {strides = array<i32>} : memref<8x1024xf32, #tpu.memory_space<vmem>>, vector<1x16xf32>,
    %swap3A_2213 = vector.shape_cast %swap3A_2212 : vector<1x16xf32> to vector<16xf32>
    %swap3A_2214 = vector.shape_cast %broadcast_in_dim3A_1 : vector<16xf32> to vector<1x16xf32>
    tpu.vector_store %arg3[%swap3A_2210, %swap3A_2211], %swap3A_2214 {strides = array<i32>} : memref<8x1024xf32, #tpu.memory_space<vmem>>, vector<1x16xf32>,
    %swap3A_2215 = arith.constant 5 : i32
    %swap3A_2216 = arith.index_cast %swap3A_2215 : i32 to index
    %swap3A_2217 = arith.constant 784 : index
    %swap3A_2218 = tpu.vector_load %arg3[%swap3A_2216, %swap3A_2217] {strides = array<i32>} : memref<8x1024xf32, #tpu.memory_space<vmem>>, vector<1x16xf32>,
    %swap3A_2219 = vector.shape_cast %swap3A_2218 : vector<1x16xf32> to vector<16xf32>
    %swap3A_2220 = vector.shape_cast %broadcast_in_dim3A_1 : vector<16xf32> to vector<1x16xf32>
    tpu.vector_store %arg3[%swap3A_2216, %swap3A_2217], %swap3A_2220 {strides = array<i32>} : memref<8x1024xf32, #tpu.memory_space<vmem>>, vector<1x16xf32>,
    %swap3A_2221 = arith.constant 5 : i32
    %swap3A_2222 = arith.index_cast %swap3A_2221 : i32 to index
    %swap3A_2223 = arith.constant 800 : index
    %swap3A_2224 = tpu.vector_load %arg3[%swap3A_2222, %swap3A_2223] {strides = array<i32>} : memref<8x1024xf32, #tpu.memory_space<vmem>>, vector<1x16xf32>,
    %swap3A_2225 = vector.shape_cast %swap3A_2224 : vector<1x16xf32> to vector<16xf32>
    %swap3A_2226 = vector.shape_cast %broadcast_in_dim3A_1 : vector<16xf32> to vector<1x16xf32>
    tpu.vector_store %arg3[%swap3A_2222, %swap3A_2223], %swap3A_2226 {strides = array<i32>} : memref<8x1024xf32, #tpu.memory_space<vmem>>, vector<1x16xf32>,
    %swap3A_2227 = arith.constant 5 : i32
    %swap3A_2228 = arith.index_cast %swap3A_2227 : i32 to index
    %swap3A_2229 = arith.constant 816 : index
    %swap3A_2230 = tpu.vector_load %arg3[%swap3A_2228, %swap3A_2229] {strides = array<i32>} : memref<8x1024xf32, #tpu.memory_space<vmem>>, vector<1x16xf32>,
    %swap3A_2231 = vector.shape_cast %swap3A_2230 : vector<1x16xf32> to vector<16xf32>
    %swap3A_2232 = vector.shape_cast %broadcast_in_dim3A_1 : vector<16xf32> to vector<1x16xf32>
    tpu.vector_store %arg3[%swap3A_2228, %swap3A_2229], %swap3A_2232 {strides = array<i32>} : memref<8x1024xf32, #tpu.memory_space<vmem>>, vector<1x16xf32>,
    %swap3A_2233 = arith.constant 5 : i32
    %swap3A_2234 = arith.index_cast %swap3A_2233 : i32 to index
    %swap3A_2235 = arith.constant 832 : index
    %swap3A_2236 = tpu.vector_load %arg3[%swap3A_2234, %swap3A_2235] {strides = array<i32>} : memref<8x1024xf32, #tpu.memory_space<vmem>>, vector<1x16xf32>,
    %swap3A_2237 = vector.shape_cast %swap3A_2236 : vector<1x16xf32> to vector<16xf32>
    %swap3A_2238 = vector.shape_cast %broadcast_in_dim3A_1 : vector<16xf32> to vector<1x16xf32>
    tpu.vector_store %arg3[%swap3A_2234, %swap3A_2235], %swap3A_2238 {strides = array<i32>} : memref<8x1024xf32, #tpu.memory_space<vmem>>, vector<1x16xf32>,
    %swap3A_2239 = arith.constant 5 : i32
    %swap3A_2240 = arith.index_cast %swap3A_2239 : i32 to index
    %swap3A_2241 = arith.constant 848 : index
    %swap3A_2242 = tpu.vector_load %arg3[%swap3A_2240, %swap3A_2241] {strides = array<i32>} : memref<8x1024xf32, #tpu.memory_space<vmem>>, vector<1x16xf32>,
    %swap3A_2243 = vector.shape_cast %swap3A_2242 : vector<1x16xf32> to vector<16xf32>
    %swap3A_2244 = vector.shape_cast %broadcast_in_dim3A_1 : vector<16xf32> to vector<1x16xf32>
    tpu.vector_store %arg3[%swap3A_2240, %swap3A_2241], %swap3A_2244 {strides = array<i32>} : memref<8x1024xf32, #tpu.memory_space<vmem>>, vector<1x16xf32>,
    %swap3A_2245 = arith.constant 5 : i32
    %swap3A_2246 = arith.index_cast %swap3A_2245 : i32 to index
    %swap3A_2247 = arith.constant 864 : index
    %swap3A_2248 = tpu.vector_load %arg3[%swap3A_2246, %swap3A_2247] {strides = array<i32>} : memref<8x1024xf32, #tpu.memory_space<vmem>>, vector<1x16xf32>,
    %swap3A_2249 = vector.shape_cast %swap3A_2248 : vector<1x16xf32> to vector<16xf32>
    %swap3A_2250 = vector.shape_cast %broadcast_in_dim3A_1 : vector<16xf32> to vector<1x16xf32>
    tpu.vector_store %arg3[%swap3A_2246, %swap3A_2247], %swap3A_2250 {strides = array<i32>} : memref<8x1024xf32, #tpu.memory_space<vmem>>, vector<1x16xf32>,
    %swap3A_2251 = arith.constant 5 : i32
    %swap3A_2252 = arith.index_cast %swap3A_2251 : i32 to index
    %swap3A_2253 = arith.constant 880 : index
    %swap3A_2254 = tpu.vector_load %arg3[%swap3A_2252, %swap3A_2253] {strides = array<i32>} : memref<8x1024xf32, #tpu.memory_space<vmem>>, vector<1x16xf32>,
    %swap3A_2255 = vector.shape_cast %swap3A_2254 : vector<1x16xf32> to vector<16xf32>
    %swap3A_2256 = vector.shape_cast %broadcast_in_dim3A_1 : vector<16xf32> to vector<1x16xf32>
    tpu.vector_store %arg3[%swap3A_2252, %swap3A_2253], %swap3A_2256 {strides = array<i32>} : memref<8x1024xf32, #tpu.memory_space<vmem>>, vector<1x16xf32>,
    %swap3A_2257 = arith.constant 5 : i32
    %swap3A_2258 = arith.index_cast %swap3A_2257 : i32 to index
    %swap3A_2259 = arith.constant 896 : index
    %swap3A_2260 = tpu.vector_load %arg3[%swap3A_2258, %swap3A_2259] {strides = array<i32>} : memref<8x1024xf32, #tpu.memory_space<vmem>>, vector<1x16xf32>,
    %swap3A_2261 = vector.shape_cast %swap3A_2260 : vector<1x16xf32> to vector<16xf32>
    %swap3A_2262 = vector.shape_cast %broadcast_in_dim3A_1 : vector<16xf32> to vector<1x16xf32>
    tpu.vector_store %arg3[%swap3A_2258, %swap3A_2259], %swap3A_2262 {strides = array<i32>} : memref<8x1024xf32, #tpu.memory_space<vmem>>, vector<1x16xf32>,
    %swap3A_2263 = arith.constant 5 : i32
    %swap3A_2264 = arith.index_cast %swap3A_2263 : i32 to index
    %swap3A_2265 = arith.constant 912 : index
    %swap3A_2266 = tpu.vector_load %arg3[%swap3A_2264, %swap3A_2265] {strides = array<i32>} : memref<8x1024xf32, #tpu.memory_space<vmem>>, vector<1x16xf32>,
    %swap3A_2267 = vector.shape_cast %swap3A_2266 : vector<1x16xf32> to vector<16xf32>
    %swap3A_2268 = vector.shape_cast %broadcast_in_dim3A_1 : vector<16xf32> to vector<1x16xf32>
    tpu.vector_store %arg3[%swap3A_2264, %swap3A_2265], %swap3A_2268 {strides = array<i32>} : memref<8x1024xf32, #tpu.memory_space<vmem>>, vector<1x16xf32>,
    %swap3A_2269 = arith.constant 5 : i32
    %swap3A_2270 = arith.index_cast %swap3A_2269 : i32 to index
    %swap3A_2271 = arith.constant 928 : index
    %swap3A_2272 = tpu.vector_load %arg3[%swap3A_2270, %swap3A_2271] {strides = array<i32>} : memref<8x1024xf32, #tpu.memory_space<vmem>>, vector<1x16xf32>,
    %swap3A_2273 = vector.shape_cast %swap3A_2272 : vector<1x16xf32> to vector<16xf32>
    %swap3A_2274 = vector.shape_cast %broadcast_in_dim3A_1 : vector<16xf32> to vector<1x16xf32>
    tpu.vector_store %arg3[%swap3A_2270, %swap3A_2271], %swap3A_2274 {strides = array<i32>} : memref<8x1024xf32, #tpu.memory_space<vmem>>, vector<1x16xf32>,
    %swap3A_2275 = arith.constant 5 : i32
    %swap3A_2276 = arith.index_cast %swap3A_2275 : i32 to index
    %swap3A_2277 = arith.constant 944 : index
    %swap3A_2278 = tpu.vector_load %arg3[%swap3A_2276, %swap3A_2277] {strides = array<i32>} : memref<8x1024xf32, #tpu.memory_space<vmem>>, vector<1x16xf32>,
    %swap3A_2279 = vector.shape_cast %swap3A_2278 : vector<1x16xf32> to vector<16xf32>
    %swap3A_2280 = vector.shape_cast %broadcast_in_dim3A_1 : vector<16xf32> to vector<1x16xf32>
    tpu.vector_store %arg3[%swap3A_2276, %swap3A_2277], %swap3A_2280 {strides = array<i32>} : memref<8x1024xf32, #tpu.memory_space<vmem>>, vector<1x16xf32>,
    %swap3A_2281 = arith.constant 5 : i32
    %swap3A_2282 = arith.index_cast %swap3A_2281 : i32 to index
    %swap3A_2283 = arith.constant 960 : index
    %swap3A_2284 = tpu.vector_load %arg3[%swap3A_2282, %swap3A_2283] {strides = array<i32>} : memref<8x1024xf32, #tpu.memory_space<vmem>>, vector<1x16xf32>,
    %swap3A_2285 = vector.shape_cast %swap3A_2284 : vector<1x16xf32> to vector<16xf32>
    %swap3A_2286 = vector.shape_cast %broadcast_in_dim3A_1 : vector<16xf32> to vector<1x16xf32>
    tpu.vector_store %arg3[%swap3A_2282, %swap3A_2283], %swap3A_2286 {strides = array<i32>} : memref<8x1024xf32, #tpu.memory_space<vmem>>, vector<1x16xf32>,
    %swap3A_2287 = arith.constant 5 : i32
    %swap3A_2288 = arith.index_cast %swap3A_2287 : i32 to index
    %swap3A_2289 = arith.constant 976 : index
    %swap3A_2290 = tpu.vector_load %arg3[%swap3A_2288, %swap3A_2289] {strides = array<i32>} : memref<8x1024xf32, #tpu.memory_space<vmem>>, vector<1x16xf32>,
    %swap3A_2291 = vector.shape_cast %swap3A_2290 : vector<1x16xf32> to vector<16xf32>
    %swap3A_2292 = vector.shape_cast %broadcast_in_dim3A_1 : vector<16xf32> to vector<1x16xf32>
    tpu.vector_store %arg3[%swap3A_2288, %swap3A_2289], %swap3A_2292 {strides = array<i32>} : memref<8x1024xf32, #tpu.memory_space<vmem>>, vector<1x16xf32>,
    %swap3A_2293 = arith.constant 5 : i32
    %swap3A_2294 = arith.index_cast %swap3A_2293 : i32 to index
    %swap3A_2295 = arith.constant 992 : index
    %swap3A_2296 = tpu.vector_load %arg3[%swap3A_2294, %swap3A_2295] {strides = array<i32>} : memref<8x1024xf32, #tpu.memory_space<vmem>>, vector<1x16xf32>,
    %swap3A_2297 = vector.shape_cast %swap3A_2296 : vector<1x16xf32> to vector<16xf32>
    %swap3A_2298 = vector.shape_cast %broadcast_in_dim3A_1 : vector<16xf32> to vector<1x16xf32>
    tpu.vector_store %arg3[%swap3A_2294, %swap3A_2295], %swap3A_2298 {strides = array<i32>} : memref<8x1024xf32, #tpu.memory_space<vmem>>, vector<1x16xf32>,
    %swap3A_2299 = arith.constant 5 : i32
    %swap3A_2300 = arith.index_cast %swap3A_2299 : i32 to index
    %swap3A_2301 = arith.constant 1008 : index
    %swap3A_2302 = tpu.vector_load %arg3[%swap3A_2300, %swap3A_2301] {strides = array<i32>} : memref<8x1024xf32, #tpu.memory_space<vmem>>, vector<1x16xf32>,
    %swap3A_2303 = vector.shape_cast %swap3A_2302 : vector<1x16xf32> to vector<16xf32>
    %swap3A_2304 = vector.shape_cast %broadcast_in_dim3A_1 : vector<16xf32> to vector<1x16xf32>
    tpu.vector_store %arg3[%swap3A_2300, %swap3A_2301], %swap3A_2304 {strides = array<i32>} : memref<8x1024xf32, #tpu.memory_space<vmem>>, vector<1x16xf32>,
    %swap3A_2305 = arith.constant 6 : i32
    %swap3A_2306 = arith.index_cast %swap3A_2305 : i32 to index
    %swap3A_2307 = arith.constant 0 : index
    %swap3A_2308 = tpu.vector_load %arg3[%swap3A_2306, %swap3A_2307] {strides = array<i32>} : memref<8x1024xf32, #tpu.memory_space<vmem>>, vector<1x16xf32>,
    %swap3A_2309 = vector.shape_cast %swap3A_2308 : vector<1x16xf32> to vector<16xf32>
    %swap3A_2310 = vector.shape_cast %broadcast_in_dim3A_1 : vector<16xf32> to vector<1x16xf32>
    tpu.vector_store %arg3[%swap3A_2306, %swap3A_2307], %swap3A_2310 {strides = array<i32>} : memref<8x1024xf32, #tpu.memory_space<vmem>>, vector<1x16xf32>,
    %swap3A_2311 = arith.constant 6 : i32
    %swap3A_2312 = arith.index_cast %swap3A_2311 : i32 to index
    %swap3A_2313 = arith.constant 16 : index
    %swap3A_2314 = tpu.vector_load %arg3[%swap3A_2312, %swap3A_2313] {strides = array<i32>} : memref<8x1024xf32, #tpu.memory_space<vmem>>, vector<1x16xf32>,
    %swap3A_2315 = vector.shape_cast %swap3A_2314 : vector<1x16xf32> to vector<16xf32>
    %swap3A_2316 = vector.shape_cast %broadcast_in_dim3A_1 : vector<16xf32> to vector<1x16xf32>
    tpu.vector_store %arg3[%swap3A_2312, %swap3A_2313], %swap3A_2316 {strides = array<i32>} : memref<8x1024xf32, #tpu.memory_space<vmem>>, vector<1x16xf32>,
    %swap3A_2317 = arith.constant 6 : i32
    %swap3A_2318 = arith.index_cast %swap3A_2317 : i32 to index
    %swap3A_2319 = arith.constant 32 : index
    %swap3A_2320 = tpu.vector_load %arg3[%swap3A_2318, %swap3A_2319] {strides = array<i32>} : memref<8x1024xf32, #tpu.memory_space<vmem>>, vector<1x16xf32>,
    %swap3A_2321 = vector.shape_cast %swap3A_2320 : vector<1x16xf32> to vector<16xf32>
    %swap3A_2322 = vector.shape_cast %broadcast_in_dim3A_1 : vector<16xf32> to vector<1x16xf32>
    tpu.vector_store %arg3[%swap3A_2318, %swap3A_2319], %swap3A_2322 {strides = array<i32>} : memref<8x1024xf32, #tpu.memory_space<vmem>>, vector<1x16xf32>,
    %swap3A_2323 = arith.constant 6 : i32
    %swap3A_2324 = arith.index_cast %swap3A_2323 : i32 to index
    %swap3A_2325 = arith.constant 48 : index
    %swap3A_2326 = tpu.vector_load %arg3[%swap3A_2324, %swap3A_2325] {strides = array<i32>} : memref<8x1024xf32, #tpu.memory_space<vmem>>, vector<1x16xf32>,
    %swap3A_2327 = vector.shape_cast %swap3A_2326 : vector<1x16xf32> to vector<16xf32>
    %swap3A_2328 = vector.shape_cast %broadcast_in_dim3A_1 : vector<16xf32> to vector<1x16xf32>
    tpu.vector_store %arg3[%swap3A_2324, %swap3A_2325], %swap3A_2328 {strides = array<i32>} : memref<8x1024xf32, #tpu.memory_space<vmem>>, vector<1x16xf32>,
    %swap3A_2329 = arith.constant 6 : i32
    %swap3A_2330 = arith.index_cast %swap3A_2329 : i32 to index
    %swap3A_2331 = arith.constant 64 : index
    %swap3A_2332 = tpu.vector_load %arg3[%swap3A_2330, %swap3A_2331] {strides = array<i32>} : memref<8x1024xf32, #tpu.memory_space<vmem>>, vector<1x16xf32>,
    %swap3A_2333 = vector.shape_cast %swap3A_2332 : vector<1x16xf32> to vector<16xf32>
    %swap3A_2334 = vector.shape_cast %broadcast_in_dim3A_1 : vector<16xf32> to vector<1x16xf32>
    tpu.vector_store %arg3[%swap3A_2330, %swap3A_2331], %swap3A_2334 {strides = array<i32>} : memref<8x1024xf32, #tpu.memory_space<vmem>>, vector<1x16xf32>,
    %swap3A_2335 = arith.constant 6 : i32
    %swap3A_2336 = arith.index_cast %swap3A_2335 : i32 to index
    %swap3A_2337 = arith.constant 80 : index
    %swap3A_2338 = tpu.vector_load %arg3[%swap3A_2336, %swap3A_2337] {strides = array<i32>} : memref<8x1024xf32, #tpu.memory_space<vmem>>, vector<1x16xf32>,
    %swap3A_2339 = vector.shape_cast %swap3A_2338 : vector<1x16xf32> to vector<16xf32>
    %swap3A_2340 = vector.shape_cast %broadcast_in_dim3A_1 : vector<16xf32> to vector<1x16xf32>
    tpu.vector_store %arg3[%swap3A_2336, %swap3A_2337], %swap3A_2340 {strides = array<i32>} : memref<8x1024xf32, #tpu.memory_space<vmem>>, vector<1x16xf32>,
    %swap3A_2341 = arith.constant 6 : i32
    %swap3A_2342 = arith.index_cast %swap3A_2341 : i32 to index
    %swap3A_2343 = arith.constant 96 : index
    %swap3A_2344 = tpu.vector_load %arg3[%swap3A_2342, %swap3A_2343] {strides = array<i32>} : memref<8x1024xf32, #tpu.memory_space<vmem>>, vector<1x16xf32>,
    %swap3A_2345 = vector.shape_cast %swap3A_2344 : vector<1x16xf32> to vector<16xf32>
    %swap3A_2346 = vector.shape_cast %broadcast_in_dim3A_1 : vector<16xf32> to vector<1x16xf32>
    tpu.vector_store %arg3[%swap3A_2342, %swap3A_2343], %swap3A_2346 {strides = array<i32>} : memref<8x1024xf32, #tpu.memory_space<vmem>>, vector<1x16xf32>,
    %swap3A_2347 = arith.constant 6 : i32
    %swap3A_2348 = arith.index_cast %swap3A_2347 : i32 to index
    %swap3A_2349 = arith.constant 112 : index
    %swap3A_2350 = tpu.vector_load %arg3[%swap3A_2348, %swap3A_2349] {strides = array<i32>} : memref<8x1024xf32, #tpu.memory_space<vmem>>, vector<1x16xf32>,
    %swap3A_2351 = vector.shape_cast %swap3A_2350 : vector<1x16xf32> to vector<16xf32>
    %swap3A_2352 = vector.shape_cast %broadcast_in_dim3A_1 : vector<16xf32> to vector<1x16xf32>
    tpu.vector_store %arg3[%swap3A_2348, %swap3A_2349], %swap3A_2352 {strides = array<i32>} : memref<8x1024xf32, #tpu.memory_space<vmem>>, vector<1x16xf32>,
    %swap3A_2353 = arith.constant 6 : i32
    %swap3A_2354 = arith.index_cast %swap3A_2353 : i32 to index
    %swap3A_2355 = arith.constant 128 : index
    %swap3A_2356 = tpu.vector_load %arg3[%swap3A_2354, %swap3A_2355] {strides = array<i32>} : memref<8x1024xf32, #tpu.memory_space<vmem>>, vector<1x16xf32>,
    %swap3A_2357 = vector.shape_cast %swap3A_2356 : vector<1x16xf32> to vector<16xf32>
    %swap3A_2358 = vector.shape_cast %broadcast_in_dim3A_1 : vector<16xf32> to vector<1x16xf32>
    tpu.vector_store %arg3[%swap3A_2354, %swap3A_2355], %swap3A_2358 {strides = array<i32>} : memref<8x1024xf32, #tpu.memory_space<vmem>>, vector<1x16xf32>,
    %swap3A_2359 = arith.constant 6 : i32
    %swap3A_2360 = arith.index_cast %swap3A_2359 : i32 to index
    %swap3A_2361 = arith.constant 144 : index
    %swap3A_2362 = tpu.vector_load %arg3[%swap3A_2360, %swap3A_2361] {strides = array<i32>} : memref<8x1024xf32, #tpu.memory_space<vmem>>, vector<1x16xf32>,
    %swap3A_2363 = vector.shape_cast %swap3A_2362 : vector<1x16xf32> to vector<16xf32>
    %swap3A_2364 = vector.shape_cast %broadcast_in_dim3A_1 : vector<16xf32> to vector<1x16xf32>
    tpu.vector_store %arg3[%swap3A_2360, %swap3A_2361], %swap3A_2364 {strides = array<i32>} : memref<8x1024xf32, #tpu.memory_space<vmem>>, vector<1x16xf32>,
    %swap3A_2365 = arith.constant 6 : i32
    %swap3A_2366 = arith.index_cast %swap3A_2365 : i32 to index
    %swap3A_2367 = arith.constant 160 : index
    %swap3A_2368 = tpu.vector_load %arg3[%swap3A_2366, %swap3A_2367] {strides = array<i32>} : memref<8x1024xf32, #tpu.memory_space<vmem>>, vector<1x16xf32>,
    %swap3A_2369 = vector.shape_cast %swap3A_2368 : vector<1x16xf32> to vector<16xf32>
    %swap3A_2370 = vector.shape_cast %broadcast_in_dim3A_1 : vector<16xf32> to vector<1x16xf32>
    tpu.vector_store %arg3[%swap3A_2366, %swap3A_2367], %swap3A_2370 {strides = array<i32>} : memref<8x1024xf32, #tpu.memory_space<vmem>>, vector<1x16xf32>,
    %swap3A_2371 = arith.constant 6 : i32
    %swap3A_2372 = arith.index_cast %swap3A_2371 : i32 to index
    %swap3A_2373 = arith.constant 176 : index
    %swap3A_2374 = tpu.vector_load %arg3[%swap3A_2372, %swap3A_2373] {strides = array<i32>} : memref<8x1024xf32, #tpu.memory_space<vmem>>, vector<1x16xf32>,
    %swap3A_2375 = vector.shape_cast %swap3A_2374 : vector<1x16xf32> to vector<16xf32>
    %swap3A_2376 = vector.shape_cast %broadcast_in_dim3A_1 : vector<16xf32> to vector<1x16xf32>
    tpu.vector_store %arg3[%swap3A_2372, %swap3A_2373], %swap3A_2376 {strides = array<i32>} : memref<8x1024xf32, #tpu.memory_space<vmem>>, vector<1x16xf32>,
    %swap3A_2377 = arith.constant 6 : i32
    %swap3A_2378 = arith.index_cast %swap3A_2377 : i32 to index
    %swap3A_2379 = arith.constant 192 : index
    %swap3A_2380 = tpu.vector_load %arg3[%swap3A_2378, %swap3A_2379] {strides = array<i32>} : memref<8x1024xf32, #tpu.memory_space<vmem>>, vector<1x16xf32>,
    %swap3A_2381 = vector.shape_cast %swap3A_2380 : vector<1x16xf32> to vector<16xf32>
    %swap3A_2382 = vector.shape_cast %broadcast_in_dim3A_1 : vector<16xf32> to vector<1x16xf32>
    tpu.vector_store %arg3[%swap3A_2378, %swap3A_2379], %swap3A_2382 {strides = array<i32>} : memref<8x1024xf32, #tpu.memory_space<vmem>>, vector<1x16xf32>,
    %swap3A_2383 = arith.constant 6 : i32
    %swap3A_2384 = arith.index_cast %swap3A_2383 : i32 to index
    %swap3A_2385 = arith.constant 208 : index
    %swap3A_2386 = tpu.vector_load %arg3[%swap3A_2384, %swap3A_2385] {strides = array<i32>} : memref<8x1024xf32, #tpu.memory_space<vmem>>, vector<1x16xf32>,
    %swap3A_2387 = vector.shape_cast %swap3A_2386 : vector<1x16xf32> to vector<16xf32>
    %swap3A_2388 = vector.shape_cast %broadcast_in_dim3A_1 : vector<16xf32> to vector<1x16xf32>
    tpu.vector_store %arg3[%swap3A_2384, %swap3A_2385], %swap3A_2388 {strides = array<i32>} : memref<8x1024xf32, #tpu.memory_space<vmem>>, vector<1x16xf32>,
    %swap3A_2389 = arith.constant 6 : i32
    %swap3A_2390 = arith.index_cast %swap3A_2389 : i32 to index
    %swap3A_2391 = arith.constant 224 : index
    %swap3A_2392 = tpu.vector_load %arg3[%swap3A_2390, %swap3A_2391] {strides = array<i32>} : memref<8x1024xf32, #tpu.memory_space<vmem>>, vector<1x16xf32>,
    %swap3A_2393 = vector.shape_cast %swap3A_2392 : vector<1x16xf32> to vector<16xf32>
    %swap3A_2394 = vector.shape_cast %broadcast_in_dim3A_1 : vector<16xf32> to vector<1x16xf32>
    tpu.vector_store %arg3[%swap3A_2390, %swap3A_2391], %swap3A_2394 {strides = array<i32>} : memref<8x1024xf32, #tpu.memory_space<vmem>>, vector<1x16xf32>,
    %swap3A_2395 = arith.constant 6 : i32
    %swap3A_2396 = arith.index_cast %swap3A_2395 : i32 to index
    %swap3A_2397 = arith.constant 240 : index
    %swap3A_2398 = tpu.vector_load %arg3[%swap3A_2396, %swap3A_2397] {strides = array<i32>} : memref<8x1024xf32, #tpu.memory_space<vmem>>, vector<1x16xf32>,
    %swap3A_2399 = vector.shape_cast %swap3A_2398 : vector<1x16xf32> to vector<16xf32>
    %swap3A_2400 = vector.shape_cast %broadcast_in_dim3A_1 : vector<16xf32> to vector<1x16xf32>
    tpu.vector_store %arg3[%swap3A_2396, %swap3A_2397], %swap3A_2400 {strides = array<i32>} : memref<8x1024xf32, #tpu.memory_space<vmem>>, vector<1x16xf32>,
    %swap3A_2401 = arith.constant 6 : i32
    %swap3A_2402 = arith.index_cast %swap3A_2401 : i32 to index
    %swap3A_2403 = arith.constant 256 : index
    %swap3A_2404 = tpu.vector_load %arg3[%swap3A_2402, %swap3A_2403] {strides = array<i32>} : memref<8x1024xf32, #tpu.memory_space<vmem>>, vector<1x16xf32>,
    %swap3A_2405 = vector.shape_cast %swap3A_2404 : vector<1x16xf32> to vector<16xf32>
    %swap3A_2406 = vector.shape_cast %broadcast_in_dim3A_1 : vector<16xf32> to vector<1x16xf32>
    tpu.vector_store %arg3[%swap3A_2402, %swap3A_2403], %swap3A_2406 {strides = array<i32>} : memref<8x1024xf32, #tpu.memory_space<vmem>>, vector<1x16xf32>,
    %swap3A_2407 = arith.constant 6 : i32
    %swap3A_2408 = arith.index_cast %swap3A_2407 : i32 to index
    %swap3A_2409 = arith.constant 272 : index
    %swap3A_2410 = tpu.vector_load %arg3[%swap3A_2408, %swap3A_2409] {strides = array<i32>} : memref<8x1024xf32, #tpu.memory_space<vmem>>, vector<1x16xf32>,
    %swap3A_2411 = vector.shape_cast %swap3A_2410 : vector<1x16xf32> to vector<16xf32>
    %swap3A_2412 = vector.shape_cast %broadcast_in_dim3A_1 : vector<16xf32> to vector<1x16xf32>
    tpu.vector_store %arg3[%swap3A_2408, %swap3A_2409], %swap3A_2412 {strides = array<i32>} : memref<8x1024xf32, #tpu.memory_space<vmem>>, vector<1x16xf32>,
    %swap3A_2413 = arith.constant 6 : i32
    %swap3A_2414 = arith.index_cast %swap3A_2413 : i32 to index
    %swap3A_2415 = arith.constant 288 : index
    %swap3A_2416 = tpu.vector_load %arg3[%swap3A_2414, %swap3A_2415] {strides = array<i32>} : memref<8x1024xf32, #tpu.memory_space<vmem>>, vector<1x16xf32>,
    %swap3A_2417 = vector.shape_cast %swap3A_2416 : vector<1x16xf32> to vector<16xf32>
    %swap3A_2418 = vector.shape_cast %broadcast_in_dim3A_1 : vector<16xf32> to vector<1x16xf32>
    tpu.vector_store %arg3[%swap3A_2414, %swap3A_2415], %swap3A_2418 {strides = array<i32>} : memref<8x1024xf32, #tpu.memory_space<vmem>>, vector<1x16xf32>,
    %swap3A_2419 = arith.constant 6 : i32
    %swap3A_2420 = arith.index_cast %swap3A_2419 : i32 to index
    %swap3A_2421 = arith.constant 304 : index
    %swap3A_2422 = tpu.vector_load %arg3[%swap3A_2420, %swap3A_2421] {strides = array<i32>} : memref<8x1024xf32, #tpu.memory_space<vmem>>, vector<1x16xf32>,
    %swap3A_2423 = vector.shape_cast %swap3A_2422 : vector<1x16xf32> to vector<16xf32>
    %swap3A_2424 = vector.shape_cast %broadcast_in_dim3A_1 : vector<16xf32> to vector<1x16xf32>
    tpu.vector_store %arg3[%swap3A_2420, %swap3A_2421], %swap3A_2424 {strides = array<i32>} : memref<8x1024xf32, #tpu.memory_space<vmem>>, vector<1x16xf32>,
    %swap3A_2425 = arith.constant 6 : i32
    %swap3A_2426 = arith.index_cast %swap3A_2425 : i32 to index
    %swap3A_2427 = arith.constant 320 : index
    %swap3A_2428 = tpu.vector_load %arg3[%swap3A_2426, %swap3A_2427] {strides = array<i32>} : memref<8x1024xf32, #tpu.memory_space<vmem>>, vector<1x16xf32>,
    %swap3A_2429 = vector.shape_cast %swap3A_2428 : vector<1x16xf32> to vector<16xf32>
    %swap3A_2430 = vector.shape_cast %broadcast_in_dim3A_1 : vector<16xf32> to vector<1x16xf32>
    tpu.vector_store %arg3[%swap3A_2426, %swap3A_2427], %swap3A_2430 {strides = array<i32>} : memref<8x1024xf32, #tpu.memory_space<vmem>>, vector<1x16xf32>,
    %swap3A_2431 = arith.constant 6 : i32
    %swap3A_2432 = arith.index_cast %swap3A_2431 : i32 to index
    %swap3A_2433 = arith.constant 336 : index
    %swap3A_2434 = tpu.vector_load %arg3[%swap3A_2432, %swap3A_2433] {strides = array<i32>} : memref<8x1024xf32, #tpu.memory_space<vmem>>, vector<1x16xf32>,
    %swap3A_2435 = vector.shape_cast %swap3A_2434 : vector<1x16xf32> to vector<16xf32>
    %swap3A_2436 = vector.shape_cast %broadcast_in_dim3A_1 : vector<16xf32> to vector<1x16xf32>
    tpu.vector_store %arg3[%swap3A_2432, %swap3A_2433], %swap3A_2436 {strides = array<i32>} : memref<8x1024xf32, #tpu.memory_space<vmem>>, vector<1x16xf32>,
    %swap3A_2437 = arith.constant 6 : i32
    %swap3A_2438 = arith.index_cast %swap3A_2437 : i32 to index
    %swap3A_2439 = arith.constant 352 : index
    %swap3A_2440 = tpu.vector_load %arg3[%swap3A_2438, %swap3A_2439] {strides = array<i32>} : memref<8x1024xf32, #tpu.memory_space<vmem>>, vector<1x16xf32>,
    %swap3A_2441 = vector.shape_cast %swap3A_2440 : vector<1x16xf32> to vector<16xf32>
    %swap3A_2442 = vector.shape_cast %broadcast_in_dim3A_1 : vector<16xf32> to vector<1x16xf32>
    tpu.vector_store %arg3[%swap3A_2438, %swap3A_2439], %swap3A_2442 {strides = array<i32>} : memref<8x1024xf32, #tpu.memory_space<vmem>>, vector<1x16xf32>,
    %swap3A_2443 = arith.constant 6 : i32
    %swap3A_2444 = arith.index_cast %swap3A_2443 : i32 to index
    %swap3A_2445 = arith.constant 368 : index
    %swap3A_2446 = tpu.vector_load %arg3[%swap3A_2444, %swap3A_2445] {strides = array<i32>} : memref<8x1024xf32, #tpu.memory_space<vmem>>, vector<1x16xf32>,
    %swap3A_2447 = vector.shape_cast %swap3A_2446 : vector<1x16xf32> to vector<16xf32>
    %swap3A_2448 = vector.shape_cast %broadcast_in_dim3A_1 : vector<16xf32> to vector<1x16xf32>
    tpu.vector_store %arg3[%swap3A_2444, %swap3A_2445], %swap3A_2448 {strides = array<i32>} : memref<8x1024xf32, #tpu.memory_space<vmem>>, vector<1x16xf32>,
    %swap3A_2449 = arith.constant 6 : i32
    %swap3A_2450 = arith.index_cast %swap3A_2449 : i32 to index
    %swap3A_2451 = arith.constant 384 : index
    %swap3A_2452 = tpu.vector_load %arg3[%swap3A_2450, %swap3A_2451] {strides = array<i32>} : memref<8x1024xf32, #tpu.memory_space<vmem>>, vector<1x16xf32>,
    %swap3A_2453 = vector.shape_cast %swap3A_2452 : vector<1x16xf32> to vector<16xf32>
    %swap3A_2454 = vector.shape_cast %broadcast_in_dim3A_1 : vector<16xf32> to vector<1x16xf32>
    tpu.vector_store %arg3[%swap3A_2450, %swap3A_2451], %swap3A_2454 {strides = array<i32>} : memref<8x1024xf32, #tpu.memory_space<vmem>>, vector<1x16xf32>,
    %swap3A_2455 = arith.constant 6 : i32
    %swap3A_2456 = arith.index_cast %swap3A_2455 : i32 to index
    %swap3A_2457 = arith.constant 400 : index
    %swap3A_2458 = tpu.vector_load %arg3[%swap3A_2456, %swap3A_2457] {strides = array<i32>} : memref<8x1024xf32, #tpu.memory_space<vmem>>, vector<1x16xf32>,
    %swap3A_2459 = vector.shape_cast %swap3A_2458 : vector<1x16xf32> to vector<16xf32>
    %swap3A_2460 = vector.shape_cast %broadcast_in_dim3A_1 : vector<16xf32> to vector<1x16xf32>
    tpu.vector_store %arg3[%swap3A_2456, %swap3A_2457], %swap3A_2460 {strides = array<i32>} : memref<8x1024xf32, #tpu.memory_space<vmem>>, vector<1x16xf32>,
    %swap3A_2461 = arith.constant 6 : i32
    %swap3A_2462 = arith.index_cast %swap3A_2461 : i32 to index
    %swap3A_2463 = arith.constant 416 : index
    %swap3A_2464 = tpu.vector_load %arg3[%swap3A_2462, %swap3A_2463] {strides = array<i32>} : memref<8x1024xf32, #tpu.memory_space<vmem>>, vector<1x16xf32>,
    %swap3A_2465 = vector.shape_cast %swap3A_2464 : vector<1x16xf32> to vector<16xf32>
    %swap3A_2466 = vector.shape_cast %broadcast_in_dim3A_1 : vector<16xf32> to vector<1x16xf32>
    tpu.vector_store %arg3[%swap3A_2462, %swap3A_2463], %swap3A_2466 {strides = array<i32>} : memref<8x1024xf32, #tpu.memory_space<vmem>>, vector<1x16xf32>,
    %swap3A_2467 = arith.constant 6 : i32
    %swap3A_2468 = arith.index_cast %swap3A_2467 : i32 to index
    %swap3A_2469 = arith.constant 432 : index
    %swap3A_2470 = tpu.vector_load %arg3[%swap3A_2468, %swap3A_2469] {strides = array<i32>} : memref<8x1024xf32, #tpu.memory_space<vmem>>, vector<1x16xf32>,
    %swap3A_2471 = vector.shape_cast %swap3A_2470 : vector<1x16xf32> to vector<16xf32>
    %swap3A_2472 = vector.shape_cast %broadcast_in_dim3A_1 : vector<16xf32> to vector<1x16xf32>
    tpu.vector_store %arg3[%swap3A_2468, %swap3A_2469], %swap3A_2472 {strides = array<i32>} : memref<8x1024xf32, #tpu.memory_space<vmem>>, vector<1x16xf32>,
    %swap3A_2473 = arith.constant 6 : i32
    %swap3A_2474 = arith.index_cast %swap3A_2473 : i32 to index
    %swap3A_2475 = arith.constant 448 : index
    %swap3A_2476 = tpu.vector_load %arg3[%swap3A_2474, %swap3A_2475] {strides = array<i32>} : memref<8x1024xf32, #tpu.memory_space<vmem>>, vector<1x16xf32>,
    %swap3A_2477 = vector.shape_cast %swap3A_2476 : vector<1x16xf32> to vector<16xf32>
    %swap3A_2478 = vector.shape_cast %broadcast_in_dim3A_1 : vector<16xf32> to vector<1x16xf32>
    tpu.vector_store %arg3[%swap3A_2474, %swap3A_2475], %swap3A_2478 {strides = array<i32>} : memref<8x1024xf32, #tpu.memory_space<vmem>>, vector<1x16xf32>,
    %swap3A_2479 = arith.constant 6 : i32
    %swap3A_2480 = arith.index_cast %swap3A_2479 : i32 to index
    %swap3A_2481 = arith.constant 464 : index
    %swap3A_2482 = tpu.vector_load %arg3[%swap3A_2480, %swap3A_2481] {strides = array<i32>} : memref<8x1024xf32, #tpu.memory_space<vmem>>, vector<1x16xf32>,
    %swap3A_2483 = vector.shape_cast %swap3A_2482 : vector<1x16xf32> to vector<16xf32>
    %swap3A_2484 = vector.shape_cast %broadcast_in_dim3A_1 : vector<16xf32> to vector<1x16xf32>
    tpu.vector_store %arg3[%swap3A_2480, %swap3A_2481], %swap3A_2484 {strides = array<i32>} : memref<8x1024xf32, #tpu.memory_space<vmem>>, vector<1x16xf32>,
    %swap3A_2485 = arith.constant 6 : i32
    %swap3A_2486 = arith.index_cast %swap3A_2485 : i32 to index
    %swap3A_2487 = arith.constant 480 : index
    %swap3A_2488 = tpu.vector_load %arg3[%swap3A_2486, %swap3A_2487] {strides = array<i32>} : memref<8x1024xf32, #tpu.memory_space<vmem>>, vector<1x16xf32>,
    %swap3A_2489 = vector.shape_cast %swap3A_2488 : vector<1x16xf32> to vector<16xf32>
    %swap3A_2490 = vector.shape_cast %broadcast_in_dim3A_1 : vector<16xf32> to vector<1x16xf32>
    tpu.vector_store %arg3[%swap3A_2486, %swap3A_2487], %swap3A_2490 {strides = array<i32>} : memref<8x1024xf32, #tpu.memory_space<vmem>>, vector<1x16xf32>,
    %swap3A_2491 = arith.constant 6 : i32
    %swap3A_2492 = arith.index_cast %swap3A_2491 : i32 to index
    %swap3A_2493 = arith.constant 496 : index
    %swap3A_2494 = tpu.vector_load %arg3[%swap3A_2492, %swap3A_2493] {strides = array<i32>} : memref<8x1024xf32, #tpu.memory_space<vmem>>, vector<1x16xf32>,
    %swap3A_2495 = vector.shape_cast %swap3A_2494 : vector<1x16xf32> to vector<16xf32>
    %swap3A_2496 = vector.shape_cast %broadcast_in_dim3A_1 : vector<16xf32> to vector<1x16xf32>
    tpu.vector_store %arg3[%swap3A_2492, %swap3A_2493], %swap3A_2496 {strides = array<i32>} : memref<8x1024xf32, #tpu.memory_space<vmem>>, vector<1x16xf32>,
    %swap3A_2497 = arith.constant 6 : i32
    %swap3A_2498 = arith.index_cast %swap3A_2497 : i32 to index
    %swap3A_2499 = arith.constant 512 : index
    %swap3A_2500 = tpu.vector_load %arg3[%swap3A_2498, %swap3A_2499] {strides = array<i32>} : memref<8x1024xf32, #tpu.memory_space<vmem>>, vector<1x16xf32>,
    %swap3A_2501 = vector.shape_cast %swap3A_2500 : vector<1x16xf32> to vector<16xf32>
    %swap3A_2502 = vector.shape_cast %broadcast_in_dim3A_1 : vector<16xf32> to vector<1x16xf32>
    tpu.vector_store %arg3[%swap3A_2498, %swap3A_2499], %swap3A_2502 {strides = array<i32>} : memref<8x1024xf32, #tpu.memory_space<vmem>>, vector<1x16xf32>,
    %swap3A_2503 = arith.constant 6 : i32
    %swap3A_2504 = arith.index_cast %swap3A_2503 : i32 to index
    %swap3A_2505 = arith.constant 528 : index
    %swap3A_2506 = tpu.vector_load %arg3[%swap3A_2504, %swap3A_2505] {strides = array<i32>} : memref<8x1024xf32, #tpu.memory_space<vmem>>, vector<1x16xf32>,
    %swap3A_2507 = vector.shape_cast %swap3A_2506 : vector<1x16xf32> to vector<16xf32>
    %swap3A_2508 = vector.shape_cast %broadcast_in_dim3A_1 : vector<16xf32> to vector<1x16xf32>
    tpu.vector_store %arg3[%swap3A_2504, %swap3A_2505], %swap3A_2508 {strides = array<i32>} : memref<8x1024xf32, #tpu.memory_space<vmem>>, vector<1x16xf32>,
    %swap3A_2509 = arith.constant 6 : i32
    %swap3A_2510 = arith.index_cast %swap3A_2509 : i32 to index
    %swap3A_2511 = arith.constant 544 : index
    %swap3A_2512 = tpu.vector_load %arg3[%swap3A_2510, %swap3A_2511] {strides = array<i32>} : memref<8x1024xf32, #tpu.memory_space<vmem>>, vector<1x16xf32>,
    %swap3A_2513 = vector.shape_cast %swap3A_2512 : vector<1x16xf32> to vector<16xf32>
    %swap3A_2514 = vector.shape_cast %broadcast_in_dim3A_1 : vector<16xf32> to vector<1x16xf32>
    tpu.vector_store %arg3[%swap3A_2510, %swap3A_2511], %swap3A_2514 {strides = array<i32>} : memref<8x1024xf32, #tpu.memory_space<vmem>>, vector<1x16xf32>,
    %swap3A_2515 = arith.constant 6 : i32
    %swap3A_2516 = arith.index_cast %swap3A_2515 : i32 to index
    %swap3A_2517 = arith.constant 560 : index
    %swap3A_2518 = tpu.vector_load %arg3[%swap3A_2516, %swap3A_2517] {strides = array<i32>} : memref<8x1024xf32, #tpu.memory_space<vmem>>, vector<1x16xf32>,
    %swap3A_2519 = vector.shape_cast %swap3A_2518 : vector<1x16xf32> to vector<16xf32>
    %swap3A_2520 = vector.shape_cast %broadcast_in_dim3A_1 : vector<16xf32> to vector<1x16xf32>
    tpu.vector_store %arg3[%swap3A_2516, %swap3A_2517], %swap3A_2520 {strides = array<i32>} : memref<8x1024xf32, #tpu.memory_space<vmem>>, vector<1x16xf32>,
    %swap3A_2521 = arith.constant 6 : i32
    %swap3A_2522 = arith.index_cast %swap3A_2521 : i32 to index
    %swap3A_2523 = arith.constant 576 : index
    %swap3A_2524 = tpu.vector_load %arg3[%swap3A_2522, %swap3A_2523] {strides = array<i32>} : memref<8x1024xf32, #tpu.memory_space<vmem>>, vector<1x16xf32>,
    %swap3A_2525 = vector.shape_cast %swap3A_2524 : vector<1x16xf32> to vector<16xf32>
    %swap3A_2526 = vector.shape_cast %broadcast_in_dim3A_1 : vector<16xf32> to vector<1x16xf32>
    tpu.vector_store %arg3[%swap3A_2522, %swap3A_2523], %swap3A_2526 {strides = array<i32>} : memref<8x1024xf32, #tpu.memory_space<vmem>>, vector<1x16xf32>,
    %swap3A_2527 = arith.constant 6 : i32
    %swap3A_2528 = arith.index_cast %swap3A_2527 : i32 to index
    %swap3A_2529 = arith.constant 592 : index
    %swap3A_2530 = tpu.vector_load %arg3[%swap3A_2528, %swap3A_2529] {strides = array<i32>} : memref<8x1024xf32, #tpu.memory_space<vmem>>, vector<1x16xf32>,
    %swap3A_2531 = vector.shape_cast %swap3A_2530 : vector<1x16xf32> to vector<16xf32>
    %swap3A_2532 = vector.shape_cast %broadcast_in_dim3A_1 : vector<16xf32> to vector<1x16xf32>
    tpu.vector_store %arg3[%swap3A_2528, %swap3A_2529], %swap3A_2532 {strides = array<i32>} : memref<8x1024xf32, #tpu.memory_space<vmem>>, vector<1x16xf32>,
    %swap3A_2533 = arith.constant 6 : i32
    %swap3A_2534 = arith.index_cast %swap3A_2533 : i32 to index
    %swap3A_2535 = arith.constant 608 : index
    %swap3A_2536 = tpu.vector_load %arg3[%swap3A_2534, %swap3A_2535] {strides = array<i32>} : memref<8x1024xf32, #tpu.memory_space<vmem>>, vector<1x16xf32>,
    %swap3A_2537 = vector.shape_cast %swap3A_2536 : vector<1x16xf32> to vector<16xf32>
    %swap3A_2538 = vector.shape_cast %broadcast_in_dim3A_1 : vector<16xf32> to vector<1x16xf32>
    tpu.vector_store %arg3[%swap3A_2534, %swap3A_2535], %swap3A_2538 {strides = array<i32>} : memref<8x1024xf32, #tpu.memory_space<vmem>>, vector<1x16xf32>,
    %swap3A_2539 = arith.constant 6 : i32
    %swap3A_2540 = arith.index_cast %swap3A_2539 : i32 to index
    %swap3A_2541 = arith.constant 624 : index
    %swap3A_2542 = tpu.vector_load %arg3[%swap3A_2540, %swap3A_2541] {strides = array<i32>} : memref<8x1024xf32, #tpu.memory_space<vmem>>, vector<1x16xf32>,
    %swap3A_2543 = vector.shape_cast %swap3A_2542 : vector<1x16xf32> to vector<16xf32>
    %swap3A_2544 = vector.shape_cast %broadcast_in_dim3A_1 : vector<16xf32> to vector<1x16xf32>
    tpu.vector_store %arg3[%swap3A_2540, %swap3A_2541], %swap3A_2544 {strides = array<i32>} : memref<8x1024xf32, #tpu.memory_space<vmem>>, vector<1x16xf32>,
    %swap3A_2545 = arith.constant 6 : i32
    %swap3A_2546 = arith.index_cast %swap3A_2545 : i32 to index
    %swap3A_2547 = arith.constant 640 : index
    %swap3A_2548 = tpu.vector_load %arg3[%swap3A_2546, %swap3A_2547] {strides = array<i32>} : memref<8x1024xf32, #tpu.memory_space<vmem>>, vector<1x16xf32>,
    %swap3A_2549 = vector.shape_cast %swap3A_2548 : vector<1x16xf32> to vector<16xf32>
    %swap3A_2550 = vector.shape_cast %broadcast_in_dim3A_1 : vector<16xf32> to vector<1x16xf32>
    tpu.vector_store %arg3[%swap3A_2546, %swap3A_2547], %swap3A_2550 {strides = array<i32>} : memref<8x1024xf32, #tpu.memory_space<vmem>>, vector<1x16xf32>,
    %swap3A_2551 = arith.constant 6 : i32
    %swap3A_2552 = arith.index_cast %swap3A_2551 : i32 to index
    %swap3A_2553 = arith.constant 656 : index
    %swap3A_2554 = tpu.vector_load %arg3[%swap3A_2552, %swap3A_2553] {strides = array<i32>} : memref<8x1024xf32, #tpu.memory_space<vmem>>, vector<1x16xf32>,
    %swap3A_2555 = vector.shape_cast %swap3A_2554 : vector<1x16xf32> to vector<16xf32>
    %swap3A_2556 = vector.shape_cast %broadcast_in_dim3A_1 : vector<16xf32> to vector<1x16xf32>
    tpu.vector_store %arg3[%swap3A_2552, %swap3A_2553], %swap3A_2556 {strides = array<i32>} : memref<8x1024xf32, #tpu.memory_space<vmem>>, vector<1x16xf32>,
    %swap3A_2557 = arith.constant 6 : i32
    %swap3A_2558 = arith.index_cast %swap3A_2557 : i32 to index
    %swap3A_2559 = arith.constant 672 : index
    %swap3A_2560 = tpu.vector_load %arg3[%swap3A_2558, %swap3A_2559] {strides = array<i32>} : memref<8x1024xf32, #tpu.memory_space<vmem>>, vector<1x16xf32>,
    %swap3A_2561 = vector.shape_cast %swap3A_2560 : vector<1x16xf32> to vector<16xf32>
    %swap3A_2562 = vector.shape_cast %broadcast_in_dim3A_1 : vector<16xf32> to vector<1x16xf32>
    tpu.vector_store %arg3[%swap3A_2558, %swap3A_2559], %swap3A_2562 {strides = array<i32>} : memref<8x1024xf32, #tpu.memory_space<vmem>>, vector<1x16xf32>,
    %swap3A_2563 = arith.constant 6 : i32
    %swap3A_2564 = arith.index_cast %swap3A_2563 : i32 to index
    %swap3A_2565 = arith.constant 688 : index
    %swap3A_2566 = tpu.vector_load %arg3[%swap3A_2564, %swap3A_2565] {strides = array<i32>} : memref<8x1024xf32, #tpu.memory_space<vmem>>, vector<1x16xf32>,
    %swap3A_2567 = vector.shape_cast %swap3A_2566 : vector<1x16xf32> to vector<16xf32>
    %swap3A_2568 = vector.shape_cast %broadcast_in_dim3A_1 : vector<16xf32> to vector<1x16xf32>
    tpu.vector_store %arg3[%swap3A_2564, %swap3A_2565], %swap3A_2568 {strides = array<i32>} : memref<8x1024xf32, #tpu.memory_space<vmem>>, vector<1x16xf32>,
    %swap3A_2569 = arith.constant 6 : i32
    %swap3A_2570 = arith.index_cast %swap3A_2569 : i32 to index
    %swap3A_2571 = arith.constant 704 : index
    %swap3A_2572 = tpu.vector_load %arg3[%swap3A_2570, %swap3A_2571] {strides = array<i32>} : memref<8x1024xf32, #tpu.memory_space<vmem>>, vector<1x16xf32>,
    %swap3A_2573 = vector.shape_cast %swap3A_2572 : vector<1x16xf32> to vector<16xf32>
    %swap3A_2574 = vector.shape_cast %broadcast_in_dim3A_1 : vector<16xf32> to vector<1x16xf32>
    tpu.vector_store %arg3[%swap3A_2570, %swap3A_2571], %swap3A_2574 {strides = array<i32>} : memref<8x1024xf32, #tpu.memory_space<vmem>>, vector<1x16xf32>,
    %swap3A_2575 = arith.constant 6 : i32
    %swap3A_2576 = arith.index_cast %swap3A_2575 : i32 to index
    %swap3A_2577 = arith.constant 720 : index
    %swap3A_2578 = tpu.vector_load %arg3[%swap3A_2576, %swap3A_2577] {strides = array<i32>} : memref<8x1024xf32, #tpu.memory_space<vmem>>, vector<1x16xf32>,
    %swap3A_2579 = vector.shape_cast %swap3A_2578 : vector<1x16xf32> to vector<16xf32>
    %swap3A_2580 = vector.shape_cast %broadcast_in_dim3A_1 : vector<16xf32> to vector<1x16xf32>
    tpu.vector_store %arg3[%swap3A_2576, %swap3A_2577], %swap3A_2580 {strides = array<i32>} : memref<8x1024xf32, #tpu.memory_space<vmem>>, vector<1x16xf32>,
    %swap3A_2581 = arith.constant 6 : i32
    %swap3A_2582 = arith.index_cast %swap3A_2581 : i32 to index
    %swap3A_2583 = arith.constant 736 : index
    %swap3A_2584 = tpu.vector_load %arg3[%swap3A_2582, %swap3A_2583] {strides = array<i32>} : memref<8x1024xf32, #tpu.memory_space<vmem>>, vector<1x16xf32>,
    %swap3A_2585 = vector.shape_cast %swap3A_2584 : vector<1x16xf32> to vector<16xf32>
    %swap3A_2586 = vector.shape_cast %broadcast_in_dim3A_1 : vector<16xf32> to vector<1x16xf32>
    tpu.vector_store %arg3[%swap3A_2582, %swap3A_2583], %swap3A_2586 {strides = array<i32>} : memref<8x1024xf32, #tpu.memory_space<vmem>>, vector<1x16xf32>,
    %swap3A_2587 = arith.constant 6 : i32
    %swap3A_2588 = arith.index_cast %swap3A_2587 : i32 to index
    %swap3A_2589 = arith.constant 752 : index
    %swap3A_2590 = tpu.vector_load %arg3[%swap3A_2588, %swap3A_2589] {strides = array<i32>} : memref<8x1024xf32, #tpu.memory_space<vmem>>, vector<1x16xf32>,
    %swap3A_2591 = vector.shape_cast %swap3A_2590 : vector<1x16xf32> to vector<16xf32>
    %swap3A_2592 = vector.shape_cast %broadcast_in_dim3A_1 : vector<16xf32> to vector<1x16xf32>
    tpu.vector_store %arg3[%swap3A_2588, %swap3A_2589], %swap3A_2592 {strides = array<i32>} : memref<8x1024xf32, #tpu.memory_space<vmem>>, vector<1x16xf32>,
    %swap3A_2593 = arith.constant 6 : i32
    %swap3A_2594 = arith.index_cast %swap3A_2593 : i32 to index
    %swap3A_2595 = arith.constant 768 : index
    %swap3A_2596 = tpu.vector_load %arg3[%swap3A_2594, %swap3A_2595] {strides = array<i32>} : memref<8x1024xf32, #tpu.memory_space<vmem>>, vector<1x16xf32>,
    %swap3A_2597 = vector.shape_cast %swap3A_2596 : vector<1x16xf32> to vector<16xf32>
    %swap3A_2598 = vector.shape_cast %broadcast_in_dim3A_1 : vector<16xf32> to vector<1x16xf32>
    tpu.vector_store %arg3[%swap3A_2594, %swap3A_2595], %swap3A_2598 {strides = array<i32>} : memref<8x1024xf32, #tpu.memory_space<vmem>>, vector<1x16xf32>,
    %swap3A_2599 = arith.constant 6 : i32
    %swap3A_2600 = arith.index_cast %swap3A_2599 : i32 to index
    %swap3A_2601 = arith.constant 784 : index
    %swap3A_2602 = tpu.vector_load %arg3[%swap3A_2600, %swap3A_2601] {strides = array<i32>} : memref<8x1024xf32, #tpu.memory_space<vmem>>, vector<1x16xf32>,
    %swap3A_2603 = vector.shape_cast %swap3A_2602 : vector<1x16xf32> to vector<16xf32>
    %swap3A_2604 = vector.shape_cast %broadcast_in_dim3A_1 : vector<16xf32> to vector<1x16xf32>
    tpu.vector_store %arg3[%swap3A_2600, %swap3A_2601], %swap3A_2604 {strides = array<i32>} : memref<8x1024xf32, #tpu.memory_space<vmem>>, vector<1x16xf32>,
    %swap3A_2605 = arith.constant 6 : i32
    %swap3A_2606 = arith.index_cast %swap3A_2605 : i32 to index
    %swap3A_2607 = arith.constant 800 : index
    %swap3A_2608 = tpu.vector_load %arg3[%swap3A_2606, %swap3A_2607] {strides = array<i32>} : memref<8x1024xf32, #tpu.memory_space<vmem>>, vector<1x16xf32>,
    %swap3A_2609 = vector.shape_cast %swap3A_2608 : vector<1x16xf32> to vector<16xf32>
    %swap3A_2610 = vector.shape_cast %broadcast_in_dim3A_1 : vector<16xf32> to vector<1x16xf32>
    tpu.vector_store %arg3[%swap3A_2606, %swap3A_2607], %swap3A_2610 {strides = array<i32>} : memref<8x1024xf32, #tpu.memory_space<vmem>>, vector<1x16xf32>,
    %swap3A_2611 = arith.constant 6 : i32
    %swap3A_2612 = arith.index_cast %swap3A_2611 : i32 to index
    %swap3A_2613 = arith.constant 816 : index
    %swap3A_2614 = tpu.vector_load %arg3[%swap3A_2612, %swap3A_2613] {strides = array<i32>} : memref<8x1024xf32, #tpu.memory_space<vmem>>, vector<1x16xf32>,
    %swap3A_2615 = vector.shape_cast %swap3A_2614 : vector<1x16xf32> to vector<16xf32>
    %swap3A_2616 = vector.shape_cast %broadcast_in_dim3A_1 : vector<16xf32> to vector<1x16xf32>
    tpu.vector_store %arg3[%swap3A_2612, %swap3A_2613], %swap3A_2616 {strides = array<i32>} : memref<8x1024xf32, #tpu.memory_space<vmem>>, vector<1x16xf32>,
    %swap3A_2617 = arith.constant 6 : i32
    %swap3A_2618 = arith.index_cast %swap3A_2617 : i32 to index
    %swap3A_2619 = arith.constant 832 : index
    %swap3A_2620 = tpu.vector_load %arg3[%swap3A_2618, %swap3A_2619] {strides = array<i32>} : memref<8x1024xf32, #tpu.memory_space<vmem>>, vector<1x16xf32>,
    %swap3A_2621 = vector.shape_cast %swap3A_2620 : vector<1x16xf32> to vector<16xf32>
    %swap3A_2622 = vector.shape_cast %broadcast_in_dim3A_1 : vector<16xf32> to vector<1x16xf32>
    tpu.vector_store %arg3[%swap3A_2618, %swap3A_2619], %swap3A_2622 {strides = array<i32>} : memref<8x1024xf32, #tpu.memory_space<vmem>>, vector<1x16xf32>,
    %swap3A_2623 = arith.constant 6 : i32
    %swap3A_2624 = arith.index_cast %swap3A_2623 : i32 to index
    %swap3A_2625 = arith.constant 848 : index
    %swap3A_2626 = tpu.vector_load %arg3[%swap3A_2624, %swap3A_2625] {strides = array<i32>} : memref<8x1024xf32, #tpu.memory_space<vmem>>, vector<1x16xf32>,
    %swap3A_2627 = vector.shape_cast %swap3A_2626 : vector<1x16xf32> to vector<16xf32>
    %swap3A_2628 = vector.shape_cast %broadcast_in_dim3A_1 : vector<16xf32> to vector<1x16xf32>
    tpu.vector_store %arg3[%swap3A_2624, %swap3A_2625], %swap3A_2628 {strides = array<i32>} : memref<8x1024xf32, #tpu.memory_space<vmem>>, vector<1x16xf32>,
    %swap3A_2629 = arith.constant 6 : i32
    %swap3A_2630 = arith.index_cast %swap3A_2629 : i32 to index
    %swap3A_2631 = arith.constant 864 : index
    %swap3A_2632 = tpu.vector_load %arg3[%swap3A_2630, %swap3A_2631] {strides = array<i32>} : memref<8x1024xf32, #tpu.memory_space<vmem>>, vector<1x16xf32>,
    %swap3A_2633 = vector.shape_cast %swap3A_2632 : vector<1x16xf32> to vector<16xf32>
    %swap3A_2634 = vector.shape_cast %broadcast_in_dim3A_1 : vector<16xf32> to vector<1x16xf32>
    tpu.vector_store %arg3[%swap3A_2630, %swap3A_2631], %swap3A_2634 {strides = array<i32>} : memref<8x1024xf32, #tpu.memory_space<vmem>>, vector<1x16xf32>,
    %swap3A_2635 = arith.constant 6 : i32
    %swap3A_2636 = arith.index_cast %swap3A_2635 : i32 to index
    %swap3A_2637 = arith.constant 880 : index
    %swap3A_2638 = tpu.vector_load %arg3[%swap3A_2636, %swap3A_2637] {strides = array<i32>} : memref<8x1024xf32, #tpu.memory_space<vmem>>, vector<1x16xf32>,
    %swap3A_2639 = vector.shape_cast %swap3A_2638 : vector<1x16xf32> to vector<16xf32>
    %swap3A_2640 = vector.shape_cast %broadcast_in_dim3A_1 : vector<16xf32> to vector<1x16xf32>
    tpu.vector_store %arg3[%swap3A_2636, %swap3A_2637], %swap3A_2640 {strides = array<i32>} : memref<8x1024xf32, #tpu.memory_space<vmem>>, vector<1x16xf32>,
    %swap3A_2641 = arith.constant 6 : i32
    %swap3A_2642 = arith.index_cast %swap3A_2641 : i32 to index
    %swap3A_2643 = arith.constant 896 : index
    %swap3A_2644 = tpu.vector_load %arg3[%swap3A_2642, %swap3A_2643] {strides = array<i32>} : memref<8x1024xf32, #tpu.memory_space<vmem>>, vector<1x16xf32>,
    %swap3A_2645 = vector.shape_cast %swap3A_2644 : vector<1x16xf32> to vector<16xf32>
    %swap3A_2646 = vector.shape_cast %broadcast_in_dim3A_1 : vector<16xf32> to vector<1x16xf32>
    tpu.vector_store %arg3[%swap3A_2642, %swap3A_2643], %swap3A_2646 {strides = array<i32>} : memref<8x1024xf32, #tpu.memory_space<vmem>>, vector<1x16xf32>,
    %swap3A_2647 = arith.constant 6 : i32
    %swap3A_2648 = arith.index_cast %swap3A_2647 : i32 to index
    %swap3A_2649 = arith.constant 912 : index
    %swap3A_2650 = tpu.vector_load %arg3[%swap3A_2648, %swap3A_2649] {strides = array<i32>} : memref<8x1024xf32, #tpu.memory_space<vmem>>, vector<1x16xf32>,
    %swap3A_2651 = vector.shape_cast %swap3A_2650 : vector<1x16xf32> to vector<16xf32>
    %swap3A_2652 = vector.shape_cast %broadcast_in_dim3A_1 : vector<16xf32> to vector<1x16xf32>
    tpu.vector_store %arg3[%swap3A_2648, %swap3A_2649], %swap3A_2652 {strides = array<i32>} : memref<8x1024xf32, #tpu.memory_space<vmem>>, vector<1x16xf32>,
    %swap3A_2653 = arith.constant 6 : i32
    %swap3A_2654 = arith.index_cast %swap3A_2653 : i32 to index
    %swap3A_2655 = arith.constant 928 : index
    %swap3A_2656 = tpu.vector_load %arg3[%swap3A_2654, %swap3A_2655] {strides = array<i32>} : memref<8x1024xf32, #tpu.memory_space<vmem>>, vector<1x16xf32>,
    %swap3A_2657 = vector.shape_cast %swap3A_2656 : vector<1x16xf32> to vector<16xf32>
    %swap3A_2658 = vector.shape_cast %broadcast_in_dim3A_1 : vector<16xf32> to vector<1x16xf32>
    tpu.vector_store %arg3[%swap3A_2654, %swap3A_2655], %swap3A_2658 {strides = array<i32>} : memref<8x1024xf32, #tpu.memory_space<vmem>>, vector<1x16xf32>,
    %swap3A_2659 = arith.constant 6 : i32
    %swap3A_2660 = arith.index_cast %swap3A_2659 : i32 to index
    %swap3A_2661 = arith.constant 944 : index
    %swap3A_2662 = tpu.vector_load %arg3[%swap3A_2660, %swap3A_2661] {strides = array<i32>} : memref<8x1024xf32, #tpu.memory_space<vmem>>, vector<1x16xf32>,
    %swap3A_2663 = vector.shape_cast %swap3A_2662 : vector<1x16xf32> to vector<16xf32>
    %swap3A_2664 = vector.shape_cast %broadcast_in_dim3A_1 : vector<16xf32> to vector<1x16xf32>
    tpu.vector_store %arg3[%swap3A_2660, %swap3A_2661], %swap3A_2664 {strides = array<i32>} : memref<8x1024xf32, #tpu.memory_space<vmem>>, vector<1x16xf32>,
    %swap3A_2665 = arith.constant 6 : i32
    %swap3A_2666 = arith.index_cast %swap3A_2665 : i32 to index
    %swap3A_2667 = arith.constant 960 : index
    %swap3A_2668 = tpu.vector_load %arg3[%swap3A_2666, %swap3A_2667] {strides = array<i32>} : memref<8x1024xf32, #tpu.memory_space<vmem>>, vector<1x16xf32>,
    %swap3A_2669 = vector.shape_cast %swap3A_2668 : vector<1x16xf32> to vector<16xf32>
    %swap3A_2670 = vector.shape_cast %broadcast_in_dim3A_1 : vector<16xf32> to vector<1x16xf32>
    tpu.vector_store %arg3[%swap3A_2666, %swap3A_2667], %swap3A_2670 {strides = array<i32>} : memref<8x1024xf32, #tpu.memory_space<vmem>>, vector<1x16xf32>,
    %swap3A_2671 = arith.constant 6 : i32
    %swap3A_2672 = arith.index_cast %swap3A_2671 : i32 to index
    %swap3A_2673 = arith.constant 976 : index
    %swap3A_2674 = tpu.vector_load %arg3[%swap3A_2672, %swap3A_2673] {strides = array<i32>} : memref<8x1024xf32, #tpu.memory_space<vmem>>, vector<1x16xf32>,
    %swap3A_2675 = vector.shape_cast %swap3A_2674 : vector<1x16xf32> to vector<16xf32>
    %swap3A_2676 = vector.shape_cast %broadcast_in_dim3A_1 : vector<16xf32> to vector<1x16xf32>
    tpu.vector_store %arg3[%swap3A_2672, %swap3A_2673], %swap3A_2676 {strides = array<i32>} : memref<8x1024xf32, #tpu.memory_space<vmem>>, vector<1x16xf32>,
    %swap3A_2677 = arith.constant 6 : i32
    %swap3A_2678 = arith.index_cast %swap3A_2677 : i32 to index
    %swap3A_2679 = arith.constant 992 : index
    %swap3A_2680 = tpu.vector_load %arg3[%swap3A_2678, %swap3A_2679] {strides = array<i32>} : memref<8x1024xf32, #tpu.memory_space<vmem>>, vector<1x16xf32>,
    %swap3A_2681 = vector.shape_cast %swap3A_2680 : vector<1x16xf32> to vector<16xf32>
    %swap3A_2682 = vector.shape_cast %broadcast_in_dim3A_1 : vector<16xf32> to vector<1x16xf32>
    tpu.vector_store %arg3[%swap3A_2678, %swap3A_2679], %swap3A_2682 {strides = array<i32>} : memref<8x1024xf32, #tpu.memory_space<vmem>>, vector<1x16xf32>,
    %swap3A_2683 = arith.constant 6 : i32
    %swap3A_2684 = arith.index_cast %swap3A_2683 : i32 to index
    %swap3A_2685 = arith.constant 1008 : index
    %swap3A_2686 = tpu.vector_load %arg3[%swap3A_2684, %swap3A_2685] {strides = array<i32>} : memref<8x1024xf32, #tpu.memory_space<vmem>>, vector<1x16xf32>,
    %swap3A_2687 = vector.shape_cast %swap3A_2686 : vector<1x16xf32> to vector<16xf32>
    %swap3A_2688 = vector.shape_cast %broadcast_in_dim3A_1 : vector<16xf32> to vector<1x16xf32>
    tpu.vector_store %arg3[%swap3A_2684, %swap3A_2685], %swap3A_2688 {strides = array<i32>} : memref<8x1024xf32, #tpu.memory_space<vmem>>, vector<1x16xf32>,
    %swap3A_2689 = arith.constant 7 : i32
    %swap3A_2690 = arith.index_cast %swap3A_2689 : i32 to index
    %swap3A_2691 = arith.constant 0 : index
    %swap3A_2692 = tpu.vector_load %arg3[%swap3A_2690, %swap3A_2691] {strides = array<i32>} : memref<8x1024xf32, #tpu.memory_space<vmem>>, vector<1x16xf32>,
    %swap3A_2693 = vector.shape_cast %swap3A_2692 : vector<1x16xf32> to vector<16xf32>
    %swap3A_2694 = vector.shape_cast %broadcast_in_dim3A_1 : vector<16xf32> to vector<1x16xf32>
    tpu.vector_store %arg3[%swap3A_2690, %swap3A_2691], %swap3A_2694 {strides = array<i32>} : memref<8x1024xf32, #tpu.memory_space<vmem>>, vector<1x16xf32>,
    %swap3A_2695 = arith.constant 7 : i32
    %swap3A_2696 = arith.index_cast %swap3A_2695 : i32 to index
    %swap3A_2697 = arith.constant 16 : index
    %swap3A_2698 = tpu.vector_load %arg3[%swap3A_2696, %swap3A_2697] {strides = array<i32>} : memref<8x1024xf32, #tpu.memory_space<vmem>>, vector<1x16xf32>,
    %swap3A_2699 = vector.shape_cast %swap3A_2698 : vector<1x16xf32> to vector<16xf32>
    %swap3A_2700 = vector.shape_cast %broadcast_in_dim3A_1 : vector<16xf32> to vector<1x16xf32>
    tpu.vector_store %arg3[%swap3A_2696, %swap3A_2697], %swap3A_2700 {strides = array<i32>} : memref<8x1024xf32, #tpu.memory_space<vmem>>, vector<1x16xf32>,
    %swap3A_2701 = arith.constant 7 : i32
    %swap3A_2702 = arith.index_cast %swap3A_2701 : i32 to index
    %swap3A_2703 = arith.constant 32 : index
    %swap3A_2704 = tpu.vector_load %arg3[%swap3A_2702, %swap3A_2703] {strides = array<i32>} : memref<8x1024xf32, #tpu.memory_space<vmem>>, vector<1x16xf32>,
    %swap3A_2705 = vector.shape_cast %swap3A_2704 : vector<1x16xf32> to vector<16xf32>
    %swap3A_2706 = vector.shape_cast %broadcast_in_dim3A_1 : vector<16xf32> to vector<1x16xf32>
    tpu.vector_store %arg3[%swap3A_2702, %swap3A_2703], %swap3A_2706 {strides = array<i32>} : memref<8x1024xf32, #tpu.memory_space<vmem>>, vector<1x16xf32>,
    %swap3A_2707 = arith.constant 7 : i32
    %swap3A_2708 = arith.index_cast %swap3A_2707 : i32 to index
    %swap3A_2709 = arith.constant 48 : index
    %swap3A_2710 = tpu.vector_load %arg3[%swap3A_2708, %swap3A_2709] {strides = array<i32>} : memref<8x1024xf32, #tpu.memory_space<vmem>>, vector<1x16xf32>,
    %swap3A_2711 = vector.shape_cast %swap3A_2710 : vector<1x16xf32> to vector<16xf32>
    %swap3A_2712 = vector.shape_cast %broadcast_in_dim3A_1 : vector<16xf32> to vector<1x16xf32>
    tpu.vector_store %arg3[%swap3A_2708, %swap3A_2709], %swap3A_2712 {strides = array<i32>} : memref<8x1024xf32, #tpu.memory_space<vmem>>, vector<1x16xf32>,
    %swap3A_2713 = arith.constant 7 : i32
    %swap3A_2714 = arith.index_cast %swap3A_2713 : i32 to index
    %swap3A_2715 = arith.constant 64 : index
    %swap3A_2716 = tpu.vector_load %arg3[%swap3A_2714, %swap3A_2715] {strides = array<i32>} : memref<8x1024xf32, #tpu.memory_space<vmem>>, vector<1x16xf32>,
    %swap3A_2717 = vector.shape_cast %swap3A_2716 : vector<1x16xf32> to vector<16xf32>
    %swap3A_2718 = vector.shape_cast %broadcast_in_dim3A_1 : vector<16xf32> to vector<1x16xf32>
    tpu.vector_store %arg3[%swap3A_2714, %swap3A_2715], %swap3A_2718 {strides = array<i32>} : memref<8x1024xf32, #tpu.memory_space<vmem>>, vector<1x16xf32>,
    %swap3A_2719 = arith.constant 7 : i32
    %swap3A_2720 = arith.index_cast %swap3A_2719 : i32 to index
    %swap3A_2721 = arith.constant 80 : index
    %swap3A_2722 = tpu.vector_load %arg3[%swap3A_2720, %swap3A_2721] {strides = array<i32>} : memref<8x1024xf32, #tpu.memory_space<vmem>>, vector<1x16xf32>,
    %swap3A_2723 = vector.shape_cast %swap3A_2722 : vector<1x16xf32> to vector<16xf32>
    %swap3A_2724 = vector.shape_cast %broadcast_in_dim3A_1 : vector<16xf32> to vector<1x16xf32>
    tpu.vector_store %arg3[%swap3A_2720, %swap3A_2721], %swap3A_2724 {strides = array<i32>} : memref<8x1024xf32, #tpu.memory_space<vmem>>, vector<1x16xf32>,
    %swap3A_2725 = arith.constant 7 : i32
    %swap3A_2726 = arith.index_cast %swap3A_2725 : i32 to index
    %swap3A_2727 = arith.constant 96 : index
    %swap3A_2728 = tpu.vector_load %arg3[%swap3A_2726, %swap3A_2727] {strides = array<i32>} : memref<8x1024xf32, #tpu.memory_space<vmem>>, vector<1x16xf32>,
    %swap3A_2729 = vector.shape_cast %swap3A_2728 : vector<1x16xf32> to vector<16xf32>
    %swap3A_2730 = vector.shape_cast %broadcast_in_dim3A_1 : vector<16xf32> to vector<1x16xf32>
    tpu.vector_store %arg3[%swap3A_2726, %swap3A_2727], %swap3A_2730 {strides = array<i32>} : memref<8x1024xf32, #tpu.memory_space<vmem>>, vector<1x16xf32>,
    %swap3A_2731 = arith.constant 7 : i32
    %swap3A_2732 = arith.index_cast %swap3A_2731 : i32 to index
    %swap3A_2733 = arith.constant 112 : index
    %swap3A_2734 = tpu.vector_load %arg3[%swap3A_2732, %swap3A_2733] {strides = array<i32>} : memref<8x1024xf32, #tpu.memory_space<vmem>>, vector<1x16xf32>,
    %swap3A_2735 = vector.shape_cast %swap3A_2734 : vector<1x16xf32> to vector<16xf32>
    %swap3A_2736 = vector.shape_cast %broadcast_in_dim3A_1 : vector<16xf32> to vector<1x16xf32>
    tpu.vector_store %arg3[%swap3A_2732, %swap3A_2733], %swap3A_2736 {strides = array<i32>} : memref<8x1024xf32, #tpu.memory_space<vmem>>, vector<1x16xf32>,
    %swap3A_2737 = arith.constant 7 : i32
    %swap3A_2738 = arith.index_cast %swap3A_2737 : i32 to index
    %swap3A_2739 = arith.constant 128 : index
    %swap3A_2740 = tpu.vector_load %arg3[%swap3A_2738, %swap3A_2739] {strides = array<i32>} : memref<8x1024xf32, #tpu.memory_space<vmem>>, vector<1x16xf32>,
    %swap3A_2741 = vector.shape_cast %swap3A_2740 : vector<1x16xf32> to vector<16xf32>
    %swap3A_2742 = vector.shape_cast %broadcast_in_dim3A_1 : vector<16xf32> to vector<1x16xf32>
    tpu.vector_store %arg3[%swap3A_2738, %swap3A_2739], %swap3A_2742 {strides = array<i32>} : memref<8x1024xf32, #tpu.memory_space<vmem>>, vector<1x16xf32>,
    %swap3A_2743 = arith.constant 7 : i32
    %swap3A_2744 = arith.index_cast %swap3A_2743 : i32 to index
    %swap3A_2745 = arith.constant 144 : index
    %swap3A_2746 = tpu.vector_load %arg3[%swap3A_2744, %swap3A_2745] {strides = array<i32>} : memref<8x1024xf32, #tpu.memory_space<vmem>>, vector<1x16xf32>,
    %swap3A_2747 = vector.shape_cast %swap3A_2746 : vector<1x16xf32> to vector<16xf32>
    %swap3A_2748 = vector.shape_cast %broadcast_in_dim3A_1 : vector<16xf32> to vector<1x16xf32>
    tpu.vector_store %arg3[%swap3A_2744, %swap3A_2745], %swap3A_2748 {strides = array<i32>} : memref<8x1024xf32, #tpu.memory_space<vmem>>, vector<1x16xf32>,
    %swap3A_2749 = arith.constant 7 : i32
    %swap3A_2750 = arith.index_cast %swap3A_2749 : i32 to index
    %swap3A_2751 = arith.constant 160 : index
    %swap3A_2752 = tpu.vector_load %arg3[%swap3A_2750, %swap3A_2751] {strides = array<i32>} : memref<8x1024xf32, #tpu.memory_space<vmem>>, vector<1x16xf32>,
    %swap3A_2753 = vector.shape_cast %swap3A_2752 : vector<1x16xf32> to vector<16xf32>
    %swap3A_2754 = vector.shape_cast %broadcast_in_dim3A_1 : vector<16xf32> to vector<1x16xf32>
    tpu.vector_store %arg3[%swap3A_2750, %swap3A_2751], %swap3A_2754 {strides = array<i32>} : memref<8x1024xf32, #tpu.memory_space<vmem>>, vector<1x16xf32>,
    %swap3A_2755 = arith.constant 7 : i32
    %swap3A_2756 = arith.index_cast %swap3A_2755 : i32 to index
    %swap3A_2757 = arith.constant 176 : index
    %swap3A_2758 = tpu.vector_load %arg3[%swap3A_2756, %swap3A_2757] {strides = array<i32>} : memref<8x1024xf32, #tpu.memory_space<vmem>>, vector<1x16xf32>,
    %swap3A_2759 = vector.shape_cast %swap3A_2758 : vector<1x16xf32> to vector<16xf32>
    %swap3A_2760 = vector.shape_cast %broadcast_in_dim3A_1 : vector<16xf32> to vector<1x16xf32>
    tpu.vector_store %arg3[%swap3A_2756, %swap3A_2757], %swap3A_2760 {strides = array<i32>} : memref<8x1024xf32, #tpu.memory_space<vmem>>, vector<1x16xf32>,
    %swap3A_2761 = arith.constant 7 : i32
    %swap3A_2762 = arith.index_cast %swap3A_2761 : i32 to index
    %swap3A_2763 = arith.constant 192 : index
    %swap3A_2764 = tpu.vector_load %arg3[%swap3A_2762, %swap3A_2763] {strides = array<i32>} : memref<8x1024xf32, #tpu.memory_space<vmem>>, vector<1x16xf32>,
    %swap3A_2765 = vector.shape_cast %swap3A_2764 : vector<1x16xf32> to vector<16xf32>
    %swap3A_2766 = vector.shape_cast %broadcast_in_dim3A_1 : vector<16xf32> to vector<1x16xf32>
    tpu.vector_store %arg3[%swap3A_2762, %swap3A_2763], %swap3A_2766 {strides = array<i32>} : memref<8x1024xf32, #tpu.memory_space<vmem>>, vector<1x16xf32>,
    %swap3A_2767 = arith.constant 7 : i32
    %swap3A_2768 = arith.index_cast %swap3A_2767 : i32 to index
    %swap3A_2769 = arith.constant 208 : index
    %swap3A_2770 = tpu.vector_load %arg3[%swap3A_2768, %swap3A_2769] {strides = array<i32>} : memref<8x1024xf32, #tpu.memory_space<vmem>>, vector<1x16xf32>,
    %swap3A_2771 = vector.shape_cast %swap3A_2770 : vector<1x16xf32> to vector<16xf32>
    %swap3A_2772 = vector.shape_cast %broadcast_in_dim3A_1 : vector<16xf32> to vector<1x16xf32>
    tpu.vector_store %arg3[%swap3A_2768, %swap3A_2769], %swap3A_2772 {strides = array<i32>} : memref<8x1024xf32, #tpu.memory_space<vmem>>, vector<1x16xf32>,
    %swap3A_2773 = arith.constant 7 : i32
    %swap3A_2774 = arith.index_cast %swap3A_2773 : i32 to index
    %swap3A_2775 = arith.constant 224 : index
    %swap3A_2776 = tpu.vector_load %arg3[%swap3A_2774, %swap3A_2775] {strides = array<i32>} : memref<8x1024xf32, #tpu.memory_space<vmem>>, vector<1x16xf32>,
    %swap3A_2777 = vector.shape_cast %swap3A_2776 : vector<1x16xf32> to vector<16xf32>
    %swap3A_2778 = vector.shape_cast %broadcast_in_dim3A_1 : vector<16xf32> to vector<1x16xf32>
    tpu.vector_store %arg3[%swap3A_2774, %swap3A_2775], %swap3A_2778 {strides = array<i32>} : memref<8x1024xf32, #tpu.memory_space<vmem>>, vector<1x16xf32>,
    %swap3A_2779 = arith.constant 7 : i32
    %swap3A_2780 = arith.index_cast %swap3A_2779 : i32 to index
    %swap3A_2781 = arith.constant 240 : index
    %swap3A_2782 = tpu.vector_load %arg3[%swap3A_2780, %swap3A_2781] {strides = array<i32>} : memref<8x1024xf32, #tpu.memory_space<vmem>>, vector<1x16xf32>,
    %swap3A_2783 = vector.shape_cast %swap3A_2782 : vector<1x16xf32> to vector<16xf32>
    %swap3A_2784 = vector.shape_cast %broadcast_in_dim3A_1 : vector<16xf32> to vector<1x16xf32>
    tpu.vector_store %arg3[%swap3A_2780, %swap3A_2781], %swap3A_2784 {strides = array<i32>} : memref<8x1024xf32, #tpu.memory_space<vmem>>, vector<1x16xf32>,
    %swap3A_2785 = arith.constant 7 : i32
    %swap3A_2786 = arith.index_cast %swap3A_2785 : i32 to index
    %swap3A_2787 = arith.constant 256 : index
    %swap3A_2788 = tpu.vector_load %arg3[%swap3A_2786, %swap3A_2787] {strides = array<i32>} : memref<8x1024xf32, #tpu.memory_space<vmem>>, vector<1x16xf32>,
    %swap3A_2789 = vector.shape_cast %swap3A_2788 : vector<1x16xf32> to vector<16xf32>
    %swap3A_2790 = vector.shape_cast %broadcast_in_dim3A_1 : vector<16xf32> to vector<1x16xf32>
    tpu.vector_store %arg3[%swap3A_2786, %swap3A_2787], %swap3A_2790 {strides = array<i32>} : memref<8x1024xf32, #tpu.memory_space<vmem>>, vector<1x16xf32>,
    %swap3A_2791 = arith.constant 7 : i32
    %swap3A_2792 = arith.index_cast %swap3A_2791 : i32 to index
    %swap3A_2793 = arith.constant 272 : index
    %swap3A_2794 = tpu.vector_load %arg3[%swap3A_2792, %swap3A_2793] {strides = array<i32>} : memref<8x1024xf32, #tpu.memory_space<vmem>>, vector<1x16xf32>,
    %swap3A_2795 = vector.shape_cast %swap3A_2794 : vector<1x16xf32> to vector<16xf32>
    %swap3A_2796 = vector.shape_cast %broadcast_in_dim3A_1 : vector<16xf32> to vector<1x16xf32>
    tpu.vector_store %arg3[%swap3A_2792, %swap3A_2793], %swap3A_2796 {strides = array<i32>} : memref<8x1024xf32, #tpu.memory_space<vmem>>, vector<1x16xf32>,
    %swap3A_2797 = arith.constant 7 : i32
    %swap3A_2798 = arith.index_cast %swap3A_2797 : i32 to index
    %swap3A_2799 = arith.constant 288 : index
    %swap3A_2800 = tpu.vector_load %arg3[%swap3A_2798, %swap3A_2799] {strides = array<i32>} : memref<8x1024xf32, #tpu.memory_space<vmem>>, vector<1x16xf32>,
    %swap3A_2801 = vector.shape_cast %swap3A_2800 : vector<1x16xf32> to vector<16xf32>
    %swap3A_2802 = vector.shape_cast %broadcast_in_dim3A_1 : vector<16xf32> to vector<1x16xf32>
    tpu.vector_store %arg3[%swap3A_2798, %swap3A_2799], %swap3A_2802 {strides = array<i32>} : memref<8x1024xf32, #tpu.memory_space<vmem>>, vector<1x16xf32>,
    %swap3A_2803 = arith.constant 7 : i32
    %swap3A_2804 = arith.index_cast %swap3A_2803 : i32 to index
    %swap3A_2805 = arith.constant 304 : index
    %swap3A_2806 = tpu.vector_load %arg3[%swap3A_2804, %swap3A_2805] {strides = array<i32>} : memref<8x1024xf32, #tpu.memory_space<vmem>>, vector<1x16xf32>,
    %swap3A_2807 = vector.shape_cast %swap3A_2806 : vector<1x16xf32> to vector<16xf32>
    %swap3A_2808 = vector.shape_cast %broadcast_in_dim3A_1 : vector<16xf32> to vector<1x16xf32>
    tpu.vector_store %arg3[%swap3A_2804, %swap3A_2805], %swap3A_2808 {strides = array<i32>} : memref<8x1024xf32, #tpu.memory_space<vmem>>, vector<1x16xf32>,
    %swap3A_2809 = arith.constant 7 : i32
    %swap3A_2810 = arith.index_cast %swap3A_2809 : i32 to index
    %swap3A_2811 = arith.constant 320 : index
    %swap3A_2812 = tpu.vector_load %arg3[%swap3A_2810, %swap3A_2811] {strides = array<i32>} : memref<8x1024xf32, #tpu.memory_space<vmem>>, vector<1x16xf32>,
    %swap3A_2813 = vector.shape_cast %swap3A_2812 : vector<1x16xf32> to vector<16xf32>
    %swap3A_2814 = vector.shape_cast %broadcast_in_dim3A_1 : vector<16xf32> to vector<1x16xf32>
    tpu.vector_store %arg3[%swap3A_2810, %swap3A_2811], %swap3A_2814 {strides = array<i32>} : memref<8x1024xf32, #tpu.memory_space<vmem>>, vector<1x16xf32>,
    %swap3A_2815 = arith.constant 7 : i32
    %swap3A_2816 = arith.index_cast %swap3A_2815 : i32 to index
    %swap3A_2817 = arith.constant 336 : index
    %swap3A_2818 = tpu.vector_load %arg3[%swap3A_2816, %swap3A_2817] {strides = array<i32>} : memref<8x1024xf32, #tpu.memory_space<vmem>>, vector<1x16xf32>,
    %swap3A_2819 = vector.shape_cast %swap3A_2818 : vector<1x16xf32> to vector<16xf32>
    %swap3A_2820 = vector.shape_cast %broadcast_in_dim3A_1 : vector<16xf32> to vector<1x16xf32>
    tpu.vector_store %arg3[%swap3A_2816, %swap3A_2817], %swap3A_2820 {strides = array<i32>} : memref<8x1024xf32, #tpu.memory_space<vmem>>, vector<1x16xf32>,
    %swap3A_2821 = arith.constant 7 : i32
    %swap3A_2822 = arith.index_cast %swap3A_2821 : i32 to index
    %swap3A_2823 = arith.constant 352 : index
    %swap3A_2824 = tpu.vector_load %arg3[%swap3A_2822, %swap3A_2823] {strides = array<i32>} : memref<8x1024xf32, #tpu.memory_space<vmem>>, vector<1x16xf32>,
    %swap3A_2825 = vector.shape_cast %swap3A_2824 : vector<1x16xf32> to vector<16xf32>
    %swap3A_2826 = vector.shape_cast %broadcast_in_dim3A_1 : vector<16xf32> to vector<1x16xf32>
    tpu.vector_store %arg3[%swap3A_2822, %swap3A_2823], %swap3A_2826 {strides = array<i32>} : memref<8x1024xf32, #tpu.memory_space<vmem>>, vector<1x16xf32>,
    %swap3A_2827 = arith.constant 7 : i32
    %swap3A_2828 = arith.index_cast %swap3A_2827 : i32 to index
    %swap3A_2829 = arith.constant 368 : index
    %swap3A_2830 = tpu.vector_load %arg3[%swap3A_2828, %swap3A_2829] {strides = array<i32>} : memref<8x1024xf32, #tpu.memory_space<vmem>>, vector<1x16xf32>,
    %swap3A_2831 = vector.shape_cast %swap3A_2830 : vector<1x16xf32> to vector<16xf32>
    %swap3A_2832 = vector.shape_cast %broadcast_in_dim3A_1 : vector<16xf32> to vector<1x16xf32>
    tpu.vector_store %arg3[%swap3A_2828, %swap3A_2829], %swap3A_2832 {strides = array<i32>} : memref<8x1024xf32, #tpu.memory_space<vmem>>, vector<1x16xf32>,
    %swap3A_2833 = arith.constant 7 : i32
    %swap3A_2834 = arith.index_cast %swap3A_2833 : i32 to index
    %swap3A_2835 = arith.constant 384 : index
    %swap3A_2836 = tpu.vector_load %arg3[%swap3A_2834, %swap3A_2835] {strides = array<i32>} : memref<8x1024xf32, #tpu.memory_space<vmem>>, vector<1x16xf32>,
    %swap3A_2837 = vector.shape_cast %swap3A_2836 : vector<1x16xf32> to vector<16xf32>
    %swap3A_2838 = vector.shape_cast %broadcast_in_dim3A_1 : vector<16xf32> to vector<1x16xf32>
    tpu.vector_store %arg3[%swap3A_2834, %swap3A_2835], %swap3A_2838 {strides = array<i32>} : memref<8x1024xf32, #tpu.memory_space<vmem>>, vector<1x16xf32>,
    %swap3A_2839 = arith.constant 7 : i32
    %swap3A_2840 = arith.index_cast %swap3A_2839 : i32 to index
    %swap3A_2841 = arith.constant 400 : index
    %swap3A_2842 = tpu.vector_load %arg3[%swap3A_2840, %swap3A_2841] {strides = array<i32>} : memref<8x1024xf32, #tpu.memory_space<vmem>>, vector<1x16xf32>,
    %swap3A_2843 = vector.shape_cast %swap3A_2842 : vector<1x16xf32> to vector<16xf32>
    %swap3A_2844 = vector.shape_cast %broadcast_in_dim3A_1 : vector<16xf32> to vector<1x16xf32>
    tpu.vector_store %arg3[%swap3A_2840, %swap3A_2841], %swap3A_2844 {strides = array<i32>} : memref<8x1024xf32, #tpu.memory_space<vmem>>, vector<1x16xf32>,
    %swap3A_2845 = arith.constant 7 : i32
    %swap3A_2846 = arith.index_cast %swap3A_2845 : i32 to index
    %swap3A_2847 = arith.constant 416 : index
    %swap3A_2848 = tpu.vector_load %arg3[%swap3A_2846, %swap3A_2847] {strides = array<i32>} : memref<8x1024xf32, #tpu.memory_space<vmem>>, vector<1x16xf32>,
    %swap3A_2849 = vector.shape_cast %swap3A_2848 : vector<1x16xf32> to vector<16xf32>
    %swap3A_2850 = vector.shape_cast %broadcast_in_dim3A_1 : vector<16xf32> to vector<1x16xf32>
    tpu.vector_store %arg3[%swap3A_2846, %swap3A_2847], %swap3A_2850 {strides = array<i32>} : memref<8x1024xf32, #tpu.memory_space<vmem>>, vector<1x16xf32>,
    %swap3A_2851 = arith.constant 7 : i32
    %swap3A_2852 = arith.index_cast %swap3A_2851 : i32 to index
    %swap3A_2853 = arith.constant 432 : index
    %swap3A_2854 = tpu.vector_load %arg3[%swap3A_2852, %swap3A_2853] {strides = array<i32>} : memref<8x1024xf32, #tpu.memory_space<vmem>>, vector<1x16xf32>,
    %swap3A_2855 = vector.shape_cast %swap3A_2854 : vector<1x16xf32> to vector<16xf32>
    %swap3A_2856 = vector.shape_cast %broadcast_in_dim3A_1 : vector<16xf32> to vector<1x16xf32>
    tpu.vector_store %arg3[%swap3A_2852, %swap3A_2853], %swap3A_2856 {strides = array<i32>} : memref<8x1024xf32, #tpu.memory_space<vmem>>, vector<1x16xf32>,
    %swap3A_2857 = arith.constant 7 : i32
    %swap3A_2858 = arith.index_cast %swap3A_2857 : i32 to index
    %swap3A_2859 = arith.constant 448 : index
    %swap3A_2860 = tpu.vector_load %arg3[%swap3A_2858, %swap3A_2859] {strides = array<i32>} : memref<8x1024xf32, #tpu.memory_space<vmem>>, vector<1x16xf32>,
    %swap3A_2861 = vector.shape_cast %swap3A_2860 : vector<1x16xf32> to vector<16xf32>
    %swap3A_2862 = vector.shape_cast %broadcast_in_dim3A_1 : vector<16xf32> to vector<1x16xf32>
    tpu.vector_store %arg3[%swap3A_2858, %swap3A_2859], %swap3A_2862 {strides = array<i32>} : memref<8x1024xf32, #tpu.memory_space<vmem>>, vector<1x16xf32>,
    %swap3A_2863 = arith.constant 7 : i32
    %swap3A_2864 = arith.index_cast %swap3A_2863 : i32 to index
    %swap3A_2865 = arith.constant 464 : index
    %swap3A_2866 = tpu.vector_load %arg3[%swap3A_2864, %swap3A_2865] {strides = array<i32>} : memref<8x1024xf32, #tpu.memory_space<vmem>>, vector<1x16xf32>,
    %swap3A_2867 = vector.shape_cast %swap3A_2866 : vector<1x16xf32> to vector<16xf32>
    %swap3A_2868 = vector.shape_cast %broadcast_in_dim3A_1 : vector<16xf32> to vector<1x16xf32>
    tpu.vector_store %arg3[%swap3A_2864, %swap3A_2865], %swap3A_2868 {strides = array<i32>} : memref<8x1024xf32, #tpu.memory_space<vmem>>, vector<1x16xf32>,
    %swap3A_2869 = arith.constant 7 : i32
    %swap3A_2870 = arith.index_cast %swap3A_2869 : i32 to index
    %swap3A_2871 = arith.constant 480 : index
    %swap3A_2872 = tpu.vector_load %arg3[%swap3A_2870, %swap3A_2871] {strides = array<i32>} : memref<8x1024xf32, #tpu.memory_space<vmem>>, vector<1x16xf32>,
    %swap3A_2873 = vector.shape_cast %swap3A_2872 : vector<1x16xf32> to vector<16xf32>
    %swap3A_2874 = vector.shape_cast %broadcast_in_dim3A_1 : vector<16xf32> to vector<1x16xf32>
    tpu.vector_store %arg3[%swap3A_2870, %swap3A_2871], %swap3A_2874 {strides = array<i32>} : memref<8x1024xf32, #tpu.memory_space<vmem>>, vector<1x16xf32>,
    %swap3A_2875 = arith.constant 7 : i32
    %swap3A_2876 = arith.index_cast %swap3A_2875 : i32 to index
    %swap3A_2877 = arith.constant 496 : index
    %swap3A_2878 = tpu.vector_load %arg3[%swap3A_2876, %swap3A_2877] {strides = array<i32>} : memref<8x1024xf32, #tpu.memory_space<vmem>>, vector<1x16xf32>,
    %swap3A_2879 = vector.shape_cast %swap3A_2878 : vector<1x16xf32> to vector<16xf32>
    %swap3A_2880 = vector.shape_cast %broadcast_in_dim3A_1 : vector<16xf32> to vector<1x16xf32>
    tpu.vector_store %arg3[%swap3A_2876, %swap3A_2877], %swap3A_2880 {strides = array<i32>} : memref<8x1024xf32, #tpu.memory_space<vmem>>, vector<1x16xf32>,
    %swap3A_2881 = arith.constant 7 : i32
    %swap3A_2882 = arith.index_cast %swap3A_2881 : i32 to index
    %swap3A_2883 = arith.constant 512 : index
    %swap3A_2884 = tpu.vector_load %arg3[%swap3A_2882, %swap3A_2883] {strides = array<i32>} : memref<8x1024xf32, #tpu.memory_space<vmem>>, vector<1x16xf32>,
    %swap3A_2885 = vector.shape_cast %swap3A_2884 : vector<1x16xf32> to vector<16xf32>
    %swap3A_2886 = vector.shape_cast %broadcast_in_dim3A_1 : vector<16xf32> to vector<1x16xf32>
    tpu.vector_store %arg3[%swap3A_2882, %swap3A_2883], %swap3A_2886 {strides = array<i32>} : memref<8x1024xf32, #tpu.memory_space<vmem>>, vector<1x16xf32>,
    %swap3A_2887 = arith.constant 7 : i32
    %swap3A_2888 = arith.index_cast %swap3A_2887 : i32 to index
    %swap3A_2889 = arith.constant 528 : index
    %swap3A_2890 = tpu.vector_load %arg3[%swap3A_2888, %swap3A_2889] {strides = array<i32>} : memref<8x1024xf32, #tpu.memory_space<vmem>>, vector<1x16xf32>,
    %swap3A_2891 = vector.shape_cast %swap3A_2890 : vector<1x16xf32> to vector<16xf32>
    %swap3A_2892 = vector.shape_cast %broadcast_in_dim3A_1 : vector<16xf32> to vector<1x16xf32>
    tpu.vector_store %arg3[%swap3A_2888, %swap3A_2889], %swap3A_2892 {strides = array<i32>} : memref<8x1024xf32, #tpu.memory_space<vmem>>, vector<1x16xf32>,
    %swap3A_2893 = arith.constant 7 : i32
    %swap3A_2894 = arith.index_cast %swap3A_2893 : i32 to index
    %swap3A_2895 = arith.constant 544 : index
    %swap3A_2896 = tpu.vector_load %arg3[%swap3A_2894, %swap3A_2895] {strides = array<i32>} : memref<8x1024xf32, #tpu.memory_space<vmem>>, vector<1x16xf32>,
    %swap3A_2897 = vector.shape_cast %swap3A_2896 : vector<1x16xf32> to vector<16xf32>
    %swap3A_2898 = vector.shape_cast %broadcast_in_dim3A_1 : vector<16xf32> to vector<1x16xf32>
    tpu.vector_store %arg3[%swap3A_2894, %swap3A_2895], %swap3A_2898 {strides = array<i32>} : memref<8x1024xf32, #tpu.memory_space<vmem>>, vector<1x16xf32>,
    %swap3A_2899 = arith.constant 7 : i32
    %swap3A_2900 = arith.index_cast %swap3A_2899 : i32 to index
    %swap3A_2901 = arith.constant 560 : index
    %swap3A_2902 = tpu.vector_load %arg3[%swap3A_2900, %swap3A_2901] {strides = array<i32>} : memref<8x1024xf32, #tpu.memory_space<vmem>>, vector<1x16xf32>,
    %swap3A_2903 = vector.shape_cast %swap3A_2902 : vector<1x16xf32> to vector<16xf32>
    %swap3A_2904 = vector.shape_cast %broadcast_in_dim3A_1 : vector<16xf32> to vector<1x16xf32>
    tpu.vector_store %arg3[%swap3A_2900, %swap3A_2901], %swap3A_2904 {strides = array<i32>} : memref<8x1024xf32, #tpu.memory_space<vmem>>, vector<1x16xf32>,
    %swap3A_2905 = arith.constant 7 : i32
    %swap3A_2906 = arith.index_cast %swap3A_2905 : i32 to index
    %swap3A_2907 = arith.constant 576 : index
    %swap3A_2908 = tpu.vector_load %arg3[%swap3A_2906, %swap3A_2907] {strides = array<i32>} : memref<8x1024xf32, #tpu.memory_space<vmem>>, vector<1x16xf32>,
    %swap3A_2909 = vector.shape_cast %swap3A_2908 : vector<1x16xf32> to vector<16xf32>
    %swap3A_2910 = vector.shape_cast %broadcast_in_dim3A_1 : vector<16xf32> to vector<1x16xf32>
    tpu.vector_store %arg3[%swap3A_2906, %swap3A_2907], %swap3A_2910 {strides = array<i32>} : memref<8x1024xf32, #tpu.memory_space<vmem>>, vector<1x16xf32>,
    %swap3A_2911 = arith.constant 7 : i32
    %swap3A_2912 = arith.index_cast %swap3A_2911 : i32 to index
    %swap3A_2913 = arith.constant 592 : index
    %swap3A_2914 = tpu.vector_load %arg3[%swap3A_2912, %swap3A_2913] {strides = array<i32>} : memref<8x1024xf32, #tpu.memory_space<vmem>>, vector<1x16xf32>,
    %swap3A_2915 = vector.shape_cast %swap3A_2914 : vector<1x16xf32> to vector<16xf32>
    %swap3A_2916 = vector.shape_cast %broadcast_in_dim3A_1 : vector<16xf32> to vector<1x16xf32>
    tpu.vector_store %arg3[%swap3A_2912, %swap3A_2913], %swap3A_2916 {strides = array<i32>} : memref<8x1024xf32, #tpu.memory_space<vmem>>, vector<1x16xf32>,
    %swap3A_2917 = arith.constant 7 : i32
    %swap3A_2918 = arith.index_cast %swap3A_2917 : i32 to index
    %swap3A_2919 = arith.constant 608 : index
    %swap3A_2920 = tpu.vector_load %arg3[%swap3A_2918, %swap3A_2919] {strides = array<i32>} : memref<8x1024xf32, #tpu.memory_space<vmem>>, vector<1x16xf32>,
    %swap3A_2921 = vector.shape_cast %swap3A_2920 : vector<1x16xf32> to vector<16xf32>
    %swap3A_2922 = vector.shape_cast %broadcast_in_dim3A_1 : vector<16xf32> to vector<1x16xf32>
    tpu.vector_store %arg3[%swap3A_2918, %swap3A_2919], %swap3A_2922 {strides = array<i32>} : memref<8x1024xf32, #tpu.memory_space<vmem>>, vector<1x16xf32>,
    %swap3A_2923 = arith.constant 7 : i32
    %swap3A_2924 = arith.index_cast %swap3A_2923 : i32 to index
    %swap3A_2925 = arith.constant 624 : index
    %swap3A_2926 = tpu.vector_load %arg3[%swap3A_2924, %swap3A_2925] {strides = array<i32>} : memref<8x1024xf32, #tpu.memory_space<vmem>>, vector<1x16xf32>,
    %swap3A_2927 = vector.shape_cast %swap3A_2926 : vector<1x16xf32> to vector<16xf32>
    %swap3A_2928 = vector.shape_cast %broadcast_in_dim3A_1 : vector<16xf32> to vector<1x16xf32>
    tpu.vector_store %arg3[%swap3A_2924, %swap3A_2925], %swap3A_2928 {strides = array<i32>} : memref<8x1024xf32, #tpu.memory_space<vmem>>, vector<1x16xf32>,
    %swap3A_2929 = arith.constant 7 : i32
    %swap3A_2930 = arith.index_cast %swap3A_2929 : i32 to index
    %swap3A_2931 = arith.constant 640 : index
    %swap3A_2932 = tpu.vector_load %arg3[%swap3A_2930, %swap3A_2931] {strides = array<i32>} : memref<8x1024xf32, #tpu.memory_space<vmem>>, vector<1x16xf32>,
    %swap3A_2933 = vector.shape_cast %swap3A_2932 : vector<1x16xf32> to vector<16xf32>
    %swap3A_2934 = vector.shape_cast %broadcast_in_dim3A_1 : vector<16xf32> to vector<1x16xf32>
    tpu.vector_store %arg3[%swap3A_2930, %swap3A_2931], %swap3A_2934 {strides = array<i32>} : memref<8x1024xf32, #tpu.memory_space<vmem>>, vector<1x16xf32>,
    %swap3A_2935 = arith.constant 7 : i32
    %swap3A_2936 = arith.index_cast %swap3A_2935 : i32 to index
    %swap3A_2937 = arith.constant 656 : index
    %swap3A_2938 = tpu.vector_load %arg3[%swap3A_2936, %swap3A_2937] {strides = array<i32>} : memref<8x1024xf32, #tpu.memory_space<vmem>>, vector<1x16xf32>,
    %swap3A_2939 = vector.shape_cast %swap3A_2938 : vector<1x16xf32> to vector<16xf32>
    %swap3A_2940 = vector.shape_cast %broadcast_in_dim3A_1 : vector<16xf32> to vector<1x16xf32>
    tpu.vector_store %arg3[%swap3A_2936, %swap3A_2937], %swap3A_2940 {strides = array<i32>} : memref<8x1024xf32, #tpu.memory_space<vmem>>, vector<1x16xf32>,
    %swap3A_2941 = arith.constant 7 : i32
    %swap3A_2942 = arith.index_cast %swap3A_2941 : i32 to index
    %swap3A_2943 = arith.constant 672 : index
    %swap3A_2944 = tpu.vector_load %arg3[%swap3A_2942, %swap3A_2943] {strides = array<i32>} : memref<8x1024xf32, #tpu.memory_space<vmem>>, vector<1x16xf32>,
    %swap3A_2945 = vector.shape_cast %swap3A_2944 : vector<1x16xf32> to vector<16xf32>
    %swap3A_2946 = vector.shape_cast %broadcast_in_dim3A_1 : vector<16xf32> to vector<1x16xf32>
    tpu.vector_store %arg3[%swap3A_2942, %swap3A_2943], %swap3A_2946 {strides = array<i32>} : memref<8x1024xf32, #tpu.memory_space<vmem>>, vector<1x16xf32>,
    %swap3A_2947 = arith.constant 7 : i32
    %swap3A_2948 = arith.index_cast %swap3A_2947 : i32 to index
    %swap3A_2949 = arith.constant 688 : index
    %swap3A_2950 = tpu.vector_load %arg3[%swap3A_2948, %swap3A_2949] {strides = array<i32>} : memref<8x1024xf32, #tpu.memory_space<vmem>>, vector<1x16xf32>,
    %swap3A_2951 = vector.shape_cast %swap3A_2950 : vector<1x16xf32> to vector<16xf32>
    %swap3A_2952 = vector.shape_cast %broadcast_in_dim3A_1 : vector<16xf32> to vector<1x16xf32>
    tpu.vector_store %arg3[%swap3A_2948, %swap3A_2949], %swap3A_2952 {strides = array<i32>} : memref<8x1024xf32, #tpu.memory_space<vmem>>, vector<1x16xf32>,
    %swap3A_2953 = arith.constant 7 : i32
    %swap3A_2954 = arith.index_cast %swap3A_2953 : i32 to index
    %swap3A_2955 = arith.constant 704 : index
    %swap3A_2956 = tpu.vector_load %arg3[%swap3A_2954, %swap3A_2955] {strides = array<i32>} : memref<8x1024xf32, #tpu.memory_space<vmem>>, vector<1x16xf32>,
    %swap3A_2957 = vector.shape_cast %swap3A_2956 : vector<1x16xf32> to vector<16xf32>
    %swap3A_2958 = vector.shape_cast %broadcast_in_dim3A_1 : vector<16xf32> to vector<1x16xf32>
    tpu.vector_store %arg3[%swap3A_2954, %swap3A_2955], %swap3A_2958 {strides = array<i32>} : memref<8x1024xf32, #tpu.memory_space<vmem>>, vector<1x16xf32>,
    %swap3A_2959 = arith.constant 7 : i32
    %swap3A_2960 = arith.index_cast %swap3A_2959 : i32 to index
    %swap3A_2961 = arith.constant 720 : index
    %swap3A_2962 = tpu.vector_load %arg3[%swap3A_2960, %swap3A_2961] {strides = array<i32>} : memref<8x1024xf32, #tpu.memory_space<vmem>>, vector<1x16xf32>,
    %swap3A_2963 = vector.shape_cast %swap3A_2962 : vector<1x16xf32> to vector<16xf32>
    %swap3A_2964 = vector.shape_cast %broadcast_in_dim3A_1 : vector<16xf32> to vector<1x16xf32>
    tpu.vector_store %arg3[%swap3A_2960, %swap3A_2961], %swap3A_2964 {strides = array<i32>} : memref<8x1024xf32, #tpu.memory_space<vmem>>, vector<1x16xf32>,
    %swap3A_2965 = arith.constant 7 : i32
    %swap3A_2966 = arith.index_cast %swap3A_2965 : i32 to index
    %swap3A_2967 = arith.constant 736 : index
    %swap3A_2968 = tpu.vector_load %arg3[%swap3A_2966, %swap3A_2967] {strides = array<i32>} : memref<8x1024xf32, #tpu.memory_space<vmem>>, vector<1x16xf32>,
    %swap3A_2969 = vector.shape_cast %swap3A_2968 : vector<1x16xf32> to vector<16xf32>
    %swap3A_2970 = vector.shape_cast %broadcast_in_dim3A_1 : vector<16xf32> to vector<1x16xf32>
    tpu.vector_store %arg3[%swap3A_2966, %swap3A_2967], %swap3A_2970 {strides = array<i32>} : memref<8x1024xf32, #tpu.memory_space<vmem>>, vector<1x16xf32>,
    %swap3A_2971 = arith.constant 7 : i32
    %swap3A_2972 = arith.index_cast %swap3A_2971 : i32 to index
    %swap3A_2973 = arith.constant 752 : index
    %swap3A_2974 = tpu.vector_load %arg3[%swap3A_2972, %swap3A_2973] {strides = array<i32>} : memref<8x1024xf32, #tpu.memory_space<vmem>>, vector<1x16xf32>,
    %swap3A_2975 = vector.shape_cast %swap3A_2974 : vector<1x16xf32> to vector<16xf32>
    %swap3A_2976 = vector.shape_cast %broadcast_in_dim3A_1 : vector<16xf32> to vector<1x16xf32>
    tpu.vector_store %arg3[%swap3A_2972, %swap3A_2973], %swap3A_2976 {strides = array<i32>} : memref<8x1024xf32, #tpu.memory_space<vmem>>, vector<1x16xf32>,
    %swap3A_2977 = arith.constant 7 : i32
    %swap3A_2978 = arith.index_cast %swap3A_2977 : i32 to index
    %swap3A_2979 = arith.constant 768 : index
    %swap3A_2980 = tpu.vector_load %arg3[%swap3A_2978, %swap3A_2979] {strides = array<i32>} : memref<8x1024xf32, #tpu.memory_space<vmem>>, vector<1x16xf32>,
    %swap3A_2981 = vector.shape_cast %swap3A_2980 : vector<1x16xf32> to vector<16xf32>
    %swap3A_2982 = vector.shape_cast %broadcast_in_dim3A_1 : vector<16xf32> to vector<1x16xf32>
    tpu.vector_store %arg3[%swap3A_2978, %swap3A_2979], %swap3A_2982 {strides = array<i32>} : memref<8x1024xf32, #tpu.memory_space<vmem>>, vector<1x16xf32>,
    %swap3A_2983 = arith.constant 7 : i32
    %swap3A_2984 = arith.index_cast %swap3A_2983 : i32 to index
    %swap3A_2985 = arith.constant 784 : index
    %swap3A_2986 = tpu.vector_load %arg3[%swap3A_2984, %swap3A_2985] {strides = array<i32>} : memref<8x1024xf32, #tpu.memory_space<vmem>>, vector<1x16xf32>,
    %swap3A_2987 = vector.shape_cast %swap3A_2986 : vector<1x16xf32> to vector<16xf32>
    %swap3A_2988 = vector.shape_cast %broadcast_in_dim3A_1 : vector<16xf32> to vector<1x16xf32>
    tpu.vector_store %arg3[%swap3A_2984, %swap3A_2985], %swap3A_2988 {strides = array<i32>} : memref<8x1024xf32, #tpu.memory_space<vmem>>, vector<1x16xf32>,
    %swap3A_2989 = arith.constant 7 : i32
    %swap3A_2990 = arith.index_cast %swap3A_2989 : i32 to index
    %swap3A_2991 = arith.constant 800 : index
    %swap3A_2992 = tpu.vector_load %arg3[%swap3A_2990, %swap3A_2991] {strides = array<i32>} : memref<8x1024xf32, #tpu.memory_space<vmem>>, vector<1x16xf32>,
    %swap3A_2993 = vector.shape_cast %swap3A_2992 : vector<1x16xf32> to vector<16xf32>
    %swap3A_2994 = vector.shape_cast %broadcast_in_dim3A_1 : vector<16xf32> to vector<1x16xf32>
    tpu.vector_store %arg3[%swap3A_2990, %swap3A_2991], %swap3A_2994 {strides = array<i32>} : memref<8x1024xf32, #tpu.memory_space<vmem>>, vector<1x16xf32>,
    %swap3A_2995 = arith.constant 7 : i32
    %swap3A_2996 = arith.index_cast %swap3A_2995 : i32 to index
    %swap3A_2997 = arith.constant 816 : index
    %swap3A_2998 = tpu.vector_load %arg3[%swap3A_2996, %swap3A_2997] {strides = array<i32>} : memref<8x1024xf32, #tpu.memory_space<vmem>>, vector<1x16xf32>,
    %swap3A_2999 = vector.shape_cast %swap3A_2998 : vector<1x16xf32> to vector<16xf32>
    %swap3A_3000 = vector.shape_cast %broadcast_in_dim3A_1 : vector<16xf32> to vector<1x16xf32>
    tpu.vector_store %arg3[%swap3A_2996, %swap3A_2997], %swap3A_3000 {strides = array<i32>} : memref<8x1024xf32, #tpu.memory_space<vmem>>, vector<1x16xf32>,
    %swap3A_3001 = arith.constant 7 : i32
    %swap3A_3002 = arith.index_cast %swap3A_3001 : i32 to index
    %swap3A_3003 = arith.constant 832 : index
    %swap3A_3004 = tpu.vector_load %arg3[%swap3A_3002, %swap3A_3003] {strides = array<i32>} : memref<8x1024xf32, #tpu.memory_space<vmem>>, vector<1x16xf32>,
    %swap3A_3005 = vector.shape_cast %swap3A_3004 : vector<1x16xf32> to vector<16xf32>
    %swap3A_3006 = vector.shape_cast %broadcast_in_dim3A_1 : vector<16xf32> to vector<1x16xf32>
    tpu.vector_store %arg3[%swap3A_3002, %swap3A_3003], %swap3A_3006 {strides = array<i32>} : memref<8x1024xf32, #tpu.memory_space<vmem>>, vector<1x16xf32>,
    %swap3A_3007 = arith.constant 7 : i32
    %swap3A_3008 = arith.index_cast %swap3A_3007 : i32 to index
    %swap3A_3009 = arith.constant 848 : index
    %swap3A_3010 = tpu.vector_load %arg3[%swap3A_3008, %swap3A_3009] {strides = array<i32>} : memref<8x1024xf32, #tpu.memory_space<vmem>>, vector<1x16xf32>,
    %swap3A_3011 = vector.shape_cast %swap3A_3010 : vector<1x16xf32> to vector<16xf32>
    %swap3A_3012 = vector.shape_cast %broadcast_in_dim3A_1 : vector<16xf32> to vector<1x16xf32>
    tpu.vector_store %arg3[%swap3A_3008, %swap3A_3009], %swap3A_3012 {strides = array<i32>} : memref<8x1024xf32, #tpu.memory_space<vmem>>, vector<1x16xf32>,
    %swap3A_3013 = arith.constant 7 : i32
    %swap3A_3014 = arith.index_cast %swap3A_3013 : i32 to index
    %swap3A_3015 = arith.constant 864 : index
    %swap3A_3016 = tpu.vector_load %arg3[%swap3A_3014, %swap3A_3015] {strides = array<i32>} : memref<8x1024xf32, #tpu.memory_space<vmem>>, vector<1x16xf32>,
    %swap3A_3017 = vector.shape_cast %swap3A_3016 : vector<1x16xf32> to vector<16xf32>
    %swap3A_3018 = vector.shape_cast %broadcast_in_dim3A_1 : vector<16xf32> to vector<1x16xf32>
    tpu.vector_store %arg3[%swap3A_3014, %swap3A_3015], %swap3A_3018 {strides = array<i32>} : memref<8x1024xf32, #tpu.memory_space<vmem>>, vector<1x16xf32>,
    %swap3A_3019 = arith.constant 7 : i32
    %swap3A_3020 = arith.index_cast %swap3A_3019 : i32 to index
    %swap3A_3021 = arith.constant 880 : index
    %swap3A_3022 = tpu.vector_load %arg3[%swap3A_3020, %swap3A_3021] {strides = array<i32>} : memref<8x1024xf32, #tpu.memory_space<vmem>>, vector<1x16xf32>,
    %swap3A_3023 = vector.shape_cast %swap3A_3022 : vector<1x16xf32> to vector<16xf32>
    %swap3A_3024 = vector.shape_cast %broadcast_in_dim3A_1 : vector<16xf32> to vector<1x16xf32>
    tpu.vector_store %arg3[%swap3A_3020, %swap3A_3021], %swap3A_3024 {strides = array<i32>} : memref<8x1024xf32, #tpu.memory_space<vmem>>, vector<1x16xf32>,
    %swap3A_3025 = arith.constant 7 : i32
    %swap3A_3026 = arith.index_cast %swap3A_3025 : i32 to index
    %swap3A_3027 = arith.constant 896 : index
    %swap3A_3028 = tpu.vector_load %arg3[%swap3A_3026, %swap3A_3027] {strides = array<i32>} : memref<8x1024xf32, #tpu.memory_space<vmem>>, vector<1x16xf32>,
    %swap3A_3029 = vector.shape_cast %swap3A_3028 : vector<1x16xf32> to vector<16xf32>
    %swap3A_3030 = vector.shape_cast %broadcast_in_dim3A_1 : vector<16xf32> to vector<1x16xf32>
    tpu.vector_store %arg3[%swap3A_3026, %swap3A_3027], %swap3A_3030 {strides = array<i32>} : memref<8x1024xf32, #tpu.memory_space<vmem>>, vector<1x16xf32>,
    %swap3A_3031 = arith.constant 7 : i32
    %swap3A_3032 = arith.index_cast %swap3A_3031 : i32 to index
    %swap3A_3033 = arith.constant 912 : index
    %swap3A_3034 = tpu.vector_load %arg3[%swap3A_3032, %swap3A_3033] {strides = array<i32>} : memref<8x1024xf32, #tpu.memory_space<vmem>>, vector<1x16xf32>,
    %swap3A_3035 = vector.shape_cast %swap3A_3034 : vector<1x16xf32> to vector<16xf32>
    %swap3A_3036 = vector.shape_cast %broadcast_in_dim3A_1 : vector<16xf32> to vector<1x16xf32>
    tpu.vector_store %arg3[%swap3A_3032, %swap3A_3033], %swap3A_3036 {strides = array<i32>} : memref<8x1024xf32, #tpu.memory_space<vmem>>, vector<1x16xf32>,
    %swap3A_3037 = arith.constant 7 : i32
    %swap3A_3038 = arith.index_cast %swap3A_3037 : i32 to index
    %swap3A_3039 = arith.constant 928 : index
    %swap3A_3040 = tpu.vector_load %arg3[%swap3A_3038, %swap3A_3039] {strides = array<i32>} : memref<8x1024xf32, #tpu.memory_space<vmem>>, vector<1x16xf32>,
    %swap3A_3041 = vector.shape_cast %swap3A_3040 : vector<1x16xf32> to vector<16xf32>
    %swap3A_3042 = vector.shape_cast %broadcast_in_dim3A_1 : vector<16xf32> to vector<1x16xf32>
    tpu.vector_store %arg3[%swap3A_3038, %swap3A_3039], %swap3A_3042 {strides = array<i32>} : memref<8x1024xf32, #tpu.memory_space<vmem>>, vector<1x16xf32>,
    %swap3A_3043 = arith.constant 7 : i32
    %swap3A_3044 = arith.index_cast %swap3A_3043 : i32 to index
    %swap3A_3045 = arith.constant 944 : index
    %swap3A_3046 = tpu.vector_load %arg3[%swap3A_3044, %swap3A_3045] {strides = array<i32>} : memref<8x1024xf32, #tpu.memory_space<vmem>>, vector<1x16xf32>,
    %swap3A_3047 = vector.shape_cast %swap3A_3046 : vector<1x16xf32> to vector<16xf32>
    %swap3A_3048 = vector.shape_cast %broadcast_in_dim3A_1 : vector<16xf32> to vector<1x16xf32>
    tpu.vector_store %arg3[%swap3A_3044, %swap3A_3045], %swap3A_3048 {strides = array<i32>} : memref<8x1024xf32, #tpu.memory_space<vmem>>, vector<1x16xf32>,
    %swap3A_3049 = arith.constant 7 : i32
    %swap3A_3050 = arith.index_cast %swap3A_3049 : i32 to index
    %swap3A_3051 = arith.constant 960 : index
    %swap3A_3052 = tpu.vector_load %arg3[%swap3A_3050, %swap3A_3051] {strides = array<i32>} : memref<8x1024xf32, #tpu.memory_space<vmem>>, vector<1x16xf32>,
    %swap3A_3053 = vector.shape_cast %swap3A_3052 : vector<1x16xf32> to vector<16xf32>
    %swap3A_3054 = vector.shape_cast %broadcast_in_dim3A_1 : vector<16xf32> to vector<1x16xf32>
    tpu.vector_store %arg3[%swap3A_3050, %swap3A_3051], %swap3A_3054 {strides = array<i32>} : memref<8x1024xf32, #tpu.memory_space<vmem>>, vector<1x16xf32>,
    %swap3A_3055 = arith.constant 7 : i32
    %swap3A_3056 = arith.index_cast %swap3A_3055 : i32 to index
    %swap3A_3057 = arith.constant 976 : index
    %swap3A_3058 = tpu.vector_load %arg3[%swap3A_3056, %swap3A_3057] {strides = array<i32>} : memref<8x1024xf32, #tpu.memory_space<vmem>>, vector<1x16xf32>,
    %swap3A_3059 = vector.shape_cast %swap3A_3058 : vector<1x16xf32> to vector<16xf32>
    %swap3A_3060 = vector.shape_cast %broadcast_in_dim3A_1 : vector<16xf32> to vector<1x16xf32>
    tpu.vector_store %arg3[%swap3A_3056, %swap3A_3057], %swap3A_3060 {strides = array<i32>} : memref<8x1024xf32, #tpu.memory_space<vmem>>, vector<1x16xf32>,
    %swap3A_3061 = arith.constant 7 : i32
    %swap3A_3062 = arith.index_cast %swap3A_3061 : i32 to index
    %swap3A_3063 = arith.constant 992 : index
    %swap3A_3064 = tpu.vector_load %arg3[%swap3A_3062, %swap3A_3063] {strides = array<i32>} : memref<8x1024xf32, #tpu.memory_space<vmem>>, vector<1x16xf32>,
    %swap3A_3065 = vector.shape_cast %swap3A_3064 : vector<1x16xf32> to vector<16xf32>
    %swap3A_3066 = vector.shape_cast %broadcast_in_dim3A_1 : vector<16xf32> to vector<1x16xf32>
    tpu.vector_store %arg3[%swap3A_3062, %swap3A_3063], %swap3A_3066 {strides = array<i32>} : memref<8x1024xf32, #tpu.memory_space<vmem>>, vector<1x16xf32>,
    %swap3A_3067 = arith.constant 7 : i32
    %swap3A_3068 = arith.index_cast %swap3A_3067 : i32 to index
    %swap3A_3069 = arith.constant 1008 : index
    %swap3A_3070 = tpu.vector_load %arg3[%swap3A_3068, %swap3A_3069] {strides = array<i32>} : memref<8x1024xf32, #tpu.memory_space<vmem>>, vector<1x16xf32>,
    %swap3A_3071 = vector.shape_cast %swap3A_3070 : vector<1x16xf32> to vector<16xf32>
    %swap3A_3072 = vector.shape_cast %broadcast_in_dim3A_1 : vector<16xf32> to vector<1x16xf32>
    tpu.vector_store %arg3[%swap3A_3068, %swap3A_3069], %swap3A_3072 {strides = array<i32>} : memref<8x1024xf32, #tpu.memory_space<vmem>>, vector<1x16xf32>,
    %scan3A = arith.constant 0 : i32
    %scan3A_3073 = arith.constant 0 : i32
    %scan3A_3074 = arith.constant 391 : i32
    %scan3A_3075 = arith.addi %scan3A_3073, %scan3A_3074 : i32
    %scan3A_3076 = arith.constant 1 : i32
    scf.for %scan3A_3084 = %scan3A_3073 to %scan3A_3075 step %scan3A_3076  : i32 {
      %mul3A_3085 = arith.constant 32 : i32
      %mul3A_3086 = arith.muli %scan3A_3084, %mul3A_3085 : i32
      %add3A_3087 = arith.addi %add3A, %mul3A_3086 : i32
      %lt3A = arith.constant 12500 : i32
      %lt3A_3088 = arith.cmpi slt, %add3A_3087, %lt3A : i32
      %convert_element_type3A = arith.extui %lt3A_3088 : i1 to i32
      %cond3A = arith.constant 0 : i32
      %cond3A_3089 = arith.cmpi ne, %convert_element_type3A, %cond3A : i32
      scf.if %cond3A_3089 {
        %mul3A_3090 = arith.constant 8 : i32
        %mul3A_3091 = arith.muli %add3A_3087, %mul3A_3090 : i32
        %dma_start3A = arith.constant 0 : i32
        %dma_start3A_3092 = tpu.memref_slice %arg2[%mul3A_3091, %dma_start3A] : memref<100000x1024xf32, #tpu.memory_space<hbm>> -> memref<8x1024xf32, #tpu.memory_space<hbm>>
        %dma_start3A_3093 = arith.constant 0 : i32
        %dma_start3A_3094 = tpu.memref_slice %arg2[%mul3A_3091, %dma_start3A_3093] : memref<100000x1024xf32, #tpu.memory_space<hbm>> -> memref<8x1024xf32, #tpu.memory_space<hbm>>
        tpu.enqueue_dma source(%arg3 : memref<8x1024xf32, #tpu.memory_space<vmem>>) target(%dma_start3A_3094 : memref<8x1024xf32, #tpu.memory_space<hbm>>) target_semaphore(%arg4 : memref<!tpu.dma_semaphore, #tpu.memory_space<semaphore_mem>>)
      } else {
      }
    }
    %scan3A_3077 = arith.constant 391 : i32
    %scan3A_3078 = arith.constant 0 : i32
    %scan3A_3079 = arith.constant 0 : i32
    %scan3A_3080 = arith.constant 391 : i32
    %scan3A_3081 = arith.addi %scan3A_3079, %scan3A_3080 : i32
    %scan3A_3082 = arith.constant 1 : i32
    scf.for %scan3A_3084 = %scan3A_3079 to %scan3A_3081 step %scan3A_3082  : i32 {
      %mul3A_3085 = arith.constant 32 : i32
      %mul3A_3086 = arith.muli %scan3A_3084, %mul3A_3085 : i32
      %add3A_3087 = arith.addi %add3A, %mul3A_3086 : i32
      %lt3A = arith.constant 12500 : i32
      %lt3A_3088 = arith.cmpi slt, %add3A_3087, %lt3A : i32
      %convert_element_type3A = arith.extui %lt3A_3088 : i1 to i32
      %cond3A = arith.constant 0 : i32
      %cond3A_3089 = arith.cmpi ne, %convert_element_type3A, %cond3A : i32
      scf.if %cond3A_3089 {
        %mul3A_3090 = arith.constant 8 : i32
        %mul3A_3091 = arith.muli %add3A_3087, %mul3A_3090 : i32
        %dma_wait3A = arith.constant 0 : i32
        %dma_wait3A_3092 = tpu.memref_slice %arg2[%mul3A_3091, %dma_wait3A] : memref<100000x1024xf32, #tpu.memory_space<hbm>> -> memref<8x1024xf32, #tpu.memory_space<hbm>>
        %dma_wait3A_3093 = arith.constant 0 : i32
        %dma_wait3A_3094 = tpu.memref_slice %arg2[%mul3A_3091, %dma_wait3A_3093] : memref<100000x1024xf32, #tpu.memory_space<hbm>> -> memref<8x1024xf32, #tpu.memory_space<hbm>>
        tpu.wait_dma2 semaphore(%arg4 : memref<!tpu.dma_semaphore, #tpu.memory_space<semaphore_mem>>) src(%arg3 : memref<8x1024xf32, #tpu.memory_space<vmem>>) dst(%dma_wait3A_3094 : memref<8x1024xf32, #tpu.memory_space<hbm>>)
      } else {
      }
    }
    %scan3A_3083 = arith.constant 391 : i32
    return
  }
}

module attributes {stable_mosaic.version = 14 : i64} {
  func.func @_patch_kernel(%arg0: i32, %arg1: memref<1024xi32, #tpu.memory_space<smem>>, %arg2: memref<100000x1024xf32, #tpu.memory_space<any>>, %arg3: memref<1x1024xi32, #tpu.memory_space<vmem>>, %arg4: memref<100000x1024xf32, #tpu.memory_space<any>>, %arg5: memref<8x8x128xf32, #tpu.memory_space<vmem>>, %arg6: memref<!tpu.dma_semaphore, #tpu.memory_space<semaphore_mem>>) attributes {dimension_semantics = [#tpu.dimension_semantics<arbitrary>], iteration_bounds = array<i64: 1>, scalar_prefetch = 1 : i64, scratch_operands = 2 : i64, tpu.core_type = #tpu.core_type<tc>, window_params = [{}, {pipeline_mode = #tpu.pipeline_mode<synchronous>, transform_indices = @transform_1, window_bounds = array<i64: 1, 1024>}, {}]} {
    %iota3A = tpu.iota {dimensions = array<i32: 0>} : vector<8x128xi32>
    %scan3A = arith.constant 0 : i32
    %scan3A_0 = arith.constant 1024 : i32
    %scan3A_1 = arith.addi %scan3A, %scan3A_0 : i32
    %scan3A_2 = arith.constant 1 : i32
    scf.for %scan3A_9 = %scan3A to %scan3A_1 step %scan3A_2  : i32 {
      %rem3A = arith.constant 8 : i32
      %rem3A_10 = arith.remsi %scan3A_9, %rem3A : i32
      %get3A = arith.index_cast %scan3A_9 : i32 to index
      %get3A_11 = memref.load %arg1[%get3A] : memref<1024xi32, #tpu.memory_space<smem>>
      %jit3A = arith.constant 8 : i32
      %div3A = arith.divsi %get3A_11, %jit3A : i32
      %sign3A = arith.constant 0 : i32
      %sign3A_12 = arith.cmpi sgt, %get3A_11, %sign3A : i32
      %sign3A_13 = arith.extui %sign3A_12 : i1 to i32
      %sign3A_14 = arith.constant 0 : i32
      %sign3A_15 = arith.cmpi slt, %get3A_11, %sign3A_14 : i32
      %sign3A_16 = arith.extui %sign3A_15 : i1 to i32
      %sign3A_17 = arith.subi %sign3A_13, %sign3A_16 : i32
      %sign3A_18 = arith.constant 0 : i32
      %sign3A_19 = arith.cmpi sgt, %jit3A, %sign3A_18 : i32
      %sign3A_20 = arith.extui %sign3A_19 : i1 to i32
      %sign3A_21 = arith.constant 0 : i32
      %sign3A_22 = arith.cmpi slt, %jit3A, %sign3A_21 : i32
      %sign3A_23 = arith.extui %sign3A_22 : i1 to i32
      %sign3A_24 = arith.subi %sign3A_20, %sign3A_23 : i32
      %ne3A = arith.cmpi ne, %sign3A_17, %sign3A_24 : i32
      %rem3A_25 = arith.remsi %get3A_11, %jit3A : i32
      %ne3A_26 = arith.constant 0 : i32
      %ne3A_27 = arith.cmpi ne, %rem3A_25, %ne3A_26 : i32
      %and3A = arith.andi %ne3A, %ne3A_27 : i1
      %sub3A = arith.constant 1 : i32
      %sub3A_28 = arith.subi %div3A, %sub3A : i32
      %select_n3A = arith.select %and3A, %sub3A_28, %div3A : i32
      %mul3A = arith.constant 8 : i32
      %mul3A_29 = arith.muli %select_n3A, %mul3A : i32
      %multiple_of3A = tpu.assume_multiple %mul3A_29, 8 : i32
      %jit3A_30 = arith.constant 128 : i32
      %div3A_31 = arith.divsi %scan3A_9, %jit3A_30 : i32
      %sign3A_32 = arith.constant 0 : i32
      %sign3A_33 = arith.cmpi sgt, %scan3A_9, %sign3A_32 : i32
      %sign3A_34 = arith.extui %sign3A_33 : i1 to i32
      %sign3A_35 = arith.constant 0 : i32
      %sign3A_36 = arith.cmpi slt, %scan3A_9, %sign3A_35 : i32
      %sign3A_37 = arith.extui %sign3A_36 : i1 to i32
      %sign3A_38 = arith.subi %sign3A_34, %sign3A_37 : i32
      %sign3A_39 = arith.constant 0 : i32
      %sign3A_40 = arith.cmpi sgt, %jit3A_30, %sign3A_39 : i32
      %sign3A_41 = arith.extui %sign3A_40 : i1 to i32
      %sign3A_42 = arith.constant 0 : i32
      %sign3A_43 = arith.cmpi slt, %jit3A_30, %sign3A_42 : i32
      %sign3A_44 = arith.extui %sign3A_43 : i1 to i32
      %sign3A_45 = arith.subi %sign3A_41, %sign3A_44 : i32
      %ne3A_46 = arith.cmpi ne, %sign3A_38, %sign3A_45 : i32
      %rem3A_47 = arith.remsi %scan3A_9, %jit3A_30 : i32
      %ne3A_48 = arith.constant 0 : i32
      %ne3A_49 = arith.cmpi ne, %rem3A_47, %ne3A_48 : i32
      %and3A_50 = arith.andi %ne3A_46, %ne3A_49 : i1
      %sub3A_51 = arith.constant 1 : i32
      %sub3A_52 = arith.subi %div3A_31, %sub3A_51 : i32
      %select_n3A_53 = arith.select %and3A_50, %sub3A_52, %div3A_31 : i32
      %mul3A_54 = arith.constant 128 : i32
      %mul3A_55 = arith.muli %select_n3A_53, %mul3A_54 : i32
      %multiple_of3A_56 = tpu.assume_multiple %mul3A_55, 128 : i32
      %ge3A = arith.constant 8 : i32
      %ge3A_57 = arith.cmpi sge, %scan3A_9, %ge3A : i32
      %convert_element_type3A = arith.extui %ge3A_57 : i1 to i32
      %cond3A = arith.constant 0 : i32
      %cond3A_58 = arith.cmpi ne, %convert_element_type3A, %cond3A : i32
      scf.if %cond3A_58 {
        %dma_wait3A = tpu.memref_slice %arg4[%multiple_of3A, %multiple_of3A_56] : memref<100000x1024xf32, #tpu.memory_space<any>> -> memref<8x128xf32, #tpu.memory_space<any>>
        %dma_wait3A_75 = arith.constant 0 : i32
        %dma_wait3A_76 = arith.constant 0 : i32
        %dma_wait3A_77 = tpu.memref_slice %arg5[%rem3A_10, %dma_wait3A_75, %dma_wait3A_76] : memref<8x8x128xf32, #tpu.memory_space<vmem>> -> memref<1x8x128xf32, #tpu.memory_space<vmem>>
        %dma_wait3A_78 = tpu.memref_squeeze %dma_wait3A_77 : memref<1x8x128xf32, #tpu.memory_space<vmem>> -> memref<8x128xf32, #tpu.memory_space<vmem>>
        tpu.wait_dma2 semaphore(%arg6 : memref<!tpu.dma_semaphore, #tpu.memory_space<semaphore_mem>>) src(%dma_wait3A_78 : memref<8x128xf32, #tpu.memory_space<vmem>>) dst(%dma_wait3A : memref<8x128xf32, #tpu.memory_space<any>>)
      } else {
      }
      %get3A_59 = arith.constant 0 : index
      %get3A_60 = arith.index_cast %multiple_of3A_56 : i32 to index
      %get3A_61 = vector.load %arg3[%get3A_59, %get3A_60] : memref<1x1024xi32, #tpu.memory_space<vmem>>, vector<1x128xi32>
      %add3A = vector.broadcast %multiple_of3A : i32 to vector<8x128xi32>
      %add3A_62 = arith.addi %add3A, %iota3A : vector<8x128xi32>
      %eq3A = vector.broadcast %get3A_61 : vector<1x128xi32> to vector<8x128xi32>
      %eq3A_63 = arith.cmpi eq, %eq3A, %add3A_62 : vector<8x128xi32>
      %convert_element_type3A_64 = arith.extui %eq3A_63 : vector<8x128xi1> to vector<8x128xi32>
      %convert_element_type3A_65 = arith.sitofp %convert_element_type3A_64 : vector<8x128xi32> to vector<8x128xf32>
      %swap3A = arith.index_cast %rem3A_10 : i32 to index
      %swap3A_66 = arith.constant 0 : index
      %swap3A_67 = arith.constant 0 : index
      %swap3A_68 = vector.load %arg5[%swap3A, %swap3A_66, %swap3A_67] : memref<8x8x128xf32, #tpu.memory_space<vmem>>, vector<1x8x128xf32>
      %swap3A_69 = vector.shape_cast %swap3A_68 : vector<1x8x128xf32> to vector<8x128xf32>
      %swap3A_70 = vector.shape_cast %convert_element_type3A_65 : vector<8x128xf32> to vector<1x8x128xf32>
      tpu.vector_store %arg5[%swap3A, %swap3A_66, %swap3A_67], %swap3A_70 {strides = array<i32>} : memref<8x8x128xf32, #tpu.memory_space<vmem>>, vector<1x8x128xf32>,
      %dma_start3A = tpu.memref_slice %arg4[%multiple_of3A, %multiple_of3A_56] : memref<100000x1024xf32, #tpu.memory_space<any>> -> memref<8x128xf32, #tpu.memory_space<any>>
      %dma_start3A_71 = arith.constant 0 : i32
      %dma_start3A_72 = arith.constant 0 : i32
      %dma_start3A_73 = tpu.memref_slice %arg5[%rem3A_10, %dma_start3A_71, %dma_start3A_72] : memref<8x8x128xf32, #tpu.memory_space<vmem>> -> memref<1x8x128xf32, #tpu.memory_space<vmem>>
      %dma_start3A_74 = tpu.memref_squeeze %dma_start3A_73 : memref<1x8x128xf32, #tpu.memory_space<vmem>> -> memref<8x128xf32, #tpu.memory_space<vmem>>
      tpu.enqueue_dma source(%dma_start3A_74 : memref<8x128xf32, #tpu.memory_space<vmem>>) target(%dma_start3A : memref<8x128xf32, #tpu.memory_space<any>>) target_semaphore(%arg6 : memref<!tpu.dma_semaphore, #tpu.memory_space<semaphore_mem>>)
    }
    %scan3A_3 = arith.constant 1024 : i32
    %scan3A_4 = arith.constant 0 : i32
    %scan3A_5 = arith.constant 8 : i32
    %scan3A_6 = arith.addi %scan3A_4, %scan3A_5 : i32
    %scan3A_7 = arith.constant 1 : i32
    scf.for %scan3A_9 = %scan3A_4 to %scan3A_6 step %scan3A_7  : i32 {
      %add3A = arith.constant 1016 : i32
      %add3A_10 = arith.addi %add3A, %scan3A_9 : i32
      %rem3A = arith.constant 8 : i32
      %rem3A_11 = arith.remsi %add3A_10, %rem3A : i32
      %get3A = arith.index_cast %add3A_10 : i32 to index
      %get3A_12 = memref.load %arg1[%get3A] : memref<1024xi32, #tpu.memory_space<smem>>
      %jit3A = arith.constant 8 : i32
      %div3A = arith.divsi %get3A_12, %jit3A : i32
      %sign3A = arith.constant 0 : i32
      %sign3A_13 = arith.cmpi sgt, %get3A_12, %sign3A : i32
      %sign3A_14 = arith.extui %sign3A_13 : i1 to i32
      %sign3A_15 = arith.constant 0 : i32
      %sign3A_16 = arith.cmpi slt, %get3A_12, %sign3A_15 : i32
      %sign3A_17 = arith.extui %sign3A_16 : i1 to i32
      %sign3A_18 = arith.subi %sign3A_14, %sign3A_17 : i32
      %sign3A_19 = arith.constant 0 : i32
      %sign3A_20 = arith.cmpi sgt, %jit3A, %sign3A_19 : i32
      %sign3A_21 = arith.extui %sign3A_20 : i1 to i32
      %sign3A_22 = arith.constant 0 : i32
      %sign3A_23 = arith.cmpi slt, %jit3A, %sign3A_22 : i32
      %sign3A_24 = arith.extui %sign3A_23 : i1 to i32
      %sign3A_25 = arith.subi %sign3A_21, %sign3A_24 : i32
      %ne3A = arith.cmpi ne, %sign3A_18, %sign3A_25 : i32
      %rem3A_26 = arith.remsi %get3A_12, %jit3A : i32
      %ne3A_27 = arith.constant 0 : i32
      %ne3A_28 = arith.cmpi ne, %rem3A_26, %ne3A_27 : i32
      %and3A = arith.andi %ne3A, %ne3A_28 : i1
      %sub3A = arith.constant 1 : i32
      %sub3A_29 = arith.subi %div3A, %sub3A : i32
      %select_n3A = arith.select %and3A, %sub3A_29, %div3A : i32
      %mul3A = arith.constant 8 : i32
      %mul3A_30 = arith.muli %select_n3A, %mul3A : i32
      %multiple_of3A = tpu.assume_multiple %mul3A_30, 8 : i32
      %jit3A_31 = arith.constant 128 : i32
      %div3A_32 = arith.divsi %add3A_10, %jit3A_31 : i32
      %sign3A_33 = arith.constant 0 : i32
      %sign3A_34 = arith.cmpi sgt, %add3A_10, %sign3A_33 : i32
      %sign3A_35 = arith.extui %sign3A_34 : i1 to i32
      %sign3A_36 = arith.constant 0 : i32
      %sign3A_37 = arith.cmpi slt, %add3A_10, %sign3A_36 : i32
      %sign3A_38 = arith.extui %sign3A_37 : i1 to i32
      %sign3A_39 = arith.subi %sign3A_35, %sign3A_38 : i32
      %sign3A_40 = arith.constant 0 : i32
      %sign3A_41 = arith.cmpi sgt, %jit3A_31, %sign3A_40 : i32
      %sign3A_42 = arith.extui %sign3A_41 : i1 to i32
      %sign3A_43 = arith.constant 0 : i32
      %sign3A_44 = arith.cmpi slt, %jit3A_31, %sign3A_43 : i32
      %sign3A_45 = arith.extui %sign3A_44 : i1 to i32
      %sign3A_46 = arith.subi %sign3A_42, %sign3A_45 : i32
      %ne3A_47 = arith.cmpi ne, %sign3A_39, %sign3A_46 : i32
      %rem3A_48 = arith.remsi %add3A_10, %jit3A_31 : i32
      %ne3A_49 = arith.constant 0 : i32
      %ne3A_50 = arith.cmpi ne, %rem3A_48, %ne3A_49 : i32
      %and3A_51 = arith.andi %ne3A_47, %ne3A_50 : i1
      %sub3A_52 = arith.constant 1 : i32
      %sub3A_53 = arith.subi %div3A_32, %sub3A_52 : i32
      %select_n3A_54 = arith.select %and3A_51, %sub3A_53, %div3A_32 : i32
      %mul3A_55 = arith.constant 128 : i32
      %mul3A_56 = arith.muli %select_n3A_54, %mul3A_55 : i32
      %multiple_of3A_57 = tpu.assume_multiple %mul3A_56, 128 : i32
      %dma_wait3A = tpu.memref_slice %arg4[%multiple_of3A, %multiple_of3A_57] : memref<100000x1024xf32, #tpu.memory_space<any>> -> memref<8x128xf32, #tpu.memory_space<any>>
      %dma_wait3A_58 = arith.constant 0 : i32
      %dma_wait3A_59 = arith.constant 0 : i32
      %dma_wait3A_60 = tpu.memref_slice %arg5[%rem3A_11, %dma_wait3A_58, %dma_wait3A_59] : memref<8x8x128xf32, #tpu.memory_space<vmem>> -> memref<1x8x128xf32, #tpu.memory_space<vmem>>
      %dma_wait3A_61 = tpu.memref_squeeze %dma_wait3A_60 : memref<1x8x128xf32, #tpu.memory_space<vmem>> -> memref<8x128xf32, #tpu.memory_space<vmem>>
      tpu.wait_dma2 semaphore(%arg6 : memref<!tpu.dma_semaphore, #tpu.memory_space<semaphore_mem>>) src(%dma_wait3A_61 : memref<8x128xf32, #tpu.memory_space<vmem>>) dst(%dma_wait3A : memref<8x128xf32, #tpu.memory_space<any>>)
    }
    %scan3A_8 = arith.constant 8 : i32
    return
  }
  func.func @transform_1(%arg0: i32, %arg1: memref<1024xi32, #tpu.memory_space<smem>>) -> (i32, i32) {
    %c0_i32 = arith.constant 0 : i32
    %c0_i32_0 = arith.constant 0 : i32
    %c0_i32_1 = arith.constant 0 : i32
    return %c0_i32, %c0_i32_0 : i32, i32
  }
}

module attributes {stable_mosaic.version = 14 : i64} {
  func.func @_argmax_kernel(%arg0: memref<100000x1024xf32, #tpu.memory_space<any>>, %arg1: memref<100000x1024xf32, #tpu.memory_space<any>>, %arg2: memref<1x1024xi32, #tpu.memory_space<any>>, %arg3: memref<4x800x1024xf32, #tpu.memory_space<vmem>>, %arg4: memref<4x800x1024xf32, #tpu.memory_space<vmem>>, %arg5: memref<800x1024xi32, #tpu.memory_space<vmem>>, %arg6: memref<1x1024xf32, #tpu.memory_space<vmem>>, %arg7: memref<1x1024xi32, #tpu.memory_space<vmem>>, %arg8: memref<4x!tpu.dma_semaphore, #tpu.memory_space<semaphore_mem>>, %arg9: memref<4x!tpu.dma_semaphore, #tpu.memory_space<semaphore_mem>>, %arg10: memref<!tpu.dma_semaphore, #tpu.memory_space<semaphore_mem>>) attributes {dimension_semantics = [], scalar_prefetch = 0 : i64, scratch_operands = 8 : i64, tpu.core_type = #tpu.core_type<tc>} {
    %iota3A = tpu.iota {dimensions = array<i32: 0>} : vector<800x1024xi32>
    %swap3A = arith.constant 0 : index
    %swap3A_0 = arith.constant 0 : index
    %swap3A_1 = vector.load %arg5[%swap3A, %swap3A_0] : memref<800x1024xi32, #tpu.memory_space<vmem>>, vector<800x1024xi32>
    tpu.vector_store %arg5[%swap3A, %swap3A_0], %iota3A {strides = array<i32>} : memref<800x1024xi32, #tpu.memory_space<vmem>>, vector<800x1024xi32>,
    %broadcast_in_dim3A = arith.constant 0xFF800000 : f32
    %broadcast_in_dim3A_2 = vector.broadcast %broadcast_in_dim3A : f32 to vector<1x1024xf32>
    %swap3A_3 = arith.constant 0 : index
    %swap3A_4 = arith.constant 0 : index
    %swap3A_5 = vector.load %arg6[%swap3A_3, %swap3A_4] : memref<1x1024xf32, #tpu.memory_space<vmem>>, vector<1x1024xf32>
    tpu.vector_store %arg6[%swap3A_3, %swap3A_4], %broadcast_in_dim3A_2 {strides = array<i32>} : memref<1x1024xf32, #tpu.memory_space<vmem>>, vector<1x1024xf32>,
    %broadcast_in_dim3A_6 = arith.constant 0 : i32
    %broadcast_in_dim3A_7 = vector.broadcast %broadcast_in_dim3A_6 : i32 to vector<1x1024xi32>
    %swap3A_8 = arith.constant 0 : index
    %swap3A_9 = arith.constant 0 : index
    %swap3A_10 = vector.load %arg7[%swap3A_8, %swap3A_9] : memref<1x1024xi32, #tpu.memory_space<vmem>>, vector<1x1024xi32>
    tpu.vector_store %arg7[%swap3A_8, %swap3A_9], %broadcast_in_dim3A_7 {strides = array<i32>} : memref<1x1024xi32, #tpu.memory_space<vmem>>, vector<1x1024xi32>,
    %dma_start3A = arith.constant 0 : i32
    %dma_start3A_11 = arith.constant 0 : i32
    %dma_start3A_12 = tpu.memref_slice %arg8[%dma_start3A_11] : memref<4x!tpu.dma_semaphore, #tpu.memory_space<semaphore_mem>> -> memref<1x!tpu.dma_semaphore, #tpu.memory_space<semaphore_mem>>
    %dma_start3A_13 = tpu.memref_squeeze %dma_start3A_12 : memref<1x!tpu.dma_semaphore, #tpu.memory_space<semaphore_mem>> -> memref<!tpu.dma_semaphore, #tpu.memory_space<semaphore_mem>>
    %dma_start3A_14 = arith.constant 0 : i32
    %dma_start3A_15 = arith.constant 0 : i32
    %dma_start3A_16 = tpu.memref_slice %arg3[%dma_start3A, %dma_start3A_14, %dma_start3A_15] : memref<4x800x1024xf32, #tpu.memory_space<vmem>> -> memref<1x800x1024xf32, #tpu.memory_space<vmem>>
    %dma_start3A_17 = tpu.memref_squeeze %dma_start3A_16 : memref<1x800x1024xf32, #tpu.memory_space<vmem>> -> memref<800x1024xf32, #tpu.memory_space<vmem>>
    %dma_start3A_18 = arith.constant 0 : i32
    %dma_start3A_19 = arith.constant 0 : i32
    %dma_start3A_20 = tpu.memref_slice %arg0[%dma_start3A_18, %dma_start3A_19] : memref<100000x1024xf32, #tpu.memory_space<any>> -> memref<800x1024xf32, #tpu.memory_space<any>>
    tpu.enqueue_dma source(%dma_start3A_20 : memref<800x1024xf32, #tpu.memory_space<any>>) target(%dma_start3A_17 : memref<800x1024xf32, #tpu.memory_space<vmem>>) target_semaphore(%dma_start3A_13 : memref<!tpu.dma_semaphore, #tpu.memory_space<semaphore_mem>>)
    %dma_start3A_21 = arith.constant 0 : i32
    %dma_start3A_22 = arith.constant 0 : i32
    %dma_start3A_23 = tpu.memref_slice %arg9[%dma_start3A_22] : memref<4x!tpu.dma_semaphore, #tpu.memory_space<semaphore_mem>> -> memref<1x!tpu.dma_semaphore, #tpu.memory_space<semaphore_mem>>
    %dma_start3A_24 = tpu.memref_squeeze %dma_start3A_23 : memref<1x!tpu.dma_semaphore, #tpu.memory_space<semaphore_mem>> -> memref<!tpu.dma_semaphore, #tpu.memory_space<semaphore_mem>>
    %dma_start3A_25 = arith.constant 0 : i32
    %dma_start3A_26 = arith.constant 0 : i32
    %dma_start3A_27 = tpu.memref_slice %arg4[%dma_start3A_21, %dma_start3A_25, %dma_start3A_26] : memref<4x800x1024xf32, #tpu.memory_space<vmem>> -> memref<1x800x1024xf32, #tpu.memory_space<vmem>>
    %dma_start3A_28 = tpu.memref_squeeze %dma_start3A_27 : memref<1x800x1024xf32, #tpu.memory_space<vmem>> -> memref<800x1024xf32, #tpu.memory_space<vmem>>
    %dma_start3A_29 = arith.constant 0 : i32
    %dma_start3A_30 = arith.constant 0 : i32
    %dma_start3A_31 = tpu.memref_slice %arg1[%dma_start3A_29, %dma_start3A_30] : memref<100000x1024xf32, #tpu.memory_space<any>> -> memref<800x1024xf32, #tpu.memory_space<any>>
    tpu.enqueue_dma source(%dma_start3A_31 : memref<800x1024xf32, #tpu.memory_space<any>>) target(%dma_start3A_28 : memref<800x1024xf32, #tpu.memory_space<vmem>>) target_semaphore(%dma_start3A_24 : memref<!tpu.dma_semaphore, #tpu.memory_space<semaphore_mem>>)
    %dma_start3A_32 = arith.constant 1 : i32
    %dma_start3A_33 = arith.constant 1 : i32
    %dma_start3A_34 = tpu.memref_slice %arg8[%dma_start3A_33] : memref<4x!tpu.dma_semaphore, #tpu.memory_space<semaphore_mem>> -> memref<1x!tpu.dma_semaphore, #tpu.memory_space<semaphore_mem>>
    %dma_start3A_35 = tpu.memref_squeeze %dma_start3A_34 : memref<1x!tpu.dma_semaphore, #tpu.memory_space<semaphore_mem>> -> memref<!tpu.dma_semaphore, #tpu.memory_space<semaphore_mem>>
    %dma_start3A_36 = arith.constant 0 : i32
    %dma_start3A_37 = arith.constant 0 : i32
    %dma_start3A_38 = tpu.memref_slice %arg3[%dma_start3A_32, %dma_start3A_36, %dma_start3A_37] : memref<4x800x1024xf32, #tpu.memory_space<vmem>> -> memref<1x800x1024xf32, #tpu.memory_space<vmem>>
    %dma_start3A_39 = tpu.memref_squeeze %dma_start3A_38 : memref<1x800x1024xf32, #tpu.memory_space<vmem>> -> memref<800x1024xf32, #tpu.memory_space<vmem>>
    %dma_start3A_40 = arith.constant 800 : i32
    %dma_start3A_41 = arith.constant 0 : i32
    %dma_start3A_42 = tpu.memref_slice %arg0[%dma_start3A_40, %dma_start3A_41] : memref<100000x1024xf32, #tpu.memory_space<any>> -> memref<800x1024xf32, #tpu.memory_space<any>>
    tpu.enqueue_dma source(%dma_start3A_42 : memref<800x1024xf32, #tpu.memory_space<any>>) target(%dma_start3A_39 : memref<800x1024xf32, #tpu.memory_space<vmem>>) target_semaphore(%dma_start3A_35 : memref<!tpu.dma_semaphore, #tpu.memory_space<semaphore_mem>>)
    %dma_start3A_43 = arith.constant 1 : i32
    %dma_start3A_44 = arith.constant 1 : i32
    %dma_start3A_45 = tpu.memref_slice %arg9[%dma_start3A_44] : memref<4x!tpu.dma_semaphore, #tpu.memory_space<semaphore_mem>> -> memref<1x!tpu.dma_semaphore, #tpu.memory_space<semaphore_mem>>
    %dma_start3A_46 = tpu.memref_squeeze %dma_start3A_45 : memref<1x!tpu.dma_semaphore, #tpu.memory_space<semaphore_mem>> -> memref<!tpu.dma_semaphore, #tpu.memory_space<semaphore_mem>>
    %dma_start3A_47 = arith.constant 0 : i32
    %dma_start3A_48 = arith.constant 0 : i32
    %dma_start3A_49 = tpu.memref_slice %arg4[%dma_start3A_43, %dma_start3A_47, %dma_start3A_48] : memref<4x800x1024xf32, #tpu.memory_space<vmem>> -> memref<1x800x1024xf32, #tpu.memory_space<vmem>>
    %dma_start3A_50 = tpu.memref_squeeze %dma_start3A_49 : memref<1x800x1024xf32, #tpu.memory_space<vmem>> -> memref<800x1024xf32, #tpu.memory_space<vmem>>
    %dma_start3A_51 = arith.constant 800 : i32
    %dma_start3A_52 = arith.constant 0 : i32
    %dma_start3A_53 = tpu.memref_slice %arg1[%dma_start3A_51, %dma_start3A_52] : memref<100000x1024xf32, #tpu.memory_space<any>> -> memref<800x1024xf32, #tpu.memory_space<any>>
    tpu.enqueue_dma source(%dma_start3A_53 : memref<800x1024xf32, #tpu.memory_space<any>>) target(%dma_start3A_50 : memref<800x1024xf32, #tpu.memory_space<vmem>>) target_semaphore(%dma_start3A_46 : memref<!tpu.dma_semaphore, #tpu.memory_space<semaphore_mem>>)
    %dma_start3A_54 = arith.constant 2 : i32
    %dma_start3A_55 = arith.constant 2 : i32
    %dma_start3A_56 = tpu.memref_slice %arg8[%dma_start3A_55] : memref<4x!tpu.dma_semaphore, #tpu.memory_space<semaphore_mem>> -> memref<1x!tpu.dma_semaphore, #tpu.memory_space<semaphore_mem>>
    %dma_start3A_57 = tpu.memref_squeeze %dma_start3A_56 : memref<1x!tpu.dma_semaphore, #tpu.memory_space<semaphore_mem>> -> memref<!tpu.dma_semaphore, #tpu.memory_space<semaphore_mem>>
    %dma_start3A_58 = arith.constant 0 : i32
    %dma_start3A_59 = arith.constant 0 : i32
    %dma_start3A_60 = tpu.memref_slice %arg3[%dma_start3A_54, %dma_start3A_58, %dma_start3A_59] : memref<4x800x1024xf32, #tpu.memory_space<vmem>> -> memref<1x800x1024xf32, #tpu.memory_space<vmem>>
    %dma_start3A_61 = tpu.memref_squeeze %dma_start3A_60 : memref<1x800x1024xf32, #tpu.memory_space<vmem>> -> memref<800x1024xf32, #tpu.memory_space<vmem>>
    %dma_start3A_62 = arith.constant 1600 : i32
    %dma_start3A_63 = arith.constant 0 : i32
    %dma_start3A_64 = tpu.memref_slice %arg0[%dma_start3A_62, %dma_start3A_63] : memref<100000x1024xf32, #tpu.memory_space<any>> -> memref<800x1024xf32, #tpu.memory_space<any>>
    tpu.enqueue_dma source(%dma_start3A_64 : memref<800x1024xf32, #tpu.memory_space<any>>) target(%dma_start3A_61 : memref<800x1024xf32, #tpu.memory_space<vmem>>) target_semaphore(%dma_start3A_57 : memref<!tpu.dma_semaphore, #tpu.memory_space<semaphore_mem>>)
    %dma_start3A_65 = arith.constant 2 : i32
    %dma_start3A_66 = arith.constant 2 : i32
    %dma_start3A_67 = tpu.memref_slice %arg9[%dma_start3A_66] : memref<4x!tpu.dma_semaphore, #tpu.memory_space<semaphore_mem>> -> memref<1x!tpu.dma_semaphore, #tpu.memory_space<semaphore_mem>>
    %dma_start3A_68 = tpu.memref_squeeze %dma_start3A_67 : memref<1x!tpu.dma_semaphore, #tpu.memory_space<semaphore_mem>> -> memref<!tpu.dma_semaphore, #tpu.memory_space<semaphore_mem>>
    %dma_start3A_69 = arith.constant 0 : i32
    %dma_start3A_70 = arith.constant 0 : i32
    %dma_start3A_71 = tpu.memref_slice %arg4[%dma_start3A_65, %dma_start3A_69, %dma_start3A_70] : memref<4x800x1024xf32, #tpu.memory_space<vmem>> -> memref<1x800x1024xf32, #tpu.memory_space<vmem>>
    %dma_start3A_72 = tpu.memref_squeeze %dma_start3A_71 : memref<1x800x1024xf32, #tpu.memory_space<vmem>> -> memref<800x1024xf32, #tpu.memory_space<vmem>>
    %dma_start3A_73 = arith.constant 1600 : i32
    %dma_start3A_74 = arith.constant 0 : i32
    %dma_start3A_75 = tpu.memref_slice %arg1[%dma_start3A_73, %dma_start3A_74] : memref<100000x1024xf32, #tpu.memory_space<any>> -> memref<800x1024xf32, #tpu.memory_space<any>>
    tpu.enqueue_dma source(%dma_start3A_75 : memref<800x1024xf32, #tpu.memory_space<any>>) target(%dma_start3A_72 : memref<800x1024xf32, #tpu.memory_space<vmem>>) target_semaphore(%dma_start3A_68 : memref<!tpu.dma_semaphore, #tpu.memory_space<semaphore_mem>>)
    %dma_start3A_76 = arith.constant 3 : i32
    %dma_start3A_77 = arith.constant 3 : i32
    %dma_start3A_78 = tpu.memref_slice %arg8[%dma_start3A_77] : memref<4x!tpu.dma_semaphore, #tpu.memory_space<semaphore_mem>> -> memref<1x!tpu.dma_semaphore, #tpu.memory_space<semaphore_mem>>
    %dma_start3A_79 = tpu.memref_squeeze %dma_start3A_78 : memref<1x!tpu.dma_semaphore, #tpu.memory_space<semaphore_mem>> -> memref<!tpu.dma_semaphore, #tpu.memory_space<semaphore_mem>>
    %dma_start3A_80 = arith.constant 0 : i32
    %dma_start3A_81 = arith.constant 0 : i32
    %dma_start3A_82 = tpu.memref_slice %arg3[%dma_start3A_76, %dma_start3A_80, %dma_start3A_81] : memref<4x800x1024xf32, #tpu.memory_space<vmem>> -> memref<1x800x1024xf32, #tpu.memory_space<vmem>>
    %dma_start3A_83 = tpu.memref_squeeze %dma_start3A_82 : memref<1x800x1024xf32, #tpu.memory_space<vmem>> -> memref<800x1024xf32, #tpu.memory_space<vmem>>
    %dma_start3A_84 = arith.constant 2400 : i32
    %dma_start3A_85 = arith.constant 0 : i32
    %dma_start3A_86 = tpu.memref_slice %arg0[%dma_start3A_84, %dma_start3A_85] : memref<100000x1024xf32, #tpu.memory_space<any>> -> memref<800x1024xf32, #tpu.memory_space<any>>
    tpu.enqueue_dma source(%dma_start3A_86 : memref<800x1024xf32, #tpu.memory_space<any>>) target(%dma_start3A_83 : memref<800x1024xf32, #tpu.memory_space<vmem>>) target_semaphore(%dma_start3A_79 : memref<!tpu.dma_semaphore, #tpu.memory_space<semaphore_mem>>)
    %dma_start3A_87 = arith.constant 3 : i32
    %dma_start3A_88 = arith.constant 3 : i32
    %dma_start3A_89 = tpu.memref_slice %arg9[%dma_start3A_88] : memref<4x!tpu.dma_semaphore, #tpu.memory_space<semaphore_mem>> -> memref<1x!tpu.dma_semaphore, #tpu.memory_space<semaphore_mem>>
    %dma_start3A_90 = tpu.memref_squeeze %dma_start3A_89 : memref<1x!tpu.dma_semaphore, #tpu.memory_space<semaphore_mem>> -> memref<!tpu.dma_semaphore, #tpu.memory_space<semaphore_mem>>
    %dma_start3A_91 = arith.constant 0 : i32
    %dma_start3A_92 = arith.constant 0 : i32
    %dma_start3A_93 = tpu.memref_slice %arg4[%dma_start3A_87, %dma_start3A_91, %dma_start3A_92] : memref<4x800x1024xf32, #tpu.memory_space<vmem>> -> memref<1x800x1024xf32, #tpu.memory_space<vmem>>
    %dma_start3A_94 = tpu.memref_squeeze %dma_start3A_93 : memref<1x800x1024xf32, #tpu.memory_space<vmem>> -> memref<800x1024xf32, #tpu.memory_space<vmem>>
    %dma_start3A_95 = arith.constant 2400 : i32
    %dma_start3A_96 = arith.constant 0 : i32
    %dma_start3A_97 = tpu.memref_slice %arg1[%dma_start3A_95, %dma_start3A_96] : memref<100000x1024xf32, #tpu.memory_space<any>> -> memref<800x1024xf32, #tpu.memory_space<any>>
    tpu.enqueue_dma source(%dma_start3A_97 : memref<800x1024xf32, #tpu.memory_space<any>>) target(%dma_start3A_94 : memref<800x1024xf32, #tpu.memory_space<vmem>>) target_semaphore(%dma_start3A_90 : memref<!tpu.dma_semaphore, #tpu.memory_space<semaphore_mem>>)
    %scan3A = arith.constant 0 : i32
    %scan3A_98 = arith.constant 125 : i32
    %scan3A_99 = arith.addi %scan3A, %scan3A_98 : i32
    %scan3A_100 = arith.constant 1 : i32
    scf.for %scan3A_102 = %scan3A to %scan3A_99 step %scan3A_100  : i32 {
      %rem3A = arith.constant 4 : i32
      %rem3A_103 = arith.remsi %scan3A_102, %rem3A : i32
      %mul3A = arith.constant 800 : i32
      %mul3A_104 = arith.muli %scan3A_102, %mul3A : i32
      %dma_wait3A = tpu.memref_slice %arg8[%rem3A_103] : memref<4x!tpu.dma_semaphore, #tpu.memory_space<semaphore_mem>> -> memref<1x!tpu.dma_semaphore, #tpu.memory_space<semaphore_mem>>
      %dma_wait3A_105 = tpu.memref_squeeze %dma_wait3A : memref<1x!tpu.dma_semaphore, #tpu.memory_space<semaphore_mem>> -> memref<!tpu.dma_semaphore, #tpu.memory_space<semaphore_mem>>
      %dma_wait3A_106 = arith.constant 0 : i32
      %dma_wait3A_107 = arith.constant 0 : i32
      %dma_wait3A_108 = tpu.memref_slice %arg3[%rem3A_103, %dma_wait3A_106, %dma_wait3A_107] : memref<4x800x1024xf32, #tpu.memory_space<vmem>> -> memref<1x800x1024xf32, #tpu.memory_space<vmem>>
      %dma_wait3A_109 = tpu.memref_squeeze %dma_wait3A_108 : memref<1x800x1024xf32, #tpu.memory_space<vmem>> -> memref<800x1024xf32, #tpu.memory_space<vmem>>
      %dma_wait3A_110 = arith.constant 0 : i32
      %dma_wait3A_111 = tpu.memref_slice %arg0[%mul3A_104, %dma_wait3A_110] : memref<100000x1024xf32, #tpu.memory_space<any>> -> memref<800x1024xf32, #tpu.memory_space<any>>
      tpu.wait_dma2 semaphore(%dma_wait3A_105 : memref<!tpu.dma_semaphore, #tpu.memory_space<semaphore_mem>>) src(%dma_wait3A_111 : memref<800x1024xf32, #tpu.memory_space<any>>) dst(%dma_wait3A_109 : memref<800x1024xf32, #tpu.memory_space<vmem>>)
      %mul3A_112 = arith.constant 800 : i32
      %mul3A_113 = arith.muli %scan3A_102, %mul3A_112 : i32
      %dma_wait3A_114 = tpu.memref_slice %arg9[%rem3A_103] : memref<4x!tpu.dma_semaphore, #tpu.memory_space<semaphore_mem>> -> memref<1x!tpu.dma_semaphore, #tpu.memory_space<semaphore_mem>>
      %dma_wait3A_115 = tpu.memref_squeeze %dma_wait3A_114 : memref<1x!tpu.dma_semaphore, #tpu.memory_space<semaphore_mem>> -> memref<!tpu.dma_semaphore, #tpu.memory_space<semaphore_mem>>
      %dma_wait3A_116 = arith.constant 0 : i32
      %dma_wait3A_117 = arith.constant 0 : i32
      %dma_wait3A_118 = tpu.memref_slice %arg4[%rem3A_103, %dma_wait3A_116, %dma_wait3A_117] : memref<4x800x1024xf32, #tpu.memory_space<vmem>> -> memref<1x800x1024xf32, #tpu.memory_space<vmem>>
      %dma_wait3A_119 = tpu.memref_squeeze %dma_wait3A_118 : memref<1x800x1024xf32, #tpu.memory_space<vmem>> -> memref<800x1024xf32, #tpu.memory_space<vmem>>
      %dma_wait3A_120 = arith.constant 0 : i32
      %dma_wait3A_121 = tpu.memref_slice %arg1[%mul3A_113, %dma_wait3A_120] : memref<100000x1024xf32, #tpu.memory_space<any>> -> memref<800x1024xf32, #tpu.memory_space<any>>
      tpu.wait_dma2 semaphore(%dma_wait3A_115 : memref<!tpu.dma_semaphore, #tpu.memory_space<semaphore_mem>>) src(%dma_wait3A_121 : memref<800x1024xf32, #tpu.memory_space<any>>) dst(%dma_wait3A_119 : memref<800x1024xf32, #tpu.memory_space<vmem>>)
      %get3A = arith.index_cast %rem3A_103 : i32 to index
      %get3A_122 = arith.constant 0 : index
      %get3A_123 = arith.constant 0 : index
      %get3A_124 = vector.load %arg3[%get3A, %get3A_122, %get3A_123] : memref<4x800x1024xf32, #tpu.memory_space<vmem>>, vector<1x800x1024xf32>
      %get3A_125 = vector.shape_cast %get3A_124 : vector<1x800x1024xf32> to vector<800x1024xf32>
      %get3A_126 = arith.index_cast %rem3A_103 : i32 to index
      %get3A_127 = arith.constant 0 : index
      %get3A_128 = arith.constant 0 : index
      %get3A_129 = vector.load %arg4[%get3A_126, %get3A_127, %get3A_128] : memref<4x800x1024xf32, #tpu.memory_space<vmem>>, vector<1x800x1024xf32>
      %get3A_130 = vector.shape_cast %get3A_129 : vector<1x800x1024xf32> to vector<800x1024xf32>
      %add3A = arith.addf %get3A_125, %get3A_130 : vector<800x1024xf32>
      %reduce_max3A = arith.constant dense<0xFF800000> : vector<1024xf32>
      %reduce_max3A_131 = vector.multi_reduction <maximumf>, %add3A, %reduce_max3A [0] : vector<800x1024xf32> to vector<1024xf32>
      %broadcast_in_dim3A_132 = vector.shape_cast %reduce_max3A_131 : vector<1024xf32> to vector<1x1024xf32>
      %ge3A = vector.broadcast %broadcast_in_dim3A_132 : vector<1x1024xf32> to vector<800x1024xf32>
      %ge3A_133 = arith.cmpf oge, %add3A, %ge3A : vector<800x1024xf32>
      %get3A_134 = arith.constant 0 : index
      %get3A_135 = arith.constant 0 : index
      %get3A_136 = vector.load %arg5[%get3A_134, %get3A_135] : memref<800x1024xi32, #tpu.memory_space<vmem>>, vector<800x1024xi32>
      %jit3A = arith.constant 100000 : i32
      %broadcast_in_dim3A_137 = vector.broadcast %jit3A : i32 to vector<800x1024xi32>
      %select_n3A = arith.select %ge3A_133, %get3A_136, %broadcast_in_dim3A_137 : vector<800x1024xi1>, vector<800x1024xi32>
      %reduce_min3A = arith.constant dense<2147483647> : vector<1024xi32>
      %reduce_min3A_138 = vector.multi_reduction <minsi>, %select_n3A, %reduce_min3A [0] : vector<800x1024xi32> to vector<1024xi32>
      %broadcast_in_dim3A_139 = vector.shape_cast %reduce_min3A_138 : vector<1024xi32> to vector<1x1024xi32>
      %mul3A_140 = arith.constant 800 : i32
      %mul3A_141 = arith.muli %scan3A_102, %mul3A_140 : i32
      %add3A_142 = vector.broadcast %mul3A_141 : i32 to vector<1x1024xi32>
      %add3A_143 = arith.addi %broadcast_in_dim3A_139, %add3A_142 : vector<1x1024xi32>
      %get3A_144 = arith.constant 0 : index
      %get3A_145 = arith.constant 0 : index
      %get3A_146 = vector.load %arg6[%get3A_144, %get3A_145] : memref<1x1024xf32, #tpu.memory_space<vmem>>, vector<1x1024xf32>
      %gt3A = arith.cmpf ogt, %broadcast_in_dim3A_132, %get3A_146 : vector<1x1024xf32>
      %get3A_147 = arith.constant 0 : index
      %get3A_148 = arith.constant 0 : index
      %get3A_149 = vector.load %arg7[%get3A_147, %get3A_148] : memref<1x1024xi32, #tpu.memory_space<vmem>>, vector<1x1024xi32>
      %select_n3A_150 = arith.select %gt3A, %add3A_143, %get3A_149 : vector<1x1024xi1>, vector<1x1024xi32>
      %swap3A_151 = arith.constant 0 : index
      %swap3A_152 = arith.constant 0 : index
      %swap3A_153 = vector.load %arg7[%swap3A_151, %swap3A_152] : memref<1x1024xi32, #tpu.memory_space<vmem>>, vector<1x1024xi32>
      tpu.vector_store %arg7[%swap3A_151, %swap3A_152], %select_n3A_150 {strides = array<i32>} : memref<1x1024xi32, #tpu.memory_space<vmem>>, vector<1x1024xi32>,
      %get3A_154 = arith.constant 0 : index
      %get3A_155 = arith.constant 0 : index
      %get3A_156 = vector.load %arg6[%get3A_154, %get3A_155] : memref<1x1024xf32, #tpu.memory_space<vmem>>, vector<1x1024xf32>
      %max3A = arith.maximumf %broadcast_in_dim3A_132, %get3A_156 : vector<1x1024xf32>
      %swap3A_157 = arith.constant 0 : index
      %swap3A_158 = arith.constant 0 : index
      %swap3A_159 = vector.load %arg6[%swap3A_157, %swap3A_158] : memref<1x1024xf32, #tpu.memory_space<vmem>>, vector<1x1024xf32>
      tpu.vector_store %arg6[%swap3A_157, %swap3A_158], %max3A {strides = array<i32>} : memref<1x1024xf32, #tpu.memory_space<vmem>>, vector<1x1024xf32>,
      %add3A_160 = arith.constant 4 : i32
      %add3A_161 = arith.addi %scan3A_102, %add3A_160 : i32
      %lt3A = arith.constant 125 : i32
      %lt3A_162 = arith.cmpi slt, %add3A_161, %lt3A : i32
      %convert_element_type3A = arith.extui %lt3A_162 : i1 to i32
      %cond3A = arith.constant 0 : i32
      %cond3A_163 = arith.cmpi ne, %convert_element_type3A, %cond3A : i32
      scf.if %cond3A_163 {
        %add3A_164 = arith.constant 4 : i32
        %add3A_165 = arith.addi %scan3A_102, %add3A_164 : i32
        %mul3A_166 = arith.constant 800 : i32
        %mul3A_167 = arith.muli %add3A_165, %mul3A_166 : i32
        %dma_start3A_168 = tpu.memref_slice %arg8[%rem3A_103] : memref<4x!tpu.dma_semaphore, #tpu.memory_space<semaphore_mem>> -> memref<1x!tpu.dma_semaphore, #tpu.memory_space<semaphore_mem>>
        %dma_start3A_169 = tpu.memref_squeeze %dma_start3A_168 : memref<1x!tpu.dma_semaphore, #tpu.memory_space<semaphore_mem>> -> memref<!tpu.dma_semaphore, #tpu.memory_space<semaphore_mem>>
        %dma_start3A_170 = arith.constant 0 : i32
        %dma_start3A_171 = arith.constant 0 : i32
        %dma_start3A_172 = tpu.memref_slice %arg3[%rem3A_103, %dma_start3A_170, %dma_start3A_171] : memref<4x800x1024xf32, #tpu.memory_space<vmem>> -> memref<1x800x1024xf32, #tpu.memory_space<vmem>>
        %dma_start3A_173 = tpu.memref_squeeze %dma_start3A_172 : memref<1x800x1024xf32, #tpu.memory_space<vmem>> -> memref<800x1024xf32, #tpu.memory_space<vmem>>
        %dma_start3A_174 = arith.constant 0 : i32
        %dma_start3A_175 = tpu.memref_slice %arg0[%mul3A_167, %dma_start3A_174] : memref<100000x1024xf32, #tpu.memory_space<any>> -> memref<800x1024xf32, #tpu.memory_space<any>>
        tpu.enqueue_dma source(%dma_start3A_175 : memref<800x1024xf32, #tpu.memory_space<any>>) target(%dma_start3A_173 : memref<800x1024xf32, #tpu.memory_space<vmem>>) target_semaphore(%dma_start3A_169 : memref<!tpu.dma_semaphore, #tpu.memory_space<semaphore_mem>>)
        %add3A_176 = arith.constant 4 : i32
        %add3A_177 = arith.addi %scan3A_102, %add3A_176 : i32
        %mul3A_178 = arith.constant 800 : i32
        %mul3A_179 = arith.muli %add3A_177, %mul3A_178 : i32
        %dma_start3A_180 = tpu.memref_slice %arg9[%rem3A_103] : memref<4x!tpu.dma_semaphore, #tpu.memory_space<semaphore_mem>> -> memref<1x!tpu.dma_semaphore, #tpu.memory_space<semaphore_mem>>
        %dma_start3A_181 = tpu.memref_squeeze %dma_start3A_180 : memref<1x!tpu.dma_semaphore, #tpu.memory_space<semaphore_mem>> -> memref<!tpu.dma_semaphore, #tpu.memory_space<semaphore_mem>>
        %dma_start3A_182 = arith.constant 0 : i32
        %dma_start3A_183 = arith.constant 0 : i32
        %dma_start3A_184 = tpu.memref_slice %arg4[%rem3A_103, %dma_start3A_182, %dma_start3A_183] : memref<4x800x1024xf32, #tpu.memory_space<vmem>> -> memref<1x800x1024xf32, #tpu.memory_space<vmem>>
        %dma_start3A_185 = tpu.memref_squeeze %dma_start3A_184 : memref<1x800x1024xf32, #tpu.memory_space<vmem>> -> memref<800x1024xf32, #tpu.memory_space<vmem>>
        %dma_start3A_186 = arith.constant 0 : i32
        %dma_start3A_187 = tpu.memref_slice %arg1[%mul3A_179, %dma_start3A_186] : memref<100000x1024xf32, #tpu.memory_space<any>> -> memref<800x1024xf32, #tpu.memory_space<any>>
        tpu.enqueue_dma source(%dma_start3A_187 : memref<800x1024xf32, #tpu.memory_space<any>>) target(%dma_start3A_185 : memref<800x1024xf32, #tpu.memory_space<vmem>>) target_semaphore(%dma_start3A_181 : memref<!tpu.dma_semaphore, #tpu.memory_space<semaphore_mem>>)
      } else {
      }
    }
    %scan3A_101 = arith.constant 125 : i32
    tpu.enqueue_dma source(%arg7 : memref<1x1024xi32, #tpu.memory_space<vmem>>) target(%arg2 : memref<1x1024xi32, #tpu.memory_space<any>>) target_semaphore(%arg10 : memref<!tpu.dma_semaphore, #tpu.memory_space<semaphore_mem>>)
    tpu.wait_dma2 semaphore(%arg10 : memref<!tpu.dma_semaphore, #tpu.memory_space<semaphore_mem>>) src(%arg7 : memref<1x1024xi32, #tpu.memory_space<vmem>>) dst(%arg2 : memref<1x1024xi32, #tpu.memory_space<any>>)
    return
  }
}

</mosaic_0001>

<sc_bundles>
// kernel: kernel.5.cloned.1.call-start
scs
__scs_entry_jumppad:
0x0: {  	(pc) =	sbr.rel $0x88, $3  }
0x1: {  	(tag) =	ssettag $0x0;
	lr =	simm.s32 $0x1  }
0x2: {  	[smem:$0x3F9F] =	sst lr;
	_ =	strace $0xD0000000  }
0x3: {  	_ = 	snop  }
0x4: {  	_ = 	snop  }
0x5: {  	_ = 	snop  }
0x6: {  	_ = 	snop  }
0x7: {  	_ = 	snop  }
__scs_overlays_trampoline_lowered:
0x8: {  	[smem:$0x3FAE] =	sst s0  }
0x9: {  	[smem:$0x3FAF] =	sst s1  }
0xa: {  	[smem:$0x3FB0] =	sst s2  }
0xb: {  	[smem:$0x3FB1] =	sst s3  }
0xc: {  	[smem:$0x3FB2] =	sst s4  }
0xd: {  	[smem:$0x3FB3] =	sst s5  }
0xe: {  	[smem:$0x3FB4] =	sst s6  }
0xf: {  	[smem:$0x3FB5] =	sst s7  }
0x10: {  	[smem:$0x3FB6] =	sst s8  }
0x11: {  	[smem:$0x3FB7] =	sst s9;
	s0 =	simm.s32 @!p0 $0x0  }
0x12: {  	s1 =	sld [smem:$0x3F9D];
	s0 =	simm.s32 @p0 $0x1  }
0x13: {  	[smem:$0x3FB8] =	sst s0;
	s0 =	simm.s32 @!p1 $0x0  }
0x14: {  	s2 =	sld [smem:$0x3F9C];
	s0 =	simm.s32 @p1 $0x1  }
0x15: {  	[smem:$0x3FB9] =	sst s0;
	s0 =	simm.s32 @!p2 $0x0  }
0x16: {  	s3 =	sld [smem:$0x3FDB];
	s0 =	simm.s32 @p2 $0x1  }
0x17: {  	s4 =	simm.s32 $0x1BF5;
	[smem:$0x3FBB] =	sst s0  }
0x18: {  	s0 =	sld [smem:$0x3F9E];
	_ =	swait.ge [sflag:s4], $0x0  }
0x19: {  	s7 =	sld [smem:$0x3F9F]  }
0x1a: {  	s8 =	sadd.s32 $0xFFFFE003, lr  }
0x1b: {  	s9 =	sadd.s32 $0xFFFFFEF7, lr;
	s5 =	simm.s32 $0xFFFFFFFF;
	p2 =	slt.u32 s8, $0xFFFFF086  }
0x1c: {  	p1 =	slt.u32 s9, $0xF7A;
	s5 =	simm.s32 @!p2 $0x0  }
0x1d: {  	s5 =	simm.s32 @p1 $0x1;
	p0 =	seq.s32 s7, s2  }
0x1e: {  	s7 =	smul.u32 @!p0 $0xF7A, s2;
	p2 =	seq.s32 @!p0 s5, $0x0  }
0x1f: {  	s9 =	smul.u32 $0xF7A, s1;
	s8 =	simm.s32 @!p0 $0x1BF5;
	p2 =	por !p2, p0  }
0x20: {  	[sflag:s8] =	ssyncset.s32 @!p0 $0xFFFFF086;
	s6 =	sadd.s32 @!p0 s3, s7;
	s7 =	simm.s32 @!p0 $0x108  }
0x21: {  	s3 =	sadd.s32 s3, s9;
	s6 =	sadd.s32 @!p0 $0x88, s6;
	s7 =	simm.s32 @p2 $0x1082  }
0x22: {  	[simem:s7], [sflag:s8] =	dma.local @!p0 [hbm:s6], $0xF7A  }
0x23: {  	s9 =	sor.u32 $0xD0000000, s2;
	s6 =	simm.s32 $0x108;
	_ =	swait.ge @!p0 [sflag:s8], $0x0  }
0x24: {  	s3 =	sadd.s32 $0x88, s3;
	s6 =	simm.s32 @!p1 $0x1082;
	[sflag:s4] =	ssyncset.s32 $0xFFFFF086  }
0x25: {  	[simem:s6], [sflag:s4] =	dma.local [hbm:s3], $0xF7A  }
0x26: {  	[smem:$0x3F9F] =	sst s1;
	(tag) =	ssettag s2;
	_ =	strace s9  }
0x27: {  	s1 =	sld [smem:$0x3FAF]  }
0x28: {  	s2 =	sld [smem:$0x3FB0]  }
0x29: {  	s4 =	sld [smem:$0x3FB2]  }
0x2a: {  	p0 =	seq.s32 s5, $0x0;
	s5 =	sld [smem:$0x3FB3]  }
0x2b: {  	s6 =	sld [smem:$0x3FB4]  }
0x2c: {  	s7 =	sld [smem:$0x3FB5]  }
0x2d: {  	s3 =	simm.s32 $0x108;
	s8 =	sld [smem:$0x3FB6]  }
0x2e: {  	s3 =	simm.s32 @!p0 $0x1082;
	s9 =	sld [smem:$0x3FB7]  }
0x2f: {  	lr =	sadd.s32 s0, s3;
	s0 =	sld [smem:$0x3FAE]  }
0x30: {  	s3 =	sld [smem:$0x3FB1]  }
0x31: {  	[smem:$0x3FBA] =	sst s10  }
0x32: {  	s10 =	sld [smem:$0x3FB8];
	_ =	sdelay $0x3  }
0x33: {  	p0 =	seq.s32 s10, $0x1;
	s10 =	sld [smem:$0x3FBA];
	_ =	sdelay $0x3  }
0x34: {  	[smem:$0x3FBA] =	sst s10  }
0x35: {  	s10 =	sld [smem:$0x3FB9];
	_ =	sdelay $0x3  }
0x36: {  	p1 =	seq.s32 s10, $0x1;
	s10 =	sld [smem:$0x3FBA];
	_ =	sdelay $0x3  }
0x37: {  	[smem:$0x3FBA] =	sst s10  }
0x38: {  	s10 =	sld [smem:$0x3FBB]  }
0x39: {  	_ = 	snop;
	(pc) =	sbr.ind lr, $3  }
0x3a: {  	_ = 	snop  }
0x3b: {  	_ = 	snop  }
0x3c: {  	p2 =	seq.s32 s10, $0x1;
	s10 =	sld [smem:$0x3FBA]  }
0x3d: {  	_ =	shalt  }
0x3e: {  	_ =	shalt  }
0x3f: {  	_ =	shalt  }
0x40: {  	_ =	shalt  }
0x41: {  	_ =	shalt  }
0x42: {  	_ =	shalt  }
0x43: {  	_ =	shalt  }
0x44: {  	_ =	shalt  }
0x45: {  	_ =	shalt  }
0x46: {  	_ =	shalt  }
0x47: {  	_ =	shalt  }
0x48: {  	_ =	shalt  }
0x49: {  	_ =	shalt  }
0x4a: {  	_ =	shalt  }
0x4b: {  	_ =	shalt  }
0x4c: {  	_ =	shalt  }
0x4d: {  	_ =	shalt  }
0x4e: {  	_ =	shalt  }
0x4f: {  	_ =	shalt  }
0x50: {  	_ =	shalt  }
0x51: {  	_ =	shalt  }
0x52: {  	_ =	shalt  }
0x53: {  	_ =	shalt  }
0x54: {  	_ =	shalt  }
0x55: {  	_ =	shalt  }
0x56: {  	_ =	shalt  }
0x57: {  	_ =	shalt  }
0x58: {  	_ =	shalt  }
0x59: {  	_ =	shalt  }
0x5a: {  	_ =	shalt  }
0x5b: {  	_ =	shalt  }
0x5c: {  	_ =	shalt  }
0x5d: {  	_ =	shalt  }
0x5e: {  	_ =	shalt  }
0x5f: {  	_ =	shalt  }
0x60: {  	_ =	shalt  }
0x61: {  	_ =	shalt  }
0x62: {  	_ =	shalt  }
0x63: {  	_ =	shalt  }
0x64: {  	_ =	shalt  }
0x65: {  	_ =	shalt  }
0x66: {  	_ =	shalt  }
0x67: {  	_ =	shalt  }
0x68: {  	_ =	shalt  }
0x69: {  	_ =	shalt  }
0x6a: {  	_ =	shalt  }
0x6b: {  	_ =	shalt  }
0x6c: {  	_ =	shalt  }
0x6d: {  	_ =	shalt  }
0x6e: {  	_ =	shalt  }
0x6f: {  	_ =	shalt  }
0x70: {  	_ =	shalt  }
0x71: {  	_ =	shalt  }
0x72: {  	_ =	shalt  }
0x73: {  	_ =	shalt  }
0x74: {  	_ =	shalt  }
0x75: {  	_ =	shalt  }
0x76: {  	_ =	shalt  }
0x77: {  	_ =	shalt  }
0x78: {  	_ =	shalt  }
0x79: {  	_ =	shalt  }
0x7a: {  	_ =	shalt  }
0x7b: {  	_ =	shalt  }
0x7c: {  	_ =	shalt  }
0x7d: {  	_ =	shalt  }
0x7e: {  	_ =	shalt  }
0x7f: {  	_ =	shalt  }
0x80: {  	_ =	shalt  }
0x81: {  	_ =	shalt  }
0x82: {  	_ =	shalt  }
0x83: {  	_ =	shalt  }
0x84: {  	_ =	shalt  }
0x85: {  	_ =	shalt  }
0x86: {  	_ =	shalt  }
0x87: {  	_ =	shalt  }
.Lfunc_end0:
.L_simem_size_0:
called_computation_lowered:
.L_overlay_start_0:
0x88: {  	s2 =	sld [smem:$0x3FD9]  }
0x89: {  	s3 =	sld [smem:$0x3FFE];
	_ =	sdelay $0x1  }
0x8a: {  	s1 =	srdreg.scid  }
0x8b: {  	s0 =	sand.u32 $0x1, s1  }
0x8c: {  	s18 =	sshll.u32 s0, $0xA;
	s2 =	sadd.s32 s3, s2  }
0x8d: {  	s2 =	sadd.s32 s2, s18  }
0x8e: {  	[smem:$0x3FC6] =	sst s2  }
0x8f: {  	_ = 	snop  }
0x90: {  	s2 =	sld [smem:$0x3FD0];
	(tm) =	ssettm $0x1  }
0x91: {  	s19 =	sld [smem:$0x3FFB];
	_ =	sdelay $0x3  }
0x92: {  	_ =	strace s19  }
0x93: {  	s3 =	sld [smem:$0x3FFC];
	_ =	sdelay $0x3  }
0x94: {  	_ =	strace s3  }
0x95: {  	s3 =	sld [smem:$0x3FFD];
	_ =	sdelay $0x3  }
0x96: {  	_ =	strace s3  }
0x97: {  	_ =	strace $0x8FFFFFFF  }
0x98: {  	s20 =	sld [smem:$0x3FDB];
	_ =	sdelay $0x1  }
0x99: {  	s4 =	simm.s32 $_scs_section_size  }
0x9a: {  	s5 =	simm.s32 $_size__tile_overlayer_lowered;
	s6 =	simm.s32 $_tile_overlayer_lowered  }
0x9b: {  	s23 =	simm.s32 $0x1BFF;
	s22 =	sshll.u32 s6, $0x1;
	s3 =	sadd.s32 s4, s20  }
0x9c: {  	s7 =	simm.s32 $0x0;
	s21 =	sshll.u32 s5, $0x1;
	s5 =	sadd.s32 s22, s3  }
0x9d: {  	[timem:s7], [sflag:s23] =	dma.local [hbm:s5], s21  }
0x9e: {  	_ =	swait.ge [sflag:s23], s21  }
0x9f: {  	s4 =	ssub.s32 $0x0, s21;
	[sflag:s23] =	ssyncset.done $0x0  }
0xa0: {  	[sflag:s23] =	ssyncadd.s32 s4;
	_ =	sdelay $0x1  }
0xa1: {  	s24 =	simm.s32 $0x1B8B  }
0xa2: {  	_ =	swait.ge [sflag:s24], $0x1  }
0xa3: {  	[sflag:s24] =	ssyncset.done $0x0  }
0xa4: {  	s25 =	simm.s32 $0x1B8E;
	[sflag:s24] =	ssyncadd.s32 $0xFFFFFFFF  }
0xa5: {  	s26 =	simm.s32 $execute0_lowered;
	[smem:$0x3FD2] =	sst s25  }
0xa6: {  	s4 =	sshll.u32 s26, $0x1;
	_ =	strace $0x80000046;
	[dreg:$0x1] =	wrdreg $0xFFFFFFFF  }
0xa7: {  	s28 =	simm.s32 $_size_execute0_lowered;
	s3 =	sadd.s32 s3, s4;
	[dreg:$0x0] =	wrdreg $0x0  }
0xa8: {  	s4 =	sshll.u32 s28, $0x1;
	[dreg:$0x2] =	wrdreg s3  }
0xa9: {  	[dreg:$0x3] =	wrdreg s4  }
0xaa: {  	[dreg:$0x4] =	wrdreg $0xC0  }
0xab: {  	_ =	task [dreg:s7], $0x5FFFF  }
0xac: {  	[dreg:$0x1] =	wrdreg $0xFFFFFFFF  }
0xad: {  	[dreg:$0x0] =	wrdreg $0x60  }
0xae: {  	[dreg:$0x2] =	wrdreg s2  }
0xaf: {  	[dreg:$0x3] =	wrdreg $0x9  }
0xb0: {  	_ =	task.clear_ibuf [dreg:s7], $0x4FFFF;
	_ =	strace $0x90000046  }
0xb1: {  	s29 =	simm.s32 $0x9;
	_ =	strace $0x80000048  }
0xb2: {  	_ =	swait.ge [sflag:s29], $0x1  }
0xb3: {  	[sflag:s29] =	ssyncadd.s32 $0xFFFFFFFF  }
0xb4: {  	_ =	strace $0x90000048  }
0xb5: {  	_ =	sfence  }
0xb6: {  	s30 =	sld [smem:$0x0];
	_ =	sdelay $0x2  }
0xb7: {  	s31 =	sshll.u32 s1, $0xD;
	s1 =	sshrl.u32 s1, $0x2  }
0xb8: {  	s3 =	sand.u32 $0x4000, s31;
	s1 =	sadd.s32 s1, s30  }
0xb9: {  	s0 =	sor.u32 s3, s0;
	s1 =	sshll.u32 s1, $0x11  }
0xba: {  	s0 =	sor.u32 s1, s0  }
0xbb: {  	s0 =	sadd.s32 $0x8F2B, s0  }
0xbc: {  	[sflag:s0] =	ssyncadd.remote.s32 $0x1  }
0xbd: {  	_ =	sfence.sel $0xFFFF  }
0xbe: {  	[dreg:$0x0] =	wrdreg $0xFFFFFFFF;
	(pc) =	sbr.abs _section_cstart, $3  }
0xbf: {  	[dreg:$0x1] =	wrdreg $0xFFFFFFFF  }
0xc0: {  	_ =	task.clear_ibuf [dreg:s7], $0x2FFFF;
	_ =	strace $0x9FFFFFFF  }
0xc1: {  	(tm) =	ssettm $0x7FFFFFFF  }
tec
execute0_lowered:
.L_overlay_start_1:
0x0: {  	(tag) =	ssettag $0x1  }
0x1: {  	s0 =	srdreg.scid;
	s4 =	rddreg [dreg:$0x0];
	s2 =	simm.s32 $0x0  }
0x2: {  	s1 =	stileid.u32;
	s5 =	sand.u32 $0x1, s0;
	s0 =	rddreg [dreg:$0x1]  }
0x3: {  	[smem:$0x7FF] =	sst s2;
	s7 =	sshll.u32 s1, $0xB;
	s3 =	ssub.s32 $0x2, s5  }
0x4: {  	_ =	strace $0x80000047;
	s7 =	sadd.s32 s7, s4;
	s6 =	sshrl.u32 s3, $0x1  }
0x5: {  	s8 =	sshll.u32 s5, $0xA;
	s6 =	ssub.s32 s3, s6;
	s3 =	sshll.u32 s1, $0x1  }
0x6: {  	v0 =	vimm.f32 $0.0e+00;
	s4 =	ssub.s32 $0x30D4, s3;
	s5 =	smax.u32 s6, $0x1;
	s6 =	sadd.s32 s8, s7  }
.LBB2_1:
0x7: {  	[tilespmem:$0x0] =	vst v0  }
0x8: {  	[tilespmem:$0x10] =	vst v0  }
0x9: {  	[tilespmem:$0x20] =	vst v0  }
0xa: {  	[tilespmem:$0x30] =	vst v0  }
0xb: {  	[tilespmem:$0x40] =	vst v0  }
0xc: {  	[tilespmem:$0x50] =	vst v0  }
0xd: {  	[tilespmem:$0x60] =	vst v0  }
0xe: {  	[tilespmem:$0x70] =	vst v0  }
0xf: {  	[tilespmem:$0x400] =	vst v0  }
0x10: {  	[tilespmem:$0x410] =	vst v0  }
0x11: {  	[tilespmem:$0x420] =	vst v0  }
0x12: {  	[tilespmem:$0x430] =	vst v0  }
0x13: {  	[tilespmem:$0x440] =	vst v0  }
0x14: {  	[tilespmem:$0x450] =	vst v0  }
0x15: {  	[tilespmem:$0x460] =	vst v0  }
0x16: {  	[tilespmem:$0x470] =	vst v0  }
0x17: {  	[tilespmem:$0x800] =	vst v0  }
0x18: {  	[tilespmem:$0x810] =	vst v0  }
0x19: {  	[tilespmem:$0x820] =	vst v0  }
0x1a: {  	[tilespmem:$0x830] =	vst v0  }
0x1b: {  	[tilespmem:$0x840] =	vst v0  }
0x1c: {  	[tilespmem:$0x850] =	vst v0  }
0x1d: {  	[tilespmem:$0x860] =	vst v0  }
0x1e: {  	[tilespmem:$0x870] =	vst v0  }
0x1f: {  	[tilespmem:$0xC00] =	vst v0  }
0x20: {  	[tilespmem:$0xC10] =	vst v0  }
0x21: {  	[tilespmem:$0xC20] =	vst v0  }
0x22: {  	[tilespmem:$0xC30] =	vst v0  }
0x23: {  	[tilespmem:$0xC40] =	vst v0  }
0x24: {  	[tilespmem:$0xC50] =	vst v0  }
0x25: {  	[tilespmem:$0xC60] =	vst v0  }
0x26: {  	[tilespmem:$0xC70] =	vst v0  }
0x27: {  	[tilespmem:$0x1000] =	vst v0  }
0x28: {  	[tilespmem:$0x1010] =	vst v0  }
0x29: {  	[tilespmem:$0x1020] =	vst v0  }
0x2a: {  	[tilespmem:$0x1030] =	vst v0  }
0x2b: {  	[tilespmem:$0x1040] =	vst v0  }
0x2c: {  	[tilespmem:$0x1050] =	vst v0  }
0x2d: {  	[tilespmem:$0x1060] =	vst v0  }
0x2e: {  	[tilespmem:$0x1070] =	vst v0  }
0x2f: {  	[tilespmem:$0x1400] =	vst v0  }
0x30: {  	[tilespmem:$0x1410] =	vst v0  }
0x31: {  	[tilespmem:$0x1420] =	vst v0  }
0x32: {  	[tilespmem:$0x1430] =	vst v0  }
0x33: {  	[tilespmem:$0x1440] =	vst v0  }
0x34: {  	[tilespmem:$0x1450] =	vst v0  }
0x35: {  	[tilespmem:$0x1460] =	vst v0  }
0x36: {  	[tilespmem:$0x1470] =	vst v0  }
0x37: {  	[tilespmem:$0x1800] =	vst v0  }
0x38: {  	[tilespmem:$0x1810] =	vst v0  }
0x39: {  	[tilespmem:$0x1820] =	vst v0  }
0x3a: {  	[tilespmem:$0x1830] =	vst v0  }
0x3b: {  	[tilespmem:$0x1840] =	vst v0  }
0x3c: {  	[tilespmem:$0x1850] =	vst v0  }
0x3d: {  	[tilespmem:$0x1860] =	vst v0  }
0x3e: {  	[tilespmem:$0x1870] =	vst v0  }
0x3f: {  	[tilespmem:$0x1C00] =	vst v0  }
0x40: {  	[tilespmem:$0x1C10] =	vst v0  }
0x41: {  	[tilespmem:$0x1C20] =	vst v0  }
0x42: {  	[tilespmem:$0x1C30] =	vst v0  }
0x43: {  	[tilespmem:$0x1C40] =	vst v0  }
0x44: {  	[tilespmem:$0x1C50] =	vst v0  }
0x45: {  	[tilespmem:$0x1C60] =	vst v0  }
0x46: {  	[tilespmem:$0x1C70] =	vst v0  }
0x47: {  	[tilespmem:$0x80] =	vst v0  }
0x48: {  	[tilespmem:$0x90] =	vst v0  }
0x49: {  	[tilespmem:$0xA0] =	vst v0  }
0x4a: {  	[tilespmem:$0xB0] =	vst v0  }
0x4b: {  	[tilespmem:$0xC0] =	vst v0  }
0x4c: {  	[tilespmem:$0xD0] =	vst v0  }
0x4d: {  	[tilespmem:$0xE0] =	vst v0  }
0x4e: {  	[tilespmem:$0xF0] =	vst v0  }
0x4f: {  	[tilespmem:$0x480] =	vst v0  }
0x50: {  	[tilespmem:$0x490] =	vst v0  }
0x51: {  	[tilespmem:$0x4A0] =	vst v0  }
0x52: {  	[tilespmem:$0x4B0] =	vst v0  }
0x53: {  	[tilespmem:$0x4C0] =	vst v0  }
0x54: {  	[tilespmem:$0x4D0] =	vst v0  }
0x55: {  	[tilespmem:$0x4E0] =	vst v0  }
0x56: {  	[tilespmem:$0x4F0] =	vst v0  }
0x57: {  	[tilespmem:$0x880] =	vst v0  }
0x58: {  	[tilespmem:$0x890] =	vst v0  }
0x59: {  	[tilespmem:$0x8A0] =	vst v0  }
0x5a: {  	[tilespmem:$0x8B0] =	vst v0  }
0x5b: {  	[tilespmem:$0x8C0] =	vst v0  }
0x5c: {  	[tilespmem:$0x8D0] =	vst v0  }
0x5d: {  	[tilespmem:$0x8E0] =	vst v0  }
0x5e: {  	[tilespmem:$0x8F0] =	vst v0  }
0x5f: {  	[tilespmem:$0xC80] =	vst v0  }
0x60: {  	[tilespmem:$0xC90] =	vst v0  }
0x61: {  	[tilespmem:$0xCA0] =	vst v0  }
0x62: {  	[tilespmem:$0xCB0] =	vst v0  }
0x63: {  	[tilespmem:$0xCC0] =	vst v0  }
0x64: {  	[tilespmem:$0xCD0] =	vst v0  }
0x65: {  	[tilespmem:$0xCE0] =	vst v0  }
0x66: {  	[tilespmem:$0xCF0] =	vst v0  }
0x67: {  	[tilespmem:$0x1080] =	vst v0  }
0x68: {  	[tilespmem:$0x1090] =	vst v0  }
0x69: {  	[tilespmem:$0x10A0] =	vst v0  }
0x6a: {  	[tilespmem:$0x10B0] =	vst v0  }
0x6b: {  	[tilespmem:$0x10C0] =	vst v0  }
0x6c: {  	[tilespmem:$0x10D0] =	vst v0  }
0x6d: {  	[tilespmem:$0x10E0] =	vst v0  }
0x6e: {  	[tilespmem:$0x10F0] =	vst v0  }
0x6f: {  	[tilespmem:$0x1480] =	vst v0  }
0x70: {  	[tilespmem:$0x1490] =	vst v0  }
0x71: {  	[tilespmem:$0x14A0] =	vst v0  }
0x72: {  	[tilespmem:$0x14B0] =	vst v0  }
0x73: {  	[tilespmem:$0x14C0] =	vst v0  }
0x74: {  	[tilespmem:$0x14D0] =	vst v0  }
0x75: {  	[tilespmem:$0x14E0] =	vst v0  }
0x76: {  	[tilespmem:$0x14F0] =	vst v0  }
0x77: {  	[tilespmem:$0x1880] =	vst v0  }
0x78: {  	[tilespmem:$0x1890] =	vst v0  }
0x79: {  	[tilespmem:$0x18A0] =	vst v0  }
0x7a: {  	[tilespmem:$0x18B0] =	vst v0  }
0x7b: {  	[tilespmem:$0x18C0] =	vst v0  }
0x7c: {  	[tilespmem:$0x18D0] =	vst v0  }
0x7d: {  	[tilespmem:$0x18E0] =	vst v0  }
0x7e: {  	[tilespmem:$0x18F0] =	vst v0  }
0x7f: {  	[tilespmem:$0x1C80] =	vst v0  }
0x80: {  	[tilespmem:$0x1C90] =	vst v0  }
0x81: {  	[tilespmem:$0x1CA0] =	vst v0  }
0x82: {  	[tilespmem:$0x1CB0] =	vst v0  }
0x83: {  	[tilespmem:$0x1CC0] =	vst v0  }
0x84: {  	[tilespmem:$0x1CD0] =	vst v0  }
0x85: {  	[tilespmem:$0x1CE0] =	vst v0  }
0x86: {  	[tilespmem:$0x1CF0] =	vst v0  }
0x87: {  	[tilespmem:$0x100] =	vst v0  }
0x88: {  	[tilespmem:$0x110] =	vst v0  }
0x89: {  	[tilespmem:$0x120] =	vst v0  }
0x8a: {  	[tilespmem:$0x130] =	vst v0  }
0x8b: {  	[tilespmem:$0x140] =	vst v0  }
0x8c: {  	[tilespmem:$0x150] =	vst v0  }
0x8d: {  	[tilespmem:$0x160] =	vst v0  }
0x8e: {  	[tilespmem:$0x170] =	vst v0  }
0x8f: {  	[tilespmem:$0x500] =	vst v0  }
0x90: {  	[tilespmem:$0x510] =	vst v0  }
0x91: {  	[tilespmem:$0x520] =	vst v0  }
0x92: {  	[tilespmem:$0x530] =	vst v0  }
0x93: {  	[tilespmem:$0x540] =	vst v0  }
0x94: {  	[tilespmem:$0x550] =	vst v0  }
0x95: {  	[tilespmem:$0x560] =	vst v0  }
0x96: {  	[tilespmem:$0x570] =	vst v0  }
0x97: {  	[tilespmem:$0x900] =	vst v0  }
0x98: {  	[tilespmem:$0x910] =	vst v0  }
0x99: {  	[tilespmem:$0x920] =	vst v0  }
0x9a: {  	[tilespmem:$0x930] =	vst v0  }
0x9b: {  	[tilespmem:$0x940] =	vst v0  }
0x9c: {  	[tilespmem:$0x950] =	vst v0  }
0x9d: {  	[tilespmem:$0x960] =	vst v0  }
0x9e: {  	[tilespmem:$0x970] =	vst v0  }
0x9f: {  	[tilespmem:$0xD00] =	vst v0  }
0xa0: {  	[tilespmem:$0xD10] =	vst v0  }
0xa1: {  	[tilespmem:$0xD20] =	vst v0  }
0xa2: {  	[tilespmem:$0xD30] =	vst v0  }
0xa3: {  	[tilespmem:$0xD40] =	vst v0  }
0xa4: {  	[tilespmem:$0xD50] =	vst v0  }
0xa5: {  	[tilespmem:$0xD60] =	vst v0  }
0xa6: {  	[tilespmem:$0xD70] =	vst v0  }
0xa7: {  	[tilespmem:$0x1100] =	vst v0  }
0xa8: {  	[tilespmem:$0x1110] =	vst v0  }
0xa9: {  	[tilespmem:$0x1120] =	vst v0  }
0xaa: {  	[tilespmem:$0x1130] =	vst v0  }
0xab: {  	[tilespmem:$0x1140] =	vst v0  }
0xac: {  	[tilespmem:$0x1150] =	vst v0  }
0xad: {  	[tilespmem:$0x1160] =	vst v0  }
0xae: {  	[tilespmem:$0x1170] =	vst v0  }
0xaf: {  	[tilespmem:$0x1500] =	vst v0  }
0xb0: {  	[tilespmem:$0x1510] =	vst v0  }
0xb1: {  	[tilespmem:$0x1520] =	vst v0  }
0xb2: {  	[tilespmem:$0x1530] =	vst v0  }
0xb3: {  	[tilespmem:$0x1540] =	vst v0  }
0xb4: {  	[tilespmem:$0x1550] =	vst v0  }
0xb5: {  	[tilespmem:$0x1560] =	vst v0  }
0xb6: {  	[tilespmem:$0x1570] =	vst v0  }
0xb7: {  	[tilespmem:$0x1900] =	vst v0  }
0xb8: {  	[tilespmem:$0x1910] =	vst v0  }
0xb9: {  	[tilespmem:$0x1920] =	vst v0  }
0xba: {  	[tilespmem:$0x1930] =	vst v0  }
0xbb: {  	[tilespmem:$0x1940] =	vst v0  }
0xbc: {  	[tilespmem:$0x1950] =	vst v0  }
0xbd: {  	[tilespmem:$0x1960] =	vst v0  }
0xbe: {  	[tilespmem:$0x1970] =	vst v0  }
0xbf: {  	[tilespmem:$0x1D00] =	vst v0  }
0xc0: {  	[tilespmem:$0x1D10] =	vst v0  }
0xc1: {  	[tilespmem:$0x1D20] =	vst v0  }
0xc2: {  	[tilespmem:$0x1D30] =	vst v0  }
0xc3: {  	[tilespmem:$0x1D40] =	vst v0  }
0xc4: {  	[tilespmem:$0x1D50] =	vst v0  }
0xc5: {  	[tilespmem:$0x1D60] =	vst v0  }
0xc6: {  	[tilespmem:$0x1D70] =	vst v0  }
0xc7: {  	[tilespmem:$0x180] =	vst v0  }
0xc8: {  	[tilespmem:$0x190] =	vst v0  }
0xc9: {  	[tilespmem:$0x1A0] =	vst v0  }
0xca: {  	[tilespmem:$0x1B0] =	vst v0  }
0xcb: {  	[tilespmem:$0x1C0] =	vst v0  }
0xcc: {  	[tilespmem:$0x1D0] =	vst v0  }
0xcd: {  	[tilespmem:$0x1E0] =	vst v0  }
0xce: {  	[tilespmem:$0x1F0] =	vst v0  }
0xcf: {  	[tilespmem:$0x580] =	vst v0  }
0xd0: {  	[tilespmem:$0x590] =	vst v0  }
0xd1: {  	[tilespmem:$0x5A0] =	vst v0  }
0xd2: {  	[tilespmem:$0x5B0] =	vst v0  }
0xd3: {  	[tilespmem:$0x5C0] =	vst v0  }
0xd4: {  	[tilespmem:$0x5D0] =	vst v0  }
0xd5: {  	[tilespmem:$0x5E0] =	vst v0  }
0xd6: {  	[tilespmem:$0x5F0] =	vst v0  }
0xd7: {  	[tilespmem:$0x980] =	vst v0  }
0xd8: {  	[tilespmem:$0x990] =	vst v0  }
0xd9: {  	[tilespmem:$0x9A0] =	vst v0  }
0xda: {  	[tilespmem:$0x9B0] =	vst v0  }
0xdb: {  	[tilespmem:$0x9C0] =	vst v0  }
0xdc: {  	[tilespmem:$0x9D0] =	vst v0  }
0xdd: {  	[tilespmem:$0x9E0] =	vst v0  }
0xde: {  	[tilespmem:$0x9F0] =	vst v0  }
0xdf: {  	[tilespmem:$0xD80] =	vst v0  }
0xe0: {  	[tilespmem:$0xD90] =	vst v0  }
0xe1: {  	[tilespmem:$0xDA0] =	vst v0  }
0xe2: {  	[tilespmem:$0xDB0] =	vst v0  }
0xe3: {  	[tilespmem:$0xDC0] =	vst v0  }
0xe4: {  	[tilespmem:$0xDD0] =	vst v0  }
0xe5: {  	[tilespmem:$0xDE0] =	vst v0  }
0xe6: {  	[tilespmem:$0xDF0] =	vst v0  }
0xe7: {  	[tilespmem:$0x1180] =	vst v0  }
0xe8: {  	[tilespmem:$0x1190] =	vst v0  }
0xe9: {  	[tilespmem:$0x11A0] =	vst v0  }
0xea: {  	[tilespmem:$0x11B0] =	vst v0  }
0xeb: {  	[tilespmem:$0x11C0] =	vst v0  }
0xec: {  	[tilespmem:$0x11D0] =	vst v0  }
0xed: {  	[tilespmem:$0x11E0] =	vst v0  }
0xee: {  	[tilespmem:$0x11F0] =	vst v0  }
0xef: {  	[tilespmem:$0x1580] =	vst v0  }
0xf0: {  	[tilespmem:$0x1590] =	vst v0  }
0xf1: {  	[tilespmem:$0x15A0] =	vst v0  }
0xf2: {  	[tilespmem:$0x15B0] =	vst v0  }
0xf3: {  	[tilespmem:$0x15C0] =	vst v0  }
0xf4: {  	[tilespmem:$0x15D0] =	vst v0  }
0xf5: {  	[tilespmem:$0x15E0] =	vst v0  }
0xf6: {  	[tilespmem:$0x15F0] =	vst v0  }
0xf7: {  	[tilespmem:$0x1980] =	vst v0  }
0xf8: {  	[tilespmem:$0x1990] =	vst v0  }
0xf9: {  	[tilespmem:$0x19A0] =	vst v0  }
0xfa: {  	[tilespmem:$0x19B0] =	vst v0  }
0xfb: {  	[tilespmem:$0x19C0] =	vst v0  }
0xfc: {  	[tilespmem:$0x19D0] =	vst v0  }
0xfd: {  	[tilespmem:$0x19E0] =	vst v0  }
0xfe: {  	[tilespmem:$0x19F0] =	vst v0  }
0xff: {  	[tilespmem:$0x1D80] =	vst v0  }
0x100: {  	[tilespmem:$0x1D90] =	vst v0  }
0x101: {  	[tilespmem:$0x1DA0] =	vst v0  }
0x102: {  	[tilespmem:$0x1DB0] =	vst v0  }
0x103: {  	[tilespmem:$0x1DC0] =	vst v0  }
0x104: {  	[tilespmem:$0x1DD0] =	vst v0  }
0x105: {  	[tilespmem:$0x1DE0] =	vst v0  }
0x106: {  	[tilespmem:$0x1DF0] =	vst v0  }
0x107: {  	[tilespmem:$0x200] =	vst v0  }
0x108: {  	[tilespmem:$0x210] =	vst v0  }
0x109: {  	[tilespmem:$0x220] =	vst v0  }
0x10a: {  	[tilespmem:$0x230] =	vst v0  }
0x10b: {  	[tilespmem:$0x240] =	vst v0  }
0x10c: {  	[tilespmem:$0x250] =	vst v0  }
0x10d: {  	[tilespmem:$0x260] =	vst v0  }
0x10e: {  	[tilespmem:$0x270] =	vst v0  }
0x10f: {  	[tilespmem:$0x600] =	vst v0  }
0x110: {  	[tilespmem:$0x610] =	vst v0  }
0x111: {  	[tilespmem:$0x620] =	vst v0  }
0x112: {  	[tilespmem:$0x630] =	vst v0  }
0x113: {  	[tilespmem:$0x640] =	vst v0  }
0x114: {  	[tilespmem:$0x650] =	vst v0  }
0x115: {  	[tilespmem:$0x660] =	vst v0  }
0x116: {  	[tilespmem:$0x670] =	vst v0  }
0x117: {  	[tilespmem:$0xA00] =	vst v0  }
0x118: {  	[tilespmem:$0xA10] =	vst v0  }
0x119: {  	[tilespmem:$0xA20] =	vst v0  }
0x11a: {  	[tilespmem:$0xA30] =	vst v0  }
0x11b: {  	[tilespmem:$0xA40] =	vst v0  }
0x11c: {  	[tilespmem:$0xA50] =	vst v0  }
0x11d: {  	[tilespmem:$0xA60] =	vst v0  }
0x11e: {  	[tilespmem:$0xA70] =	vst v0  }
0x11f: {  	[tilespmem:$0xE00] =	vst v0  }
0x120: {  	[tilespmem:$0xE10] =	vst v0  }
0x121: {  	[tilespmem:$0xE20] =	vst v0  }
0x122: {  	[tilespmem:$0xE30] =	vst v0  }
0x123: {  	[tilespmem:$0xE40] =	vst v0  }
0x124: {  	[tilespmem:$0xE50] =	vst v0  }
0x125: {  	[tilespmem:$0xE60] =	vst v0  }
0x126: {  	[tilespmem:$0xE70] =	vst v0  }
0x127: {  	[tilespmem:$0x1200] =	vst v0  }
0x128: {  	[tilespmem:$0x1210] =	vst v0  }
0x129: {  	[tilespmem:$0x1220] =	vst v0  }
0x12a: {  	[tilespmem:$0x1230] =	vst v0  }
0x12b: {  	[tilespmem:$0x1240] =	vst v0  }
0x12c: {  	[tilespmem:$0x1250] =	vst v0  }
0x12d: {  	[tilespmem:$0x1260] =	vst v0  }
0x12e: {  	[tilespmem:$0x1270] =	vst v0  }
0x12f: {  	[tilespmem:$0x1600] =	vst v0  }
0x130: {  	[tilespmem:$0x1610] =	vst v0  }
0x131: {  	[tilespmem:$0x1620] =	vst v0  }
0x132: {  	[tilespmem:$0x1630] =	vst v0  }
0x133: {  	[tilespmem:$0x1640] =	vst v0  }
0x134: {  	[tilespmem:$0x1650] =	vst v0  }
0x135: {  	[tilespmem:$0x1660] =	vst v0  }
0x136: {  	[tilespmem:$0x1670] =	vst v0  }
0x137: {  	[tilespmem:$0x1A00] =	vst v0  }
0x138: {  	[tilespmem:$0x1A10] =	vst v0  }
0x139: {  	[tilespmem:$0x1A20] =	vst v0  }
0x13a: {  	[tilespmem:$0x1A30] =	vst v0  }
0x13b: {  	[tilespmem:$0x1A40] =	vst v0  }
0x13c: {  	[tilespmem:$0x1A50] =	vst v0  }
0x13d: {  	[tilespmem:$0x1A60] =	vst v0  }
0x13e: {  	[tilespmem:$0x1A70] =	vst v0  }
0x13f: {  	[tilespmem:$0x1E00] =	vst v0  }
0x140: {  	[tilespmem:$0x1E10] =	vst v0  }
0x141: {  	[tilespmem:$0x1E20] =	vst v0  }
0x142: {  	[tilespmem:$0x1E30] =	vst v0  }
0x143: {  	[tilespmem:$0x1E40] =	vst v0  }
0x144: {  	[tilespmem:$0x1E50] =	vst v0  }
0x145: {  	[tilespmem:$0x1E60] =	vst v0  }
0x146: {  	[tilespmem:$0x1E70] =	vst v0  }
0x147: {  	[tilespmem:$0x280] =	vst v0  }
0x148: {  	[tilespmem:$0x290] =	vst v0  }
0x149: {  	[tilespmem:$0x2A0] =	vst v0  }
0x14a: {  	[tilespmem:$0x2B0] =	vst v0  }
0x14b: {  	[tilespmem:$0x2C0] =	vst v0  }
0x14c: {  	[tilespmem:$0x2D0] =	vst v0  }
0x14d: {  	[tilespmem:$0x2E0] =	vst v0  }
0x14e: {  	[tilespmem:$0x2F0] =	vst v0  }
0x14f: {  	[tilespmem:$0x680] =	vst v0  }
0x150: {  	[tilespmem:$0x690] =	vst v0  }
0x151: {  	[tilespmem:$0x6A0] =	vst v0  }
0x152: {  	[tilespmem:$0x6B0] =	vst v0  }
0x153: {  	[tilespmem:$0x6C0] =	vst v0  }
0x154: {  	[tilespmem:$0x6D0] =	vst v0  }
0x155: {  	[tilespmem:$0x6E0] =	vst v0  }
0x156: {  	[tilespmem:$0x6F0] =	vst v0  }
0x157: {  	[tilespmem:$0xA80] =	vst v0  }
0x158: {  	[tilespmem:$0xA90] =	vst v0  }
0x159: {  	[tilespmem:$0xAA0] =	vst v0  }
0x15a: {  	[tilespmem:$0xAB0] =	vst v0  }
0x15b: {  	[tilespmem:$0xAC0] =	vst v0  }
0x15c: {  	[tilespmem:$0xAD0] =	vst v0  }
0x15d: {  	[tilespmem:$0xAE0] =	vst v0  }
0x15e: {  	[tilespmem:$0xAF0] =	vst v0  }
0x15f: {  	[tilespmem:$0xE80] =	vst v0  }
0x160: {  	[tilespmem:$0xE90] =	vst v0  }
0x161: {  	[tilespmem:$0xEA0] =	vst v0  }
0x162: {  	[tilespmem:$0xEB0] =	vst v0  }
0x163: {  	[tilespmem:$0xEC0] =	vst v0  }
0x164: {  	[tilespmem:$0xED0] =	vst v0  }
0x165: {  	[tilespmem:$0xEE0] =	vst v0  }
0x166: {  	[tilespmem:$0xEF0] =	vst v0  }
0x167: {  	[tilespmem:$0x1280] =	vst v0  }
0x168: {  	[tilespmem:$0x1290] =	vst v0  }
0x169: {  	[tilespmem:$0x12A0] =	vst v0  }
0x16a: {  	[tilespmem:$0x12B0] =	vst v0  }
0x16b: {  	[tilespmem:$0x12C0] =	vst v0  }
0x16c: {  	[tilespmem:$0x12D0] =	vst v0  }
0x16d: {  	[tilespmem:$0x12E0] =	vst v0  }
0x16e: {  	[tilespmem:$0x12F0] =	vst v0  }
0x16f: {  	[tilespmem:$0x1680] =	vst v0  }
0x170: {  	[tilespmem:$0x1690] =	vst v0  }
0x171: {  	[tilespmem:$0x16A0] =	vst v0  }
0x172: {  	[tilespmem:$0x16B0] =	vst v0  }
0x173: {  	[tilespmem:$0x16C0] =	vst v0  }
0x174: {  	[tilespmem:$0x16D0] =	vst v0  }
0x175: {  	[tilespmem:$0x16E0] =	vst v0  }
0x176: {  	[tilespmem:$0x16F0] =	vst v0  }
0x177: {  	[tilespmem:$0x1A80] =	vst v0  }
0x178: {  	[tilespmem:$0x1A90] =	vst v0  }
0x179: {  	[tilespmem:$0x1AA0] =	vst v0  }
0x17a: {  	[tilespmem:$0x1AB0] =	vst v0  }
0x17b: {  	[tilespmem:$0x1AC0] =	vst v0  }
0x17c: {  	[tilespmem:$0x1AD0] =	vst v0  }
0x17d: {  	[tilespmem:$0x1AE0] =	vst v0  }
0x17e: {  	[tilespmem:$0x1AF0] =	vst v0  }
0x17f: {  	[tilespmem:$0x1E80] =	vst v0  }
0x180: {  	[tilespmem:$0x1E90] =	vst v0  }
0x181: {  	[tilespmem:$0x1EA0] =	vst v0  }
0x182: {  	[tilespmem:$0x1EB0] =	vst v0  }
0x183: {  	[tilespmem:$0x1EC0] =	vst v0  }
0x184: {  	[tilespmem:$0x1ED0] =	vst v0  }
0x185: {  	[tilespmem:$0x1EE0] =	vst v0  }
0x186: {  	[tilespmem:$0x1EF0] =	vst v0  }
0x187: {  	[tilespmem:$0x300] =	vst v0  }
0x188: {  	[tilespmem:$0x310] =	vst v0  }
0x189: {  	[tilespmem:$0x320] =	vst v0  }
0x18a: {  	[tilespmem:$0x330] =	vst v0  }
0x18b: {  	[tilespmem:$0x340] =	vst v0  }
0x18c: {  	[tilespmem:$0x350] =	vst v0  }
0x18d: {  	[tilespmem:$0x360] =	vst v0  }
0x18e: {  	[tilespmem:$0x370] =	vst v0  }
0x18f: {  	[tilespmem:$0x700] =	vst v0  }
0x190: {  	[tilespmem:$0x710] =	vst v0  }
0x191: {  	[tilespmem:$0x720] =	vst v0  }
0x192: {  	[tilespmem:$0x730] =	vst v0  }
0x193: {  	[tilespmem:$0x740] =	vst v0  }
0x194: {  	[tilespmem:$0x750] =	vst v0  }
0x195: {  	[tilespmem:$0x760] =	vst v0  }
0x196: {  	[tilespmem:$0x770] =	vst v0  }
0x197: {  	[tilespmem:$0xB00] =	vst v0  }
0x198: {  	[tilespmem:$0xB10] =	vst v0  }
0x199: {  	[tilespmem:$0xB20] =	vst v0  }
0x19a: {  	[tilespmem:$0xB30] =	vst v0  }
0x19b: {  	[tilespmem:$0xB40] =	vst v0  }
0x19c: {  	[tilespmem:$0xB50] =	vst v0  }
0x19d: {  	[tilespmem:$0xB60] =	vst v0  }
0x19e: {  	[tilespmem:$0xB70] =	vst v0  }
0x19f: {  	[tilespmem:$0xF00] =	vst v0  }
0x1a0: {  	[tilespmem:$0xF10] =	vst v0  }
0x1a1: {  	[tilespmem:$0xF20] =	vst v0  }
0x1a2: {  	[tilespmem:$0xF30] =	vst v0  }
0x1a3: {  	[tilespmem:$0xF40] =	vst v0  }
0x1a4: {  	[tilespmem:$0xF50] =	vst v0  }
0x1a5: {  	[tilespmem:$0xF60] =	vst v0  }
0x1a6: {  	[tilespmem:$0xF70] =	vst v0  }
0x1a7: {  	[tilespmem:$0x1300] =	vst v0  }
0x1a8: {  	[tilespmem:$0x1310] =	vst v0  }
0x1a9: {  	[tilespmem:$0x1320] =	vst v0  }
0x1aa: {  	[tilespmem:$0x1330] =	vst v0  }
0x1ab: {  	[tilespmem:$0x1340] =	vst v0  }
0x1ac: {  	[tilespmem:$0x1350] =	vst v0  }
0x1ad: {  	[tilespmem:$0x1360] =	vst v0  }
0x1ae: {  	[tilespmem:$0x1370] =	vst v0  }
0x1af: {  	[tilespmem:$0x1700] =	vst v0  }
0x1b0: {  	[tilespmem:$0x1710] =	vst v0  }
0x1b1: {  	[tilespmem:$0x1720] =	vst v0  }
0x1b2: {  	[tilespmem:$0x1730] =	vst v0  }
0x1b3: {  	[tilespmem:$0x1740] =	vst v0  }
0x1b4: {  	[tilespmem:$0x1750] =	vst v0  }
0x1b5: {  	[tilespmem:$0x1760] =	vst v0  }
0x1b6: {  	[tilespmem:$0x1770] =	vst v0  }
0x1b7: {  	[tilespmem:$0x1B00] =	vst v0  }
0x1b8: {  	[tilespmem:$0x1B10] =	vst v0  }
0x1b9: {  	[tilespmem:$0x1B20] =	vst v0  }
0x1ba: {  	[tilespmem:$0x1B30] =	vst v0  }
0x1bb: {  	[tilespmem:$0x1B40] =	vst v0  }
0x1bc: {  	[tilespmem:$0x1B50] =	vst v0  }
0x1bd: {  	[tilespmem:$0x1B60] =	vst v0  }
0x1be: {  	[tilespmem:$0x1B70] =	vst v0  }
0x1bf: {  	[tilespmem:$0x1F00] =	vst v0  }
0x1c0: {  	[tilespmem:$0x1F10] =	vst v0  }
0x1c1: {  	[tilespmem:$0x1F20] =	vst v0  }
0x1c2: {  	[tilespmem:$0x1F30] =	vst v0  }
0x1c3: {  	[tilespmem:$0x1F40] =	vst v0  }
0x1c4: {  	[tilespmem:$0x1F50] =	vst v0  }
0x1c5: {  	[tilespmem:$0x1F60] =	vst v0  }
0x1c6: {  	[tilespmem:$0x1F70] =	vst v0  }
0x1c7: {  	[tilespmem:$0x380] =	vst v0  }
0x1c8: {  	[tilespmem:$0x390] =	vst v0  }
0x1c9: {  	[tilespmem:$0x3A0] =	vst v0  }
0x1ca: {  	[tilespmem:$0x3B0] =	vst v0  }
0x1cb: {  	[tilespmem:$0x3C0] =	vst v0  }
0x1cc: {  	[tilespmem:$0x3D0] =	vst v0  }
0x1cd: {  	[tilespmem:$0x3E0] =	vst v0  }
0x1ce: {  	[tilespmem:$0x3F0] =	vst v0  }
0x1cf: {  	[tilespmem:$0x780] =	vst v0  }
0x1d0: {  	[tilespmem:$0x790] =	vst v0  }
0x1d1: {  	[tilespmem:$0x7A0] =	vst v0  }
0x1d2: {  	[tilespmem:$0x7B0] =	vst v0  }
0x1d3: {  	[tilespmem:$0x7C0] =	vst v0  }
0x1d4: {  	[tilespmem:$0x7D0] =	vst v0  }
0x1d5: {  	[tilespmem:$0x7E0] =	vst v0  }
0x1d6: {  	[tilespmem:$0x7F0] =	vst v0  }
0x1d7: {  	[tilespmem:$0xB80] =	vst v0  }
0x1d8: {  	[tilespmem:$0xB90] =	vst v0  }
0x1d9: {  	[tilespmem:$0xBA0] =	vst v0  }
0x1da: {  	[tilespmem:$0xBB0] =	vst v0  }
0x1db: {  	[tilespmem:$0xBC0] =	vst v0  }
0x1dc: {  	[tilespmem:$0xBD0] =	vst v0  }
0x1dd: {  	[tilespmem:$0xBE0] =	vst v0  }
0x1de: {  	[tilespmem:$0xBF0] =	vst v0  }
0x1df: {  	[tilespmem:$0xF80] =	vst v0  }
0x1e0: {  	[tilespmem:$0xF90] =	vst v0  }
0x1e1: {  	[tilespmem:$0xFA0] =	vst v0  }
0x1e2: {  	[tilespmem:$0xFB0] =	vst v0  }
0x1e3: {  	[tilespmem:$0xFC0] =	vst v0  }
0x1e4: {  	[tilespmem:$0xFD0] =	vst v0  }
0x1e5: {  	[tilespmem:$0xFE0] =	vst v0  }
0x1e6: {  	[tilespmem:$0xFF0] =	vst v0  }
0x1e7: {  	[tilespmem:$0x1380] =	vst v0  }
0x1e8: {  	[tilespmem:$0x1390] =	vst v0  }
0x1e9: {  	[tilespmem:$0x13A0] =	vst v0  }
0x1ea: {  	[tilespmem:$0x13B0] =	vst v0  }
0x1eb: {  	[tilespmem:$0x13C0] =	vst v0  }
0x1ec: {  	[tilespmem:$0x13D0] =	vst v0  }
0x1ed: {  	[tilespmem:$0x13E0] =	vst v0  }
0x1ee: {  	[tilespmem:$0x13F0] =	vst v0  }
0x1ef: {  	[tilespmem:$0x1780] =	vst v0  }
0x1f0: {  	[tilespmem:$0x1790] =	vst v0  }
0x1f1: {  	[tilespmem:$0x17A0] =	vst v0  }
0x1f2: {  	[tilespmem:$0x17B0] =	vst v0  }
0x1f3: {  	[tilespmem:$0x17C0] =	vst v0  }
0x1f4: {  	[tilespmem:$0x17D0] =	vst v0  }
0x1f5: {  	[tilespmem:$0x17E0] =	vst v0  }
0x1f6: {  	[tilespmem:$0x17F0] =	vst v0  }
0x1f7: {  	[tilespmem:$0x1B80] =	vst v0  }
0x1f8: {  	[tilespmem:$0x1B90] =	vst v0  }
0x1f9: {  	[tilespmem:$0x1BA0] =	vst v0  }
0x1fa: {  	[tilespmem:$0x1BB0] =	vst v0  }
0x1fb: {  	[tilespmem:$0x1BC0] =	vst v0  }
0x1fc: {  	[tilespmem:$0x1BD0] =	vst v0  }
0x1fd: {  	[tilespmem:$0x1BE0] =	vst v0  }
0x1fe: {  	[tilespmem:$0x1BF0] =	vst v0  }
0x1ff: {  	[tilespmem:$0x1F80] =	vst v0  }
0x200: {  	[tilespmem:$0x1F90] =	vst v0  }
0x201: {  	[tilespmem:$0x1FA0] =	vst v0  }
0x202: {  	[tilespmem:$0x1FB0] =	vst v0  }
0x203: {  	[tilespmem:$0x1FC0] =	vst v0  }
0x204: {  	[tilespmem:$0x1FD0] =	vst v0;
	s7 =	sadd.s32 $0x0, s3  }
0x205: {  	[tilespmem:$0x1FE0] =	vst v0;
	s8 =	sadd.s32 $0x8000, s6;
	p0 =	sgt.u32 s7, $0x30D3  }
0x206: {  	[tilespmem:$0x1FF0] =	vst v0;
	s9 =	smov.u32 s6;
	s7 =	simm.s32 $0x20;
	s10 =	simm.s32 @!p0 $0x0  }
.LBB2_2:
0x207: {  	[hbm4b:s9+s10] =	stream.linear.scatter @!p0 [tilespmem:s10], [sflag:$0x1], $0x2000, $0x38;
	[tilespmem:$0x2000] =	vst v63  }
0x208: {  	s10 =	smov.u32 s7;
	s7 =	sadd.s32 $0x20, s7  }
0x209: {  	p1 =	sne.s32 s7, $0x30E0  }
.Ltmp0:
0x20a: {  	(pc) =	sbr.rel @p1 .LBB2_2-.Ltmp0, $4  }
0x20b: {  	s9 =	smov.u32 s8  }
0x20c: {  	s10 =	sadd.s32 s10, s3  }
0x20d: {  	p0 =	sgt.u32 s10, $0x30D3  }
0x20e: {  	s8 =	sadd.s32 $0x8000, s8;
	s10 =	simm.s32 @!p0 $0x0  }
0x20f: {  	[hbm4b:s9+s10] =	stream.linear.scatter @!p0 [tilespmem:s10], [sflag:$0x1], $0x2000, $0x38;
	[tilespmem:$0x2000] =	vst v63  }
0x210: {  	p0 =	sle.u32 s4, $0x0  }
0x211: {  	s8 =	simm.s32 @!p0 $0x1  }
0x212: {  	_ =	swait.ge @!p0 [sflag:s8], $0x2000  }
0x213: {  	s7 =	simm.s32 $0x20;
	[sflag:s8] =	ssyncset.done @!p0 $0x0  }
.LBB2_4:
0x214: {  	[sflag:s8] =	ssyncadd.s32 @!p0 $0xFFFFE000;
	s8 =	smov.u32 s7;
	s7 =	sadd.s32 $0x20, s7  }
0x215: {  	p1 =	sne.s32 s7, $0x30E0  }
.Ltmp1:
0x216: {  	(pc) =	sbr.rel @p1 .LBB2_4-.Ltmp1, $4  }
0x217: {  	p0 =	sge.u32 s8, s4  }
0x218: {  	s8 =	simm.s32 @!p0 $0x1  }
0x219: {  	_ =	swait.ge @!p0 [sflag:s8], $0x2000  }
0x21a: {  	[sflag:s8] =	ssyncset.done @!p0 $0x0  }
0x21b: {  	s2 =	sadd.s32 $0x1, s2  }
0x21c: {  	p1 =	sne.s32 s2, s5  }
.Ltmp2:
0x21d: {  	_ = 	snop;
	(pc) =	sbr.rel @p1 .LBB2_1-.Ltmp2, $2  }
0x21e: {  	_ =	sdelay $0x2  }
0x21f: {  	[sflag:s8] =	ssyncadd.s32 @!p0 $0xFFFFE000  }
0x220: {  	_ =	sfence.sel $0x180000  }
0x221: {  	[bflag:$0x0] =	sbarrier.arrive $0xFFFF  }
0x222: {  	p0 =	sne.s32 s1, $0x0;
	_ =	strace $0x90000047  }
0x223: {  	s0 =	sadd.s32 @!p0 $0x100000, s0;
	[bflag:$0x2] =	sbarrier.arrive $0xFFFF  }
0x224: {  	[sflag:s0] =	ssyncadd.tile.s32 @!p0 $0x1;
	_ =	shalt  }
.Lfunc_end2:
_tile_overlayer_lowered:
.L_overlay_start_2:
0x225: {  	(tag) =	ssettag $0x2  }
0x226: {  	s0 =	rddreg [dreg:$0x0];
	s2 =	stileid.u32  }
0x227: {  	s1 =	rddreg [dreg:$0x1];
	p0 =	sne.s32 s2, $0x0  }
0x228: {  	s3 =	rddreg [dreg:$0x2];
	[bflag:$0x3] =	sbarrier.arrive $0xFFFF;
	s2 =	simm.s32 @!p0 $0x1C02  }
0x229: {  	[timem:s3], [sflag:s2] =	dma.local @!p0 [hbm:s0], s1  }
0x22a: {  	s0 =	simm.s32 @!p0 $0x2  }
0x22b: {  	_ =	swait.ge @!p0 [sflag:s0], s1  }
0x22c: {  	s1 =	ssub.s32 @!p0 $0x0, s1;
	[sflag:s0] =	ssyncset.done @!p0 $0x0  }
0x22d: {  	[sflag:s0] =	ssyncadd.s32 @!p0 s1  }
0x22e: {  	[bflag:$0x3] =	sbarrier.arrive $0xFFFF  }
0x22f: {  	_ =	shalt  }

</sc_bundles>
